<compile_context>
chip_gen: v7x
topology: tpu7x:2x2x1
jax: 0.10.2.dev20260603
libtpu: 0.0.44.dev20260713+nightly
codegen_flags: <defaults>
</compile_context>

<pallas_src>
import functools
import math

import jax
import jax.numpy as jnp
from jax import lax
from jax.experimental import pallas as pl
from jax.experimental.pallas import tpu as pltpu
from jax.experimental.pallas import tpu_sc as plsc

B, T, DIN, DH, DM, K = 16, 4096, 32, 64, 128, 32
SEG = T // K
PACK = 4
TP = T // PACK
SEGP = SEG // PACK
DIN4 = DIN * PACK
DH4 = DH * PACK

TCH = T // 2
NCHUNK = 8
TCK = TCH // NCHUNK
RCK = TCK // PACK


def _repack_body(x_hbm, out_hbm, a0, a1, b0, b1, si0, si1, so0, so1):
    c = lax.axis_index("c")
    s = lax.axis_index("s")
    abufs, bbufs = (a0, a1), (b0, b1)
    sins, souts = (si0, si1), (so0, so1)
    base = c * TCH

    def start_in(q):
        off = pl.multiple_of(base + q * TCK, TCK)
        return pltpu.async_copy(x_hbm.at[s, pl.ds(off, TCK), :],
                                abufs[q % 2], sins[q % 2])

    def start_out(q):
        off = pl.multiple_of((base + q * TCK) // PACK, RCK)
        return pltpu.async_copy(bbufs[q % 2],
                                out_hbm.at[s, pl.ds(off, RCK), :],
                                souts[q % 2])

    cin = start_in(0)
    outs = [None] * NCHUNK
    for q in range(NCHUNK):
        nxt = start_in(q + 1) if q + 1 < NCHUNK else None
        cin.wait()
        if q >= 2:
            outs[q - 2].wait()
        a_ref, b_ref = abufs[q % 2], bbufs[q % 2]

        def body(r, carry):
            for rr in range(4):
                row = 4 * r + rr
                for cc in range(8):
                    b_ref[row, pl.ds(cc * 16, 16)] = (
                        a_ref[PACK * row + cc // 2, pl.ds((cc % 2) * 16, 16)])
            return carry

        lax.fori_loop(0, RCK // 4, body, 0)
        outs[q] = start_out(q)
        cin = nxt
    outs[NCHUNK - 2].wait()
    outs[NCHUNK - 1].wait()


_repack = functools.partial(
    pl.kernel,
    mesh=plsc.VectorSubcoreMesh(core_axis_name="c", subcore_axis_name="s"),
    out_type=jax.ShapeDtypeStruct((B, TP, DIN4), jnp.float32),
    scratch_types=[
        pltpu.VMEM((TCK, DIN), jnp.float32),
        pltpu.VMEM((TCK, DIN), jnp.float32),
        pltpu.VMEM((RCK, DIN4), jnp.float32),
        pltpu.VMEM((RCK, DIN4), jnp.float32),
        pltpu.SemaphoreType.DMA,
        pltpu.SemaphoreType.DMA,
        pltpu.SemaphoreType.DMA,
        pltpu.SemaphoreType.DMA,
    ],
)(_repack_body)


def _fused_kernel(x_ref, w1_ref, b1_ref, w2_ref, b2_ref, g_ref, out_ref):
    x = x_ref[0]
    h = jnp.dot(x, w1_ref[...], preferred_element_type=jnp.float32) + b1_ref[...]
    h = 0.5 * h * (1.0 + jax.lax.erf(h * (1.0 / math.sqrt(2.0))))
    pooled = h.reshape(K, SEGP, DH4).sum(axis=1) * (1.0 / SEG)
    out = jnp.dot(pooled, w2_ref[...], preferred_element_type=jnp.float32)
    g = jnp.tanh(g_ref[0, 0])
    out_ref[0] = g * (out + b2_ref[...])


@jax.jit
def kernel(imu_seq, W1, b1, W2, b2, gate):
    x4 = _repack(imu_seq)
    W1b = jnp.kron(jnp.eye(PACK, dtype=W1.dtype), W1)
    b1t = jnp.tile(b1, PACK).reshape(1, DH4)
    W2s = jnp.concatenate([W2] * PACK, axis=0)
    out = pl.pallas_call(
        _fused_kernel,
        grid=(B,),
        in_specs=[
            pl.BlockSpec((1, TP, DIN4), lambda b: (b, 0, 0)),
            pl.BlockSpec((DIN4, DH4), lambda b: (0, 0)),
            pl.BlockSpec((1, DH4), lambda b: (0, 0)),
            pl.BlockSpec((DH4, DM), lambda b: (0, 0)),
            pl.BlockSpec((1, DM), lambda b: (0, 0)),
            pl.BlockSpec((1, 1), lambda b: (0, 0)),
        ],
        out_specs=pl.BlockSpec((1, K, DM), lambda b: (b, 0, 0)),
        out_shape=jax.ShapeDtypeStruct((B, K, DM), jnp.float32),
        compiler_params=pltpu.CompilerParams(
            dimension_semantics=("arbitrary",),
        ),
    )(
        x4,
        W1b,
        b1t,
        W2s,
        b2.reshape(1, DM),
        gate.reshape(1, 1),
    )
    return out

# --- scband reference (transcript-rebuilt; emitter-appended) ---
"""Pipeline reference for scband-imuprojector-25898652794978 (READ-ONLY COPY).

The authoritative reference and input builder live on the scoring server;
editing this copy changes nothing except your own understanding.
"""

import jax, jax.numpy as jnp
import numpy as np

B, T, DIN, DH, DM, K = 16, 4096, 32, 64, 128, 32

def setup_inputs(seed: int = 0) -> dict:
    key = jax.random.key(seed)
    ks = jax.random.split(key, 5)
    imu_seq = jax.random.normal(ks[0], (B, T, DIN), dtype=jnp.float32)
    W1 = jax.random.normal(ks[1], (DIN, DH), dtype=jnp.float32) * (1.0 / np.sqrt(DIN))
    b1 = jnp.zeros((DH,), dtype=jnp.float32)
    W2 = jax.random.normal(ks[2], (DH, DM), dtype=jnp.float32) * (1.0 / np.sqrt(DH))
    b2 = jnp.zeros((DM,), dtype=jnp.float32)
    gate = jnp.asarray(0.5, dtype=jnp.float32)
    return {"imu_seq": imu_seq, "W1": W1, "b1": b1, "W2": W2, "b2": b2, "gate": gate}

def reference(imu_seq, W1, b1, W2, b2, gate):
    # MLP: Linear -> GELU (exact, matching torch default) -> Linear
    h = jax.nn.gelu(imu_seq @ W1 + b1, approximate=False)
    projected = h @ W2 + b2  # [B, T, DM]
    # _time_align, mode='pool': segment-mean over time into K buckets
    t = jnp.arange(T, dtype=jnp.float32)
    seg = jnp.clip(jnp.floor((t + 0.5) / T * K).astype(jnp.int32), 0, K - 1)  # [T]
    x_t = jnp.swapaxes(projected, 0, 1)  # [T, B, DM]
    sums = jax.ops.segment_sum(x_t, seg, num_segments=K)  # [K, B, DM]
    counts = jax.ops.segment_sum(jnp.ones((T,), dtype=jnp.float32), seg, num_segments=K)  # [K]
    aligned = jnp.swapaxes(sums, 0, 1) / jnp.maximum(counts, 1.0)[None, :, None]  # [B, K, DM]
    return jnp.tanh(gate) * aligned

if __name__ == "__main__":
    import jax
    _d = setup_inputs()
    print(jax.jit(kernel)(*tuple(_d.values())))

</pallas_src>

<mosaic_0001>
#map = affine_map<(d0, d1) -> (0, 0, 0)>
module attributes {stable_mosaic.version = 14 : i64} {
  func.func @_repack_body(%arg0: i32, %arg1: i32, %arg2: memref<16x4096x32xf32, #tpu.memory_space<hbm>>, %arg3: memref<16x1024x128xf32, #tpu.memory_space<hbm>>, %arg4: memref<256x32xf32, #tpu.memory_space<vmem>>, %arg5: memref<256x32xf32, #tpu.memory_space<vmem>>, %arg6: memref<64x128xf32, #tpu.memory_space<vmem>>, %arg7: memref<64x128xf32, #tpu.memory_space<vmem>>, %arg8: memref<!tpu.dma_semaphore, #tpu.memory_space<semaphore_mem>>, %arg9: memref<!tpu.dma_semaphore, #tpu.memory_space<semaphore_mem>>, %arg10: memref<!tpu.dma_semaphore, #tpu.memory_space<semaphore_mem>>, %arg11: memref<!tpu.dma_semaphore, #tpu.memory_space<semaphore_mem>>) attributes {dimension_semantics = [#tpu.dimension_semantics<core_parallel>, #tpu.dimension_semantics<subcore_parallel>], iteration_bounds = array<i64: 2, 16>, scalar_prefetch = 0 : i64, scratch_operands = 8 : i64, tpu.core_type = #tpu.core_type<sc_vector_subcore>, window_params = [{transform_indices = #map}, {transform_indices = #map}]} {
    %mul3A = arith.constant 2048 : i32
    %mul3A_0 = arith.muli %arg0, %mul3A : i32
    %add3A = arith.constant 0 : i32
    %add3A_1 = arith.addi %mul3A_0, %add3A : i32
    %multiple_of3A = tpu.assume_multiple %add3A_1, 256 : i32
    %dma_start3A = arith.constant 0 : i32
    %dma_start3A_2 = tpu.memref_slice %arg2[%arg1, %multiple_of3A, %dma_start3A] : memref<16x4096x32xf32, #tpu.memory_space<hbm>> -> memref<1x256x32xf32, #tpu.memory_space<hbm>>
    %dma_start3A_3 = tpu.memref_squeeze %dma_start3A_2 : memref<1x256x32xf32, #tpu.memory_space<hbm>> -> memref<256x32xf32, #tpu.memory_space<hbm>>
    %dma_start3A_4 = arith.constant 0 : i32
    %dma_start3A_5 = tpu.memref_slice %arg2[%arg1, %multiple_of3A, %dma_start3A_4] : memref<16x4096x32xf32, #tpu.memory_space<hbm>> -> memref<1x256x32xf32, #tpu.memory_space<hbm>>
    %dma_start3A_6 = tpu.memref_squeeze %dma_start3A_5 : memref<1x256x32xf32, #tpu.memory_space<hbm>> -> memref<256x32xf32, #tpu.memory_space<hbm>>
    tpu.enqueue_dma source(%dma_start3A_6 : memref<256x32xf32, #tpu.memory_space<hbm>>) target(%arg4 : memref<256x32xf32, #tpu.memory_space<vmem>>) target_semaphore(%arg8 : memref<!tpu.dma_semaphore, #tpu.memory_space<semaphore_mem>>)
    %add3A_7 = arith.constant 256 : i32
    %add3A_8 = arith.addi %mul3A_0, %add3A_7 : i32
    %multiple_of3A_9 = tpu.assume_multiple %add3A_8, 256 : i32
    %dma_start3A_10 = arith.constant 0 : i32
    %dma_start3A_11 = tpu.memref_slice %arg2[%arg1, %multiple_of3A_9, %dma_start3A_10] : memref<16x4096x32xf32, #tpu.memory_space<hbm>> -> memref<1x256x32xf32, #tpu.memory_space<hbm>>
    %dma_start3A_12 = tpu.memref_squeeze %dma_start3A_11 : memref<1x256x32xf32, #tpu.memory_space<hbm>> -> memref<256x32xf32, #tpu.memory_space<hbm>>
    %dma_start3A_13 = arith.constant 0 : i32
    %dma_start3A_14 = tpu.memref_slice %arg2[%arg1, %multiple_of3A_9, %dma_start3A_13] : memref<16x4096x32xf32, #tpu.memory_space<hbm>> -> memref<1x256x32xf32, #tpu.memory_space<hbm>>
    %dma_start3A_15 = tpu.memref_squeeze %dma_start3A_14 : memref<1x256x32xf32, #tpu.memory_space<hbm>> -> memref<256x32xf32, #tpu.memory_space<hbm>>
    tpu.enqueue_dma source(%dma_start3A_15 : memref<256x32xf32, #tpu.memory_space<hbm>>) target(%arg5 : memref<256x32xf32, #tpu.memory_space<vmem>>) target_semaphore(%arg9 : memref<!tpu.dma_semaphore, #tpu.memory_space<semaphore_mem>>)
    %dma_wait3A = arith.constant 0 : i32
    %dma_wait3A_16 = tpu.memref_slice %arg2[%arg1, %multiple_of3A, %dma_wait3A] : memref<16x4096x32xf32, #tpu.memory_space<hbm>> -> memref<1x256x32xf32, #tpu.memory_space<hbm>>
    %dma_wait3A_17 = tpu.memref_squeeze %dma_wait3A_16 : memref<1x256x32xf32, #tpu.memory_space<hbm>> -> memref<256x32xf32, #tpu.memory_space<hbm>>
    %dma_wait3A_18 = arith.constant 0 : i32
    %dma_wait3A_19 = tpu.memref_slice %arg2[%arg1, %multiple_of3A, %dma_wait3A_18] : memref<16x4096x32xf32, #tpu.memory_space<hbm>> -> memref<1x256x32xf32, #tpu.memory_space<hbm>>
    %dma_wait3A_20 = tpu.memref_squeeze %dma_wait3A_19 : memref<1x256x32xf32, #tpu.memory_space<hbm>> -> memref<256x32xf32, #tpu.memory_space<hbm>>
    tpu.wait_dma2 semaphore(%arg8 : memref<!tpu.dma_semaphore, #tpu.memory_space<semaphore_mem>>) src(%dma_wait3A_20 : memref<256x32xf32, #tpu.memory_space<hbm>>) dst(%arg4 : memref<256x32xf32, #tpu.memory_space<vmem>>)
    %scan3A = arith.constant 0 : i32
    %scan3A_21 = arith.constant 0 : i32
    %scan3A_22 = arith.constant 16 : i32
    %scan3A_23 = arith.addi %scan3A_21, %scan3A_22 : i32
    %scan3A_24 = arith.constant 1 : i32
    scf.for %scan3A_468 = %scan3A_21 to %scan3A_23 step %scan3A_24  : i32 {
      %mul3A_469 = arith.constant 4 : i32
      %mul3A_470 = arith.muli %mul3A_469, %scan3A_468 : i32
      %add3A_471 = arith.constant 0 : i32
      %add3A_472 = arith.addi %mul3A_470, %add3A_471 : i32
      %mul3A_473 = arith.constant 4 : i32
      %mul3A_474 = arith.muli %mul3A_473, %add3A_472 : i32
      %add3A_475 = arith.constant 0 : i32
      %add3A_476 = arith.addi %mul3A_474, %add3A_475 : i32
      %get3A = arith.index_cast %add3A_476 : i32 to index
      %get3A_477 = arith.constant 0 : index
      %get3A_478 = tpu.vector_load %arg4[%get3A, %get3A_477] {strides = array<i32>} : memref<256x32xf32, #tpu.memory_space<vmem>>, vector<1x16xf32>,
      %get3A_479 = vector.shape_cast %get3A_478 : vector<1x16xf32> to vector<16xf32>
      %swap3A = arith.index_cast %add3A_472 : i32 to index
      %swap3A_480 = arith.constant 0 : index
      %swap3A_481 = tpu.vector_load %arg6[%swap3A, %swap3A_480] {strides = array<i32>} : memref<64x128xf32, #tpu.memory_space<vmem>>, vector<1x16xf32>,
      %swap3A_482 = vector.shape_cast %swap3A_481 : vector<1x16xf32> to vector<16xf32>
      %swap3A_483 = vector.shape_cast %get3A_479 : vector<16xf32> to vector<1x16xf32>
      tpu.vector_store %arg6[%swap3A, %swap3A_480], %swap3A_483 {strides = array<i32>} : memref<64x128xf32, #tpu.memory_space<vmem>>, vector<1x16xf32>,
      %mul3A_484 = arith.constant 4 : i32
      %mul3A_485 = arith.muli %mul3A_484, %add3A_472 : i32
      %add3A_486 = arith.constant 0 : i32
      %add3A_487 = arith.addi %mul3A_485, %add3A_486 : i32
      %get3A_488 = arith.index_cast %add3A_487 : i32 to index
      %get3A_489 = arith.constant 16 : index
      %get3A_490 = tpu.vector_load %arg4[%get3A_488, %get3A_489] {strides = array<i32>} : memref<256x32xf32, #tpu.memory_space<vmem>>, vector<1x16xf32>,
      %get3A_491 = vector.shape_cast %get3A_490 : vector<1x16xf32> to vector<16xf32>
      %swap3A_492 = arith.index_cast %add3A_472 : i32 to index
      %swap3A_493 = arith.constant 16 : index
      %swap3A_494 = tpu.vector_load %arg6[%swap3A_492, %swap3A_493] {strides = array<i32>} : memref<64x128xf32, #tpu.memory_space<vmem>>, vector<1x16xf32>,
      %swap3A_495 = vector.shape_cast %swap3A_494 : vector<1x16xf32> to vector<16xf32>
      %swap3A_496 = vector.shape_cast %get3A_491 : vector<16xf32> to vector<1x16xf32>
      tpu.vector_store %arg6[%swap3A_492, %swap3A_493], %swap3A_496 {strides = array<i32>} : memref<64x128xf32, #tpu.memory_space<vmem>>, vector<1x16xf32>,
      %mul3A_497 = arith.constant 4 : i32
      %mul3A_498 = arith.muli %mul3A_497, %add3A_472 : i32
      %add3A_499 = arith.constant 1 : i32
      %add3A_500 = arith.addi %mul3A_498, %add3A_499 : i32
      %get3A_501 = arith.index_cast %add3A_500 : i32 to index
      %get3A_502 = arith.constant 0 : index
      %get3A_503 = tpu.vector_load %arg4[%get3A_501, %get3A_502] {strides = array<i32>} : memref<256x32xf32, #tpu.memory_space<vmem>>, vector<1x16xf32>,
      %get3A_504 = vector.shape_cast %get3A_503 : vector<1x16xf32> to vector<16xf32>
      %swap3A_505 = arith.index_cast %add3A_472 : i32 to index
      %swap3A_506 = arith.constant 32 : index
      %swap3A_507 = tpu.vector_load %arg6[%swap3A_505, %swap3A_506] {strides = array<i32>} : memref<64x128xf32, #tpu.memory_space<vmem>>, vector<1x16xf32>,
      %swap3A_508 = vector.shape_cast %swap3A_507 : vector<1x16xf32> to vector<16xf32>
      %swap3A_509 = vector.shape_cast %get3A_504 : vector<16xf32> to vector<1x16xf32>
      tpu.vector_store %arg6[%swap3A_505, %swap3A_506], %swap3A_509 {strides = array<i32>} : memref<64x128xf32, #tpu.memory_space<vmem>>, vector<1x16xf32>,
      %mul3A_510 = arith.constant 4 : i32
      %mul3A_511 = arith.muli %mul3A_510, %add3A_472 : i32
      %add3A_512 = arith.constant 1 : i32
      %add3A_513 = arith.addi %mul3A_511, %add3A_512 : i32
      %get3A_514 = arith.index_cast %add3A_513 : i32 to index
      %get3A_515 = arith.constant 16 : index
      %get3A_516 = tpu.vector_load %arg4[%get3A_514, %get3A_515] {strides = array<i32>} : memref<256x32xf32, #tpu.memory_space<vmem>>, vector<1x16xf32>,
      %get3A_517 = vector.shape_cast %get3A_516 : vector<1x16xf32> to vector<16xf32>
      %swap3A_518 = arith.index_cast %add3A_472 : i32 to index
      %swap3A_519 = arith.constant 48 : index
      %swap3A_520 = tpu.vector_load %arg6[%swap3A_518, %swap3A_519] {strides = array<i32>} : memref<64x128xf32, #tpu.memory_space<vmem>>, vector<1x16xf32>,
      %swap3A_521 = vector.shape_cast %swap3A_520 : vector<1x16xf32> to vector<16xf32>
      %swap3A_522 = vector.shape_cast %get3A_517 : vector<16xf32> to vector<1x16xf32>
      tpu.vector_store %arg6[%swap3A_518, %swap3A_519], %swap3A_522 {strides = array<i32>} : memref<64x128xf32, #tpu.memory_space<vmem>>, vector<1x16xf32>,
      %mul3A_523 = arith.constant 4 : i32
      %mul3A_524 = arith.muli %mul3A_523, %add3A_472 : i32
      %add3A_525 = arith.constant 2 : i32
      %add3A_526 = arith.addi %mul3A_524, %add3A_525 : i32
      %get3A_527 = arith.index_cast %add3A_526 : i32 to index
      %get3A_528 = arith.constant 0 : index
      %get3A_529 = tpu.vector_load %arg4[%get3A_527, %get3A_528] {strides = array<i32>} : memref<256x32xf32, #tpu.memory_space<vmem>>, vector<1x16xf32>,
      %get3A_530 = vector.shape_cast %get3A_529 : vector<1x16xf32> to vector<16xf32>
      %swap3A_531 = arith.index_cast %add3A_472 : i32 to index
      %swap3A_532 = arith.constant 64 : index
      %swap3A_533 = tpu.vector_load %arg6[%swap3A_531, %swap3A_532] {strides = array<i32>} : memref<64x128xf32, #tpu.memory_space<vmem>>, vector<1x16xf32>,
      %swap3A_534 = vector.shape_cast %swap3A_533 : vector<1x16xf32> to vector<16xf32>
      %swap3A_535 = vector.shape_cast %get3A_530 : vector<16xf32> to vector<1x16xf32>
      tpu.vector_store %arg6[%swap3A_531, %swap3A_532], %swap3A_535 {strides = array<i32>} : memref<64x128xf32, #tpu.memory_space<vmem>>, vector<1x16xf32>,
      %mul3A_536 = arith.constant 4 : i32
      %mul3A_537 = arith.muli %mul3A_536, %add3A_472 : i32
      %add3A_538 = arith.constant 2 : i32
      %add3A_539 = arith.addi %mul3A_537, %add3A_538 : i32
      %get3A_540 = arith.index_cast %add3A_539 : i32 to index
      %get3A_541 = arith.constant 16 : index
      %get3A_542 = tpu.vector_load %arg4[%get3A_540, %get3A_541] {strides = array<i32>} : memref<256x32xf32, #tpu.memory_space<vmem>>, vector<1x16xf32>,
      %get3A_543 = vector.shape_cast %get3A_542 : vector<1x16xf32> to vector<16xf32>
      %swap3A_544 = arith.index_cast %add3A_472 : i32 to index
      %swap3A_545 = arith.constant 80 : index
      %swap3A_546 = tpu.vector_load %arg6[%swap3A_544, %swap3A_545] {strides = array<i32>} : memref<64x128xf32, #tpu.memory_space<vmem>>, vector<1x16xf32>,
      %swap3A_547 = vector.shape_cast %swap3A_546 : vector<1x16xf32> to vector<16xf32>
      %swap3A_548 = vector.shape_cast %get3A_543 : vector<16xf32> to vector<1x16xf32>
      tpu.vector_store %arg6[%swap3A_544, %swap3A_545], %swap3A_548 {strides = array<i32>} : memref<64x128xf32, #tpu.memory_space<vmem>>, vector<1x16xf32>,
      %mul3A_549 = arith.constant 4 : i32
      %mul3A_550 = arith.muli %mul3A_549, %add3A_472 : i32
      %add3A_551 = arith.constant 3 : i32
      %add3A_552 = arith.addi %mul3A_550, %add3A_551 : i32
      %get3A_553 = arith.index_cast %add3A_552 : i32 to index
      %get3A_554 = arith.constant 0 : index
      %get3A_555 = tpu.vector_load %arg4[%get3A_553, %get3A_554] {strides = array<i32>} : memref<256x32xf32, #tpu.memory_space<vmem>>, vector<1x16xf32>,
      %get3A_556 = vector.shape_cast %get3A_555 : vector<1x16xf32> to vector<16xf32>
      %swap3A_557 = arith.index_cast %add3A_472 : i32 to index
      %swap3A_558 = arith.constant 96 : index
      %swap3A_559 = tpu.vector_load %arg6[%swap3A_557, %swap3A_558] {strides = array<i32>} : memref<64x128xf32, #tpu.memory_space<vmem>>, vector<1x16xf32>,
      %swap3A_560 = vector.shape_cast %swap3A_559 : vector<1x16xf32> to vector<16xf32>
      %swap3A_561 = vector.shape_cast %get3A_556 : vector<16xf32> to vector<1x16xf32>
      tpu.vector_store %arg6[%swap3A_557, %swap3A_558], %swap3A_561 {strides = array<i32>} : memref<64x128xf32, #tpu.memory_space<vmem>>, vector<1x16xf32>,
      %mul3A_562 = arith.constant 4 : i32
      %mul3A_563 = arith.muli %mul3A_562, %add3A_472 : i32
      %add3A_564 = arith.constant 3 : i32
      %add3A_565 = arith.addi %mul3A_563, %add3A_564 : i32
      %get3A_566 = arith.index_cast %add3A_565 : i32 to index
      %get3A_567 = arith.constant 16 : index
      %get3A_568 = tpu.vector_load %arg4[%get3A_566, %get3A_567] {strides = array<i32>} : memref<256x32xf32, #tpu.memory_space<vmem>>, vector<1x16xf32>,
      %get3A_569 = vector.shape_cast %get3A_568 : vector<1x16xf32> to vector<16xf32>
      %swap3A_570 = arith.index_cast %add3A_472 : i32 to index
      %swap3A_571 = arith.constant 112 : index
      %swap3A_572 = tpu.vector_load %arg6[%swap3A_570, %swap3A_571] {strides = array<i32>} : memref<64x128xf32, #tpu.memory_space<vmem>>, vector<1x16xf32>,
      %swap3A_573 = vector.shape_cast %swap3A_572 : vector<1x16xf32> to vector<16xf32>
      %swap3A_574 = vector.shape_cast %get3A_569 : vector<16xf32> to vector<1x16xf32>
      tpu.vector_store %arg6[%swap3A_570, %swap3A_571], %swap3A_574 {strides = array<i32>} : memref<64x128xf32, #tpu.memory_space<vmem>>, vector<1x16xf32>,
      %mul3A_575 = arith.constant 4 : i32
      %mul3A_576 = arith.muli %mul3A_575, %scan3A_468 : i32
      %add3A_577 = arith.constant 1 : i32
      %add3A_578 = arith.addi %mul3A_576, %add3A_577 : i32
      %mul3A_579 = arith.constant 4 : i32
      %mul3A_580 = arith.muli %mul3A_579, %add3A_578 : i32
      %add3A_581 = arith.constant 0 : i32
      %add3A_582 = arith.addi %mul3A_580, %add3A_581 : i32
      %get3A_583 = arith.index_cast %add3A_582 : i32 to index
      %get3A_584 = arith.constant 0 : index
      %get3A_585 = tpu.vector_load %arg4[%get3A_583, %get3A_584] {strides = array<i32>} : memref<256x32xf32, #tpu.memory_space<vmem>>, vector<1x16xf32>,
      %get3A_586 = vector.shape_cast %get3A_585 : vector<1x16xf32> to vector<16xf32>
      %swap3A_587 = arith.index_cast %add3A_578 : i32 to index
      %swap3A_588 = arith.constant 0 : index
      %swap3A_589 = tpu.vector_load %arg6[%swap3A_587, %swap3A_588] {strides = array<i32>} : memref<64x128xf32, #tpu.memory_space<vmem>>, vector<1x16xf32>,
      %swap3A_590 = vector.shape_cast %swap3A_589 : vector<1x16xf32> to vector<16xf32>
      %swap3A_591 = vector.shape_cast %get3A_586 : vector<16xf32> to vector<1x16xf32>
      tpu.vector_store %arg6[%swap3A_587, %swap3A_588], %swap3A_591 {strides = array<i32>} : memref<64x128xf32, #tpu.memory_space<vmem>>, vector<1x16xf32>,
      %mul3A_592 = arith.constant 4 : i32
      %mul3A_593 = arith.muli %mul3A_592, %add3A_578 : i32
      %add3A_594 = arith.constant 0 : i32
      %add3A_595 = arith.addi %mul3A_593, %add3A_594 : i32
      %get3A_596 = arith.index_cast %add3A_595 : i32 to index
      %get3A_597 = arith.constant 16 : index
      %get3A_598 = tpu.vector_load %arg4[%get3A_596, %get3A_597] {strides = array<i32>} : memref<256x32xf32, #tpu.memory_space<vmem>>, vector<1x16xf32>,
      %get3A_599 = vector.shape_cast %get3A_598 : vector<1x16xf32> to vector<16xf32>
      %swap3A_600 = arith.index_cast %add3A_578 : i32 to index
      %swap3A_601 = arith.constant 16 : index
      %swap3A_602 = tpu.vector_load %arg6[%swap3A_600, %swap3A_601] {strides = array<i32>} : memref<64x128xf32, #tpu.memory_space<vmem>>, vector<1x16xf32>,
      %swap3A_603 = vector.shape_cast %swap3A_602 : vector<1x16xf32> to vector<16xf32>
      %swap3A_604 = vector.shape_cast %get3A_599 : vector<16xf32> to vector<1x16xf32>
      tpu.vector_store %arg6[%swap3A_600, %swap3A_601], %swap3A_604 {strides = array<i32>} : memref<64x128xf32, #tpu.memory_space<vmem>>, vector<1x16xf32>,
      %mul3A_605 = arith.constant 4 : i32
      %mul3A_606 = arith.muli %mul3A_605, %add3A_578 : i32
      %add3A_607 = arith.constant 1 : i32
      %add3A_608 = arith.addi %mul3A_606, %add3A_607 : i32
      %get3A_609 = arith.index_cast %add3A_608 : i32 to index
      %get3A_610 = arith.constant 0 : index
      %get3A_611 = tpu.vector_load %arg4[%get3A_609, %get3A_610] {strides = array<i32>} : memref<256x32xf32, #tpu.memory_space<vmem>>, vector<1x16xf32>,
      %get3A_612 = vector.shape_cast %get3A_611 : vector<1x16xf32> to vector<16xf32>
      %swap3A_613 = arith.index_cast %add3A_578 : i32 to index
      %swap3A_614 = arith.constant 32 : index
      %swap3A_615 = tpu.vector_load %arg6[%swap3A_613, %swap3A_614] {strides = array<i32>} : memref<64x128xf32, #tpu.memory_space<vmem>>, vector<1x16xf32>,
      %swap3A_616 = vector.shape_cast %swap3A_615 : vector<1x16xf32> to vector<16xf32>
      %swap3A_617 = vector.shape_cast %get3A_612 : vector<16xf32> to vector<1x16xf32>
      tpu.vector_store %arg6[%swap3A_613, %swap3A_614], %swap3A_617 {strides = array<i32>} : memref<64x128xf32, #tpu.memory_space<vmem>>, vector<1x16xf32>,
      %mul3A_618 = arith.constant 4 : i32
      %mul3A_619 = arith.muli %mul3A_618, %add3A_578 : i32
      %add3A_620 = arith.constant 1 : i32
      %add3A_621 = arith.addi %mul3A_619, %add3A_620 : i32
      %get3A_622 = arith.index_cast %add3A_621 : i32 to index
      %get3A_623 = arith.constant 16 : index
      %get3A_624 = tpu.vector_load %arg4[%get3A_622, %get3A_623] {strides = array<i32>} : memref<256x32xf32, #tpu.memory_space<vmem>>, vector<1x16xf32>,
      %get3A_625 = vector.shape_cast %get3A_624 : vector<1x16xf32> to vector<16xf32>
      %swap3A_626 = arith.index_cast %add3A_578 : i32 to index
      %swap3A_627 = arith.constant 48 : index
      %swap3A_628 = tpu.vector_load %arg6[%swap3A_626, %swap3A_627] {strides = array<i32>} : memref<64x128xf32, #tpu.memory_space<vmem>>, vector<1x16xf32>,
      %swap3A_629 = vector.shape_cast %swap3A_628 : vector<1x16xf32> to vector<16xf32>
      %swap3A_630 = vector.shape_cast %get3A_625 : vector<16xf32> to vector<1x16xf32>
      tpu.vector_store %arg6[%swap3A_626, %swap3A_627], %swap3A_630 {strides = array<i32>} : memref<64x128xf32, #tpu.memory_space<vmem>>, vector<1x16xf32>,
      %mul3A_631 = arith.constant 4 : i32
      %mul3A_632 = arith.muli %mul3A_631, %add3A_578 : i32
      %add3A_633 = arith.constant 2 : i32
      %add3A_634 = arith.addi %mul3A_632, %add3A_633 : i32
      %get3A_635 = arith.index_cast %add3A_634 : i32 to index
      %get3A_636 = arith.constant 0 : index
      %get3A_637 = tpu.vector_load %arg4[%get3A_635, %get3A_636] {strides = array<i32>} : memref<256x32xf32, #tpu.memory_space<vmem>>, vector<1x16xf32>,
      %get3A_638 = vector.shape_cast %get3A_637 : vector<1x16xf32> to vector<16xf32>
      %swap3A_639 = arith.index_cast %add3A_578 : i32 to index
      %swap3A_640 = arith.constant 64 : index
      %swap3A_641 = tpu.vector_load %arg6[%swap3A_639, %swap3A_640] {strides = array<i32>} : memref<64x128xf32, #tpu.memory_space<vmem>>, vector<1x16xf32>,
      %swap3A_642 = vector.shape_cast %swap3A_641 : vector<1x16xf32> to vector<16xf32>
      %swap3A_643 = vector.shape_cast %get3A_638 : vector<16xf32> to vector<1x16xf32>
      tpu.vector_store %arg6[%swap3A_639, %swap3A_640], %swap3A_643 {strides = array<i32>} : memref<64x128xf32, #tpu.memory_space<vmem>>, vector<1x16xf32>,
      %mul3A_644 = arith.constant 4 : i32
      %mul3A_645 = arith.muli %mul3A_644, %add3A_578 : i32
      %add3A_646 = arith.constant 2 : i32
      %add3A_647 = arith.addi %mul3A_645, %add3A_646 : i32
      %get3A_648 = arith.index_cast %add3A_647 : i32 to index
      %get3A_649 = arith.constant 16 : index
      %get3A_650 = tpu.vector_load %arg4[%get3A_648, %get3A_649] {strides = array<i32>} : memref<256x32xf32, #tpu.memory_space<vmem>>, vector<1x16xf32>,
      %get3A_651 = vector.shape_cast %get3A_650 : vector<1x16xf32> to vector<16xf32>
      %swap3A_652 = arith.index_cast %add3A_578 : i32 to index
      %swap3A_653 = arith.constant 80 : index
      %swap3A_654 = tpu.vector_load %arg6[%swap3A_652, %swap3A_653] {strides = array<i32>} : memref<64x128xf32, #tpu.memory_space<vmem>>, vector<1x16xf32>,
      %swap3A_655 = vector.shape_cast %swap3A_654 : vector<1x16xf32> to vector<16xf32>
      %swap3A_656 = vector.shape_cast %get3A_651 : vector<16xf32> to vector<1x16xf32>
      tpu.vector_store %arg6[%swap3A_652, %swap3A_653], %swap3A_656 {strides = array<i32>} : memref<64x128xf32, #tpu.memory_space<vmem>>, vector<1x16xf32>,
      %mul3A_657 = arith.constant 4 : i32
      %mul3A_658 = arith.muli %mul3A_657, %add3A_578 : i32
      %add3A_659 = arith.constant 3 : i32
      %add3A_660 = arith.addi %mul3A_658, %add3A_659 : i32
      %get3A_661 = arith.index_cast %add3A_660 : i32 to index
      %get3A_662 = arith.constant 0 : index
      %get3A_663 = tpu.vector_load %arg4[%get3A_661, %get3A_662] {strides = array<i32>} : memref<256x32xf32, #tpu.memory_space<vmem>>, vector<1x16xf32>,
      %get3A_664 = vector.shape_cast %get3A_663 : vector<1x16xf32> to vector<16xf32>
      %swap3A_665 = arith.index_cast %add3A_578 : i32 to index
      %swap3A_666 = arith.constant 96 : index
      %swap3A_667 = tpu.vector_load %arg6[%swap3A_665, %swap3A_666] {strides = array<i32>} : memref<64x128xf32, #tpu.memory_space<vmem>>, vector<1x16xf32>,
      %swap3A_668 = vector.shape_cast %swap3A_667 : vector<1x16xf32> to vector<16xf32>
      %swap3A_669 = vector.shape_cast %get3A_664 : vector<16xf32> to vector<1x16xf32>
      tpu.vector_store %arg6[%swap3A_665, %swap3A_666], %swap3A_669 {strides = array<i32>} : memref<64x128xf32, #tpu.memory_space<vmem>>, vector<1x16xf32>,
      %mul3A_670 = arith.constant 4 : i32
      %mul3A_671 = arith.muli %mul3A_670, %add3A_578 : i32
      %add3A_672 = arith.constant 3 : i32
      %add3A_673 = arith.addi %mul3A_671, %add3A_672 : i32
      %get3A_674 = arith.index_cast %add3A_673 : i32 to index
      %get3A_675 = arith.constant 16 : index
      %get3A_676 = tpu.vector_load %arg4[%get3A_674, %get3A_675] {strides = array<i32>} : memref<256x32xf32, #tpu.memory_space<vmem>>, vector<1x16xf32>,
      %get3A_677 = vector.shape_cast %get3A_676 : vector<1x16xf32> to vector<16xf32>
      %swap3A_678 = arith.index_cast %add3A_578 : i32 to index
      %swap3A_679 = arith.constant 112 : index
      %swap3A_680 = tpu.vector_load %arg6[%swap3A_678, %swap3A_679] {strides = array<i32>} : memref<64x128xf32, #tpu.memory_space<vmem>>, vector<1x16xf32>,
      %swap3A_681 = vector.shape_cast %swap3A_680 : vector<1x16xf32> to vector<16xf32>
      %swap3A_682 = vector.shape_cast %get3A_677 : vector<16xf32> to vector<1x16xf32>
      tpu.vector_store %arg6[%swap3A_678, %swap3A_679], %swap3A_682 {strides = array<i32>} : memref<64x128xf32, #tpu.memory_space<vmem>>, vector<1x16xf32>,
      %mul3A_683 = arith.constant 4 : i32
      %mul3A_684 = arith.muli %mul3A_683, %scan3A_468 : i32
      %add3A_685 = arith.constant 2 : i32
      %add3A_686 = arith.addi %mul3A_684, %add3A_685 : i32
      %mul3A_687 = arith.constant 4 : i32
      %mul3A_688 = arith.muli %mul3A_687, %add3A_686 : i32
      %add3A_689 = arith.constant 0 : i32
      %add3A_690 = arith.addi %mul3A_688, %add3A_689 : i32
      %get3A_691 = arith.index_cast %add3A_690 : i32 to index
      %get3A_692 = arith.constant 0 : index
      %get3A_693 = tpu.vector_load %arg4[%get3A_691, %get3A_692] {strides = array<i32>} : memref<256x32xf32, #tpu.memory_space<vmem>>, vector<1x16xf32>,
      %get3A_694 = vector.shape_cast %get3A_693 : vector<1x16xf32> to vector<16xf32>
      %swap3A_695 = arith.index_cast %add3A_686 : i32 to index
      %swap3A_696 = arith.constant 0 : index
      %swap3A_697 = tpu.vector_load %arg6[%swap3A_695, %swap3A_696] {strides = array<i32>} : memref<64x128xf32, #tpu.memory_space<vmem>>, vector<1x16xf32>,
      %swap3A_698 = vector.shape_cast %swap3A_697 : vector<1x16xf32> to vector<16xf32>
      %swap3A_699 = vector.shape_cast %get3A_694 : vector<16xf32> to vector<1x16xf32>
      tpu.vector_store %arg6[%swap3A_695, %swap3A_696], %swap3A_699 {strides = array<i32>} : memref<64x128xf32, #tpu.memory_space<vmem>>, vector<1x16xf32>,
      %mul3A_700 = arith.constant 4 : i32
      %mul3A_701 = arith.muli %mul3A_700, %add3A_686 : i32
      %add3A_702 = arith.constant 0 : i32
      %add3A_703 = arith.addi %mul3A_701, %add3A_702 : i32
      %get3A_704 = arith.index_cast %add3A_703 : i32 to index
      %get3A_705 = arith.constant 16 : index
      %get3A_706 = tpu.vector_load %arg4[%get3A_704, %get3A_705] {strides = array<i32>} : memref<256x32xf32, #tpu.memory_space<vmem>>, vector<1x16xf32>,
      %get3A_707 = vector.shape_cast %get3A_706 : vector<1x16xf32> to vector<16xf32>
      %swap3A_708 = arith.index_cast %add3A_686 : i32 to index
      %swap3A_709 = arith.constant 16 : index
      %swap3A_710 = tpu.vector_load %arg6[%swap3A_708, %swap3A_709] {strides = array<i32>} : memref<64x128xf32, #tpu.memory_space<vmem>>, vector<1x16xf32>,
      %swap3A_711 = vector.shape_cast %swap3A_710 : vector<1x16xf32> to vector<16xf32>
      %swap3A_712 = vector.shape_cast %get3A_707 : vector<16xf32> to vector<1x16xf32>
      tpu.vector_store %arg6[%swap3A_708, %swap3A_709], %swap3A_712 {strides = array<i32>} : memref<64x128xf32, #tpu.memory_space<vmem>>, vector<1x16xf32>,
      %mul3A_713 = arith.constant 4 : i32
      %mul3A_714 = arith.muli %mul3A_713, %add3A_686 : i32
      %add3A_715 = arith.constant 1 : i32
      %add3A_716 = arith.addi %mul3A_714, %add3A_715 : i32
      %get3A_717 = arith.index_cast %add3A_716 : i32 to index
      %get3A_718 = arith.constant 0 : index
      %get3A_719 = tpu.vector_load %arg4[%get3A_717, %get3A_718] {strides = array<i32>} : memref<256x32xf32, #tpu.memory_space<vmem>>, vector<1x16xf32>,
      %get3A_720 = vector.shape_cast %get3A_719 : vector<1x16xf32> to vector<16xf32>
      %swap3A_721 = arith.index_cast %add3A_686 : i32 to index
      %swap3A_722 = arith.constant 32 : index
      %swap3A_723 = tpu.vector_load %arg6[%swap3A_721, %swap3A_722] {strides = array<i32>} : memref<64x128xf32, #tpu.memory_space<vmem>>, vector<1x16xf32>,
      %swap3A_724 = vector.shape_cast %swap3A_723 : vector<1x16xf32> to vector<16xf32>
      %swap3A_725 = vector.shape_cast %get3A_720 : vector<16xf32> to vector<1x16xf32>
      tpu.vector_store %arg6[%swap3A_721, %swap3A_722], %swap3A_725 {strides = array<i32>} : memref<64x128xf32, #tpu.memory_space<vmem>>, vector<1x16xf32>,
      %mul3A_726 = arith.constant 4 : i32
      %mul3A_727 = arith.muli %mul3A_726, %add3A_686 : i32
      %add3A_728 = arith.constant 1 : i32
      %add3A_729 = arith.addi %mul3A_727, %add3A_728 : i32
      %get3A_730 = arith.index_cast %add3A_729 : i32 to index
      %get3A_731 = arith.constant 16 : index
      %get3A_732 = tpu.vector_load %arg4[%get3A_730, %get3A_731] {strides = array<i32>} : memref<256x32xf32, #tpu.memory_space<vmem>>, vector<1x16xf32>,
      %get3A_733 = vector.shape_cast %get3A_732 : vector<1x16xf32> to vector<16xf32>
      %swap3A_734 = arith.index_cast %add3A_686 : i32 to index
      %swap3A_735 = arith.constant 48 : index
      %swap3A_736 = tpu.vector_load %arg6[%swap3A_734, %swap3A_735] {strides = array<i32>} : memref<64x128xf32, #tpu.memory_space<vmem>>, vector<1x16xf32>,
      %swap3A_737 = vector.shape_cast %swap3A_736 : vector<1x16xf32> to vector<16xf32>
      %swap3A_738 = vector.shape_cast %get3A_733 : vector<16xf32> to vector<1x16xf32>
      tpu.vector_store %arg6[%swap3A_734, %swap3A_735], %swap3A_738 {strides = array<i32>} : memref<64x128xf32, #tpu.memory_space<vmem>>, vector<1x16xf32>,
      %mul3A_739 = arith.constant 4 : i32
      %mul3A_740 = arith.muli %mul3A_739, %add3A_686 : i32
      %add3A_741 = arith.constant 2 : i32
      %add3A_742 = arith.addi %mul3A_740, %add3A_741 : i32
      %get3A_743 = arith.index_cast %add3A_742 : i32 to index
      %get3A_744 = arith.constant 0 : index
      %get3A_745 = tpu.vector_load %arg4[%get3A_743, %get3A_744] {strides = array<i32>} : memref<256x32xf32, #tpu.memory_space<vmem>>, vector<1x16xf32>,
      %get3A_746 = vector.shape_cast %get3A_745 : vector<1x16xf32> to vector<16xf32>
      %swap3A_747 = arith.index_cast %add3A_686 : i32 to index
      %swap3A_748 = arith.constant 64 : index
      %swap3A_749 = tpu.vector_load %arg6[%swap3A_747, %swap3A_748] {strides = array<i32>} : memref<64x128xf32, #tpu.memory_space<vmem>>, vector<1x16xf32>,
      %swap3A_750 = vector.shape_cast %swap3A_749 : vector<1x16xf32> to vector<16xf32>
      %swap3A_751 = vector.shape_cast %get3A_746 : vector<16xf32> to vector<1x16xf32>
      tpu.vector_store %arg6[%swap3A_747, %swap3A_748], %swap3A_751 {strides = array<i32>} : memref<64x128xf32, #tpu.memory_space<vmem>>, vector<1x16xf32>,
      %mul3A_752 = arith.constant 4 : i32
      %mul3A_753 = arith.muli %mul3A_752, %add3A_686 : i32
      %add3A_754 = arith.constant 2 : i32
      %add3A_755 = arith.addi %mul3A_753, %add3A_754 : i32
      %get3A_756 = arith.index_cast %add3A_755 : i32 to index
      %get3A_757 = arith.constant 16 : index
      %get3A_758 = tpu.vector_load %arg4[%get3A_756, %get3A_757] {strides = array<i32>} : memref<256x32xf32, #tpu.memory_space<vmem>>, vector<1x16xf32>,
      %get3A_759 = vector.shape_cast %get3A_758 : vector<1x16xf32> to vector<16xf32>
      %swap3A_760 = arith.index_cast %add3A_686 : i32 to index
      %swap3A_761 = arith.constant 80 : index
      %swap3A_762 = tpu.vector_load %arg6[%swap3A_760, %swap3A_761] {strides = array<i32>} : memref<64x128xf32, #tpu.memory_space<vmem>>, vector<1x16xf32>,
      %swap3A_763 = vector.shape_cast %swap3A_762 : vector<1x16xf32> to vector<16xf32>
      %swap3A_764 = vector.shape_cast %get3A_759 : vector<16xf32> to vector<1x16xf32>
      tpu.vector_store %arg6[%swap3A_760, %swap3A_761], %swap3A_764 {strides = array<i32>} : memref<64x128xf32, #tpu.memory_space<vmem>>, vector<1x16xf32>,
      %mul3A_765 = arith.constant 4 : i32
      %mul3A_766 = arith.muli %mul3A_765, %add3A_686 : i32
      %add3A_767 = arith.constant 3 : i32
      %add3A_768 = arith.addi %mul3A_766, %add3A_767 : i32
      %get3A_769 = arith.index_cast %add3A_768 : i32 to index
      %get3A_770 = arith.constant 0 : index
      %get3A_771 = tpu.vector_load %arg4[%get3A_769, %get3A_770] {strides = array<i32>} : memref<256x32xf32, #tpu.memory_space<vmem>>, vector<1x16xf32>,
      %get3A_772 = vector.shape_cast %get3A_771 : vector<1x16xf32> to vector<16xf32>
      %swap3A_773 = arith.index_cast %add3A_686 : i32 to index
      %swap3A_774 = arith.constant 96 : index
      %swap3A_775 = tpu.vector_load %arg6[%swap3A_773, %swap3A_774] {strides = array<i32>} : memref<64x128xf32, #tpu.memory_space<vmem>>, vector<1x16xf32>,
      %swap3A_776 = vector.shape_cast %swap3A_775 : vector<1x16xf32> to vector<16xf32>
      %swap3A_777 = vector.shape_cast %get3A_772 : vector<16xf32> to vector<1x16xf32>
      tpu.vector_store %arg6[%swap3A_773, %swap3A_774], %swap3A_777 {strides = array<i32>} : memref<64x128xf32, #tpu.memory_space<vmem>>, vector<1x16xf32>,
      %mul3A_778 = arith.constant 4 : i32
      %mul3A_779 = arith.muli %mul3A_778, %add3A_686 : i32
      %add3A_780 = arith.constant 3 : i32
      %add3A_781 = arith.addi %mul3A_779, %add3A_780 : i32
      %get3A_782 = arith.index_cast %add3A_781 : i32 to index
      %get3A_783 = arith.constant 16 : index
      %get3A_784 = tpu.vector_load %arg4[%get3A_782, %get3A_783] {strides = array<i32>} : memref<256x32xf32, #tpu.memory_space<vmem>>, vector<1x16xf32>,
      %get3A_785 = vector.shape_cast %get3A_784 : vector<1x16xf32> to vector<16xf32>
      %swap3A_786 = arith.index_cast %add3A_686 : i32 to index
      %swap3A_787 = arith.constant 112 : index
      %swap3A_788 = tpu.vector_load %arg6[%swap3A_786, %swap3A_787] {strides = array<i32>} : memref<64x128xf32, #tpu.memory_space<vmem>>, vector<1x16xf32>,
      %swap3A_789 = vector.shape_cast %swap3A_788 : vector<1x16xf32> to vector<16xf32>
      %swap3A_790 = vector.shape_cast %get3A_785 : vector<16xf32> to vector<1x16xf32>
      tpu.vector_store %arg6[%swap3A_786, %swap3A_787], %swap3A_790 {strides = array<i32>} : memref<64x128xf32, #tpu.memory_space<vmem>>, vector<1x16xf32>,
      %mul3A_791 = arith.constant 4 : i32
      %mul3A_792 = arith.muli %mul3A_791, %scan3A_468 : i32
      %add3A_793 = arith.constant 3 : i32
      %add3A_794 = arith.addi %mul3A_792, %add3A_793 : i32
      %mul3A_795 = arith.constant 4 : i32
      %mul3A_796 = arith.muli %mul3A_795, %add3A_794 : i32
      %add3A_797 = arith.constant 0 : i32
      %add3A_798 = arith.addi %mul3A_796, %add3A_797 : i32
      %get3A_799 = arith.index_cast %add3A_798 : i32 to index
      %get3A_800 = arith.constant 0 : index
      %get3A_801 = tpu.vector_load %arg4[%get3A_799, %get3A_800] {strides = array<i32>} : memref<256x32xf32, #tpu.memory_space<vmem>>, vector<1x16xf32>,
      %get3A_802 = vector.shape_cast %get3A_801 : vector<1x16xf32> to vector<16xf32>
      %swap3A_803 = arith.index_cast %add3A_794 : i32 to index
      %swap3A_804 = arith.constant 0 : index
      %swap3A_805 = tpu.vector_load %arg6[%swap3A_803, %swap3A_804] {strides = array<i32>} : memref<64x128xf32, #tpu.memory_space<vmem>>, vector<1x16xf32>,
      %swap3A_806 = vector.shape_cast %swap3A_805 : vector<1x16xf32> to vector<16xf32>
      %swap3A_807 = vector.shape_cast %get3A_802 : vector<16xf32> to vector<1x16xf32>
      tpu.vector_store %arg6[%swap3A_803, %swap3A_804], %swap3A_807 {strides = array<i32>} : memref<64x128xf32, #tpu.memory_space<vmem>>, vector<1x16xf32>,
      %mul3A_808 = arith.constant 4 : i32
      %mul3A_809 = arith.muli %mul3A_808, %add3A_794 : i32
      %add3A_810 = arith.constant 0 : i32
      %add3A_811 = arith.addi %mul3A_809, %add3A_810 : i32
      %get3A_812 = arith.index_cast %add3A_811 : i32 to index
      %get3A_813 = arith.constant 16 : index
      %get3A_814 = tpu.vector_load %arg4[%get3A_812, %get3A_813] {strides = array<i32>} : memref<256x32xf32, #tpu.memory_space<vmem>>, vector<1x16xf32>,
      %get3A_815 = vector.shape_cast %get3A_814 : vector<1x16xf32> to vector<16xf32>
      %swap3A_816 = arith.index_cast %add3A_794 : i32 to index
      %swap3A_817 = arith.constant 16 : index
      %swap3A_818 = tpu.vector_load %arg6[%swap3A_816, %swap3A_817] {strides = array<i32>} : memref<64x128xf32, #tpu.memory_space<vmem>>, vector<1x16xf32>,
      %swap3A_819 = vector.shape_cast %swap3A_818 : vector<1x16xf32> to vector<16xf32>
      %swap3A_820 = vector.shape_cast %get3A_815 : vector<16xf32> to vector<1x16xf32>
      tpu.vector_store %arg6[%swap3A_816, %swap3A_817], %swap3A_820 {strides = array<i32>} : memref<64x128xf32, #tpu.memory_space<vmem>>, vector<1x16xf32>,
      %mul3A_821 = arith.constant 4 : i32
      %mul3A_822 = arith.muli %mul3A_821, %add3A_794 : i32
      %add3A_823 = arith.constant 1 : i32
      %add3A_824 = arith.addi %mul3A_822, %add3A_823 : i32
      %get3A_825 = arith.index_cast %add3A_824 : i32 to index
      %get3A_826 = arith.constant 0 : index
      %get3A_827 = tpu.vector_load %arg4[%get3A_825, %get3A_826] {strides = array<i32>} : memref<256x32xf32, #tpu.memory_space<vmem>>, vector<1x16xf32>,
      %get3A_828 = vector.shape_cast %get3A_827 : vector<1x16xf32> to vector<16xf32>
      %swap3A_829 = arith.index_cast %add3A_794 : i32 to index
      %swap3A_830 = arith.constant 32 : index
      %swap3A_831 = tpu.vector_load %arg6[%swap3A_829, %swap3A_830] {strides = array<i32>} : memref<64x128xf32, #tpu.memory_space<vmem>>, vector<1x16xf32>,
      %swap3A_832 = vector.shape_cast %swap3A_831 : vector<1x16xf32> to vector<16xf32>
      %swap3A_833 = vector.shape_cast %get3A_828 : vector<16xf32> to vector<1x16xf32>
      tpu.vector_store %arg6[%swap3A_829, %swap3A_830], %swap3A_833 {strides = array<i32>} : memref<64x128xf32, #tpu.memory_space<vmem>>, vector<1x16xf32>,
      %mul3A_834 = arith.constant 4 : i32
      %mul3A_835 = arith.muli %mul3A_834, %add3A_794 : i32
      %add3A_836 = arith.constant 1 : i32
      %add3A_837 = arith.addi %mul3A_835, %add3A_836 : i32
      %get3A_838 = arith.index_cast %add3A_837 : i32 to index
      %get3A_839 = arith.constant 16 : index
      %get3A_840 = tpu.vector_load %arg4[%get3A_838, %get3A_839] {strides = array<i32>} : memref<256x32xf32, #tpu.memory_space<vmem>>, vector<1x16xf32>,
      %get3A_841 = vector.shape_cast %get3A_840 : vector<1x16xf32> to vector<16xf32>
      %swap3A_842 = arith.index_cast %add3A_794 : i32 to index
      %swap3A_843 = arith.constant 48 : index
      %swap3A_844 = tpu.vector_load %arg6[%swap3A_842, %swap3A_843] {strides = array<i32>} : memref<64x128xf32, #tpu.memory_space<vmem>>, vector<1x16xf32>,
      %swap3A_845 = vector.shape_cast %swap3A_844 : vector<1x16xf32> to vector<16xf32>
      %swap3A_846 = vector.shape_cast %get3A_841 : vector<16xf32> to vector<1x16xf32>
      tpu.vector_store %arg6[%swap3A_842, %swap3A_843], %swap3A_846 {strides = array<i32>} : memref<64x128xf32, #tpu.memory_space<vmem>>, vector<1x16xf32>,
      %mul3A_847 = arith.constant 4 : i32
      %mul3A_848 = arith.muli %mul3A_847, %add3A_794 : i32
      %add3A_849 = arith.constant 2 : i32
      %add3A_850 = arith.addi %mul3A_848, %add3A_849 : i32
      %get3A_851 = arith.index_cast %add3A_850 : i32 to index
      %get3A_852 = arith.constant 0 : index
      %get3A_853 = tpu.vector_load %arg4[%get3A_851, %get3A_852] {strides = array<i32>} : memref<256x32xf32, #tpu.memory_space<vmem>>, vector<1x16xf32>,
      %get3A_854 = vector.shape_cast %get3A_853 : vector<1x16xf32> to vector<16xf32>
      %swap3A_855 = arith.index_cast %add3A_794 : i32 to index
      %swap3A_856 = arith.constant 64 : index
      %swap3A_857 = tpu.vector_load %arg6[%swap3A_855, %swap3A_856] {strides = array<i32>} : memref<64x128xf32, #tpu.memory_space<vmem>>, vector<1x16xf32>,
      %swap3A_858 = vector.shape_cast %swap3A_857 : vector<1x16xf32> to vector<16xf32>
      %swap3A_859 = vector.shape_cast %get3A_854 : vector<16xf32> to vector<1x16xf32>
      tpu.vector_store %arg6[%swap3A_855, %swap3A_856], %swap3A_859 {strides = array<i32>} : memref<64x128xf32, #tpu.memory_space<vmem>>, vector<1x16xf32>,
      %mul3A_860 = arith.constant 4 : i32
      %mul3A_861 = arith.muli %mul3A_860, %add3A_794 : i32
      %add3A_862 = arith.constant 2 : i32
      %add3A_863 = arith.addi %mul3A_861, %add3A_862 : i32
      %get3A_864 = arith.index_cast %add3A_863 : i32 to index
      %get3A_865 = arith.constant 16 : index
      %get3A_866 = tpu.vector_load %arg4[%get3A_864, %get3A_865] {strides = array<i32>} : memref<256x32xf32, #tpu.memory_space<vmem>>, vector<1x16xf32>,
      %get3A_867 = vector.shape_cast %get3A_866 : vector<1x16xf32> to vector<16xf32>
      %swap3A_868 = arith.index_cast %add3A_794 : i32 to index
      %swap3A_869 = arith.constant 80 : index
      %swap3A_870 = tpu.vector_load %arg6[%swap3A_868, %swap3A_869] {strides = array<i32>} : memref<64x128xf32, #tpu.memory_space<vmem>>, vector<1x16xf32>,
      %swap3A_871 = vector.shape_cast %swap3A_870 : vector<1x16xf32> to vector<16xf32>
      %swap3A_872 = vector.shape_cast %get3A_867 : vector<16xf32> to vector<1x16xf32>
      tpu.vector_store %arg6[%swap3A_868, %swap3A_869], %swap3A_872 {strides = array<i32>} : memref<64x128xf32, #tpu.memory_space<vmem>>, vector<1x16xf32>,
      %mul3A_873 = arith.constant 4 : i32
      %mul3A_874 = arith.muli %mul3A_873, %add3A_794 : i32
      %add3A_875 = arith.constant 3 : i32
      %add3A_876 = arith.addi %mul3A_874, %add3A_875 : i32
      %get3A_877 = arith.index_cast %add3A_876 : i32 to index
      %get3A_878 = arith.constant 0 : index
      %get3A_879 = tpu.vector_load %arg4[%get3A_877, %get3A_878] {strides = array<i32>} : memref<256x32xf32, #tpu.memory_space<vmem>>, vector<1x16xf32>,
      %get3A_880 = vector.shape_cast %get3A_879 : vector<1x16xf32> to vector<16xf32>
      %swap3A_881 = arith.index_cast %add3A_794 : i32 to index
      %swap3A_882 = arith.constant 96 : index
      %swap3A_883 = tpu.vector_load %arg6[%swap3A_881, %swap3A_882] {strides = array<i32>} : memref<64x128xf32, #tpu.memory_space<vmem>>, vector<1x16xf32>,
      %swap3A_884 = vector.shape_cast %swap3A_883 : vector<1x16xf32> to vector<16xf32>
      %swap3A_885 = vector.shape_cast %get3A_880 : vector<16xf32> to vector<1x16xf32>
      tpu.vector_store %arg6[%swap3A_881, %swap3A_882], %swap3A_885 {strides = array<i32>} : memref<64x128xf32, #tpu.memory_space<vmem>>, vector<1x16xf32>,
      %mul3A_886 = arith.constant 4 : i32
      %mul3A_887 = arith.muli %mul3A_886, %add3A_794 : i32
      %add3A_888 = arith.constant 3 : i32
      %add3A_889 = arith.addi %mul3A_887, %add3A_888 : i32
      %get3A_890 = arith.index_cast %add3A_889 : i32 to index
      %get3A_891 = arith.constant 16 : index
      %get3A_892 = tpu.vector_load %arg4[%get3A_890, %get3A_891] {strides = array<i32>} : memref<256x32xf32, #tpu.memory_space<vmem>>, vector<1x16xf32>,
      %get3A_893 = vector.shape_cast %get3A_892 : vector<1x16xf32> to vector<16xf32>
      %swap3A_894 = arith.index_cast %add3A_794 : i32 to index
      %swap3A_895 = arith.constant 112 : index
      %swap3A_896 = tpu.vector_load %arg6[%swap3A_894, %swap3A_895] {strides = array<i32>} : memref<64x128xf32, #tpu.memory_space<vmem>>, vector<1x16xf32>,
      %swap3A_897 = vector.shape_cast %swap3A_896 : vector<1x16xf32> to vector<16xf32>
      %swap3A_898 = vector.shape_cast %get3A_893 : vector<16xf32> to vector<1x16xf32>
      tpu.vector_store %arg6[%swap3A_894, %swap3A_895], %swap3A_898 {strides = array<i32>} : memref<64x128xf32, #tpu.memory_space<vmem>>, vector<1x16xf32>,
    }
    %scan3A_25 = arith.constant 16 : i32
    %add3A_26 = arith.constant 0 : i32
    %add3A_27 = arith.addi %mul3A_0, %add3A_26 : i32
    %jit3A = arith.constant 4 : i32
    %div3A = arith.divsi %add3A_27, %jit3A : i32
    %sign3A = arith.constant 0 : i32
    %sign3A_28 = arith.cmpi sgt, %add3A_27, %sign3A : i32
    %sign3A_29 = arith.extui %sign3A_28 : i1 to i32
    %sign3A_30 = arith.constant 0 : i32
    %sign3A_31 = arith.cmpi slt, %add3A_27, %sign3A_30 : i32
    %sign3A_32 = arith.extui %sign3A_31 : i1 to i32
    %sign3A_33 = arith.subi %sign3A_29, %sign3A_32 : i32
    %sign3A_34 = arith.constant 0 : i32
    %sign3A_35 = arith.cmpi sgt, %jit3A, %sign3A_34 : i32
    %sign3A_36 = arith.extui %sign3A_35 : i1 to i32
    %sign3A_37 = arith.constant 0 : i32
    %sign3A_38 = arith.cmpi slt, %jit3A, %sign3A_37 : i32
    %sign3A_39 = arith.extui %sign3A_38 : i1 to i32
    %sign3A_40 = arith.subi %sign3A_36, %sign3A_39 : i32
    %ne3A = arith.cmpi ne, %sign3A_33, %sign3A_40 : i32
    %rem3A = arith.remsi %add3A_27, %jit3A : i32
    %ne3A_41 = arith.constant 0 : i32
    %ne3A_42 = arith.cmpi ne, %rem3A, %ne3A_41 : i32
    %and3A = arith.andi %ne3A, %ne3A_42 : i1
    %sub3A = arith.constant 1 : i32
    %sub3A_43 = arith.subi %div3A, %sub3A : i32
    %select_n3A = arith.select %and3A, %sub3A_43, %div3A : i32
    %multiple_of3A_44 = tpu.assume_multiple %select_n3A, 64 : i32
    %dma_start3A_45 = arith.constant 0 : i32
    %dma_start3A_46 = tpu.memref_slice %arg3[%arg1, %multiple_of3A_44, %dma_start3A_45] : memref<16x1024x128xf32, #tpu.memory_space<hbm>> -> memref<1x64x128xf32, #tpu.memory_space<hbm>>
    %dma_start3A_47 = tpu.memref_squeeze %dma_start3A_46 : memref<1x64x128xf32, #tpu.memory_space<hbm>> -> memref<64x128xf32, #tpu.memory_space<hbm>>
    %dma_start3A_48 = arith.constant 0 : i32
    %dma_start3A_49 = tpu.memref_slice %arg3[%arg1, %multiple_of3A_44, %dma_start3A_48] : memref<16x1024x128xf32, #tpu.memory_space<hbm>> -> memref<1x64x128xf32, #tpu.memory_space<hbm>>
    %dma_start3A_50 = tpu.memref_squeeze %dma_start3A_49 : memref<1x64x128xf32, #tpu.memory_space<hbm>> -> memref<64x128xf32, #tpu.memory_space<hbm>>
    tpu.enqueue_dma source(%arg6 : memref<64x128xf32, #tpu.memory_space<vmem>>) target(%dma_start3A_50 : memref<64x128xf32, #tpu.memory_space<hbm>>) target_semaphore(%arg10 : memref<!tpu.dma_semaphore, #tpu.memory_space<semaphore_mem>>)
    %add3A_51 = arith.constant 512 : i32
    %add3A_52 = arith.addi %mul3A_0, %add3A_51 : i32
    %multiple_of3A_53 = tpu.assume_multiple %add3A_52, 256 : i32
    %dma_start3A_54 = arith.constant 0 : i32
    %dma_start3A_55 = tpu.memref_slice %arg2[%arg1, %multiple_of3A_53, %dma_start3A_54] : memref<16x4096x32xf32, #tpu.memory_space<hbm>> -> memref<1x256x32xf32, #tpu.memory_space<hbm>>
    %dma_start3A_56 = tpu.memref_squeeze %dma_start3A_55 : memref<1x256x32xf32, #tpu.memory_space<hbm>> -> memref<256x32xf32, #tpu.memory_space<hbm>>
    %dma_start3A_57 = arith.constant 0 : i32
    %dma_start3A_58 = tpu.memref_slice %arg2[%arg1, %multiple_of3A_53, %dma_start3A_57] : memref<16x4096x32xf32, #tpu.memory_space<hbm>> -> memref<1x256x32xf32, #tpu.memory_space<hbm>>
    %dma_start3A_59 = tpu.memref_squeeze %dma_start3A_58 : memref<1x256x32xf32, #tpu.memory_space<hbm>> -> memref<256x32xf32, #tpu.memory_space<hbm>>
    tpu.enqueue_dma source(%dma_start3A_59 : memref<256x32xf32, #tpu.memory_space<hbm>>) target(%arg4 : memref<256x32xf32, #tpu.memory_space<vmem>>) target_semaphore(%arg8 : memref<!tpu.dma_semaphore, #tpu.memory_space<semaphore_mem>>)
    %dma_wait3A_60 = arith.constant 0 : i32
    %dma_wait3A_61 = tpu.memref_slice %arg2[%arg1, %multiple_of3A_9, %dma_wait3A_60] : memref<16x4096x32xf32, #tpu.memory_space<hbm>> -> memref<1x256x32xf32, #tpu.memory_space<hbm>>
    %dma_wait3A_62 = tpu.memref_squeeze %dma_wait3A_61 : memref<1x256x32xf32, #tpu.memory_space<hbm>> -> memref<256x32xf32, #tpu.memory_space<hbm>>
    %dma_wait3A_63 = arith.constant 0 : i32
    %dma_wait3A_64 = tpu.memref_slice %arg2[%arg1, %multiple_of3A_9, %dma_wait3A_63] : memref<16x4096x32xf32, #tpu.memory_space<hbm>> -> memref<1x256x32xf32, #tpu.memory_space<hbm>>
    %dma_wait3A_65 = tpu.memref_squeeze %dma_wait3A_64 : memref<1x256x32xf32, #tpu.memory_space<hbm>> -> memref<256x32xf32, #tpu.memory_space<hbm>>
    tpu.wait_dma2 semaphore(%arg9 : memref<!tpu.dma_semaphore, #tpu.memory_space<semaphore_mem>>) src(%dma_wait3A_65 : memref<256x32xf32, #tpu.memory_space<hbm>>) dst(%arg5 : memref<256x32xf32, #tpu.memory_space<vmem>>)
    %scan3A_66 = arith.constant 0 : i32
    %scan3A_67 = arith.constant 0 : i32
    %scan3A_68 = arith.constant 16 : i32
    %scan3A_69 = arith.addi %scan3A_67, %scan3A_68 : i32
    %scan3A_70 = arith.constant 1 : i32
    scf.for %scan3A_468 = %scan3A_67 to %scan3A_69 step %scan3A_70  : i32 {
      %mul3A_469 = arith.constant 4 : i32
      %mul3A_470 = arith.muli %mul3A_469, %scan3A_468 : i32
      %add3A_471 = arith.constant 0 : i32
      %add3A_472 = arith.addi %mul3A_470, %add3A_471 : i32
      %mul3A_473 = arith.constant 4 : i32
      %mul3A_474 = arith.muli %mul3A_473, %add3A_472 : i32
      %add3A_475 = arith.constant 0 : i32
      %add3A_476 = arith.addi %mul3A_474, %add3A_475 : i32
      %get3A = arith.index_cast %add3A_476 : i32 to index
      %get3A_477 = arith.constant 0 : index
      %get3A_478 = tpu.vector_load %arg5[%get3A, %get3A_477] {strides = array<i32>} : memref<256x32xf32, #tpu.memory_space<vmem>>, vector<1x16xf32>,
      %get3A_479 = vector.shape_cast %get3A_478 : vector<1x16xf32> to vector<16xf32>
      %swap3A = arith.index_cast %add3A_472 : i32 to index
      %swap3A_480 = arith.constant 0 : index
      %swap3A_481 = tpu.vector_load %arg7[%swap3A, %swap3A_480] {strides = array<i32>} : memref<64x128xf32, #tpu.memory_space<vmem>>, vector<1x16xf32>,
      %swap3A_482 = vector.shape_cast %swap3A_481 : vector<1x16xf32> to vector<16xf32>
      %swap3A_483 = vector.shape_cast %get3A_479 : vector<16xf32> to vector<1x16xf32>
      tpu.vector_store %arg7[%swap3A, %swap3A_480], %swap3A_483 {strides = array<i32>} : memref<64x128xf32, #tpu.memory_space<vmem>>, vector<1x16xf32>,
      %mul3A_484 = arith.constant 4 : i32
      %mul3A_485 = arith.muli %mul3A_484, %add3A_472 : i32
      %add3A_486 = arith.constant 0 : i32
      %add3A_487 = arith.addi %mul3A_485, %add3A_486 : i32
      %get3A_488 = arith.index_cast %add3A_487 : i32 to index
      %get3A_489 = arith.constant 16 : index
      %get3A_490 = tpu.vector_load %arg5[%get3A_488, %get3A_489] {strides = array<i32>} : memref<256x32xf32, #tpu.memory_space<vmem>>, vector<1x16xf32>,
      %get3A_491 = vector.shape_cast %get3A_490 : vector<1x16xf32> to vector<16xf32>
      %swap3A_492 = arith.index_cast %add3A_472 : i32 to index
      %swap3A_493 = arith.constant 16 : index
      %swap3A_494 = tpu.vector_load %arg7[%swap3A_492, %swap3A_493] {strides = array<i32>} : memref<64x128xf32, #tpu.memory_space<vmem>>, vector<1x16xf32>,
      %swap3A_495 = vector.shape_cast %swap3A_494 : vector<1x16xf32> to vector<16xf32>
      %swap3A_496 = vector.shape_cast %get3A_491 : vector<16xf32> to vector<1x16xf32>
      tpu.vector_store %arg7[%swap3A_492, %swap3A_493], %swap3A_496 {strides = array<i32>} : memref<64x128xf32, #tpu.memory_space<vmem>>, vector<1x16xf32>,
      %mul3A_497 = arith.constant 4 : i32
      %mul3A_498 = arith.muli %mul3A_497, %add3A_472 : i32
      %add3A_499 = arith.constant 1 : i32
      %add3A_500 = arith.addi %mul3A_498, %add3A_499 : i32
      %get3A_501 = arith.index_cast %add3A_500 : i32 to index
      %get3A_502 = arith.constant 0 : index
      %get3A_503 = tpu.vector_load %arg5[%get3A_501, %get3A_502] {strides = array<i32>} : memref<256x32xf32, #tpu.memory_space<vmem>>, vector<1x16xf32>,
      %get3A_504 = vector.shape_cast %get3A_503 : vector<1x16xf32> to vector<16xf32>
      %swap3A_505 = arith.index_cast %add3A_472 : i32 to index
      %swap3A_506 = arith.constant 32 : index
      %swap3A_507 = tpu.vector_load %arg7[%swap3A_505, %swap3A_506] {strides = array<i32>} : memref<64x128xf32, #tpu.memory_space<vmem>>, vector<1x16xf32>,
      %swap3A_508 = vector.shape_cast %swap3A_507 : vector<1x16xf32> to vector<16xf32>
      %swap3A_509 = vector.shape_cast %get3A_504 : vector<16xf32> to vector<1x16xf32>
      tpu.vector_store %arg7[%swap3A_505, %swap3A_506], %swap3A_509 {strides = array<i32>} : memref<64x128xf32, #tpu.memory_space<vmem>>, vector<1x16xf32>,
      %mul3A_510 = arith.constant 4 : i32
      %mul3A_511 = arith.muli %mul3A_510, %add3A_472 : i32
      %add3A_512 = arith.constant 1 : i32
      %add3A_513 = arith.addi %mul3A_511, %add3A_512 : i32
      %get3A_514 = arith.index_cast %add3A_513 : i32 to index
      %get3A_515 = arith.constant 16 : index
      %get3A_516 = tpu.vector_load %arg5[%get3A_514, %get3A_515] {strides = array<i32>} : memref<256x32xf32, #tpu.memory_space<vmem>>, vector<1x16xf32>,
      %get3A_517 = vector.shape_cast %get3A_516 : vector<1x16xf32> to vector<16xf32>
      %swap3A_518 = arith.index_cast %add3A_472 : i32 to index
      %swap3A_519 = arith.constant 48 : index
      %swap3A_520 = tpu.vector_load %arg7[%swap3A_518, %swap3A_519] {strides = array<i32>} : memref<64x128xf32, #tpu.memory_space<vmem>>, vector<1x16xf32>,
      %swap3A_521 = vector.shape_cast %swap3A_520 : vector<1x16xf32> to vector<16xf32>
      %swap3A_522 = vector.shape_cast %get3A_517 : vector<16xf32> to vector<1x16xf32>
      tpu.vector_store %arg7[%swap3A_518, %swap3A_519], %swap3A_522 {strides = array<i32>} : memref<64x128xf32, #tpu.memory_space<vmem>>, vector<1x16xf32>,
      %mul3A_523 = arith.constant 4 : i32
      %mul3A_524 = arith.muli %mul3A_523, %add3A_472 : i32
      %add3A_525 = arith.constant 2 : i32
      %add3A_526 = arith.addi %mul3A_524, %add3A_525 : i32
      %get3A_527 = arith.index_cast %add3A_526 : i32 to index
      %get3A_528 = arith.constant 0 : index
      %get3A_529 = tpu.vector_load %arg5[%get3A_527, %get3A_528] {strides = array<i32>} : memref<256x32xf32, #tpu.memory_space<vmem>>, vector<1x16xf32>,
      %get3A_530 = vector.shape_cast %get3A_529 : vector<1x16xf32> to vector<16xf32>
      %swap3A_531 = arith.index_cast %add3A_472 : i32 to index
      %swap3A_532 = arith.constant 64 : index
      %swap3A_533 = tpu.vector_load %arg7[%swap3A_531, %swap3A_532] {strides = array<i32>} : memref<64x128xf32, #tpu.memory_space<vmem>>, vector<1x16xf32>,
      %swap3A_534 = vector.shape_cast %swap3A_533 : vector<1x16xf32> to vector<16xf32>
      %swap3A_535 = vector.shape_cast %get3A_530 : vector<16xf32> to vector<1x16xf32>
      tpu.vector_store %arg7[%swap3A_531, %swap3A_532], %swap3A_535 {strides = array<i32>} : memref<64x128xf32, #tpu.memory_space<vmem>>, vector<1x16xf32>,
      %mul3A_536 = arith.constant 4 : i32
      %mul3A_537 = arith.muli %mul3A_536, %add3A_472 : i32
      %add3A_538 = arith.constant 2 : i32
      %add3A_539 = arith.addi %mul3A_537, %add3A_538 : i32
      %get3A_540 = arith.index_cast %add3A_539 : i32 to index
      %get3A_541 = arith.constant 16 : index
      %get3A_542 = tpu.vector_load %arg5[%get3A_540, %get3A_541] {strides = array<i32>} : memref<256x32xf32, #tpu.memory_space<vmem>>, vector<1x16xf32>,
      %get3A_543 = vector.shape_cast %get3A_542 : vector<1x16xf32> to vector<16xf32>
      %swap3A_544 = arith.index_cast %add3A_472 : i32 to index
      %swap3A_545 = arith.constant 80 : index
      %swap3A_546 = tpu.vector_load %arg7[%swap3A_544, %swap3A_545] {strides = array<i32>} : memref<64x128xf32, #tpu.memory_space<vmem>>, vector<1x16xf32>,
      %swap3A_547 = vector.shape_cast %swap3A_546 : vector<1x16xf32> to vector<16xf32>
      %swap3A_548 = vector.shape_cast %get3A_543 : vector<16xf32> to vector<1x16xf32>
      tpu.vector_store %arg7[%swap3A_544, %swap3A_545], %swap3A_548 {strides = array<i32>} : memref<64x128xf32, #tpu.memory_space<vmem>>, vector<1x16xf32>,
      %mul3A_549 = arith.constant 4 : i32
      %mul3A_550 = arith.muli %mul3A_549, %add3A_472 : i32
      %add3A_551 = arith.constant 3 : i32
      %add3A_552 = arith.addi %mul3A_550, %add3A_551 : i32
      %get3A_553 = arith.index_cast %add3A_552 : i32 to index
      %get3A_554 = arith.constant 0 : index
      %get3A_555 = tpu.vector_load %arg5[%get3A_553, %get3A_554] {strides = array<i32>} : memref<256x32xf32, #tpu.memory_space<vmem>>, vector<1x16xf32>,
      %get3A_556 = vector.shape_cast %get3A_555 : vector<1x16xf32> to vector<16xf32>
      %swap3A_557 = arith.index_cast %add3A_472 : i32 to index
      %swap3A_558 = arith.constant 96 : index
      %swap3A_559 = tpu.vector_load %arg7[%swap3A_557, %swap3A_558] {strides = array<i32>} : memref<64x128xf32, #tpu.memory_space<vmem>>, vector<1x16xf32>,
      %swap3A_560 = vector.shape_cast %swap3A_559 : vector<1x16xf32> to vector<16xf32>
      %swap3A_561 = vector.shape_cast %get3A_556 : vector<16xf32> to vector<1x16xf32>
      tpu.vector_store %arg7[%swap3A_557, %swap3A_558], %swap3A_561 {strides = array<i32>} : memref<64x128xf32, #tpu.memory_space<vmem>>, vector<1x16xf32>,
      %mul3A_562 = arith.constant 4 : i32
      %mul3A_563 = arith.muli %mul3A_562, %add3A_472 : i32
      %add3A_564 = arith.constant 3 : i32
      %add3A_565 = arith.addi %mul3A_563, %add3A_564 : i32
      %get3A_566 = arith.index_cast %add3A_565 : i32 to index
      %get3A_567 = arith.constant 16 : index
      %get3A_568 = tpu.vector_load %arg5[%get3A_566, %get3A_567] {strides = array<i32>} : memref<256x32xf32, #tpu.memory_space<vmem>>, vector<1x16xf32>,
      %get3A_569 = vector.shape_cast %get3A_568 : vector<1x16xf32> to vector<16xf32>
      %swap3A_570 = arith.index_cast %add3A_472 : i32 to index
      %swap3A_571 = arith.constant 112 : index
      %swap3A_572 = tpu.vector_load %arg7[%swap3A_570, %swap3A_571] {strides = array<i32>} : memref<64x128xf32, #tpu.memory_space<vmem>>, vector<1x16xf32>,
      %swap3A_573 = vector.shape_cast %swap3A_572 : vector<1x16xf32> to vector<16xf32>
      %swap3A_574 = vector.shape_cast %get3A_569 : vector<16xf32> to vector<1x16xf32>
      tpu.vector_store %arg7[%swap3A_570, %swap3A_571], %swap3A_574 {strides = array<i32>} : memref<64x128xf32, #tpu.memory_space<vmem>>, vector<1x16xf32>,
      %mul3A_575 = arith.constant 4 : i32
      %mul3A_576 = arith.muli %mul3A_575, %scan3A_468 : i32
      %add3A_577 = arith.constant 1 : i32
      %add3A_578 = arith.addi %mul3A_576, %add3A_577 : i32
      %mul3A_579 = arith.constant 4 : i32
      %mul3A_580 = arith.muli %mul3A_579, %add3A_578 : i32
      %add3A_581 = arith.constant 0 : i32
      %add3A_582 = arith.addi %mul3A_580, %add3A_581 : i32
      %get3A_583 = arith.index_cast %add3A_582 : i32 to index
      %get3A_584 = arith.constant 0 : index
      %get3A_585 = tpu.vector_load %arg5[%get3A_583, %get3A_584] {strides = array<i32>} : memref<256x32xf32, #tpu.memory_space<vmem>>, vector<1x16xf32>,
      %get3A_586 = vector.shape_cast %get3A_585 : vector<1x16xf32> to vector<16xf32>
      %swap3A_587 = arith.index_cast %add3A_578 : i32 to index
      %swap3A_588 = arith.constant 0 : index
      %swap3A_589 = tpu.vector_load %arg7[%swap3A_587, %swap3A_588] {strides = array<i32>} : memref<64x128xf32, #tpu.memory_space<vmem>>, vector<1x16xf32>,
      %swap3A_590 = vector.shape_cast %swap3A_589 : vector<1x16xf32> to vector<16xf32>
      %swap3A_591 = vector.shape_cast %get3A_586 : vector<16xf32> to vector<1x16xf32>
      tpu.vector_store %arg7[%swap3A_587, %swap3A_588], %swap3A_591 {strides = array<i32>} : memref<64x128xf32, #tpu.memory_space<vmem>>, vector<1x16xf32>,
      %mul3A_592 = arith.constant 4 : i32
      %mul3A_593 = arith.muli %mul3A_592, %add3A_578 : i32
      %add3A_594 = arith.constant 0 : i32
      %add3A_595 = arith.addi %mul3A_593, %add3A_594 : i32
      %get3A_596 = arith.index_cast %add3A_595 : i32 to index
      %get3A_597 = arith.constant 16 : index
      %get3A_598 = tpu.vector_load %arg5[%get3A_596, %get3A_597] {strides = array<i32>} : memref<256x32xf32, #tpu.memory_space<vmem>>, vector<1x16xf32>,
      %get3A_599 = vector.shape_cast %get3A_598 : vector<1x16xf32> to vector<16xf32>
      %swap3A_600 = arith.index_cast %add3A_578 : i32 to index
      %swap3A_601 = arith.constant 16 : index
      %swap3A_602 = tpu.vector_load %arg7[%swap3A_600, %swap3A_601] {strides = array<i32>} : memref<64x128xf32, #tpu.memory_space<vmem>>, vector<1x16xf32>,
      %swap3A_603 = vector.shape_cast %swap3A_602 : vector<1x16xf32> to vector<16xf32>
      %swap3A_604 = vector.shape_cast %get3A_599 : vector<16xf32> to vector<1x16xf32>
      tpu.vector_store %arg7[%swap3A_600, %swap3A_601], %swap3A_604 {strides = array<i32>} : memref<64x128xf32, #tpu.memory_space<vmem>>, vector<1x16xf32>,
      %mul3A_605 = arith.constant 4 : i32
      %mul3A_606 = arith.muli %mul3A_605, %add3A_578 : i32
      %add3A_607 = arith.constant 1 : i32
      %add3A_608 = arith.addi %mul3A_606, %add3A_607 : i32
      %get3A_609 = arith.index_cast %add3A_608 : i32 to index
      %get3A_610 = arith.constant 0 : index
      %get3A_611 = tpu.vector_load %arg5[%get3A_609, %get3A_610] {strides = array<i32>} : memref<256x32xf32, #tpu.memory_space<vmem>>, vector<1x16xf32>,
      %get3A_612 = vector.shape_cast %get3A_611 : vector<1x16xf32> to vector<16xf32>
      %swap3A_613 = arith.index_cast %add3A_578 : i32 to index
      %swap3A_614 = arith.constant 32 : index
      %swap3A_615 = tpu.vector_load %arg7[%swap3A_613, %swap3A_614] {strides = array<i32>} : memref<64x128xf32, #tpu.memory_space<vmem>>, vector<1x16xf32>,
      %swap3A_616 = vector.shape_cast %swap3A_615 : vector<1x16xf32> to vector<16xf32>
      %swap3A_617 = vector.shape_cast %get3A_612 : vector<16xf32> to vector<1x16xf32>
      tpu.vector_store %arg7[%swap3A_613, %swap3A_614], %swap3A_617 {strides = array<i32>} : memref<64x128xf32, #tpu.memory_space<vmem>>, vector<1x16xf32>,
      %mul3A_618 = arith.constant 4 : i32
      %mul3A_619 = arith.muli %mul3A_618, %add3A_578 : i32
      %add3A_620 = arith.constant 1 : i32
      %add3A_621 = arith.addi %mul3A_619, %add3A_620 : i32
      %get3A_622 = arith.index_cast %add3A_621 : i32 to index
      %get3A_623 = arith.constant 16 : index
      %get3A_624 = tpu.vector_load %arg5[%get3A_622, %get3A_623] {strides = array<i32>} : memref<256x32xf32, #tpu.memory_space<vmem>>, vector<1x16xf32>,
      %get3A_625 = vector.shape_cast %get3A_624 : vector<1x16xf32> to vector<16xf32>
      %swap3A_626 = arith.index_cast %add3A_578 : i32 to index
      %swap3A_627 = arith.constant 48 : index
      %swap3A_628 = tpu.vector_load %arg7[%swap3A_626, %swap3A_627] {strides = array<i32>} : memref<64x128xf32, #tpu.memory_space<vmem>>, vector<1x16xf32>,
      %swap3A_629 = vector.shape_cast %swap3A_628 : vector<1x16xf32> to vector<16xf32>
      %swap3A_630 = vector.shape_cast %get3A_625 : vector<16xf32> to vector<1x16xf32>
      tpu.vector_store %arg7[%swap3A_626, %swap3A_627], %swap3A_630 {strides = array<i32>} : memref<64x128xf32, #tpu.memory_space<vmem>>, vector<1x16xf32>,
      %mul3A_631 = arith.constant 4 : i32
      %mul3A_632 = arith.muli %mul3A_631, %add3A_578 : i32
      %add3A_633 = arith.constant 2 : i32
      %add3A_634 = arith.addi %mul3A_632, %add3A_633 : i32
      %get3A_635 = arith.index_cast %add3A_634 : i32 to index
      %get3A_636 = arith.constant 0 : index
      %get3A_637 = tpu.vector_load %arg5[%get3A_635, %get3A_636] {strides = array<i32>} : memref<256x32xf32, #tpu.memory_space<vmem>>, vector<1x16xf32>,
      %get3A_638 = vector.shape_cast %get3A_637 : vector<1x16xf32> to vector<16xf32>
      %swap3A_639 = arith.index_cast %add3A_578 : i32 to index
      %swap3A_640 = arith.constant 64 : index
      %swap3A_641 = tpu.vector_load %arg7[%swap3A_639, %swap3A_640] {strides = array<i32>} : memref<64x128xf32, #tpu.memory_space<vmem>>, vector<1x16xf32>,
      %swap3A_642 = vector.shape_cast %swap3A_641 : vector<1x16xf32> to vector<16xf32>
      %swap3A_643 = vector.shape_cast %get3A_638 : vector<16xf32> to vector<1x16xf32>
      tpu.vector_store %arg7[%swap3A_639, %swap3A_640], %swap3A_643 {strides = array<i32>} : memref<64x128xf32, #tpu.memory_space<vmem>>, vector<1x16xf32>,
      %mul3A_644 = arith.constant 4 : i32
      %mul3A_645 = arith.muli %mul3A_644, %add3A_578 : i32
      %add3A_646 = arith.constant 2 : i32
      %add3A_647 = arith.addi %mul3A_645, %add3A_646 : i32
      %get3A_648 = arith.index_cast %add3A_647 : i32 to index
      %get3A_649 = arith.constant 16 : index
      %get3A_650 = tpu.vector_load %arg5[%get3A_648, %get3A_649] {strides = array<i32>} : memref<256x32xf32, #tpu.memory_space<vmem>>, vector<1x16xf32>,
      %get3A_651 = vector.shape_cast %get3A_650 : vector<1x16xf32> to vector<16xf32>
      %swap3A_652 = arith.index_cast %add3A_578 : i32 to index
      %swap3A_653 = arith.constant 80 : index
      %swap3A_654 = tpu.vector_load %arg7[%swap3A_652, %swap3A_653] {strides = array<i32>} : memref<64x128xf32, #tpu.memory_space<vmem>>, vector<1x16xf32>,
      %swap3A_655 = vector.shape_cast %swap3A_654 : vector<1x16xf32> to vector<16xf32>
      %swap3A_656 = vector.shape_cast %get3A_651 : vector<16xf32> to vector<1x16xf32>
      tpu.vector_store %arg7[%swap3A_652, %swap3A_653], %swap3A_656 {strides = array<i32>} : memref<64x128xf32, #tpu.memory_space<vmem>>, vector<1x16xf32>,
      %mul3A_657 = arith.constant 4 : i32
      %mul3A_658 = arith.muli %mul3A_657, %add3A_578 : i32
      %add3A_659 = arith.constant 3 : i32
      %add3A_660 = arith.addi %mul3A_658, %add3A_659 : i32
      %get3A_661 = arith.index_cast %add3A_660 : i32 to index
      %get3A_662 = arith.constant 0 : index
      %get3A_663 = tpu.vector_load %arg5[%get3A_661, %get3A_662] {strides = array<i32>} : memref<256x32xf32, #tpu.memory_space<vmem>>, vector<1x16xf32>,
      %get3A_664 = vector.shape_cast %get3A_663 : vector<1x16xf32> to vector<16xf32>
      %swap3A_665 = arith.index_cast %add3A_578 : i32 to index
      %swap3A_666 = arith.constant 96 : index
      %swap3A_667 = tpu.vector_load %arg7[%swap3A_665, %swap3A_666] {strides = array<i32>} : memref<64x128xf32, #tpu.memory_space<vmem>>, vector<1x16xf32>,
      %swap3A_668 = vector.shape_cast %swap3A_667 : vector<1x16xf32> to vector<16xf32>
      %swap3A_669 = vector.shape_cast %get3A_664 : vector<16xf32> to vector<1x16xf32>
      tpu.vector_store %arg7[%swap3A_665, %swap3A_666], %swap3A_669 {strides = array<i32>} : memref<64x128xf32, #tpu.memory_space<vmem>>, vector<1x16xf32>,
      %mul3A_670 = arith.constant 4 : i32
      %mul3A_671 = arith.muli %mul3A_670, %add3A_578 : i32
      %add3A_672 = arith.constant 3 : i32
      %add3A_673 = arith.addi %mul3A_671, %add3A_672 : i32
      %get3A_674 = arith.index_cast %add3A_673 : i32 to index
      %get3A_675 = arith.constant 16 : index
      %get3A_676 = tpu.vector_load %arg5[%get3A_674, %get3A_675] {strides = array<i32>} : memref<256x32xf32, #tpu.memory_space<vmem>>, vector<1x16xf32>,
      %get3A_677 = vector.shape_cast %get3A_676 : vector<1x16xf32> to vector<16xf32>
      %swap3A_678 = arith.index_cast %add3A_578 : i32 to index
      %swap3A_679 = arith.constant 112 : index
      %swap3A_680 = tpu.vector_load %arg7[%swap3A_678, %swap3A_679] {strides = array<i32>} : memref<64x128xf32, #tpu.memory_space<vmem>>, vector<1x16xf32>,
      %swap3A_681 = vector.shape_cast %swap3A_680 : vector<1x16xf32> to vector<16xf32>
      %swap3A_682 = vector.shape_cast %get3A_677 : vector<16xf32> to vector<1x16xf32>
      tpu.vector_store %arg7[%swap3A_678, %swap3A_679], %swap3A_682 {strides = array<i32>} : memref<64x128xf32, #tpu.memory_space<vmem>>, vector<1x16xf32>,
      %mul3A_683 = arith.constant 4 : i32
      %mul3A_684 = arith.muli %mul3A_683, %scan3A_468 : i32
      %add3A_685 = arith.constant 2 : i32
      %add3A_686 = arith.addi %mul3A_684, %add3A_685 : i32
      %mul3A_687 = arith.constant 4 : i32
      %mul3A_688 = arith.muli %mul3A_687, %add3A_686 : i32
      %add3A_689 = arith.constant 0 : i32
      %add3A_690 = arith.addi %mul3A_688, %add3A_689 : i32
      %get3A_691 = arith.index_cast %add3A_690 : i32 to index
      %get3A_692 = arith.constant 0 : index
      %get3A_693 = tpu.vector_load %arg5[%get3A_691, %get3A_692] {strides = array<i32>} : memref<256x32xf32, #tpu.memory_space<vmem>>, vector<1x16xf32>,
      %get3A_694 = vector.shape_cast %get3A_693 : vector<1x16xf32> to vector<16xf32>
      %swap3A_695 = arith.index_cast %add3A_686 : i32 to index
      %swap3A_696 = arith.constant 0 : index
      %swap3A_697 = tpu.vector_load %arg7[%swap3A_695, %swap3A_696] {strides = array<i32>} : memref<64x128xf32, #tpu.memory_space<vmem>>, vector<1x16xf32>,
      %swap3A_698 = vector.shape_cast %swap3A_697 : vector<1x16xf32> to vector<16xf32>
      %swap3A_699 = vector.shape_cast %get3A_694 : vector<16xf32> to vector<1x16xf32>
      tpu.vector_store %arg7[%swap3A_695, %swap3A_696], %swap3A_699 {strides = array<i32>} : memref<64x128xf32, #tpu.memory_space<vmem>>, vector<1x16xf32>,
      %mul3A_700 = arith.constant 4 : i32
      %mul3A_701 = arith.muli %mul3A_700, %add3A_686 : i32
      %add3A_702 = arith.constant 0 : i32
      %add3A_703 = arith.addi %mul3A_701, %add3A_702 : i32
      %get3A_704 = arith.index_cast %add3A_703 : i32 to index
      %get3A_705 = arith.constant 16 : index
      %get3A_706 = tpu.vector_load %arg5[%get3A_704, %get3A_705] {strides = array<i32>} : memref<256x32xf32, #tpu.memory_space<vmem>>, vector<1x16xf32>,
      %get3A_707 = vector.shape_cast %get3A_706 : vector<1x16xf32> to vector<16xf32>
      %swap3A_708 = arith.index_cast %add3A_686 : i32 to index
      %swap3A_709 = arith.constant 16 : index
      %swap3A_710 = tpu.vector_load %arg7[%swap3A_708, %swap3A_709] {strides = array<i32>} : memref<64x128xf32, #tpu.memory_space<vmem>>, vector<1x16xf32>,
      %swap3A_711 = vector.shape_cast %swap3A_710 : vector<1x16xf32> to vector<16xf32>
      %swap3A_712 = vector.shape_cast %get3A_707 : vector<16xf32> to vector<1x16xf32>
      tpu.vector_store %arg7[%swap3A_708, %swap3A_709], %swap3A_712 {strides = array<i32>} : memref<64x128xf32, #tpu.memory_space<vmem>>, vector<1x16xf32>,
      %mul3A_713 = arith.constant 4 : i32
      %mul3A_714 = arith.muli %mul3A_713, %add3A_686 : i32
      %add3A_715 = arith.constant 1 : i32
      %add3A_716 = arith.addi %mul3A_714, %add3A_715 : i32
      %get3A_717 = arith.index_cast %add3A_716 : i32 to index
      %get3A_718 = arith.constant 0 : index
      %get3A_719 = tpu.vector_load %arg5[%get3A_717, %get3A_718] {strides = array<i32>} : memref<256x32xf32, #tpu.memory_space<vmem>>, vector<1x16xf32>,
      %get3A_720 = vector.shape_cast %get3A_719 : vector<1x16xf32> to vector<16xf32>
      %swap3A_721 = arith.index_cast %add3A_686 : i32 to index
      %swap3A_722 = arith.constant 32 : index
      %swap3A_723 = tpu.vector_load %arg7[%swap3A_721, %swap3A_722] {strides = array<i32>} : memref<64x128xf32, #tpu.memory_space<vmem>>, vector<1x16xf32>,
      %swap3A_724 = vector.shape_cast %swap3A_723 : vector<1x16xf32> to vector<16xf32>
      %swap3A_725 = vector.shape_cast %get3A_720 : vector<16xf32> to vector<1x16xf32>
      tpu.vector_store %arg7[%swap3A_721, %swap3A_722], %swap3A_725 {strides = array<i32>} : memref<64x128xf32, #tpu.memory_space<vmem>>, vector<1x16xf32>,
      %mul3A_726 = arith.constant 4 : i32
      %mul3A_727 = arith.muli %mul3A_726, %add3A_686 : i32
      %add3A_728 = arith.constant 1 : i32
      %add3A_729 = arith.addi %mul3A_727, %add3A_728 : i32
      %get3A_730 = arith.index_cast %add3A_729 : i32 to index
      %get3A_731 = arith.constant 16 : index
      %get3A_732 = tpu.vector_load %arg5[%get3A_730, %get3A_731] {strides = array<i32>} : memref<256x32xf32, #tpu.memory_space<vmem>>, vector<1x16xf32>,
      %get3A_733 = vector.shape_cast %get3A_732 : vector<1x16xf32> to vector<16xf32>
      %swap3A_734 = arith.index_cast %add3A_686 : i32 to index
      %swap3A_735 = arith.constant 48 : index
      %swap3A_736 = tpu.vector_load %arg7[%swap3A_734, %swap3A_735] {strides = array<i32>} : memref<64x128xf32, #tpu.memory_space<vmem>>, vector<1x16xf32>,
      %swap3A_737 = vector.shape_cast %swap3A_736 : vector<1x16xf32> to vector<16xf32>
      %swap3A_738 = vector.shape_cast %get3A_733 : vector<16xf32> to vector<1x16xf32>
      tpu.vector_store %arg7[%swap3A_734, %swap3A_735], %swap3A_738 {strides = array<i32>} : memref<64x128xf32, #tpu.memory_space<vmem>>, vector<1x16xf32>,
      %mul3A_739 = arith.constant 4 : i32
      %mul3A_740 = arith.muli %mul3A_739, %add3A_686 : i32
      %add3A_741 = arith.constant 2 : i32
      %add3A_742 = arith.addi %mul3A_740, %add3A_741 : i32
      %get3A_743 = arith.index_cast %add3A_742 : i32 to index
      %get3A_744 = arith.constant 0 : index
      %get3A_745 = tpu.vector_load %arg5[%get3A_743, %get3A_744] {strides = array<i32>} : memref<256x32xf32, #tpu.memory_space<vmem>>, vector<1x16xf32>,
      %get3A_746 = vector.shape_cast %get3A_745 : vector<1x16xf32> to vector<16xf32>
      %swap3A_747 = arith.index_cast %add3A_686 : i32 to index
      %swap3A_748 = arith.constant 64 : index
      %swap3A_749 = tpu.vector_load %arg7[%swap3A_747, %swap3A_748] {strides = array<i32>} : memref<64x128xf32, #tpu.memory_space<vmem>>, vector<1x16xf32>,
      %swap3A_750 = vector.shape_cast %swap3A_749 : vector<1x16xf32> to vector<16xf32>
      %swap3A_751 = vector.shape_cast %get3A_746 : vector<16xf32> to vector<1x16xf32>
      tpu.vector_store %arg7[%swap3A_747, %swap3A_748], %swap3A_751 {strides = array<i32>} : memref<64x128xf32, #tpu.memory_space<vmem>>, vector<1x16xf32>,
      %mul3A_752 = arith.constant 4 : i32
      %mul3A_753 = arith.muli %mul3A_752, %add3A_686 : i32
      %add3A_754 = arith.constant 2 : i32
      %add3A_755 = arith.addi %mul3A_753, %add3A_754 : i32
      %get3A_756 = arith.index_cast %add3A_755 : i32 to index
      %get3A_757 = arith.constant 16 : index
      %get3A_758 = tpu.vector_load %arg5[%get3A_756, %get3A_757] {strides = array<i32>} : memref<256x32xf32, #tpu.memory_space<vmem>>, vector<1x16xf32>,
      %get3A_759 = vector.shape_cast %get3A_758 : vector<1x16xf32> to vector<16xf32>
      %swap3A_760 = arith.index_cast %add3A_686 : i32 to index
      %swap3A_761 = arith.constant 80 : index
      %swap3A_762 = tpu.vector_load %arg7[%swap3A_760, %swap3A_761] {strides = array<i32>} : memref<64x128xf32, #tpu.memory_space<vmem>>, vector<1x16xf32>,
      %swap3A_763 = vector.shape_cast %swap3A_762 : vector<1x16xf32> to vector<16xf32>
      %swap3A_764 = vector.shape_cast %get3A_759 : vector<16xf32> to vector<1x16xf32>
      tpu.vector_store %arg7[%swap3A_760, %swap3A_761], %swap3A_764 {strides = array<i32>} : memref<64x128xf32, #tpu.memory_space<vmem>>, vector<1x16xf32>,
      %mul3A_765 = arith.constant 4 : i32
      %mul3A_766 = arith.muli %mul3A_765, %add3A_686 : i32
      %add3A_767 = arith.constant 3 : i32
      %add3A_768 = arith.addi %mul3A_766, %add3A_767 : i32
      %get3A_769 = arith.index_cast %add3A_768 : i32 to index
      %get3A_770 = arith.constant 0 : index
      %get3A_771 = tpu.vector_load %arg5[%get3A_769, %get3A_770] {strides = array<i32>} : memref<256x32xf32, #tpu.memory_space<vmem>>, vector<1x16xf32>,
      %get3A_772 = vector.shape_cast %get3A_771 : vector<1x16xf32> to vector<16xf32>
      %swap3A_773 = arith.index_cast %add3A_686 : i32 to index
      %swap3A_774 = arith.constant 96 : index
      %swap3A_775 = tpu.vector_load %arg7[%swap3A_773, %swap3A_774] {strides = array<i32>} : memref<64x128xf32, #tpu.memory_space<vmem>>, vector<1x16xf32>,
      %swap3A_776 = vector.shape_cast %swap3A_775 : vector<1x16xf32> to vector<16xf32>
      %swap3A_777 = vector.shape_cast %get3A_772 : vector<16xf32> to vector<1x16xf32>
      tpu.vector_store %arg7[%swap3A_773, %swap3A_774], %swap3A_777 {strides = array<i32>} : memref<64x128xf32, #tpu.memory_space<vmem>>, vector<1x16xf32>,
      %mul3A_778 = arith.constant 4 : i32
      %mul3A_779 = arith.muli %mul3A_778, %add3A_686 : i32
      %add3A_780 = arith.constant 3 : i32
      %add3A_781 = arith.addi %mul3A_779, %add3A_780 : i32
      %get3A_782 = arith.index_cast %add3A_781 : i32 to index
      %get3A_783 = arith.constant 16 : index
      %get3A_784 = tpu.vector_load %arg5[%get3A_782, %get3A_783] {strides = array<i32>} : memref<256x32xf32, #tpu.memory_space<vmem>>, vector<1x16xf32>,
      %get3A_785 = vector.shape_cast %get3A_784 : vector<1x16xf32> to vector<16xf32>
      %swap3A_786 = arith.index_cast %add3A_686 : i32 to index
      %swap3A_787 = arith.constant 112 : index
      %swap3A_788 = tpu.vector_load %arg7[%swap3A_786, %swap3A_787] {strides = array<i32>} : memref<64x128xf32, #tpu.memory_space<vmem>>, vector<1x16xf32>,
      %swap3A_789 = vector.shape_cast %swap3A_788 : vector<1x16xf32> to vector<16xf32>
      %swap3A_790 = vector.shape_cast %get3A_785 : vector<16xf32> to vector<1x16xf32>
      tpu.vector_store %arg7[%swap3A_786, %swap3A_787], %swap3A_790 {strides = array<i32>} : memref<64x128xf32, #tpu.memory_space<vmem>>, vector<1x16xf32>,
      %mul3A_791 = arith.constant 4 : i32
      %mul3A_792 = arith.muli %mul3A_791, %scan3A_468 : i32
      %add3A_793 = arith.constant 3 : i32
      %add3A_794 = arith.addi %mul3A_792, %add3A_793 : i32
      %mul3A_795 = arith.constant 4 : i32
      %mul3A_796 = arith.muli %mul3A_795, %add3A_794 : i32
      %add3A_797 = arith.constant 0 : i32
      %add3A_798 = arith.addi %mul3A_796, %add3A_797 : i32
      %get3A_799 = arith.index_cast %add3A_798 : i32 to index
      %get3A_800 = arith.constant 0 : index
      %get3A_801 = tpu.vector_load %arg5[%get3A_799, %get3A_800] {strides = array<i32>} : memref<256x32xf32, #tpu.memory_space<vmem>>, vector<1x16xf32>,
      %get3A_802 = vector.shape_cast %get3A_801 : vector<1x16xf32> to vector<16xf32>
      %swap3A_803 = arith.index_cast %add3A_794 : i32 to index
      %swap3A_804 = arith.constant 0 : index
      %swap3A_805 = tpu.vector_load %arg7[%swap3A_803, %swap3A_804] {strides = array<i32>} : memref<64x128xf32, #tpu.memory_space<vmem>>, vector<1x16xf32>,
      %swap3A_806 = vector.shape_cast %swap3A_805 : vector<1x16xf32> to vector<16xf32>
      %swap3A_807 = vector.shape_cast %get3A_802 : vector<16xf32> to vector<1x16xf32>
      tpu.vector_store %arg7[%swap3A_803, %swap3A_804], %swap3A_807 {strides = array<i32>} : memref<64x128xf32, #tpu.memory_space<vmem>>, vector<1x16xf32>,
      %mul3A_808 = arith.constant 4 : i32
      %mul3A_809 = arith.muli %mul3A_808, %add3A_794 : i32
      %add3A_810 = arith.constant 0 : i32
      %add3A_811 = arith.addi %mul3A_809, %add3A_810 : i32
      %get3A_812 = arith.index_cast %add3A_811 : i32 to index
      %get3A_813 = arith.constant 16 : index
      %get3A_814 = tpu.vector_load %arg5[%get3A_812, %get3A_813] {strides = array<i32>} : memref<256x32xf32, #tpu.memory_space<vmem>>, vector<1x16xf32>,
      %get3A_815 = vector.shape_cast %get3A_814 : vector<1x16xf32> to vector<16xf32>
      %swap3A_816 = arith.index_cast %add3A_794 : i32 to index
      %swap3A_817 = arith.constant 16 : index
      %swap3A_818 = tpu.vector_load %arg7[%swap3A_816, %swap3A_817] {strides = array<i32>} : memref<64x128xf32, #tpu.memory_space<vmem>>, vector<1x16xf32>,
      %swap3A_819 = vector.shape_cast %swap3A_818 : vector<1x16xf32> to vector<16xf32>
      %swap3A_820 = vector.shape_cast %get3A_815 : vector<16xf32> to vector<1x16xf32>
      tpu.vector_store %arg7[%swap3A_816, %swap3A_817], %swap3A_820 {strides = array<i32>} : memref<64x128xf32, #tpu.memory_space<vmem>>, vector<1x16xf32>,
      %mul3A_821 = arith.constant 4 : i32
      %mul3A_822 = arith.muli %mul3A_821, %add3A_794 : i32
      %add3A_823 = arith.constant 1 : i32
      %add3A_824 = arith.addi %mul3A_822, %add3A_823 : i32
      %get3A_825 = arith.index_cast %add3A_824 : i32 to index
      %get3A_826 = arith.constant 0 : index
      %get3A_827 = tpu.vector_load %arg5[%get3A_825, %get3A_826] {strides = array<i32>} : memref<256x32xf32, #tpu.memory_space<vmem>>, vector<1x16xf32>,
      %get3A_828 = vector.shape_cast %get3A_827 : vector<1x16xf32> to vector<16xf32>
      %swap3A_829 = arith.index_cast %add3A_794 : i32 to index
      %swap3A_830 = arith.constant 32 : index
      %swap3A_831 = tpu.vector_load %arg7[%swap3A_829, %swap3A_830] {strides = array<i32>} : memref<64x128xf32, #tpu.memory_space<vmem>>, vector<1x16xf32>,
      %swap3A_832 = vector.shape_cast %swap3A_831 : vector<1x16xf32> to vector<16xf32>
      %swap3A_833 = vector.shape_cast %get3A_828 : vector<16xf32> to vector<1x16xf32>
      tpu.vector_store %arg7[%swap3A_829, %swap3A_830], %swap3A_833 {strides = array<i32>} : memref<64x128xf32, #tpu.memory_space<vmem>>, vector<1x16xf32>,
      %mul3A_834 = arith.constant 4 : i32
      %mul3A_835 = arith.muli %mul3A_834, %add3A_794 : i32
      %add3A_836 = arith.constant 1 : i32
      %add3A_837 = arith.addi %mul3A_835, %add3A_836 : i32
      %get3A_838 = arith.index_cast %add3A_837 : i32 to index
      %get3A_839 = arith.constant 16 : index
      %get3A_840 = tpu.vector_load %arg5[%get3A_838, %get3A_839] {strides = array<i32>} : memref<256x32xf32, #tpu.memory_space<vmem>>, vector<1x16xf32>,
      %get3A_841 = vector.shape_cast %get3A_840 : vector<1x16xf32> to vector<16xf32>
      %swap3A_842 = arith.index_cast %add3A_794 : i32 to index
      %swap3A_843 = arith.constant 48 : index
      %swap3A_844 = tpu.vector_load %arg7[%swap3A_842, %swap3A_843] {strides = array<i32>} : memref<64x128xf32, #tpu.memory_space<vmem>>, vector<1x16xf32>,
      %swap3A_845 = vector.shape_cast %swap3A_844 : vector<1x16xf32> to vector<16xf32>
      %swap3A_846 = vector.shape_cast %get3A_841 : vector<16xf32> to vector<1x16xf32>
      tpu.vector_store %arg7[%swap3A_842, %swap3A_843], %swap3A_846 {strides = array<i32>} : memref<64x128xf32, #tpu.memory_space<vmem>>, vector<1x16xf32>,
      %mul3A_847 = arith.constant 4 : i32
      %mul3A_848 = arith.muli %mul3A_847, %add3A_794 : i32
      %add3A_849 = arith.constant 2 : i32
      %add3A_850 = arith.addi %mul3A_848, %add3A_849 : i32
      %get3A_851 = arith.index_cast %add3A_850 : i32 to index
      %get3A_852 = arith.constant 0 : index
      %get3A_853 = tpu.vector_load %arg5[%get3A_851, %get3A_852] {strides = array<i32>} : memref<256x32xf32, #tpu.memory_space<vmem>>, vector<1x16xf32>,
      %get3A_854 = vector.shape_cast %get3A_853 : vector<1x16xf32> to vector<16xf32>
      %swap3A_855 = arith.index_cast %add3A_794 : i32 to index
      %swap3A_856 = arith.constant 64 : index
      %swap3A_857 = tpu.vector_load %arg7[%swap3A_855, %swap3A_856] {strides = array<i32>} : memref<64x128xf32, #tpu.memory_space<vmem>>, vector<1x16xf32>,
      %swap3A_858 = vector.shape_cast %swap3A_857 : vector<1x16xf32> to vector<16xf32>
      %swap3A_859 = vector.shape_cast %get3A_854 : vector<16xf32> to vector<1x16xf32>
      tpu.vector_store %arg7[%swap3A_855, %swap3A_856], %swap3A_859 {strides = array<i32>} : memref<64x128xf32, #tpu.memory_space<vmem>>, vector<1x16xf32>,
      %mul3A_860 = arith.constant 4 : i32
      %mul3A_861 = arith.muli %mul3A_860, %add3A_794 : i32
      %add3A_862 = arith.constant 2 : i32
      %add3A_863 = arith.addi %mul3A_861, %add3A_862 : i32
      %get3A_864 = arith.index_cast %add3A_863 : i32 to index
      %get3A_865 = arith.constant 16 : index
      %get3A_866 = tpu.vector_load %arg5[%get3A_864, %get3A_865] {strides = array<i32>} : memref<256x32xf32, #tpu.memory_space<vmem>>, vector<1x16xf32>,
      %get3A_867 = vector.shape_cast %get3A_866 : vector<1x16xf32> to vector<16xf32>
      %swap3A_868 = arith.index_cast %add3A_794 : i32 to index
      %swap3A_869 = arith.constant 80 : index
      %swap3A_870 = tpu.vector_load %arg7[%swap3A_868, %swap3A_869] {strides = array<i32>} : memref<64x128xf32, #tpu.memory_space<vmem>>, vector<1x16xf32>,
      %swap3A_871 = vector.shape_cast %swap3A_870 : vector<1x16xf32> to vector<16xf32>
      %swap3A_872 = vector.shape_cast %get3A_867 : vector<16xf32> to vector<1x16xf32>
      tpu.vector_store %arg7[%swap3A_868, %swap3A_869], %swap3A_872 {strides = array<i32>} : memref<64x128xf32, #tpu.memory_space<vmem>>, vector<1x16xf32>,
      %mul3A_873 = arith.constant 4 : i32
      %mul3A_874 = arith.muli %mul3A_873, %add3A_794 : i32
      %add3A_875 = arith.constant 3 : i32
      %add3A_876 = arith.addi %mul3A_874, %add3A_875 : i32
      %get3A_877 = arith.index_cast %add3A_876 : i32 to index
      %get3A_878 = arith.constant 0 : index
      %get3A_879 = tpu.vector_load %arg5[%get3A_877, %get3A_878] {strides = array<i32>} : memref<256x32xf32, #tpu.memory_space<vmem>>, vector<1x16xf32>,
      %get3A_880 = vector.shape_cast %get3A_879 : vector<1x16xf32> to vector<16xf32>
      %swap3A_881 = arith.index_cast %add3A_794 : i32 to index
      %swap3A_882 = arith.constant 96 : index
      %swap3A_883 = tpu.vector_load %arg7[%swap3A_881, %swap3A_882] {strides = array<i32>} : memref<64x128xf32, #tpu.memory_space<vmem>>, vector<1x16xf32>,
      %swap3A_884 = vector.shape_cast %swap3A_883 : vector<1x16xf32> to vector<16xf32>
      %swap3A_885 = vector.shape_cast %get3A_880 : vector<16xf32> to vector<1x16xf32>
      tpu.vector_store %arg7[%swap3A_881, %swap3A_882], %swap3A_885 {strides = array<i32>} : memref<64x128xf32, #tpu.memory_space<vmem>>, vector<1x16xf32>,
      %mul3A_886 = arith.constant 4 : i32
      %mul3A_887 = arith.muli %mul3A_886, %add3A_794 : i32
      %add3A_888 = arith.constant 3 : i32
      %add3A_889 = arith.addi %mul3A_887, %add3A_888 : i32
      %get3A_890 = arith.index_cast %add3A_889 : i32 to index
      %get3A_891 = arith.constant 16 : index
      %get3A_892 = tpu.vector_load %arg5[%get3A_890, %get3A_891] {strides = array<i32>} : memref<256x32xf32, #tpu.memory_space<vmem>>, vector<1x16xf32>,
      %get3A_893 = vector.shape_cast %get3A_892 : vector<1x16xf32> to vector<16xf32>
      %swap3A_894 = arith.index_cast %add3A_794 : i32 to index
      %swap3A_895 = arith.constant 112 : index
      %swap3A_896 = tpu.vector_load %arg7[%swap3A_894, %swap3A_895] {strides = array<i32>} : memref<64x128xf32, #tpu.memory_space<vmem>>, vector<1x16xf32>,
      %swap3A_897 = vector.shape_cast %swap3A_896 : vector<1x16xf32> to vector<16xf32>
      %swap3A_898 = vector.shape_cast %get3A_893 : vector<16xf32> to vector<1x16xf32>
      tpu.vector_store %arg7[%swap3A_894, %swap3A_895], %swap3A_898 {strides = array<i32>} : memref<64x128xf32, #tpu.memory_space<vmem>>, vector<1x16xf32>,
    }
    %scan3A_71 = arith.constant 16 : i32
    %add3A_72 = arith.constant 256 : i32
    %add3A_73 = arith.addi %mul3A_0, %add3A_72 : i32
    %jit3A_74 = arith.constant 4 : i32
    %div3A_75 = arith.divsi %add3A_73, %jit3A_74 : i32
    %sign3A_76 = arith.constant 0 : i32
    %sign3A_77 = arith.cmpi sgt, %add3A_73, %sign3A_76 : i32
    %sign3A_78 = arith.extui %sign3A_77 : i1 to i32
    %sign3A_79 = arith.constant 0 : i32
    %sign3A_80 = arith.cmpi slt, %add3A_73, %sign3A_79 : i32
    %sign3A_81 = arith.extui %sign3A_80 : i1 to i32
    %sign3A_82 = arith.subi %sign3A_78, %sign3A_81 : i32
    %sign3A_83 = arith.constant 0 : i32
    %sign3A_84 = arith.cmpi sgt, %jit3A_74, %sign3A_83 : i32
    %sign3A_85 = arith.extui %sign3A_84 : i1 to i32
    %sign3A_86 = arith.constant 0 : i32
    %sign3A_87 = arith.cmpi slt, %jit3A_74, %sign3A_86 : i32
    %sign3A_88 = arith.extui %sign3A_87 : i1 to i32
    %sign3A_89 = arith.subi %sign3A_85, %sign3A_88 : i32
    %ne3A_90 = arith.cmpi ne, %sign3A_82, %sign3A_89 : i32
    %rem3A_91 = arith.remsi %add3A_73, %jit3A_74 : i32
    %ne3A_92 = arith.constant 0 : i32
    %ne3A_93 = arith.cmpi ne, %rem3A_91, %ne3A_92 : i32
    %and3A_94 = arith.andi %ne3A_90, %ne3A_93 : i1
    %sub3A_95 = arith.constant 1 : i32
    %sub3A_96 = arith.subi %div3A_75, %sub3A_95 : i32
    %select_n3A_97 = arith.select %and3A_94, %sub3A_96, %div3A_75 : i32
    %multiple_of3A_98 = tpu.assume_multiple %select_n3A_97, 64 : i32
    %dma_start3A_99 = arith.constant 0 : i32
    %dma_start3A_100 = tpu.memref_slice %arg3[%arg1, %multiple_of3A_98, %dma_start3A_99] : memref<16x1024x128xf32, #tpu.memory_space<hbm>> -> memref<1x64x128xf32, #tpu.memory_space<hbm>>
    %dma_start3A_101 = tpu.memref_squeeze %dma_start3A_100 : memref<1x64x128xf32, #tpu.memory_space<hbm>> -> memref<64x128xf32, #tpu.memory_space<hbm>>
    %dma_start3A_102 = arith.constant 0 : i32
    %dma_start3A_103 = tpu.memref_slice %arg3[%arg1, %multiple_of3A_98, %dma_start3A_102] : memref<16x1024x128xf32, #tpu.memory_space<hbm>> -> memref<1x64x128xf32, #tpu.memory_space<hbm>>
    %dma_start3A_104 = tpu.memref_squeeze %dma_start3A_103 : memref<1x64x128xf32, #tpu.memory_space<hbm>> -> memref<64x128xf32, #tpu.memory_space<hbm>>
    tpu.enqueue_dma source(%arg7 : memref<64x128xf32, #tpu.memory_space<vmem>>) target(%dma_start3A_104 : memref<64x128xf32, #tpu.memory_space<hbm>>) target_semaphore(%arg11 : memref<!tpu.dma_semaphore, #tpu.memory_space<semaphore_mem>>)
    %add3A_105 = arith.constant 768 : i32
    %add3A_106 = arith.addi %mul3A_0, %add3A_105 : i32
    %multiple_of3A_107 = tpu.assume_multiple %add3A_106, 256 : i32
    %dma_start3A_108 = arith.constant 0 : i32
    %dma_start3A_109 = tpu.memref_slice %arg2[%arg1, %multiple_of3A_107, %dma_start3A_108] : memref<16x4096x32xf32, #tpu.memory_space<hbm>> -> memref<1x256x32xf32, #tpu.memory_space<hbm>>
    %dma_start3A_110 = tpu.memref_squeeze %dma_start3A_109 : memref<1x256x32xf32, #tpu.memory_space<hbm>> -> memref<256x32xf32, #tpu.memory_space<hbm>>
    %dma_start3A_111 = arith.constant 0 : i32
    %dma_start3A_112 = tpu.memref_slice %arg2[%arg1, %multiple_of3A_107, %dma_start3A_111] : memref<16x4096x32xf32, #tpu.memory_space<hbm>> -> memref<1x256x32xf32, #tpu.memory_space<hbm>>
    %dma_start3A_113 = tpu.memref_squeeze %dma_start3A_112 : memref<1x256x32xf32, #tpu.memory_space<hbm>> -> memref<256x32xf32, #tpu.memory_space<hbm>>
    tpu.enqueue_dma source(%dma_start3A_113 : memref<256x32xf32, #tpu.memory_space<hbm>>) target(%arg5 : memref<256x32xf32, #tpu.memory_space<vmem>>) target_semaphore(%arg9 : memref<!tpu.dma_semaphore, #tpu.memory_space<semaphore_mem>>)
    %dma_wait3A_114 = arith.constant 0 : i32
    %dma_wait3A_115 = tpu.memref_slice %arg2[%arg1, %multiple_of3A_53, %dma_wait3A_114] : memref<16x4096x32xf32, #tpu.memory_space<hbm>> -> memref<1x256x32xf32, #tpu.memory_space<hbm>>
    %dma_wait3A_116 = tpu.memref_squeeze %dma_wait3A_115 : memref<1x256x32xf32, #tpu.memory_space<hbm>> -> memref<256x32xf32, #tpu.memory_space<hbm>>
    %dma_wait3A_117 = arith.constant 0 : i32
    %dma_wait3A_118 = tpu.memref_slice %arg2[%arg1, %multiple_of3A_53, %dma_wait3A_117] : memref<16x4096x32xf32, #tpu.memory_space<hbm>> -> memref<1x256x32xf32, #tpu.memory_space<hbm>>
    %dma_wait3A_119 = tpu.memref_squeeze %dma_wait3A_118 : memref<1x256x32xf32, #tpu.memory_space<hbm>> -> memref<256x32xf32, #tpu.memory_space<hbm>>
    tpu.wait_dma2 semaphore(%arg8 : memref<!tpu.dma_semaphore, #tpu.memory_space<semaphore_mem>>) src(%dma_wait3A_119 : memref<256x32xf32, #tpu.memory_space<hbm>>) dst(%arg4 : memref<256x32xf32, #tpu.memory_space<vmem>>)
    %dma_wait3A_120 = arith.constant 0 : i32
    %dma_wait3A_121 = tpu.memref_slice %arg3[%arg1, %multiple_of3A_44, %dma_wait3A_120] : memref<16x1024x128xf32, #tpu.memory_space<hbm>> -> memref<1x64x128xf32, #tpu.memory_space<hbm>>
    %dma_wait3A_122 = tpu.memref_squeeze %dma_wait3A_121 : memref<1x64x128xf32, #tpu.memory_space<hbm>> -> memref<64x128xf32, #tpu.memory_space<hbm>>
    %dma_wait3A_123 = arith.constant 0 : i32
    %dma_wait3A_124 = tpu.memref_slice %arg3[%arg1, %multiple_of3A_44, %dma_wait3A_123] : memref<16x1024x128xf32, #tpu.memory_space<hbm>> -> memref<1x64x128xf32, #tpu.memory_space<hbm>>
    %dma_wait3A_125 = tpu.memref_squeeze %dma_wait3A_124 : memref<1x64x128xf32, #tpu.memory_space<hbm>> -> memref<64x128xf32, #tpu.memory_space<hbm>>
    tpu.wait_dma2 semaphore(%arg10 : memref<!tpu.dma_semaphore, #tpu.memory_space<semaphore_mem>>) src(%arg6 : memref<64x128xf32, #tpu.memory_space<vmem>>) dst(%dma_wait3A_125 : memref<64x128xf32, #tpu.memory_space<hbm>>)
    %scan3A_126 = arith.constant 0 : i32
    %scan3A_127 = arith.constant 0 : i32
    %scan3A_128 = arith.constant 16 : i32
    %scan3A_129 = arith.addi %scan3A_127, %scan3A_128 : i32
    %scan3A_130 = arith.constant 1 : i32
    scf.for %scan3A_468 = %scan3A_127 to %scan3A_129 step %scan3A_130  : i32 {
      %mul3A_469 = arith.constant 4 : i32
      %mul3A_470 = arith.muli %mul3A_469, %scan3A_468 : i32
      %add3A_471 = arith.constant 0 : i32
      %add3A_472 = arith.addi %mul3A_470, %add3A_471 : i32
      %mul3A_473 = arith.constant 4 : i32
      %mul3A_474 = arith.muli %mul3A_473, %add3A_472 : i32
      %add3A_475 = arith.constant 0 : i32
      %add3A_476 = arith.addi %mul3A_474, %add3A_475 : i32
      %get3A = arith.index_cast %add3A_476 : i32 to index
      %get3A_477 = arith.constant 0 : index
      %get3A_478 = tpu.vector_load %arg4[%get3A, %get3A_477] {strides = array<i32>} : memref<256x32xf32, #tpu.memory_space<vmem>>, vector<1x16xf32>,
      %get3A_479 = vector.shape_cast %get3A_478 : vector<1x16xf32> to vector<16xf32>
      %swap3A = arith.index_cast %add3A_472 : i32 to index
      %swap3A_480 = arith.constant 0 : index
      %swap3A_481 = tpu.vector_load %arg6[%swap3A, %swap3A_480] {strides = array<i32>} : memref<64x128xf32, #tpu.memory_space<vmem>>, vector<1x16xf32>,
      %swap3A_482 = vector.shape_cast %swap3A_481 : vector<1x16xf32> to vector<16xf32>
      %swap3A_483 = vector.shape_cast %get3A_479 : vector<16xf32> to vector<1x16xf32>
      tpu.vector_store %arg6[%swap3A, %swap3A_480], %swap3A_483 {strides = array<i32>} : memref<64x128xf32, #tpu.memory_space<vmem>>, vector<1x16xf32>,
      %mul3A_484 = arith.constant 4 : i32
      %mul3A_485 = arith.muli %mul3A_484, %add3A_472 : i32
      %add3A_486 = arith.constant 0 : i32
      %add3A_487 = arith.addi %mul3A_485, %add3A_486 : i32
      %get3A_488 = arith.index_cast %add3A_487 : i32 to index
      %get3A_489 = arith.constant 16 : index
      %get3A_490 = tpu.vector_load %arg4[%get3A_488, %get3A_489] {strides = array<i32>} : memref<256x32xf32, #tpu.memory_space<vmem>>, vector<1x16xf32>,
      %get3A_491 = vector.shape_cast %get3A_490 : vector<1x16xf32> to vector<16xf32>
      %swap3A_492 = arith.index_cast %add3A_472 : i32 to index
      %swap3A_493 = arith.constant 16 : index
      %swap3A_494 = tpu.vector_load %arg6[%swap3A_492, %swap3A_493] {strides = array<i32>} : memref<64x128xf32, #tpu.memory_space<vmem>>, vector<1x16xf32>,
      %swap3A_495 = vector.shape_cast %swap3A_494 : vector<1x16xf32> to vector<16xf32>
      %swap3A_496 = vector.shape_cast %get3A_491 : vector<16xf32> to vector<1x16xf32>
      tpu.vector_store %arg6[%swap3A_492, %swap3A_493], %swap3A_496 {strides = array<i32>} : memref<64x128xf32, #tpu.memory_space<vmem>>, vector<1x16xf32>,
      %mul3A_497 = arith.constant 4 : i32
      %mul3A_498 = arith.muli %mul3A_497, %add3A_472 : i32
      %add3A_499 = arith.constant 1 : i32
      %add3A_500 = arith.addi %mul3A_498, %add3A_499 : i32
      %get3A_501 = arith.index_cast %add3A_500 : i32 to index
      %get3A_502 = arith.constant 0 : index
      %get3A_503 = tpu.vector_load %arg4[%get3A_501, %get3A_502] {strides = array<i32>} : memref<256x32xf32, #tpu.memory_space<vmem>>, vector<1x16xf32>,
      %get3A_504 = vector.shape_cast %get3A_503 : vector<1x16xf32> to vector<16xf32>
      %swap3A_505 = arith.index_cast %add3A_472 : i32 to index
      %swap3A_506 = arith.constant 32 : index
      %swap3A_507 = tpu.vector_load %arg6[%swap3A_505, %swap3A_506] {strides = array<i32>} : memref<64x128xf32, #tpu.memory_space<vmem>>, vector<1x16xf32>,
      %swap3A_508 = vector.shape_cast %swap3A_507 : vector<1x16xf32> to vector<16xf32>
      %swap3A_509 = vector.shape_cast %get3A_504 : vector<16xf32> to vector<1x16xf32>
      tpu.vector_store %arg6[%swap3A_505, %swap3A_506], %swap3A_509 {strides = array<i32>} : memref<64x128xf32, #tpu.memory_space<vmem>>, vector<1x16xf32>,
      %mul3A_510 = arith.constant 4 : i32
      %mul3A_511 = arith.muli %mul3A_510, %add3A_472 : i32
      %add3A_512 = arith.constant 1 : i32
      %add3A_513 = arith.addi %mul3A_511, %add3A_512 : i32
      %get3A_514 = arith.index_cast %add3A_513 : i32 to index
      %get3A_515 = arith.constant 16 : index
      %get3A_516 = tpu.vector_load %arg4[%get3A_514, %get3A_515] {strides = array<i32>} : memref<256x32xf32, #tpu.memory_space<vmem>>, vector<1x16xf32>,
      %get3A_517 = vector.shape_cast %get3A_516 : vector<1x16xf32> to vector<16xf32>
      %swap3A_518 = arith.index_cast %add3A_472 : i32 to index
      %swap3A_519 = arith.constant 48 : index
      %swap3A_520 = tpu.vector_load %arg6[%swap3A_518, %swap3A_519] {strides = array<i32>} : memref<64x128xf32, #tpu.memory_space<vmem>>, vector<1x16xf32>,
      %swap3A_521 = vector.shape_cast %swap3A_520 : vector<1x16xf32> to vector<16xf32>
      %swap3A_522 = vector.shape_cast %get3A_517 : vector<16xf32> to vector<1x16xf32>
      tpu.vector_store %arg6[%swap3A_518, %swap3A_519], %swap3A_522 {strides = array<i32>} : memref<64x128xf32, #tpu.memory_space<vmem>>, vector<1x16xf32>,
      %mul3A_523 = arith.constant 4 : i32
      %mul3A_524 = arith.muli %mul3A_523, %add3A_472 : i32
      %add3A_525 = arith.constant 2 : i32
      %add3A_526 = arith.addi %mul3A_524, %add3A_525 : i32
      %get3A_527 = arith.index_cast %add3A_526 : i32 to index
      %get3A_528 = arith.constant 0 : index
      %get3A_529 = tpu.vector_load %arg4[%get3A_527, %get3A_528] {strides = array<i32>} : memref<256x32xf32, #tpu.memory_space<vmem>>, vector<1x16xf32>,
      %get3A_530 = vector.shape_cast %get3A_529 : vector<1x16xf32> to vector<16xf32>
      %swap3A_531 = arith.index_cast %add3A_472 : i32 to index
      %swap3A_532 = arith.constant 64 : index
      %swap3A_533 = tpu.vector_load %arg6[%swap3A_531, %swap3A_532] {strides = array<i32>} : memref<64x128xf32, #tpu.memory_space<vmem>>, vector<1x16xf32>,
      %swap3A_534 = vector.shape_cast %swap3A_533 : vector<1x16xf32> to vector<16xf32>
      %swap3A_535 = vector.shape_cast %get3A_530 : vector<16xf32> to vector<1x16xf32>
      tpu.vector_store %arg6[%swap3A_531, %swap3A_532], %swap3A_535 {strides = array<i32>} : memref<64x128xf32, #tpu.memory_space<vmem>>, vector<1x16xf32>,
      %mul3A_536 = arith.constant 4 : i32
      %mul3A_537 = arith.muli %mul3A_536, %add3A_472 : i32
      %add3A_538 = arith.constant 2 : i32
      %add3A_539 = arith.addi %mul3A_537, %add3A_538 : i32
      %get3A_540 = arith.index_cast %add3A_539 : i32 to index
      %get3A_541 = arith.constant 16 : index
      %get3A_542 = tpu.vector_load %arg4[%get3A_540, %get3A_541] {strides = array<i32>} : memref<256x32xf32, #tpu.memory_space<vmem>>, vector<1x16xf32>,
      %get3A_543 = vector.shape_cast %get3A_542 : vector<1x16xf32> to vector<16xf32>
      %swap3A_544 = arith.index_cast %add3A_472 : i32 to index
      %swap3A_545 = arith.constant 80 : index
      %swap3A_546 = tpu.vector_load %arg6[%swap3A_544, %swap3A_545] {strides = array<i32>} : memref<64x128xf32, #tpu.memory_space<vmem>>, vector<1x16xf32>,
      %swap3A_547 = vector.shape_cast %swap3A_546 : vector<1x16xf32> to vector<16xf32>
      %swap3A_548 = vector.shape_cast %get3A_543 : vector<16xf32> to vector<1x16xf32>
      tpu.vector_store %arg6[%swap3A_544, %swap3A_545], %swap3A_548 {strides = array<i32>} : memref<64x128xf32, #tpu.memory_space<vmem>>, vector<1x16xf32>,
      %mul3A_549 = arith.constant 4 : i32
      %mul3A_550 = arith.muli %mul3A_549, %add3A_472 : i32
      %add3A_551 = arith.constant 3 : i32
      %add3A_552 = arith.addi %mul3A_550, %add3A_551 : i32
      %get3A_553 = arith.index_cast %add3A_552 : i32 to index
      %get3A_554 = arith.constant 0 : index
      %get3A_555 = tpu.vector_load %arg4[%get3A_553, %get3A_554] {strides = array<i32>} : memref<256x32xf32, #tpu.memory_space<vmem>>, vector<1x16xf32>,
      %get3A_556 = vector.shape_cast %get3A_555 : vector<1x16xf32> to vector<16xf32>
      %swap3A_557 = arith.index_cast %add3A_472 : i32 to index
      %swap3A_558 = arith.constant 96 : index
      %swap3A_559 = tpu.vector_load %arg6[%swap3A_557, %swap3A_558] {strides = array<i32>} : memref<64x128xf32, #tpu.memory_space<vmem>>, vector<1x16xf32>,
      %swap3A_560 = vector.shape_cast %swap3A_559 : vector<1x16xf32> to vector<16xf32>
      %swap3A_561 = vector.shape_cast %get3A_556 : vector<16xf32> to vector<1x16xf32>
      tpu.vector_store %arg6[%swap3A_557, %swap3A_558], %swap3A_561 {strides = array<i32>} : memref<64x128xf32, #tpu.memory_space<vmem>>, vector<1x16xf32>,
      %mul3A_562 = arith.constant 4 : i32
      %mul3A_563 = arith.muli %mul3A_562, %add3A_472 : i32
      %add3A_564 = arith.constant 3 : i32
      %add3A_565 = arith.addi %mul3A_563, %add3A_564 : i32
      %get3A_566 = arith.index_cast %add3A_565 : i32 to index
      %get3A_567 = arith.constant 16 : index
      %get3A_568 = tpu.vector_load %arg4[%get3A_566, %get3A_567] {strides = array<i32>} : memref<256x32xf32, #tpu.memory_space<vmem>>, vector<1x16xf32>,
      %get3A_569 = vector.shape_cast %get3A_568 : vector<1x16xf32> to vector<16xf32>
      %swap3A_570 = arith.index_cast %add3A_472 : i32 to index
      %swap3A_571 = arith.constant 112 : index
      %swap3A_572 = tpu.vector_load %arg6[%swap3A_570, %swap3A_571] {strides = array<i32>} : memref<64x128xf32, #tpu.memory_space<vmem>>, vector<1x16xf32>,
      %swap3A_573 = vector.shape_cast %swap3A_572 : vector<1x16xf32> to vector<16xf32>
      %swap3A_574 = vector.shape_cast %get3A_569 : vector<16xf32> to vector<1x16xf32>
      tpu.vector_store %arg6[%swap3A_570, %swap3A_571], %swap3A_574 {strides = array<i32>} : memref<64x128xf32, #tpu.memory_space<vmem>>, vector<1x16xf32>,
      %mul3A_575 = arith.constant 4 : i32
      %mul3A_576 = arith.muli %mul3A_575, %scan3A_468 : i32
      %add3A_577 = arith.constant 1 : i32
      %add3A_578 = arith.addi %mul3A_576, %add3A_577 : i32
      %mul3A_579 = arith.constant 4 : i32
      %mul3A_580 = arith.muli %mul3A_579, %add3A_578 : i32
      %add3A_581 = arith.constant 0 : i32
      %add3A_582 = arith.addi %mul3A_580, %add3A_581 : i32
      %get3A_583 = arith.index_cast %add3A_582 : i32 to index
      %get3A_584 = arith.constant 0 : index
      %get3A_585 = tpu.vector_load %arg4[%get3A_583, %get3A_584] {strides = array<i32>} : memref<256x32xf32, #tpu.memory_space<vmem>>, vector<1x16xf32>,
      %get3A_586 = vector.shape_cast %get3A_585 : vector<1x16xf32> to vector<16xf32>
      %swap3A_587 = arith.index_cast %add3A_578 : i32 to index
      %swap3A_588 = arith.constant 0 : index
      %swap3A_589 = tpu.vector_load %arg6[%swap3A_587, %swap3A_588] {strides = array<i32>} : memref<64x128xf32, #tpu.memory_space<vmem>>, vector<1x16xf32>,
      %swap3A_590 = vector.shape_cast %swap3A_589 : vector<1x16xf32> to vector<16xf32>
      %swap3A_591 = vector.shape_cast %get3A_586 : vector<16xf32> to vector<1x16xf32>
      tpu.vector_store %arg6[%swap3A_587, %swap3A_588], %swap3A_591 {strides = array<i32>} : memref<64x128xf32, #tpu.memory_space<vmem>>, vector<1x16xf32>,
      %mul3A_592 = arith.constant 4 : i32
      %mul3A_593 = arith.muli %mul3A_592, %add3A_578 : i32
      %add3A_594 = arith.constant 0 : i32
      %add3A_595 = arith.addi %mul3A_593, %add3A_594 : i32
      %get3A_596 = arith.index_cast %add3A_595 : i32 to index
      %get3A_597 = arith.constant 16 : index
      %get3A_598 = tpu.vector_load %arg4[%get3A_596, %get3A_597] {strides = array<i32>} : memref<256x32xf32, #tpu.memory_space<vmem>>, vector<1x16xf32>,
      %get3A_599 = vector.shape_cast %get3A_598 : vector<1x16xf32> to vector<16xf32>
      %swap3A_600 = arith.index_cast %add3A_578 : i32 to index
      %swap3A_601 = arith.constant 16 : index
      %swap3A_602 = tpu.vector_load %arg6[%swap3A_600, %swap3A_601] {strides = array<i32>} : memref<64x128xf32, #tpu.memory_space<vmem>>, vector<1x16xf32>,
      %swap3A_603 = vector.shape_cast %swap3A_602 : vector<1x16xf32> to vector<16xf32>
      %swap3A_604 = vector.shape_cast %get3A_599 : vector<16xf32> to vector<1x16xf32>
      tpu.vector_store %arg6[%swap3A_600, %swap3A_601], %swap3A_604 {strides = array<i32>} : memref<64x128xf32, #tpu.memory_space<vmem>>, vector<1x16xf32>,
      %mul3A_605 = arith.constant 4 : i32
      %mul3A_606 = arith.muli %mul3A_605, %add3A_578 : i32
      %add3A_607 = arith.constant 1 : i32
      %add3A_608 = arith.addi %mul3A_606, %add3A_607 : i32
      %get3A_609 = arith.index_cast %add3A_608 : i32 to index
      %get3A_610 = arith.constant 0 : index
      %get3A_611 = tpu.vector_load %arg4[%get3A_609, %get3A_610] {strides = array<i32>} : memref<256x32xf32, #tpu.memory_space<vmem>>, vector<1x16xf32>,
      %get3A_612 = vector.shape_cast %get3A_611 : vector<1x16xf32> to vector<16xf32>
      %swap3A_613 = arith.index_cast %add3A_578 : i32 to index
      %swap3A_614 = arith.constant 32 : index
      %swap3A_615 = tpu.vector_load %arg6[%swap3A_613, %swap3A_614] {strides = array<i32>} : memref<64x128xf32, #tpu.memory_space<vmem>>, vector<1x16xf32>,
      %swap3A_616 = vector.shape_cast %swap3A_615 : vector<1x16xf32> to vector<16xf32>
      %swap3A_617 = vector.shape_cast %get3A_612 : vector<16xf32> to vector<1x16xf32>
      tpu.vector_store %arg6[%swap3A_613, %swap3A_614], %swap3A_617 {strides = array<i32>} : memref<64x128xf32, #tpu.memory_space<vmem>>, vector<1x16xf32>,
      %mul3A_618 = arith.constant 4 : i32
      %mul3A_619 = arith.muli %mul3A_618, %add3A_578 : i32
      %add3A_620 = arith.constant 1 : i32
      %add3A_621 = arith.addi %mul3A_619, %add3A_620 : i32
      %get3A_622 = arith.index_cast %add3A_621 : i32 to index
      %get3A_623 = arith.constant 16 : index
      %get3A_624 = tpu.vector_load %arg4[%get3A_622, %get3A_623] {strides = array<i32>} : memref<256x32xf32, #tpu.memory_space<vmem>>, vector<1x16xf32>,
      %get3A_625 = vector.shape_cast %get3A_624 : vector<1x16xf32> to vector<16xf32>
      %swap3A_626 = arith.index_cast %add3A_578 : i32 to index
      %swap3A_627 = arith.constant 48 : index
      %swap3A_628 = tpu.vector_load %arg6[%swap3A_626, %swap3A_627] {strides = array<i32>} : memref<64x128xf32, #tpu.memory_space<vmem>>, vector<1x16xf32>,
      %swap3A_629 = vector.shape_cast %swap3A_628 : vector<1x16xf32> to vector<16xf32>
      %swap3A_630 = vector.shape_cast %get3A_625 : vector<16xf32> to vector<1x16xf32>
      tpu.vector_store %arg6[%swap3A_626, %swap3A_627], %swap3A_630 {strides = array<i32>} : memref<64x128xf32, #tpu.memory_space<vmem>>, vector<1x16xf32>,
      %mul3A_631 = arith.constant 4 : i32
      %mul3A_632 = arith.muli %mul3A_631, %add3A_578 : i32
      %add3A_633 = arith.constant 2 : i32
      %add3A_634 = arith.addi %mul3A_632, %add3A_633 : i32
      %get3A_635 = arith.index_cast %add3A_634 : i32 to index
      %get3A_636 = arith.constant 0 : index
      %get3A_637 = tpu.vector_load %arg4[%get3A_635, %get3A_636] {strides = array<i32>} : memref<256x32xf32, #tpu.memory_space<vmem>>, vector<1x16xf32>,
      %get3A_638 = vector.shape_cast %get3A_637 : vector<1x16xf32> to vector<16xf32>
      %swap3A_639 = arith.index_cast %add3A_578 : i32 to index
      %swap3A_640 = arith.constant 64 : index
      %swap3A_641 = tpu.vector_load %arg6[%swap3A_639, %swap3A_640] {strides = array<i32>} : memref<64x128xf32, #tpu.memory_space<vmem>>, vector<1x16xf32>,
      %swap3A_642 = vector.shape_cast %swap3A_641 : vector<1x16xf32> to vector<16xf32>
      %swap3A_643 = vector.shape_cast %get3A_638 : vector<16xf32> to vector<1x16xf32>
      tpu.vector_store %arg6[%swap3A_639, %swap3A_640], %swap3A_643 {strides = array<i32>} : memref<64x128xf32, #tpu.memory_space<vmem>>, vector<1x16xf32>,
      %mul3A_644 = arith.constant 4 : i32
      %mul3A_645 = arith.muli %mul3A_644, %add3A_578 : i32
      %add3A_646 = arith.constant 2 : i32
      %add3A_647 = arith.addi %mul3A_645, %add3A_646 : i32
      %get3A_648 = arith.index_cast %add3A_647 : i32 to index
      %get3A_649 = arith.constant 16 : index
      %get3A_650 = tpu.vector_load %arg4[%get3A_648, %get3A_649] {strides = array<i32>} : memref<256x32xf32, #tpu.memory_space<vmem>>, vector<1x16xf32>,
      %get3A_651 = vector.shape_cast %get3A_650 : vector<1x16xf32> to vector<16xf32>
      %swap3A_652 = arith.index_cast %add3A_578 : i32 to index
      %swap3A_653 = arith.constant 80 : index
      %swap3A_654 = tpu.vector_load %arg6[%swap3A_652, %swap3A_653] {strides = array<i32>} : memref<64x128xf32, #tpu.memory_space<vmem>>, vector<1x16xf32>,
      %swap3A_655 = vector.shape_cast %swap3A_654 : vector<1x16xf32> to vector<16xf32>
      %swap3A_656 = vector.shape_cast %get3A_651 : vector<16xf32> to vector<1x16xf32>
      tpu.vector_store %arg6[%swap3A_652, %swap3A_653], %swap3A_656 {strides = array<i32>} : memref<64x128xf32, #tpu.memory_space<vmem>>, vector<1x16xf32>,
      %mul3A_657 = arith.constant 4 : i32
      %mul3A_658 = arith.muli %mul3A_657, %add3A_578 : i32
      %add3A_659 = arith.constant 3 : i32
      %add3A_660 = arith.addi %mul3A_658, %add3A_659 : i32
      %get3A_661 = arith.index_cast %add3A_660 : i32 to index
      %get3A_662 = arith.constant 0 : index
      %get3A_663 = tpu.vector_load %arg4[%get3A_661, %get3A_662] {strides = array<i32>} : memref<256x32xf32, #tpu.memory_space<vmem>>, vector<1x16xf32>,
      %get3A_664 = vector.shape_cast %get3A_663 : vector<1x16xf32> to vector<16xf32>
      %swap3A_665 = arith.index_cast %add3A_578 : i32 to index
      %swap3A_666 = arith.constant 96 : index
      %swap3A_667 = tpu.vector_load %arg6[%swap3A_665, %swap3A_666] {strides = array<i32>} : memref<64x128xf32, #tpu.memory_space<vmem>>, vector<1x16xf32>,
      %swap3A_668 = vector.shape_cast %swap3A_667 : vector<1x16xf32> to vector<16xf32>
      %swap3A_669 = vector.shape_cast %get3A_664 : vector<16xf32> to vector<1x16xf32>
      tpu.vector_store %arg6[%swap3A_665, %swap3A_666], %swap3A_669 {strides = array<i32>} : memref<64x128xf32, #tpu.memory_space<vmem>>, vector<1x16xf32>,
      %mul3A_670 = arith.constant 4 : i32
      %mul3A_671 = arith.muli %mul3A_670, %add3A_578 : i32
      %add3A_672 = arith.constant 3 : i32
      %add3A_673 = arith.addi %mul3A_671, %add3A_672 : i32
      %get3A_674 = arith.index_cast %add3A_673 : i32 to index
      %get3A_675 = arith.constant 16 : index
      %get3A_676 = tpu.vector_load %arg4[%get3A_674, %get3A_675] {strides = array<i32>} : memref<256x32xf32, #tpu.memory_space<vmem>>, vector<1x16xf32>,
      %get3A_677 = vector.shape_cast %get3A_676 : vector<1x16xf32> to vector<16xf32>
      %swap3A_678 = arith.index_cast %add3A_578 : i32 to index
      %swap3A_679 = arith.constant 112 : index
      %swap3A_680 = tpu.vector_load %arg6[%swap3A_678, %swap3A_679] {strides = array<i32>} : memref<64x128xf32, #tpu.memory_space<vmem>>, vector<1x16xf32>,
      %swap3A_681 = vector.shape_cast %swap3A_680 : vector<1x16xf32> to vector<16xf32>
      %swap3A_682 = vector.shape_cast %get3A_677 : vector<16xf32> to vector<1x16xf32>
      tpu.vector_store %arg6[%swap3A_678, %swap3A_679], %swap3A_682 {strides = array<i32>} : memref<64x128xf32, #tpu.memory_space<vmem>>, vector<1x16xf32>,
      %mul3A_683 = arith.constant 4 : i32
      %mul3A_684 = arith.muli %mul3A_683, %scan3A_468 : i32
      %add3A_685 = arith.constant 2 : i32
      %add3A_686 = arith.addi %mul3A_684, %add3A_685 : i32
      %mul3A_687 = arith.constant 4 : i32
      %mul3A_688 = arith.muli %mul3A_687, %add3A_686 : i32
      %add3A_689 = arith.constant 0 : i32
      %add3A_690 = arith.addi %mul3A_688, %add3A_689 : i32
      %get3A_691 = arith.index_cast %add3A_690 : i32 to index
      %get3A_692 = arith.constant 0 : index
      %get3A_693 = tpu.vector_load %arg4[%get3A_691, %get3A_692] {strides = array<i32>} : memref<256x32xf32, #tpu.memory_space<vmem>>, vector<1x16xf32>,
      %get3A_694 = vector.shape_cast %get3A_693 : vector<1x16xf32> to vector<16xf32>
      %swap3A_695 = arith.index_cast %add3A_686 : i32 to index
      %swap3A_696 = arith.constant 0 : index
      %swap3A_697 = tpu.vector_load %arg6[%swap3A_695, %swap3A_696] {strides = array<i32>} : memref<64x128xf32, #tpu.memory_space<vmem>>, vector<1x16xf32>,
      %swap3A_698 = vector.shape_cast %swap3A_697 : vector<1x16xf32> to vector<16xf32>
      %swap3A_699 = vector.shape_cast %get3A_694 : vector<16xf32> to vector<1x16xf32>
      tpu.vector_store %arg6[%swap3A_695, %swap3A_696], %swap3A_699 {strides = array<i32>} : memref<64x128xf32, #tpu.memory_space<vmem>>, vector<1x16xf32>,
      %mul3A_700 = arith.constant 4 : i32
      %mul3A_701 = arith.muli %mul3A_700, %add3A_686 : i32
      %add3A_702 = arith.constant 0 : i32
      %add3A_703 = arith.addi %mul3A_701, %add3A_702 : i32
      %get3A_704 = arith.index_cast %add3A_703 : i32 to index
      %get3A_705 = arith.constant 16 : index
      %get3A_706 = tpu.vector_load %arg4[%get3A_704, %get3A_705] {strides = array<i32>} : memref<256x32xf32, #tpu.memory_space<vmem>>, vector<1x16xf32>,
      %get3A_707 = vector.shape_cast %get3A_706 : vector<1x16xf32> to vector<16xf32>
      %swap3A_708 = arith.index_cast %add3A_686 : i32 to index
      %swap3A_709 = arith.constant 16 : index
      %swap3A_710 = tpu.vector_load %arg6[%swap3A_708, %swap3A_709] {strides = array<i32>} : memref<64x128xf32, #tpu.memory_space<vmem>>, vector<1x16xf32>,
      %swap3A_711 = vector.shape_cast %swap3A_710 : vector<1x16xf32> to vector<16xf32>
      %swap3A_712 = vector.shape_cast %get3A_707 : vector<16xf32> to vector<1x16xf32>
      tpu.vector_store %arg6[%swap3A_708, %swap3A_709], %swap3A_712 {strides = array<i32>} : memref<64x128xf32, #tpu.memory_space<vmem>>, vector<1x16xf32>,
      %mul3A_713 = arith.constant 4 : i32
      %mul3A_714 = arith.muli %mul3A_713, %add3A_686 : i32
      %add3A_715 = arith.constant 1 : i32
      %add3A_716 = arith.addi %mul3A_714, %add3A_715 : i32
      %get3A_717 = arith.index_cast %add3A_716 : i32 to index
      %get3A_718 = arith.constant 0 : index
      %get3A_719 = tpu.vector_load %arg4[%get3A_717, %get3A_718] {strides = array<i32>} : memref<256x32xf32, #tpu.memory_space<vmem>>, vector<1x16xf32>,
      %get3A_720 = vector.shape_cast %get3A_719 : vector<1x16xf32> to vector<16xf32>
      %swap3A_721 = arith.index_cast %add3A_686 : i32 to index
      %swap3A_722 = arith.constant 32 : index
      %swap3A_723 = tpu.vector_load %arg6[%swap3A_721, %swap3A_722] {strides = array<i32>} : memref<64x128xf32, #tpu.memory_space<vmem>>, vector<1x16xf32>,
      %swap3A_724 = vector.shape_cast %swap3A_723 : vector<1x16xf32> to vector<16xf32>
      %swap3A_725 = vector.shape_cast %get3A_720 : vector<16xf32> to vector<1x16xf32>
      tpu.vector_store %arg6[%swap3A_721, %swap3A_722], %swap3A_725 {strides = array<i32>} : memref<64x128xf32, #tpu.memory_space<vmem>>, vector<1x16xf32>,
      %mul3A_726 = arith.constant 4 : i32
      %mul3A_727 = arith.muli %mul3A_726, %add3A_686 : i32
      %add3A_728 = arith.constant 1 : i32
      %add3A_729 = arith.addi %mul3A_727, %add3A_728 : i32
      %get3A_730 = arith.index_cast %add3A_729 : i32 to index
      %get3A_731 = arith.constant 16 : index
      %get3A_732 = tpu.vector_load %arg4[%get3A_730, %get3A_731] {strides = array<i32>} : memref<256x32xf32, #tpu.memory_space<vmem>>, vector<1x16xf32>,
      %get3A_733 = vector.shape_cast %get3A_732 : vector<1x16xf32> to vector<16xf32>
      %swap3A_734 = arith.index_cast %add3A_686 : i32 to index
      %swap3A_735 = arith.constant 48 : index
      %swap3A_736 = tpu.vector_load %arg6[%swap3A_734, %swap3A_735] {strides = array<i32>} : memref<64x128xf32, #tpu.memory_space<vmem>>, vector<1x16xf32>,
      %swap3A_737 = vector.shape_cast %swap3A_736 : vector<1x16xf32> to vector<16xf32>
      %swap3A_738 = vector.shape_cast %get3A_733 : vector<16xf32> to vector<1x16xf32>
      tpu.vector_store %arg6[%swap3A_734, %swap3A_735], %swap3A_738 {strides = array<i32>} : memref<64x128xf32, #tpu.memory_space<vmem>>, vector<1x16xf32>,
      %mul3A_739 = arith.constant 4 : i32
      %mul3A_740 = arith.muli %mul3A_739, %add3A_686 : i32
      %add3A_741 = arith.constant 2 : i32
      %add3A_742 = arith.addi %mul3A_740, %add3A_741 : i32
      %get3A_743 = arith.index_cast %add3A_742 : i32 to index
      %get3A_744 = arith.constant 0 : index
      %get3A_745 = tpu.vector_load %arg4[%get3A_743, %get3A_744] {strides = array<i32>} : memref<256x32xf32, #tpu.memory_space<vmem>>, vector<1x16xf32>,
      %get3A_746 = vector.shape_cast %get3A_745 : vector<1x16xf32> to vector<16xf32>
      %swap3A_747 = arith.index_cast %add3A_686 : i32 to index
      %swap3A_748 = arith.constant 64 : index
      %swap3A_749 = tpu.vector_load %arg6[%swap3A_747, %swap3A_748] {strides = array<i32>} : memref<64x128xf32, #tpu.memory_space<vmem>>, vector<1x16xf32>,
      %swap3A_750 = vector.shape_cast %swap3A_749 : vector<1x16xf32> to vector<16xf32>
      %swap3A_751 = vector.shape_cast %get3A_746 : vector<16xf32> to vector<1x16xf32>
      tpu.vector_store %arg6[%swap3A_747, %swap3A_748], %swap3A_751 {strides = array<i32>} : memref<64x128xf32, #tpu.memory_space<vmem>>, vector<1x16xf32>,
      %mul3A_752 = arith.constant 4 : i32
      %mul3A_753 = arith.muli %mul3A_752, %add3A_686 : i32
      %add3A_754 = arith.constant 2 : i32
      %add3A_755 = arith.addi %mul3A_753, %add3A_754 : i32
      %get3A_756 = arith.index_cast %add3A_755 : i32 to index
      %get3A_757 = arith.constant 16 : index
      %get3A_758 = tpu.vector_load %arg4[%get3A_756, %get3A_757] {strides = array<i32>} : memref<256x32xf32, #tpu.memory_space<vmem>>, vector<1x16xf32>,
      %get3A_759 = vector.shape_cast %get3A_758 : vector<1x16xf32> to vector<16xf32>
      %swap3A_760 = arith.index_cast %add3A_686 : i32 to index
      %swap3A_761 = arith.constant 80 : index
      %swap3A_762 = tpu.vector_load %arg6[%swap3A_760, %swap3A_761] {strides = array<i32>} : memref<64x128xf32, #tpu.memory_space<vmem>>, vector<1x16xf32>,
      %swap3A_763 = vector.shape_cast %swap3A_762 : vector<1x16xf32> to vector<16xf32>
      %swap3A_764 = vector.shape_cast %get3A_759 : vector<16xf32> to vector<1x16xf32>
      tpu.vector_store %arg6[%swap3A_760, %swap3A_761], %swap3A_764 {strides = array<i32>} : memref<64x128xf32, #tpu.memory_space<vmem>>, vector<1x16xf32>,
      %mul3A_765 = arith.constant 4 : i32
      %mul3A_766 = arith.muli %mul3A_765, %add3A_686 : i32
      %add3A_767 = arith.constant 3 : i32
      %add3A_768 = arith.addi %mul3A_766, %add3A_767 : i32
      %get3A_769 = arith.index_cast %add3A_768 : i32 to index
      %get3A_770 = arith.constant 0 : index
      %get3A_771 = tpu.vector_load %arg4[%get3A_769, %get3A_770] {strides = array<i32>} : memref<256x32xf32, #tpu.memory_space<vmem>>, vector<1x16xf32>,
      %get3A_772 = vector.shape_cast %get3A_771 : vector<1x16xf32> to vector<16xf32>
      %swap3A_773 = arith.index_cast %add3A_686 : i32 to index
      %swap3A_774 = arith.constant 96 : index
      %swap3A_775 = tpu.vector_load %arg6[%swap3A_773, %swap3A_774] {strides = array<i32>} : memref<64x128xf32, #tpu.memory_space<vmem>>, vector<1x16xf32>,
      %swap3A_776 = vector.shape_cast %swap3A_775 : vector<1x16xf32> to vector<16xf32>
      %swap3A_777 = vector.shape_cast %get3A_772 : vector<16xf32> to vector<1x16xf32>
      tpu.vector_store %arg6[%swap3A_773, %swap3A_774], %swap3A_777 {strides = array<i32>} : memref<64x128xf32, #tpu.memory_space<vmem>>, vector<1x16xf32>,
      %mul3A_778 = arith.constant 4 : i32
      %mul3A_779 = arith.muli %mul3A_778, %add3A_686 : i32
      %add3A_780 = arith.constant 3 : i32
      %add3A_781 = arith.addi %mul3A_779, %add3A_780 : i32
      %get3A_782 = arith.index_cast %add3A_781 : i32 to index
      %get3A_783 = arith.constant 16 : index
      %get3A_784 = tpu.vector_load %arg4[%get3A_782, %get3A_783] {strides = array<i32>} : memref<256x32xf32, #tpu.memory_space<vmem>>, vector<1x16xf32>,
      %get3A_785 = vector.shape_cast %get3A_784 : vector<1x16xf32> to vector<16xf32>
      %swap3A_786 = arith.index_cast %add3A_686 : i32 to index
      %swap3A_787 = arith.constant 112 : index
      %swap3A_788 = tpu.vector_load %arg6[%swap3A_786, %swap3A_787] {strides = array<i32>} : memref<64x128xf32, #tpu.memory_space<vmem>>, vector<1x16xf32>,
      %swap3A_789 = vector.shape_cast %swap3A_788 : vector<1x16xf32> to vector<16xf32>
      %swap3A_790 = vector.shape_cast %get3A_785 : vector<16xf32> to vector<1x16xf32>
      tpu.vector_store %arg6[%swap3A_786, %swap3A_787], %swap3A_790 {strides = array<i32>} : memref<64x128xf32, #tpu.memory_space<vmem>>, vector<1x16xf32>,
      %mul3A_791 = arith.constant 4 : i32
      %mul3A_792 = arith.muli %mul3A_791, %scan3A_468 : i32
      %add3A_793 = arith.constant 3 : i32
      %add3A_794 = arith.addi %mul3A_792, %add3A_793 : i32
      %mul3A_795 = arith.constant 4 : i32
      %mul3A_796 = arith.muli %mul3A_795, %add3A_794 : i32
      %add3A_797 = arith.constant 0 : i32
      %add3A_798 = arith.addi %mul3A_796, %add3A_797 : i32
      %get3A_799 = arith.index_cast %add3A_798 : i32 to index
      %get3A_800 = arith.constant 0 : index
      %get3A_801 = tpu.vector_load %arg4[%get3A_799, %get3A_800] {strides = array<i32>} : memref<256x32xf32, #tpu.memory_space<vmem>>, vector<1x16xf32>,
      %get3A_802 = vector.shape_cast %get3A_801 : vector<1x16xf32> to vector<16xf32>
      %swap3A_803 = arith.index_cast %add3A_794 : i32 to index
      %swap3A_804 = arith.constant 0 : index
      %swap3A_805 = tpu.vector_load %arg6[%swap3A_803, %swap3A_804] {strides = array<i32>} : memref<64x128xf32, #tpu.memory_space<vmem>>, vector<1x16xf32>,
      %swap3A_806 = vector.shape_cast %swap3A_805 : vector<1x16xf32> to vector<16xf32>
      %swap3A_807 = vector.shape_cast %get3A_802 : vector<16xf32> to vector<1x16xf32>
      tpu.vector_store %arg6[%swap3A_803, %swap3A_804], %swap3A_807 {strides = array<i32>} : memref<64x128xf32, #tpu.memory_space<vmem>>, vector<1x16xf32>,
      %mul3A_808 = arith.constant 4 : i32
      %mul3A_809 = arith.muli %mul3A_808, %add3A_794 : i32
      %add3A_810 = arith.constant 0 : i32
      %add3A_811 = arith.addi %mul3A_809, %add3A_810 : i32
      %get3A_812 = arith.index_cast %add3A_811 : i32 to index
      %get3A_813 = arith.constant 16 : index
      %get3A_814 = tpu.vector_load %arg4[%get3A_812, %get3A_813] {strides = array<i32>} : memref<256x32xf32, #tpu.memory_space<vmem>>, vector<1x16xf32>,
      %get3A_815 = vector.shape_cast %get3A_814 : vector<1x16xf32> to vector<16xf32>
      %swap3A_816 = arith.index_cast %add3A_794 : i32 to index
      %swap3A_817 = arith.constant 16 : index
      %swap3A_818 = tpu.vector_load %arg6[%swap3A_816, %swap3A_817] {strides = array<i32>} : memref<64x128xf32, #tpu.memory_space<vmem>>, vector<1x16xf32>,
      %swap3A_819 = vector.shape_cast %swap3A_818 : vector<1x16xf32> to vector<16xf32>
      %swap3A_820 = vector.shape_cast %get3A_815 : vector<16xf32> to vector<1x16xf32>
      tpu.vector_store %arg6[%swap3A_816, %swap3A_817], %swap3A_820 {strides = array<i32>} : memref<64x128xf32, #tpu.memory_space<vmem>>, vector<1x16xf32>,
      %mul3A_821 = arith.constant 4 : i32
      %mul3A_822 = arith.muli %mul3A_821, %add3A_794 : i32
      %add3A_823 = arith.constant 1 : i32
      %add3A_824 = arith.addi %mul3A_822, %add3A_823 : i32
      %get3A_825 = arith.index_cast %add3A_824 : i32 to index
      %get3A_826 = arith.constant 0 : index
      %get3A_827 = tpu.vector_load %arg4[%get3A_825, %get3A_826] {strides = array<i32>} : memref<256x32xf32, #tpu.memory_space<vmem>>, vector<1x16xf32>,
      %get3A_828 = vector.shape_cast %get3A_827 : vector<1x16xf32> to vector<16xf32>
      %swap3A_829 = arith.index_cast %add3A_794 : i32 to index
      %swap3A_830 = arith.constant 32 : index
      %swap3A_831 = tpu.vector_load %arg6[%swap3A_829, %swap3A_830] {strides = array<i32>} : memref<64x128xf32, #tpu.memory_space<vmem>>, vector<1x16xf32>,
      %swap3A_832 = vector.shape_cast %swap3A_831 : vector<1x16xf32> to vector<16xf32>
      %swap3A_833 = vector.shape_cast %get3A_828 : vector<16xf32> to vector<1x16xf32>
      tpu.vector_store %arg6[%swap3A_829, %swap3A_830], %swap3A_833 {strides = array<i32>} : memref<64x128xf32, #tpu.memory_space<vmem>>, vector<1x16xf32>,
      %mul3A_834 = arith.constant 4 : i32
      %mul3A_835 = arith.muli %mul3A_834, %add3A_794 : i32
      %add3A_836 = arith.constant 1 : i32
      %add3A_837 = arith.addi %mul3A_835, %add3A_836 : i32
      %get3A_838 = arith.index_cast %add3A_837 : i32 to index
      %get3A_839 = arith.constant 16 : index
      %get3A_840 = tpu.vector_load %arg4[%get3A_838, %get3A_839] {strides = array<i32>} : memref<256x32xf32, #tpu.memory_space<vmem>>, vector<1x16xf32>,
      %get3A_841 = vector.shape_cast %get3A_840 : vector<1x16xf32> to vector<16xf32>
      %swap3A_842 = arith.index_cast %add3A_794 : i32 to index
      %swap3A_843 = arith.constant 48 : index
      %swap3A_844 = tpu.vector_load %arg6[%swap3A_842, %swap3A_843] {strides = array<i32>} : memref<64x128xf32, #tpu.memory_space<vmem>>, vector<1x16xf32>,
      %swap3A_845 = vector.shape_cast %swap3A_844 : vector<1x16xf32> to vector<16xf32>
      %swap3A_846 = vector.shape_cast %get3A_841 : vector<16xf32> to vector<1x16xf32>
      tpu.vector_store %arg6[%swap3A_842, %swap3A_843], %swap3A_846 {strides = array<i32>} : memref<64x128xf32, #tpu.memory_space<vmem>>, vector<1x16xf32>,
      %mul3A_847 = arith.constant 4 : i32
      %mul3A_848 = arith.muli %mul3A_847, %add3A_794 : i32
      %add3A_849 = arith.constant 2 : i32
      %add3A_850 = arith.addi %mul3A_848, %add3A_849 : i32
      %get3A_851 = arith.index_cast %add3A_850 : i32 to index
      %get3A_852 = arith.constant 0 : index
      %get3A_853 = tpu.vector_load %arg4[%get3A_851, %get3A_852] {strides = array<i32>} : memref<256x32xf32, #tpu.memory_space<vmem>>, vector<1x16xf32>,
      %get3A_854 = vector.shape_cast %get3A_853 : vector<1x16xf32> to vector<16xf32>
      %swap3A_855 = arith.index_cast %add3A_794 : i32 to index
      %swap3A_856 = arith.constant 64 : index
      %swap3A_857 = tpu.vector_load %arg6[%swap3A_855, %swap3A_856] {strides = array<i32>} : memref<64x128xf32, #tpu.memory_space<vmem>>, vector<1x16xf32>,
      %swap3A_858 = vector.shape_cast %swap3A_857 : vector<1x16xf32> to vector<16xf32>
      %swap3A_859 = vector.shape_cast %get3A_854 : vector<16xf32> to vector<1x16xf32>
      tpu.vector_store %arg6[%swap3A_855, %swap3A_856], %swap3A_859 {strides = array<i32>} : memref<64x128xf32, #tpu.memory_space<vmem>>, vector<1x16xf32>,
      %mul3A_860 = arith.constant 4 : i32
      %mul3A_861 = arith.muli %mul3A_860, %add3A_794 : i32
      %add3A_862 = arith.constant 2 : i32
      %add3A_863 = arith.addi %mul3A_861, %add3A_862 : i32
      %get3A_864 = arith.index_cast %add3A_863 : i32 to index
      %get3A_865 = arith.constant 16 : index
      %get3A_866 = tpu.vector_load %arg4[%get3A_864, %get3A_865] {strides = array<i32>} : memref<256x32xf32, #tpu.memory_space<vmem>>, vector<1x16xf32>,
      %get3A_867 = vector.shape_cast %get3A_866 : vector<1x16xf32> to vector<16xf32>
      %swap3A_868 = arith.index_cast %add3A_794 : i32 to index
      %swap3A_869 = arith.constant 80 : index
      %swap3A_870 = tpu.vector_load %arg6[%swap3A_868, %swap3A_869] {strides = array<i32>} : memref<64x128xf32, #tpu.memory_space<vmem>>, vector<1x16xf32>,
      %swap3A_871 = vector.shape_cast %swap3A_870 : vector<1x16xf32> to vector<16xf32>
      %swap3A_872 = vector.shape_cast %get3A_867 : vector<16xf32> to vector<1x16xf32>
      tpu.vector_store %arg6[%swap3A_868, %swap3A_869], %swap3A_872 {strides = array<i32>} : memref<64x128xf32, #tpu.memory_space<vmem>>, vector<1x16xf32>,
      %mul3A_873 = arith.constant 4 : i32
      %mul3A_874 = arith.muli %mul3A_873, %add3A_794 : i32
      %add3A_875 = arith.constant 3 : i32
      %add3A_876 = arith.addi %mul3A_874, %add3A_875 : i32
      %get3A_877 = arith.index_cast %add3A_876 : i32 to index
      %get3A_878 = arith.constant 0 : index
      %get3A_879 = tpu.vector_load %arg4[%get3A_877, %get3A_878] {strides = array<i32>} : memref<256x32xf32, #tpu.memory_space<vmem>>, vector<1x16xf32>,
      %get3A_880 = vector.shape_cast %get3A_879 : vector<1x16xf32> to vector<16xf32>
      %swap3A_881 = arith.index_cast %add3A_794 : i32 to index
      %swap3A_882 = arith.constant 96 : index
      %swap3A_883 = tpu.vector_load %arg6[%swap3A_881, %swap3A_882] {strides = array<i32>} : memref<64x128xf32, #tpu.memory_space<vmem>>, vector<1x16xf32>,
      %swap3A_884 = vector.shape_cast %swap3A_883 : vector<1x16xf32> to vector<16xf32>
      %swap3A_885 = vector.shape_cast %get3A_880 : vector<16xf32> to vector<1x16xf32>
      tpu.vector_store %arg6[%swap3A_881, %swap3A_882], %swap3A_885 {strides = array<i32>} : memref<64x128xf32, #tpu.memory_space<vmem>>, vector<1x16xf32>,
      %mul3A_886 = arith.constant 4 : i32
      %mul3A_887 = arith.muli %mul3A_886, %add3A_794 : i32
      %add3A_888 = arith.constant 3 : i32
      %add3A_889 = arith.addi %mul3A_887, %add3A_888 : i32
      %get3A_890 = arith.index_cast %add3A_889 : i32 to index
      %get3A_891 = arith.constant 16 : index
      %get3A_892 = tpu.vector_load %arg4[%get3A_890, %get3A_891] {strides = array<i32>} : memref<256x32xf32, #tpu.memory_space<vmem>>, vector<1x16xf32>,
      %get3A_893 = vector.shape_cast %get3A_892 : vector<1x16xf32> to vector<16xf32>
      %swap3A_894 = arith.index_cast %add3A_794 : i32 to index
      %swap3A_895 = arith.constant 112 : index
      %swap3A_896 = tpu.vector_load %arg6[%swap3A_894, %swap3A_895] {strides = array<i32>} : memref<64x128xf32, #tpu.memory_space<vmem>>, vector<1x16xf32>,
      %swap3A_897 = vector.shape_cast %swap3A_896 : vector<1x16xf32> to vector<16xf32>
      %swap3A_898 = vector.shape_cast %get3A_893 : vector<16xf32> to vector<1x16xf32>
      tpu.vector_store %arg6[%swap3A_894, %swap3A_895], %swap3A_898 {strides = array<i32>} : memref<64x128xf32, #tpu.memory_space<vmem>>, vector<1x16xf32>,
    }
    %scan3A_131 = arith.constant 16 : i32
    %add3A_132 = arith.constant 512 : i32
    %add3A_133 = arith.addi %mul3A_0, %add3A_132 : i32
    %jit3A_134 = arith.constant 4 : i32
    %div3A_135 = arith.divsi %add3A_133, %jit3A_134 : i32
    %sign3A_136 = arith.constant 0 : i32
    %sign3A_137 = arith.cmpi sgt, %add3A_133, %sign3A_136 : i32
    %sign3A_138 = arith.extui %sign3A_137 : i1 to i32
    %sign3A_139 = arith.constant 0 : i32
    %sign3A_140 = arith.cmpi slt, %add3A_133, %sign3A_139 : i32
    %sign3A_141 = arith.extui %sign3A_140 : i1 to i32
    %sign3A_142 = arith.subi %sign3A_138, %sign3A_141 : i32
    %sign3A_143 = arith.constant 0 : i32
    %sign3A_144 = arith.cmpi sgt, %jit3A_134, %sign3A_143 : i32
    %sign3A_145 = arith.extui %sign3A_144 : i1 to i32
    %sign3A_146 = arith.constant 0 : i32
    %sign3A_147 = arith.cmpi slt, %jit3A_134, %sign3A_146 : i32
    %sign3A_148 = arith.extui %sign3A_147 : i1 to i32
    %sign3A_149 = arith.subi %sign3A_145, %sign3A_148 : i32
    %ne3A_150 = arith.cmpi ne, %sign3A_142, %sign3A_149 : i32
    %rem3A_151 = arith.remsi %add3A_133, %jit3A_134 : i32
    %ne3A_152 = arith.constant 0 : i32
    %ne3A_153 = arith.cmpi ne, %rem3A_151, %ne3A_152 : i32
    %and3A_154 = arith.andi %ne3A_150, %ne3A_153 : i1
    %sub3A_155 = arith.constant 1 : i32
    %sub3A_156 = arith.subi %div3A_135, %sub3A_155 : i32
    %select_n3A_157 = arith.select %and3A_154, %sub3A_156, %div3A_135 : i32
    %multiple_of3A_158 = tpu.assume_multiple %select_n3A_157, 64 : i32
    %dma_start3A_159 = arith.constant 0 : i32
    %dma_start3A_160 = tpu.memref_slice %arg3[%arg1, %multiple_of3A_158, %dma_start3A_159] : memref<16x1024x128xf32, #tpu.memory_space<hbm>> -> memref<1x64x128xf32, #tpu.memory_space<hbm>>
    %dma_start3A_161 = tpu.memref_squeeze %dma_start3A_160 : memref<1x64x128xf32, #tpu.memory_space<hbm>> -> memref<64x128xf32, #tpu.memory_space<hbm>>
    %dma_start3A_162 = arith.constant 0 : i32
    %dma_start3A_163 = tpu.memref_slice %arg3[%arg1, %multiple_of3A_158, %dma_start3A_162] : memref<16x1024x128xf32, #tpu.memory_space<hbm>> -> memref<1x64x128xf32, #tpu.memory_space<hbm>>
    %dma_start3A_164 = tpu.memref_squeeze %dma_start3A_163 : memref<1x64x128xf32, #tpu.memory_space<hbm>> -> memref<64x128xf32, #tpu.memory_space<hbm>>
    tpu.enqueue_dma source(%arg6 : memref<64x128xf32, #tpu.memory_space<vmem>>) target(%dma_start3A_164 : memref<64x128xf32, #tpu.memory_space<hbm>>) target_semaphore(%arg10 : memref<!tpu.dma_semaphore, #tpu.memory_space<semaphore_mem>>)
    %add3A_165 = arith.constant 1024 : i32
    %add3A_166 = arith.addi %mul3A_0, %add3A_165 : i32
    %multiple_of3A_167 = tpu.assume_multiple %add3A_166, 256 : i32
    %dma_start3A_168 = arith.constant 0 : i32
    %dma_start3A_169 = tpu.memref_slice %arg2[%arg1, %multiple_of3A_167, %dma_start3A_168] : memref<16x4096x32xf32, #tpu.memory_space<hbm>> -> memref<1x256x32xf32, #tpu.memory_space<hbm>>
    %dma_start3A_170 = tpu.memref_squeeze %dma_start3A_169 : memref<1x256x32xf32, #tpu.memory_space<hbm>> -> memref<256x32xf32, #tpu.memory_space<hbm>>
    %dma_start3A_171 = arith.constant 0 : i32
    %dma_start3A_172 = tpu.memref_slice %arg2[%arg1, %multiple_of3A_167, %dma_start3A_171] : memref<16x4096x32xf32, #tpu.memory_space<hbm>> -> memref<1x256x32xf32, #tpu.memory_space<hbm>>
    %dma_start3A_173 = tpu.memref_squeeze %dma_start3A_172 : memref<1x256x32xf32, #tpu.memory_space<hbm>> -> memref<256x32xf32, #tpu.memory_space<hbm>>
    tpu.enqueue_dma source(%dma_start3A_173 : memref<256x32xf32, #tpu.memory_space<hbm>>) target(%arg4 : memref<256x32xf32, #tpu.memory_space<vmem>>) target_semaphore(%arg8 : memref<!tpu.dma_semaphore, #tpu.memory_space<semaphore_mem>>)
    %dma_wait3A_174 = arith.constant 0 : i32
    %dma_wait3A_175 = tpu.memref_slice %arg2[%arg1, %multiple_of3A_107, %dma_wait3A_174] : memref<16x4096x32xf32, #tpu.memory_space<hbm>> -> memref<1x256x32xf32, #tpu.memory_space<hbm>>
    %dma_wait3A_176 = tpu.memref_squeeze %dma_wait3A_175 : memref<1x256x32xf32, #tpu.memory_space<hbm>> -> memref<256x32xf32, #tpu.memory_space<hbm>>
    %dma_wait3A_177 = arith.constant 0 : i32
    %dma_wait3A_178 = tpu.memref_slice %arg2[%arg1, %multiple_of3A_107, %dma_wait3A_177] : memref<16x4096x32xf32, #tpu.memory_space<hbm>> -> memref<1x256x32xf32, #tpu.memory_space<hbm>>
    %dma_wait3A_179 = tpu.memref_squeeze %dma_wait3A_178 : memref<1x256x32xf32, #tpu.memory_space<hbm>> -> memref<256x32xf32, #tpu.memory_space<hbm>>
    tpu.wait_dma2 semaphore(%arg9 : memref<!tpu.dma_semaphore, #tpu.memory_space<semaphore_mem>>) src(%dma_wait3A_179 : memref<256x32xf32, #tpu.memory_space<hbm>>) dst(%arg5 : memref<256x32xf32, #tpu.memory_space<vmem>>)
    %dma_wait3A_180 = arith.constant 0 : i32
    %dma_wait3A_181 = tpu.memref_slice %arg3[%arg1, %multiple_of3A_98, %dma_wait3A_180] : memref<16x1024x128xf32, #tpu.memory_space<hbm>> -> memref<1x64x128xf32, #tpu.memory_space<hbm>>
    %dma_wait3A_182 = tpu.memref_squeeze %dma_wait3A_181 : memref<1x64x128xf32, #tpu.memory_space<hbm>> -> memref<64x128xf32, #tpu.memory_space<hbm>>
    %dma_wait3A_183 = arith.constant 0 : i32
    %dma_wait3A_184 = tpu.memref_slice %arg3[%arg1, %multiple_of3A_98, %dma_wait3A_183] : memref<16x1024x128xf32, #tpu.memory_space<hbm>> -> memref<1x64x128xf32, #tpu.memory_space<hbm>>
    %dma_wait3A_185 = tpu.memref_squeeze %dma_wait3A_184 : memref<1x64x128xf32, #tpu.memory_space<hbm>> -> memref<64x128xf32, #tpu.memory_space<hbm>>
    tpu.wait_dma2 semaphore(%arg11 : memref<!tpu.dma_semaphore, #tpu.memory_space<semaphore_mem>>) src(%arg7 : memref<64x128xf32, #tpu.memory_space<vmem>>) dst(%dma_wait3A_185 : memref<64x128xf32, #tpu.memory_space<hbm>>)
    %scan3A_186 = arith.constant 0 : i32
    %scan3A_187 = arith.constant 0 : i32
    %scan3A_188 = arith.constant 16 : i32
    %scan3A_189 = arith.addi %scan3A_187, %scan3A_188 : i32
    %scan3A_190 = arith.constant 1 : i32
    scf.for %scan3A_468 = %scan3A_187 to %scan3A_189 step %scan3A_190  : i32 {
      %mul3A_469 = arith.constant 4 : i32
      %mul3A_470 = arith.muli %mul3A_469, %scan3A_468 : i32
      %add3A_471 = arith.constant 0 : i32
      %add3A_472 = arith.addi %mul3A_470, %add3A_471 : i32
      %mul3A_473 = arith.constant 4 : i32
      %mul3A_474 = arith.muli %mul3A_473, %add3A_472 : i32
      %add3A_475 = arith.constant 0 : i32
      %add3A_476 = arith.addi %mul3A_474, %add3A_475 : i32
      %get3A = arith.index_cast %add3A_476 : i32 to index
      %get3A_477 = arith.constant 0 : index
      %get3A_478 = tpu.vector_load %arg5[%get3A, %get3A_477] {strides = array<i32>} : memref<256x32xf32, #tpu.memory_space<vmem>>, vector<1x16xf32>,
      %get3A_479 = vector.shape_cast %get3A_478 : vector<1x16xf32> to vector<16xf32>
      %swap3A = arith.index_cast %add3A_472 : i32 to index
      %swap3A_480 = arith.constant 0 : index
      %swap3A_481 = tpu.vector_load %arg7[%swap3A, %swap3A_480] {strides = array<i32>} : memref<64x128xf32, #tpu.memory_space<vmem>>, vector<1x16xf32>,
      %swap3A_482 = vector.shape_cast %swap3A_481 : vector<1x16xf32> to vector<16xf32>
      %swap3A_483 = vector.shape_cast %get3A_479 : vector<16xf32> to vector<1x16xf32>
      tpu.vector_store %arg7[%swap3A, %swap3A_480], %swap3A_483 {strides = array<i32>} : memref<64x128xf32, #tpu.memory_space<vmem>>, vector<1x16xf32>,
      %mul3A_484 = arith.constant 4 : i32
      %mul3A_485 = arith.muli %mul3A_484, %add3A_472 : i32
      %add3A_486 = arith.constant 0 : i32
      %add3A_487 = arith.addi %mul3A_485, %add3A_486 : i32
      %get3A_488 = arith.index_cast %add3A_487 : i32 to index
      %get3A_489 = arith.constant 16 : index
      %get3A_490 = tpu.vector_load %arg5[%get3A_488, %get3A_489] {strides = array<i32>} : memref<256x32xf32, #tpu.memory_space<vmem>>, vector<1x16xf32>,
      %get3A_491 = vector.shape_cast %get3A_490 : vector<1x16xf32> to vector<16xf32>
      %swap3A_492 = arith.index_cast %add3A_472 : i32 to index
      %swap3A_493 = arith.constant 16 : index
      %swap3A_494 = tpu.vector_load %arg7[%swap3A_492, %swap3A_493] {strides = array<i32>} : memref<64x128xf32, #tpu.memory_space<vmem>>, vector<1x16xf32>,
      %swap3A_495 = vector.shape_cast %swap3A_494 : vector<1x16xf32> to vector<16xf32>
      %swap3A_496 = vector.shape_cast %get3A_491 : vector<16xf32> to vector<1x16xf32>
      tpu.vector_store %arg7[%swap3A_492, %swap3A_493], %swap3A_496 {strides = array<i32>} : memref<64x128xf32, #tpu.memory_space<vmem>>, vector<1x16xf32>,
      %mul3A_497 = arith.constant 4 : i32
      %mul3A_498 = arith.muli %mul3A_497, %add3A_472 : i32
      %add3A_499 = arith.constant 1 : i32
      %add3A_500 = arith.addi %mul3A_498, %add3A_499 : i32
      %get3A_501 = arith.index_cast %add3A_500 : i32 to index
      %get3A_502 = arith.constant 0 : index
      %get3A_503 = tpu.vector_load %arg5[%get3A_501, %get3A_502] {strides = array<i32>} : memref<256x32xf32, #tpu.memory_space<vmem>>, vector<1x16xf32>,
      %get3A_504 = vector.shape_cast %get3A_503 : vector<1x16xf32> to vector<16xf32>
      %swap3A_505 = arith.index_cast %add3A_472 : i32 to index
      %swap3A_506 = arith.constant 32 : index
      %swap3A_507 = tpu.vector_load %arg7[%swap3A_505, %swap3A_506] {strides = array<i32>} : memref<64x128xf32, #tpu.memory_space<vmem>>, vector<1x16xf32>,
      %swap3A_508 = vector.shape_cast %swap3A_507 : vector<1x16xf32> to vector<16xf32>
      %swap3A_509 = vector.shape_cast %get3A_504 : vector<16xf32> to vector<1x16xf32>
      tpu.vector_store %arg7[%swap3A_505, %swap3A_506], %swap3A_509 {strides = array<i32>} : memref<64x128xf32, #tpu.memory_space<vmem>>, vector<1x16xf32>,
      %mul3A_510 = arith.constant 4 : i32
      %mul3A_511 = arith.muli %mul3A_510, %add3A_472 : i32
      %add3A_512 = arith.constant 1 : i32
      %add3A_513 = arith.addi %mul3A_511, %add3A_512 : i32
      %get3A_514 = arith.index_cast %add3A_513 : i32 to index
      %get3A_515 = arith.constant 16 : index
      %get3A_516 = tpu.vector_load %arg5[%get3A_514, %get3A_515] {strides = array<i32>} : memref<256x32xf32, #tpu.memory_space<vmem>>, vector<1x16xf32>,
      %get3A_517 = vector.shape_cast %get3A_516 : vector<1x16xf32> to vector<16xf32>
      %swap3A_518 = arith.index_cast %add3A_472 : i32 to index
      %swap3A_519 = arith.constant 48 : index
      %swap3A_520 = tpu.vector_load %arg7[%swap3A_518, %swap3A_519] {strides = array<i32>} : memref<64x128xf32, #tpu.memory_space<vmem>>, vector<1x16xf32>,
      %swap3A_521 = vector.shape_cast %swap3A_520 : vector<1x16xf32> to vector<16xf32>
      %swap3A_522 = vector.shape_cast %get3A_517 : vector<16xf32> to vector<1x16xf32>
      tpu.vector_store %arg7[%swap3A_518, %swap3A_519], %swap3A_522 {strides = array<i32>} : memref<64x128xf32, #tpu.memory_space<vmem>>, vector<1x16xf32>,
      %mul3A_523 = arith.constant 4 : i32
      %mul3A_524 = arith.muli %mul3A_523, %add3A_472 : i32
      %add3A_525 = arith.constant 2 : i32
      %add3A_526 = arith.addi %mul3A_524, %add3A_525 : i32
      %get3A_527 = arith.index_cast %add3A_526 : i32 to index
      %get3A_528 = arith.constant 0 : index
      %get3A_529 = tpu.vector_load %arg5[%get3A_527, %get3A_528] {strides = array<i32>} : memref<256x32xf32, #tpu.memory_space<vmem>>, vector<1x16xf32>,
      %get3A_530 = vector.shape_cast %get3A_529 : vector<1x16xf32> to vector<16xf32>
      %swap3A_531 = arith.index_cast %add3A_472 : i32 to index
      %swap3A_532 = arith.constant 64 : index
      %swap3A_533 = tpu.vector_load %arg7[%swap3A_531, %swap3A_532] {strides = array<i32>} : memref<64x128xf32, #tpu.memory_space<vmem>>, vector<1x16xf32>,
      %swap3A_534 = vector.shape_cast %swap3A_533 : vector<1x16xf32> to vector<16xf32>
      %swap3A_535 = vector.shape_cast %get3A_530 : vector<16xf32> to vector<1x16xf32>
      tpu.vector_store %arg7[%swap3A_531, %swap3A_532], %swap3A_535 {strides = array<i32>} : memref<64x128xf32, #tpu.memory_space<vmem>>, vector<1x16xf32>,
      %mul3A_536 = arith.constant 4 : i32
      %mul3A_537 = arith.muli %mul3A_536, %add3A_472 : i32
      %add3A_538 = arith.constant 2 : i32
      %add3A_539 = arith.addi %mul3A_537, %add3A_538 : i32
      %get3A_540 = arith.index_cast %add3A_539 : i32 to index
      %get3A_541 = arith.constant 16 : index
      %get3A_542 = tpu.vector_load %arg5[%get3A_540, %get3A_541] {strides = array<i32>} : memref<256x32xf32, #tpu.memory_space<vmem>>, vector<1x16xf32>,
      %get3A_543 = vector.shape_cast %get3A_542 : vector<1x16xf32> to vector<16xf32>
      %swap3A_544 = arith.index_cast %add3A_472 : i32 to index
      %swap3A_545 = arith.constant 80 : index
      %swap3A_546 = tpu.vector_load %arg7[%swap3A_544, %swap3A_545] {strides = array<i32>} : memref<64x128xf32, #tpu.memory_space<vmem>>, vector<1x16xf32>,
      %swap3A_547 = vector.shape_cast %swap3A_546 : vector<1x16xf32> to vector<16xf32>
      %swap3A_548 = vector.shape_cast %get3A_543 : vector<16xf32> to vector<1x16xf32>
      tpu.vector_store %arg7[%swap3A_544, %swap3A_545], %swap3A_548 {strides = array<i32>} : memref<64x128xf32, #tpu.memory_space<vmem>>, vector<1x16xf32>,
      %mul3A_549 = arith.constant 4 : i32
      %mul3A_550 = arith.muli %mul3A_549, %add3A_472 : i32
      %add3A_551 = arith.constant 3 : i32
      %add3A_552 = arith.addi %mul3A_550, %add3A_551 : i32
      %get3A_553 = arith.index_cast %add3A_552 : i32 to index
      %get3A_554 = arith.constant 0 : index
      %get3A_555 = tpu.vector_load %arg5[%get3A_553, %get3A_554] {strides = array<i32>} : memref<256x32xf32, #tpu.memory_space<vmem>>, vector<1x16xf32>,
      %get3A_556 = vector.shape_cast %get3A_555 : vector<1x16xf32> to vector<16xf32>
      %swap3A_557 = arith.index_cast %add3A_472 : i32 to index
      %swap3A_558 = arith.constant 96 : index
      %swap3A_559 = tpu.vector_load %arg7[%swap3A_557, %swap3A_558] {strides = array<i32>} : memref<64x128xf32, #tpu.memory_space<vmem>>, vector<1x16xf32>,
      %swap3A_560 = vector.shape_cast %swap3A_559 : vector<1x16xf32> to vector<16xf32>
      %swap3A_561 = vector.shape_cast %get3A_556 : vector<16xf32> to vector<1x16xf32>
      tpu.vector_store %arg7[%swap3A_557, %swap3A_558], %swap3A_561 {strides = array<i32>} : memref<64x128xf32, #tpu.memory_space<vmem>>, vector<1x16xf32>,
      %mul3A_562 = arith.constant 4 : i32
      %mul3A_563 = arith.muli %mul3A_562, %add3A_472 : i32
      %add3A_564 = arith.constant 3 : i32
      %add3A_565 = arith.addi %mul3A_563, %add3A_564 : i32
      %get3A_566 = arith.index_cast %add3A_565 : i32 to index
      %get3A_567 = arith.constant 16 : index
      %get3A_568 = tpu.vector_load %arg5[%get3A_566, %get3A_567] {strides = array<i32>} : memref<256x32xf32, #tpu.memory_space<vmem>>, vector<1x16xf32>,
      %get3A_569 = vector.shape_cast %get3A_568 : vector<1x16xf32> to vector<16xf32>
      %swap3A_570 = arith.index_cast %add3A_472 : i32 to index
      %swap3A_571 = arith.constant 112 : index
      %swap3A_572 = tpu.vector_load %arg7[%swap3A_570, %swap3A_571] {strides = array<i32>} : memref<64x128xf32, #tpu.memory_space<vmem>>, vector<1x16xf32>,
      %swap3A_573 = vector.shape_cast %swap3A_572 : vector<1x16xf32> to vector<16xf32>
      %swap3A_574 = vector.shape_cast %get3A_569 : vector<16xf32> to vector<1x16xf32>
      tpu.vector_store %arg7[%swap3A_570, %swap3A_571], %swap3A_574 {strides = array<i32>} : memref<64x128xf32, #tpu.memory_space<vmem>>, vector<1x16xf32>,
      %mul3A_575 = arith.constant 4 : i32
      %mul3A_576 = arith.muli %mul3A_575, %scan3A_468 : i32
      %add3A_577 = arith.constant 1 : i32
      %add3A_578 = arith.addi %mul3A_576, %add3A_577 : i32
      %mul3A_579 = arith.constant 4 : i32
      %mul3A_580 = arith.muli %mul3A_579, %add3A_578 : i32
      %add3A_581 = arith.constant 0 : i32
      %add3A_582 = arith.addi %mul3A_580, %add3A_581 : i32
      %get3A_583 = arith.index_cast %add3A_582 : i32 to index
      %get3A_584 = arith.constant 0 : index
      %get3A_585 = tpu.vector_load %arg5[%get3A_583, %get3A_584] {strides = array<i32>} : memref<256x32xf32, #tpu.memory_space<vmem>>, vector<1x16xf32>,
      %get3A_586 = vector.shape_cast %get3A_585 : vector<1x16xf32> to vector<16xf32>
      %swap3A_587 = arith.index_cast %add3A_578 : i32 to index
      %swap3A_588 = arith.constant 0 : index
      %swap3A_589 = tpu.vector_load %arg7[%swap3A_587, %swap3A_588] {strides = array<i32>} : memref<64x128xf32, #tpu.memory_space<vmem>>, vector<1x16xf32>,
      %swap3A_590 = vector.shape_cast %swap3A_589 : vector<1x16xf32> to vector<16xf32>
      %swap3A_591 = vector.shape_cast %get3A_586 : vector<16xf32> to vector<1x16xf32>
      tpu.vector_store %arg7[%swap3A_587, %swap3A_588], %swap3A_591 {strides = array<i32>} : memref<64x128xf32, #tpu.memory_space<vmem>>, vector<1x16xf32>,
      %mul3A_592 = arith.constant 4 : i32
      %mul3A_593 = arith.muli %mul3A_592, %add3A_578 : i32
      %add3A_594 = arith.constant 0 : i32
      %add3A_595 = arith.addi %mul3A_593, %add3A_594 : i32
      %get3A_596 = arith.index_cast %add3A_595 : i32 to index
      %get3A_597 = arith.constant 16 : index
      %get3A_598 = tpu.vector_load %arg5[%get3A_596, %get3A_597] {strides = array<i32>} : memref<256x32xf32, #tpu.memory_space<vmem>>, vector<1x16xf32>,
      %get3A_599 = vector.shape_cast %get3A_598 : vector<1x16xf32> to vector<16xf32>
      %swap3A_600 = arith.index_cast %add3A_578 : i32 to index
      %swap3A_601 = arith.constant 16 : index
      %swap3A_602 = tpu.vector_load %arg7[%swap3A_600, %swap3A_601] {strides = array<i32>} : memref<64x128xf32, #tpu.memory_space<vmem>>, vector<1x16xf32>,
      %swap3A_603 = vector.shape_cast %swap3A_602 : vector<1x16xf32> to vector<16xf32>
      %swap3A_604 = vector.shape_cast %get3A_599 : vector<16xf32> to vector<1x16xf32>
      tpu.vector_store %arg7[%swap3A_600, %swap3A_601], %swap3A_604 {strides = array<i32>} : memref<64x128xf32, #tpu.memory_space<vmem>>, vector<1x16xf32>,
      %mul3A_605 = arith.constant 4 : i32
      %mul3A_606 = arith.muli %mul3A_605, %add3A_578 : i32
      %add3A_607 = arith.constant 1 : i32
      %add3A_608 = arith.addi %mul3A_606, %add3A_607 : i32
      %get3A_609 = arith.index_cast %add3A_608 : i32 to index
      %get3A_610 = arith.constant 0 : index
      %get3A_611 = tpu.vector_load %arg5[%get3A_609, %get3A_610] {strides = array<i32>} : memref<256x32xf32, #tpu.memory_space<vmem>>, vector<1x16xf32>,
      %get3A_612 = vector.shape_cast %get3A_611 : vector<1x16xf32> to vector<16xf32>
      %swap3A_613 = arith.index_cast %add3A_578 : i32 to index
      %swap3A_614 = arith.constant 32 : index
      %swap3A_615 = tpu.vector_load %arg7[%swap3A_613, %swap3A_614] {strides = array<i32>} : memref<64x128xf32, #tpu.memory_space<vmem>>, vector<1x16xf32>,
      %swap3A_616 = vector.shape_cast %swap3A_615 : vector<1x16xf32> to vector<16xf32>
      %swap3A_617 = vector.shape_cast %get3A_612 : vector<16xf32> to vector<1x16xf32>
      tpu.vector_store %arg7[%swap3A_613, %swap3A_614], %swap3A_617 {strides = array<i32>} : memref<64x128xf32, #tpu.memory_space<vmem>>, vector<1x16xf32>,
      %mul3A_618 = arith.constant 4 : i32
      %mul3A_619 = arith.muli %mul3A_618, %add3A_578 : i32
      %add3A_620 = arith.constant 1 : i32
      %add3A_621 = arith.addi %mul3A_619, %add3A_620 : i32
      %get3A_622 = arith.index_cast %add3A_621 : i32 to index
      %get3A_623 = arith.constant 16 : index
      %get3A_624 = tpu.vector_load %arg5[%get3A_622, %get3A_623] {strides = array<i32>} : memref<256x32xf32, #tpu.memory_space<vmem>>, vector<1x16xf32>,
      %get3A_625 = vector.shape_cast %get3A_624 : vector<1x16xf32> to vector<16xf32>
      %swap3A_626 = arith.index_cast %add3A_578 : i32 to index
      %swap3A_627 = arith.constant 48 : index
      %swap3A_628 = tpu.vector_load %arg7[%swap3A_626, %swap3A_627] {strides = array<i32>} : memref<64x128xf32, #tpu.memory_space<vmem>>, vector<1x16xf32>,
      %swap3A_629 = vector.shape_cast %swap3A_628 : vector<1x16xf32> to vector<16xf32>
      %swap3A_630 = vector.shape_cast %get3A_625 : vector<16xf32> to vector<1x16xf32>
      tpu.vector_store %arg7[%swap3A_626, %swap3A_627], %swap3A_630 {strides = array<i32>} : memref<64x128xf32, #tpu.memory_space<vmem>>, vector<1x16xf32>,
      %mul3A_631 = arith.constant 4 : i32
      %mul3A_632 = arith.muli %mul3A_631, %add3A_578 : i32
      %add3A_633 = arith.constant 2 : i32
      %add3A_634 = arith.addi %mul3A_632, %add3A_633 : i32
      %get3A_635 = arith.index_cast %add3A_634 : i32 to index
      %get3A_636 = arith.constant 0 : index
      %get3A_637 = tpu.vector_load %arg5[%get3A_635, %get3A_636] {strides = array<i32>} : memref<256x32xf32, #tpu.memory_space<vmem>>, vector<1x16xf32>,
      %get3A_638 = vector.shape_cast %get3A_637 : vector<1x16xf32> to vector<16xf32>
      %swap3A_639 = arith.index_cast %add3A_578 : i32 to index
      %swap3A_640 = arith.constant 64 : index
      %swap3A_641 = tpu.vector_load %arg7[%swap3A_639, %swap3A_640] {strides = array<i32>} : memref<64x128xf32, #tpu.memory_space<vmem>>, vector<1x16xf32>,
      %swap3A_642 = vector.shape_cast %swap3A_641 : vector<1x16xf32> to vector<16xf32>
      %swap3A_643 = vector.shape_cast %get3A_638 : vector<16xf32> to vector<1x16xf32>
      tpu.vector_store %arg7[%swap3A_639, %swap3A_640], %swap3A_643 {strides = array<i32>} : memref<64x128xf32, #tpu.memory_space<vmem>>, vector<1x16xf32>,
      %mul3A_644 = arith.constant 4 : i32
      %mul3A_645 = arith.muli %mul3A_644, %add3A_578 : i32
      %add3A_646 = arith.constant 2 : i32
      %add3A_647 = arith.addi %mul3A_645, %add3A_646 : i32
      %get3A_648 = arith.index_cast %add3A_647 : i32 to index
      %get3A_649 = arith.constant 16 : index
      %get3A_650 = tpu.vector_load %arg5[%get3A_648, %get3A_649] {strides = array<i32>} : memref<256x32xf32, #tpu.memory_space<vmem>>, vector<1x16xf32>,
      %get3A_651 = vector.shape_cast %get3A_650 : vector<1x16xf32> to vector<16xf32>
      %swap3A_652 = arith.index_cast %add3A_578 : i32 to index
      %swap3A_653 = arith.constant 80 : index
      %swap3A_654 = tpu.vector_load %arg7[%swap3A_652, %swap3A_653] {strides = array<i32>} : memref<64x128xf32, #tpu.memory_space<vmem>>, vector<1x16xf32>,
      %swap3A_655 = vector.shape_cast %swap3A_654 : vector<1x16xf32> to vector<16xf32>
      %swap3A_656 = vector.shape_cast %get3A_651 : vector<16xf32> to vector<1x16xf32>
      tpu.vector_store %arg7[%swap3A_652, %swap3A_653], %swap3A_656 {strides = array<i32>} : memref<64x128xf32, #tpu.memory_space<vmem>>, vector<1x16xf32>,
      %mul3A_657 = arith.constant 4 : i32
      %mul3A_658 = arith.muli %mul3A_657, %add3A_578 : i32
      %add3A_659 = arith.constant 3 : i32
      %add3A_660 = arith.addi %mul3A_658, %add3A_659 : i32
      %get3A_661 = arith.index_cast %add3A_660 : i32 to index
      %get3A_662 = arith.constant 0 : index
      %get3A_663 = tpu.vector_load %arg5[%get3A_661, %get3A_662] {strides = array<i32>} : memref<256x32xf32, #tpu.memory_space<vmem>>, vector<1x16xf32>,
      %get3A_664 = vector.shape_cast %get3A_663 : vector<1x16xf32> to vector<16xf32>
      %swap3A_665 = arith.index_cast %add3A_578 : i32 to index
      %swap3A_666 = arith.constant 96 : index
      %swap3A_667 = tpu.vector_load %arg7[%swap3A_665, %swap3A_666] {strides = array<i32>} : memref<64x128xf32, #tpu.memory_space<vmem>>, vector<1x16xf32>,
      %swap3A_668 = vector.shape_cast %swap3A_667 : vector<1x16xf32> to vector<16xf32>
      %swap3A_669 = vector.shape_cast %get3A_664 : vector<16xf32> to vector<1x16xf32>
      tpu.vector_store %arg7[%swap3A_665, %swap3A_666], %swap3A_669 {strides = array<i32>} : memref<64x128xf32, #tpu.memory_space<vmem>>, vector<1x16xf32>,
      %mul3A_670 = arith.constant 4 : i32
      %mul3A_671 = arith.muli %mul3A_670, %add3A_578 : i32
      %add3A_672 = arith.constant 3 : i32
      %add3A_673 = arith.addi %mul3A_671, %add3A_672 : i32
      %get3A_674 = arith.index_cast %add3A_673 : i32 to index
      %get3A_675 = arith.constant 16 : index
      %get3A_676 = tpu.vector_load %arg5[%get3A_674, %get3A_675] {strides = array<i32>} : memref<256x32xf32, #tpu.memory_space<vmem>>, vector<1x16xf32>,
      %get3A_677 = vector.shape_cast %get3A_676 : vector<1x16xf32> to vector<16xf32>
      %swap3A_678 = arith.index_cast %add3A_578 : i32 to index
      %swap3A_679 = arith.constant 112 : index
      %swap3A_680 = tpu.vector_load %arg7[%swap3A_678, %swap3A_679] {strides = array<i32>} : memref<64x128xf32, #tpu.memory_space<vmem>>, vector<1x16xf32>,
      %swap3A_681 = vector.shape_cast %swap3A_680 : vector<1x16xf32> to vector<16xf32>
      %swap3A_682 = vector.shape_cast %get3A_677 : vector<16xf32> to vector<1x16xf32>
      tpu.vector_store %arg7[%swap3A_678, %swap3A_679], %swap3A_682 {strides = array<i32>} : memref<64x128xf32, #tpu.memory_space<vmem>>, vector<1x16xf32>,
      %mul3A_683 = arith.constant 4 : i32
      %mul3A_684 = arith.muli %mul3A_683, %scan3A_468 : i32
      %add3A_685 = arith.constant 2 : i32
      %add3A_686 = arith.addi %mul3A_684, %add3A_685 : i32
      %mul3A_687 = arith.constant 4 : i32
      %mul3A_688 = arith.muli %mul3A_687, %add3A_686 : i32
      %add3A_689 = arith.constant 0 : i32
      %add3A_690 = arith.addi %mul3A_688, %add3A_689 : i32
      %get3A_691 = arith.index_cast %add3A_690 : i32 to index
      %get3A_692 = arith.constant 0 : index
      %get3A_693 = tpu.vector_load %arg5[%get3A_691, %get3A_692] {strides = array<i32>} : memref<256x32xf32, #tpu.memory_space<vmem>>, vector<1x16xf32>,
      %get3A_694 = vector.shape_cast %get3A_693 : vector<1x16xf32> to vector<16xf32>
      %swap3A_695 = arith.index_cast %add3A_686 : i32 to index
      %swap3A_696 = arith.constant 0 : index
      %swap3A_697 = tpu.vector_load %arg7[%swap3A_695, %swap3A_696] {strides = array<i32>} : memref<64x128xf32, #tpu.memory_space<vmem>>, vector<1x16xf32>,
      %swap3A_698 = vector.shape_cast %swap3A_697 : vector<1x16xf32> to vector<16xf32>
      %swap3A_699 = vector.shape_cast %get3A_694 : vector<16xf32> to vector<1x16xf32>
      tpu.vector_store %arg7[%swap3A_695, %swap3A_696], %swap3A_699 {strides = array<i32>} : memref<64x128xf32, #tpu.memory_space<vmem>>, vector<1x16xf32>,
      %mul3A_700 = arith.constant 4 : i32
      %mul3A_701 = arith.muli %mul3A_700, %add3A_686 : i32
      %add3A_702 = arith.constant 0 : i32
      %add3A_703 = arith.addi %mul3A_701, %add3A_702 : i32
      %get3A_704 = arith.index_cast %add3A_703 : i32 to index
      %get3A_705 = arith.constant 16 : index
      %get3A_706 = tpu.vector_load %arg5[%get3A_704, %get3A_705] {strides = array<i32>} : memref<256x32xf32, #tpu.memory_space<vmem>>, vector<1x16xf32>,
      %get3A_707 = vector.shape_cast %get3A_706 : vector<1x16xf32> to vector<16xf32>
      %swap3A_708 = arith.index_cast %add3A_686 : i32 to index
      %swap3A_709 = arith.constant 16 : index
      %swap3A_710 = tpu.vector_load %arg7[%swap3A_708, %swap3A_709] {strides = array<i32>} : memref<64x128xf32, #tpu.memory_space<vmem>>, vector<1x16xf32>,
      %swap3A_711 = vector.shape_cast %swap3A_710 : vector<1x16xf32> to vector<16xf32>
      %swap3A_712 = vector.shape_cast %get3A_707 : vector<16xf32> to vector<1x16xf32>
      tpu.vector_store %arg7[%swap3A_708, %swap3A_709], %swap3A_712 {strides = array<i32>} : memref<64x128xf32, #tpu.memory_space<vmem>>, vector<1x16xf32>,
      %mul3A_713 = arith.constant 4 : i32
      %mul3A_714 = arith.muli %mul3A_713, %add3A_686 : i32
      %add3A_715 = arith.constant 1 : i32
      %add3A_716 = arith.addi %mul3A_714, %add3A_715 : i32
      %get3A_717 = arith.index_cast %add3A_716 : i32 to index
      %get3A_718 = arith.constant 0 : index
      %get3A_719 = tpu.vector_load %arg5[%get3A_717, %get3A_718] {strides = array<i32>} : memref<256x32xf32, #tpu.memory_space<vmem>>, vector<1x16xf32>,
      %get3A_720 = vector.shape_cast %get3A_719 : vector<1x16xf32> to vector<16xf32>
      %swap3A_721 = arith.index_cast %add3A_686 : i32 to index
      %swap3A_722 = arith.constant 32 : index
      %swap3A_723 = tpu.vector_load %arg7[%swap3A_721, %swap3A_722] {strides = array<i32>} : memref<64x128xf32, #tpu.memory_space<vmem>>, vector<1x16xf32>,
      %swap3A_724 = vector.shape_cast %swap3A_723 : vector<1x16xf32> to vector<16xf32>
      %swap3A_725 = vector.shape_cast %get3A_720 : vector<16xf32> to vector<1x16xf32>
      tpu.vector_store %arg7[%swap3A_721, %swap3A_722], %swap3A_725 {strides = array<i32>} : memref<64x128xf32, #tpu.memory_space<vmem>>, vector<1x16xf32>,
      %mul3A_726 = arith.constant 4 : i32
      %mul3A_727 = arith.muli %mul3A_726, %add3A_686 : i32
      %add3A_728 = arith.constant 1 : i32
      %add3A_729 = arith.addi %mul3A_727, %add3A_728 : i32
      %get3A_730 = arith.index_cast %add3A_729 : i32 to index
      %get3A_731 = arith.constant 16 : index
      %get3A_732 = tpu.vector_load %arg5[%get3A_730, %get3A_731] {strides = array<i32>} : memref<256x32xf32, #tpu.memory_space<vmem>>, vector<1x16xf32>,
      %get3A_733 = vector.shape_cast %get3A_732 : vector<1x16xf32> to vector<16xf32>
      %swap3A_734 = arith.index_cast %add3A_686 : i32 to index
      %swap3A_735 = arith.constant 48 : index
      %swap3A_736 = tpu.vector_load %arg7[%swap3A_734, %swap3A_735] {strides = array<i32>} : memref<64x128xf32, #tpu.memory_space<vmem>>, vector<1x16xf32>,
      %swap3A_737 = vector.shape_cast %swap3A_736 : vector<1x16xf32> to vector<16xf32>
      %swap3A_738 = vector.shape_cast %get3A_733 : vector<16xf32> to vector<1x16xf32>
      tpu.vector_store %arg7[%swap3A_734, %swap3A_735], %swap3A_738 {strides = array<i32>} : memref<64x128xf32, #tpu.memory_space<vmem>>, vector<1x16xf32>,
      %mul3A_739 = arith.constant 4 : i32
      %mul3A_740 = arith.muli %mul3A_739, %add3A_686 : i32
      %add3A_741 = arith.constant 2 : i32
      %add3A_742 = arith.addi %mul3A_740, %add3A_741 : i32
      %get3A_743 = arith.index_cast %add3A_742 : i32 to index
      %get3A_744 = arith.constant 0 : index
      %get3A_745 = tpu.vector_load %arg5[%get3A_743, %get3A_744] {strides = array<i32>} : memref<256x32xf32, #tpu.memory_space<vmem>>, vector<1x16xf32>,
      %get3A_746 = vector.shape_cast %get3A_745 : vector<1x16xf32> to vector<16xf32>
      %swap3A_747 = arith.index_cast %add3A_686 : i32 to index
      %swap3A_748 = arith.constant 64 : index
      %swap3A_749 = tpu.vector_load %arg7[%swap3A_747, %swap3A_748] {strides = array<i32>} : memref<64x128xf32, #tpu.memory_space<vmem>>, vector<1x16xf32>,
      %swap3A_750 = vector.shape_cast %swap3A_749 : vector<1x16xf32> to vector<16xf32>
      %swap3A_751 = vector.shape_cast %get3A_746 : vector<16xf32> to vector<1x16xf32>
      tpu.vector_store %arg7[%swap3A_747, %swap3A_748], %swap3A_751 {strides = array<i32>} : memref<64x128xf32, #tpu.memory_space<vmem>>, vector<1x16xf32>,
      %mul3A_752 = arith.constant 4 : i32
      %mul3A_753 = arith.muli %mul3A_752, %add3A_686 : i32
      %add3A_754 = arith.constant 2 : i32
      %add3A_755 = arith.addi %mul3A_753, %add3A_754 : i32
      %get3A_756 = arith.index_cast %add3A_755 : i32 to index
      %get3A_757 = arith.constant 16 : index
      %get3A_758 = tpu.vector_load %arg5[%get3A_756, %get3A_757] {strides = array<i32>} : memref<256x32xf32, #tpu.memory_space<vmem>>, vector<1x16xf32>,
      %get3A_759 = vector.shape_cast %get3A_758 : vector<1x16xf32> to vector<16xf32>
      %swap3A_760 = arith.index_cast %add3A_686 : i32 to index
      %swap3A_761 = arith.constant 80 : index
      %swap3A_762 = tpu.vector_load %arg7[%swap3A_760, %swap3A_761] {strides = array<i32>} : memref<64x128xf32, #tpu.memory_space<vmem>>, vector<1x16xf32>,
      %swap3A_763 = vector.shape_cast %swap3A_762 : vector<1x16xf32> to vector<16xf32>
      %swap3A_764 = vector.shape_cast %get3A_759 : vector<16xf32> to vector<1x16xf32>
      tpu.vector_store %arg7[%swap3A_760, %swap3A_761], %swap3A_764 {strides = array<i32>} : memref<64x128xf32, #tpu.memory_space<vmem>>, vector<1x16xf32>,
      %mul3A_765 = arith.constant 4 : i32
      %mul3A_766 = arith.muli %mul3A_765, %add3A_686 : i32
      %add3A_767 = arith.constant 3 : i32
      %add3A_768 = arith.addi %mul3A_766, %add3A_767 : i32
      %get3A_769 = arith.index_cast %add3A_768 : i32 to index
      %get3A_770 = arith.constant 0 : index
      %get3A_771 = tpu.vector_load %arg5[%get3A_769, %get3A_770] {strides = array<i32>} : memref<256x32xf32, #tpu.memory_space<vmem>>, vector<1x16xf32>,
      %get3A_772 = vector.shape_cast %get3A_771 : vector<1x16xf32> to vector<16xf32>
      %swap3A_773 = arith.index_cast %add3A_686 : i32 to index
      %swap3A_774 = arith.constant 96 : index
      %swap3A_775 = tpu.vector_load %arg7[%swap3A_773, %swap3A_774] {strides = array<i32>} : memref<64x128xf32, #tpu.memory_space<vmem>>, vector<1x16xf32>,
      %swap3A_776 = vector.shape_cast %swap3A_775 : vector<1x16xf32> to vector<16xf32>
      %swap3A_777 = vector.shape_cast %get3A_772 : vector<16xf32> to vector<1x16xf32>
      tpu.vector_store %arg7[%swap3A_773, %swap3A_774], %swap3A_777 {strides = array<i32>} : memref<64x128xf32, #tpu.memory_space<vmem>>, vector<1x16xf32>,
      %mul3A_778 = arith.constant 4 : i32
      %mul3A_779 = arith.muli %mul3A_778, %add3A_686 : i32
      %add3A_780 = arith.constant 3 : i32
      %add3A_781 = arith.addi %mul3A_779, %add3A_780 : i32
      %get3A_782 = arith.index_cast %add3A_781 : i32 to index
      %get3A_783 = arith.constant 16 : index
      %get3A_784 = tpu.vector_load %arg5[%get3A_782, %get3A_783] {strides = array<i32>} : memref<256x32xf32, #tpu.memory_space<vmem>>, vector<1x16xf32>,
      %get3A_785 = vector.shape_cast %get3A_784 : vector<1x16xf32> to vector<16xf32>
      %swap3A_786 = arith.index_cast %add3A_686 : i32 to index
      %swap3A_787 = arith.constant 112 : index
      %swap3A_788 = tpu.vector_load %arg7[%swap3A_786, %swap3A_787] {strides = array<i32>} : memref<64x128xf32, #tpu.memory_space<vmem>>, vector<1x16xf32>,
      %swap3A_789 = vector.shape_cast %swap3A_788 : vector<1x16xf32> to vector<16xf32>
      %swap3A_790 = vector.shape_cast %get3A_785 : vector<16xf32> to vector<1x16xf32>
      tpu.vector_store %arg7[%swap3A_786, %swap3A_787], %swap3A_790 {strides = array<i32>} : memref<64x128xf32, #tpu.memory_space<vmem>>, vector<1x16xf32>,
      %mul3A_791 = arith.constant 4 : i32
      %mul3A_792 = arith.muli %mul3A_791, %scan3A_468 : i32
      %add3A_793 = arith.constant 3 : i32
      %add3A_794 = arith.addi %mul3A_792, %add3A_793 : i32
      %mul3A_795 = arith.constant 4 : i32
      %mul3A_796 = arith.muli %mul3A_795, %add3A_794 : i32
      %add3A_797 = arith.constant 0 : i32
      %add3A_798 = arith.addi %mul3A_796, %add3A_797 : i32
      %get3A_799 = arith.index_cast %add3A_798 : i32 to index
      %get3A_800 = arith.constant 0 : index
      %get3A_801 = tpu.vector_load %arg5[%get3A_799, %get3A_800] {strides = array<i32>} : memref<256x32xf32, #tpu.memory_space<vmem>>, vector<1x16xf32>,
      %get3A_802 = vector.shape_cast %get3A_801 : vector<1x16xf32> to vector<16xf32>
      %swap3A_803 = arith.index_cast %add3A_794 : i32 to index
      %swap3A_804 = arith.constant 0 : index
      %swap3A_805 = tpu.vector_load %arg7[%swap3A_803, %swap3A_804] {strides = array<i32>} : memref<64x128xf32, #tpu.memory_space<vmem>>, vector<1x16xf32>,
      %swap3A_806 = vector.shape_cast %swap3A_805 : vector<1x16xf32> to vector<16xf32>
      %swap3A_807 = vector.shape_cast %get3A_802 : vector<16xf32> to vector<1x16xf32>
      tpu.vector_store %arg7[%swap3A_803, %swap3A_804], %swap3A_807 {strides = array<i32>} : memref<64x128xf32, #tpu.memory_space<vmem>>, vector<1x16xf32>,
      %mul3A_808 = arith.constant 4 : i32
      %mul3A_809 = arith.muli %mul3A_808, %add3A_794 : i32
      %add3A_810 = arith.constant 0 : i32
      %add3A_811 = arith.addi %mul3A_809, %add3A_810 : i32
      %get3A_812 = arith.index_cast %add3A_811 : i32 to index
      %get3A_813 = arith.constant 16 : index
      %get3A_814 = tpu.vector_load %arg5[%get3A_812, %get3A_813] {strides = array<i32>} : memref<256x32xf32, #tpu.memory_space<vmem>>, vector<1x16xf32>,
      %get3A_815 = vector.shape_cast %get3A_814 : vector<1x16xf32> to vector<16xf32>
      %swap3A_816 = arith.index_cast %add3A_794 : i32 to index
      %swap3A_817 = arith.constant 16 : index
      %swap3A_818 = tpu.vector_load %arg7[%swap3A_816, %swap3A_817] {strides = array<i32>} : memref<64x128xf32, #tpu.memory_space<vmem>>, vector<1x16xf32>,
      %swap3A_819 = vector.shape_cast %swap3A_818 : vector<1x16xf32> to vector<16xf32>
      %swap3A_820 = vector.shape_cast %get3A_815 : vector<16xf32> to vector<1x16xf32>
      tpu.vector_store %arg7[%swap3A_816, %swap3A_817], %swap3A_820 {strides = array<i32>} : memref<64x128xf32, #tpu.memory_space<vmem>>, vector<1x16xf32>,
      %mul3A_821 = arith.constant 4 : i32
      %mul3A_822 = arith.muli %mul3A_821, %add3A_794 : i32
      %add3A_823 = arith.constant 1 : i32
      %add3A_824 = arith.addi %mul3A_822, %add3A_823 : i32
      %get3A_825 = arith.index_cast %add3A_824 : i32 to index
      %get3A_826 = arith.constant 0 : index
      %get3A_827 = tpu.vector_load %arg5[%get3A_825, %get3A_826] {strides = array<i32>} : memref<256x32xf32, #tpu.memory_space<vmem>>, vector<1x16xf32>,
      %get3A_828 = vector.shape_cast %get3A_827 : vector<1x16xf32> to vector<16xf32>
      %swap3A_829 = arith.index_cast %add3A_794 : i32 to index
      %swap3A_830 = arith.constant 32 : index
      %swap3A_831 = tpu.vector_load %arg7[%swap3A_829, %swap3A_830] {strides = array<i32>} : memref<64x128xf32, #tpu.memory_space<vmem>>, vector<1x16xf32>,
      %swap3A_832 = vector.shape_cast %swap3A_831 : vector<1x16xf32> to vector<16xf32>
      %swap3A_833 = vector.shape_cast %get3A_828 : vector<16xf32> to vector<1x16xf32>
      tpu.vector_store %arg7[%swap3A_829, %swap3A_830], %swap3A_833 {strides = array<i32>} : memref<64x128xf32, #tpu.memory_space<vmem>>, vector<1x16xf32>,
      %mul3A_834 = arith.constant 4 : i32
      %mul3A_835 = arith.muli %mul3A_834, %add3A_794 : i32
      %add3A_836 = arith.constant 1 : i32
      %add3A_837 = arith.addi %mul3A_835, %add3A_836 : i32
      %get3A_838 = arith.index_cast %add3A_837 : i32 to index
      %get3A_839 = arith.constant 16 : index
      %get3A_840 = tpu.vector_load %arg5[%get3A_838, %get3A_839] {strides = array<i32>} : memref<256x32xf32, #tpu.memory_space<vmem>>, vector<1x16xf32>,
      %get3A_841 = vector.shape_cast %get3A_840 : vector<1x16xf32> to vector<16xf32>
      %swap3A_842 = arith.index_cast %add3A_794 : i32 to index
      %swap3A_843 = arith.constant 48 : index
      %swap3A_844 = tpu.vector_load %arg7[%swap3A_842, %swap3A_843] {strides = array<i32>} : memref<64x128xf32, #tpu.memory_space<vmem>>, vector<1x16xf32>,
      %swap3A_845 = vector.shape_cast %swap3A_844 : vector<1x16xf32> to vector<16xf32>
      %swap3A_846 = vector.shape_cast %get3A_841 : vector<16xf32> to vector<1x16xf32>
      tpu.vector_store %arg7[%swap3A_842, %swap3A_843], %swap3A_846 {strides = array<i32>} : memref<64x128xf32, #tpu.memory_space<vmem>>, vector<1x16xf32>,
      %mul3A_847 = arith.constant 4 : i32
      %mul3A_848 = arith.muli %mul3A_847, %add3A_794 : i32
      %add3A_849 = arith.constant 2 : i32
      %add3A_850 = arith.addi %mul3A_848, %add3A_849 : i32
      %get3A_851 = arith.index_cast %add3A_850 : i32 to index
      %get3A_852 = arith.constant 0 : index
      %get3A_853 = tpu.vector_load %arg5[%get3A_851, %get3A_852] {strides = array<i32>} : memref<256x32xf32, #tpu.memory_space<vmem>>, vector<1x16xf32>,
      %get3A_854 = vector.shape_cast %get3A_853 : vector<1x16xf32> to vector<16xf32>
      %swap3A_855 = arith.index_cast %add3A_794 : i32 to index
      %swap3A_856 = arith.constant 64 : index
      %swap3A_857 = tpu.vector_load %arg7[%swap3A_855, %swap3A_856] {strides = array<i32>} : memref<64x128xf32, #tpu.memory_space<vmem>>, vector<1x16xf32>,
      %swap3A_858 = vector.shape_cast %swap3A_857 : vector<1x16xf32> to vector<16xf32>
      %swap3A_859 = vector.shape_cast %get3A_854 : vector<16xf32> to vector<1x16xf32>
      tpu.vector_store %arg7[%swap3A_855, %swap3A_856], %swap3A_859 {strides = array<i32>} : memref<64x128xf32, #tpu.memory_space<vmem>>, vector<1x16xf32>,
      %mul3A_860 = arith.constant 4 : i32
      %mul3A_861 = arith.muli %mul3A_860, %add3A_794 : i32
      %add3A_862 = arith.constant 2 : i32
      %add3A_863 = arith.addi %mul3A_861, %add3A_862 : i32
      %get3A_864 = arith.index_cast %add3A_863 : i32 to index
      %get3A_865 = arith.constant 16 : index
      %get3A_866 = tpu.vector_load %arg5[%get3A_864, %get3A_865] {strides = array<i32>} : memref<256x32xf32, #tpu.memory_space<vmem>>, vector<1x16xf32>,
      %get3A_867 = vector.shape_cast %get3A_866 : vector<1x16xf32> to vector<16xf32>
      %swap3A_868 = arith.index_cast %add3A_794 : i32 to index
      %swap3A_869 = arith.constant 80 : index
      %swap3A_870 = tpu.vector_load %arg7[%swap3A_868, %swap3A_869] {strides = array<i32>} : memref<64x128xf32, #tpu.memory_space<vmem>>, vector<1x16xf32>,
      %swap3A_871 = vector.shape_cast %swap3A_870 : vector<1x16xf32> to vector<16xf32>
      %swap3A_872 = vector.shape_cast %get3A_867 : vector<16xf32> to vector<1x16xf32>
      tpu.vector_store %arg7[%swap3A_868, %swap3A_869], %swap3A_872 {strides = array<i32>} : memref<64x128xf32, #tpu.memory_space<vmem>>, vector<1x16xf32>,
      %mul3A_873 = arith.constant 4 : i32
      %mul3A_874 = arith.muli %mul3A_873, %add3A_794 : i32
      %add3A_875 = arith.constant 3 : i32
      %add3A_876 = arith.addi %mul3A_874, %add3A_875 : i32
      %get3A_877 = arith.index_cast %add3A_876 : i32 to index
      %get3A_878 = arith.constant 0 : index
      %get3A_879 = tpu.vector_load %arg5[%get3A_877, %get3A_878] {strides = array<i32>} : memref<256x32xf32, #tpu.memory_space<vmem>>, vector<1x16xf32>,
      %get3A_880 = vector.shape_cast %get3A_879 : vector<1x16xf32> to vector<16xf32>
      %swap3A_881 = arith.index_cast %add3A_794 : i32 to index
      %swap3A_882 = arith.constant 96 : index
      %swap3A_883 = tpu.vector_load %arg7[%swap3A_881, %swap3A_882] {strides = array<i32>} : memref<64x128xf32, #tpu.memory_space<vmem>>, vector<1x16xf32>,
      %swap3A_884 = vector.shape_cast %swap3A_883 : vector<1x16xf32> to vector<16xf32>
      %swap3A_885 = vector.shape_cast %get3A_880 : vector<16xf32> to vector<1x16xf32>
      tpu.vector_store %arg7[%swap3A_881, %swap3A_882], %swap3A_885 {strides = array<i32>} : memref<64x128xf32, #tpu.memory_space<vmem>>, vector<1x16xf32>,
      %mul3A_886 = arith.constant 4 : i32
      %mul3A_887 = arith.muli %mul3A_886, %add3A_794 : i32
      %add3A_888 = arith.constant 3 : i32
      %add3A_889 = arith.addi %mul3A_887, %add3A_888 : i32
      %get3A_890 = arith.index_cast %add3A_889 : i32 to index
      %get3A_891 = arith.constant 16 : index
      %get3A_892 = tpu.vector_load %arg5[%get3A_890, %get3A_891] {strides = array<i32>} : memref<256x32xf32, #tpu.memory_space<vmem>>, vector<1x16xf32>,
      %get3A_893 = vector.shape_cast %get3A_892 : vector<1x16xf32> to vector<16xf32>
      %swap3A_894 = arith.index_cast %add3A_794 : i32 to index
      %swap3A_895 = arith.constant 112 : index
      %swap3A_896 = tpu.vector_load %arg7[%swap3A_894, %swap3A_895] {strides = array<i32>} : memref<64x128xf32, #tpu.memory_space<vmem>>, vector<1x16xf32>,
      %swap3A_897 = vector.shape_cast %swap3A_896 : vector<1x16xf32> to vector<16xf32>
      %swap3A_898 = vector.shape_cast %get3A_893 : vector<16xf32> to vector<1x16xf32>
      tpu.vector_store %arg7[%swap3A_894, %swap3A_895], %swap3A_898 {strides = array<i32>} : memref<64x128xf32, #tpu.memory_space<vmem>>, vector<1x16xf32>,
    }
    %scan3A_191 = arith.constant 16 : i32
    %add3A_192 = arith.constant 768 : i32
    %add3A_193 = arith.addi %mul3A_0, %add3A_192 : i32
    %jit3A_194 = arith.constant 4 : i32
    %div3A_195 = arith.divsi %add3A_193, %jit3A_194 : i32
    %sign3A_196 = arith.constant 0 : i32
    %sign3A_197 = arith.cmpi sgt, %add3A_193, %sign3A_196 : i32
    %sign3A_198 = arith.extui %sign3A_197 : i1 to i32
    %sign3A_199 = arith.constant 0 : i32
    %sign3A_200 = arith.cmpi slt, %add3A_193, %sign3A_199 : i32
    %sign3A_201 = arith.extui %sign3A_200 : i1 to i32
    %sign3A_202 = arith.subi %sign3A_198, %sign3A_201 : i32
    %sign3A_203 = arith.constant 0 : i32
    %sign3A_204 = arith.cmpi sgt, %jit3A_194, %sign3A_203 : i32
    %sign3A_205 = arith.extui %sign3A_204 : i1 to i32
    %sign3A_206 = arith.constant 0 : i32
    %sign3A_207 = arith.cmpi slt, %jit3A_194, %sign3A_206 : i32
    %sign3A_208 = arith.extui %sign3A_207 : i1 to i32
    %sign3A_209 = arith.subi %sign3A_205, %sign3A_208 : i32
    %ne3A_210 = arith.cmpi ne, %sign3A_202, %sign3A_209 : i32
    %rem3A_211 = arith.remsi %add3A_193, %jit3A_194 : i32
    %ne3A_212 = arith.constant 0 : i32
    %ne3A_213 = arith.cmpi ne, %rem3A_211, %ne3A_212 : i32
    %and3A_214 = arith.andi %ne3A_210, %ne3A_213 : i1
    %sub3A_215 = arith.constant 1 : i32
    %sub3A_216 = arith.subi %div3A_195, %sub3A_215 : i32
    %select_n3A_217 = arith.select %and3A_214, %sub3A_216, %div3A_195 : i32
    %multiple_of3A_218 = tpu.assume_multiple %select_n3A_217, 64 : i32
    %dma_start3A_219 = arith.constant 0 : i32
    %dma_start3A_220 = tpu.memref_slice %arg3[%arg1, %multiple_of3A_218, %dma_start3A_219] : memref<16x1024x128xf32, #tpu.memory_space<hbm>> -> memref<1x64x128xf32, #tpu.memory_space<hbm>>
    %dma_start3A_221 = tpu.memref_squeeze %dma_start3A_220 : memref<1x64x128xf32, #tpu.memory_space<hbm>> -> memref<64x128xf32, #tpu.memory_space<hbm>>
    %dma_start3A_222 = arith.constant 0 : i32
    %dma_start3A_223 = tpu.memref_slice %arg3[%arg1, %multiple_of3A_218, %dma_start3A_222] : memref<16x1024x128xf32, #tpu.memory_space<hbm>> -> memref<1x64x128xf32, #tpu.memory_space<hbm>>
    %dma_start3A_224 = tpu.memref_squeeze %dma_start3A_223 : memref<1x64x128xf32, #tpu.memory_space<hbm>> -> memref<64x128xf32, #tpu.memory_space<hbm>>
    tpu.enqueue_dma source(%arg7 : memref<64x128xf32, #tpu.memory_space<vmem>>) target(%dma_start3A_224 : memref<64x128xf32, #tpu.memory_space<hbm>>) target_semaphore(%arg11 : memref<!tpu.dma_semaphore, #tpu.memory_space<semaphore_mem>>)
    %add3A_225 = arith.constant 1280 : i32
    %add3A_226 = arith.addi %mul3A_0, %add3A_225 : i32
    %multiple_of3A_227 = tpu.assume_multiple %add3A_226, 256 : i32
    %dma_start3A_228 = arith.constant 0 : i32
    %dma_start3A_229 = tpu.memref_slice %arg2[%arg1, %multiple_of3A_227, %dma_start3A_228] : memref<16x4096x32xf32, #tpu.memory_space<hbm>> -> memref<1x256x32xf32, #tpu.memory_space<hbm>>
    %dma_start3A_230 = tpu.memref_squeeze %dma_start3A_229 : memref<1x256x32xf32, #tpu.memory_space<hbm>> -> memref<256x32xf32, #tpu.memory_space<hbm>>
    %dma_start3A_231 = arith.constant 0 : i32
    %dma_start3A_232 = tpu.memref_slice %arg2[%arg1, %multiple_of3A_227, %dma_start3A_231] : memref<16x4096x32xf32, #tpu.memory_space<hbm>> -> memref<1x256x32xf32, #tpu.memory_space<hbm>>
    %dma_start3A_233 = tpu.memref_squeeze %dma_start3A_232 : memref<1x256x32xf32, #tpu.memory_space<hbm>> -> memref<256x32xf32, #tpu.memory_space<hbm>>
    tpu.enqueue_dma source(%dma_start3A_233 : memref<256x32xf32, #tpu.memory_space<hbm>>) target(%arg5 : memref<256x32xf32, #tpu.memory_space<vmem>>) target_semaphore(%arg9 : memref<!tpu.dma_semaphore, #tpu.memory_space<semaphore_mem>>)
    %dma_wait3A_234 = arith.constant 0 : i32
    %dma_wait3A_235 = tpu.memref_slice %arg2[%arg1, %multiple_of3A_167, %dma_wait3A_234] : memref<16x4096x32xf32, #tpu.memory_space<hbm>> -> memref<1x256x32xf32, #tpu.memory_space<hbm>>
    %dma_wait3A_236 = tpu.memref_squeeze %dma_wait3A_235 : memref<1x256x32xf32, #tpu.memory_space<hbm>> -> memref<256x32xf32, #tpu.memory_space<hbm>>
    %dma_wait3A_237 = arith.constant 0 : i32
    %dma_wait3A_238 = tpu.memref_slice %arg2[%arg1, %multiple_of3A_167, %dma_wait3A_237] : memref<16x4096x32xf32, #tpu.memory_space<hbm>> -> memref<1x256x32xf32, #tpu.memory_space<hbm>>
    %dma_wait3A_239 = tpu.memref_squeeze %dma_wait3A_238 : memref<1x256x32xf32, #tpu.memory_space<hbm>> -> memref<256x32xf32, #tpu.memory_space<hbm>>
    tpu.wait_dma2 semaphore(%arg8 : memref<!tpu.dma_semaphore, #tpu.memory_space<semaphore_mem>>) src(%dma_wait3A_239 : memref<256x32xf32, #tpu.memory_space<hbm>>) dst(%arg4 : memref<256x32xf32, #tpu.memory_space<vmem>>)
    %dma_wait3A_240 = arith.constant 0 : i32
    %dma_wait3A_241 = tpu.memref_slice %arg3[%arg1, %multiple_of3A_158, %dma_wait3A_240] : memref<16x1024x128xf32, #tpu.memory_space<hbm>> -> memref<1x64x128xf32, #tpu.memory_space<hbm>>
    %dma_wait3A_242 = tpu.memref_squeeze %dma_wait3A_241 : memref<1x64x128xf32, #tpu.memory_space<hbm>> -> memref<64x128xf32, #tpu.memory_space<hbm>>
    %dma_wait3A_243 = arith.constant 0 : i32
    %dma_wait3A_244 = tpu.memref_slice %arg3[%arg1, %multiple_of3A_158, %dma_wait3A_243] : memref<16x1024x128xf32, #tpu.memory_space<hbm>> -> memref<1x64x128xf32, #tpu.memory_space<hbm>>
    %dma_wait3A_245 = tpu.memref_squeeze %dma_wait3A_244 : memref<1x64x128xf32, #tpu.memory_space<hbm>> -> memref<64x128xf32, #tpu.memory_space<hbm>>
    tpu.wait_dma2 semaphore(%arg10 : memref<!tpu.dma_semaphore, #tpu.memory_space<semaphore_mem>>) src(%arg6 : memref<64x128xf32, #tpu.memory_space<vmem>>) dst(%dma_wait3A_245 : memref<64x128xf32, #tpu.memory_space<hbm>>)
    %scan3A_246 = arith.constant 0 : i32
    %scan3A_247 = arith.constant 0 : i32
    %scan3A_248 = arith.constant 16 : i32
    %scan3A_249 = arith.addi %scan3A_247, %scan3A_248 : i32
    %scan3A_250 = arith.constant 1 : i32
    scf.for %scan3A_468 = %scan3A_247 to %scan3A_249 step %scan3A_250  : i32 {
      %mul3A_469 = arith.constant 4 : i32
      %mul3A_470 = arith.muli %mul3A_469, %scan3A_468 : i32
      %add3A_471 = arith.constant 0 : i32
      %add3A_472 = arith.addi %mul3A_470, %add3A_471 : i32
      %mul3A_473 = arith.constant 4 : i32
      %mul3A_474 = arith.muli %mul3A_473, %add3A_472 : i32
      %add3A_475 = arith.constant 0 : i32
      %add3A_476 = arith.addi %mul3A_474, %add3A_475 : i32
      %get3A = arith.index_cast %add3A_476 : i32 to index
      %get3A_477 = arith.constant 0 : index
      %get3A_478 = tpu.vector_load %arg4[%get3A, %get3A_477] {strides = array<i32>} : memref<256x32xf32, #tpu.memory_space<vmem>>, vector<1x16xf32>,
      %get3A_479 = vector.shape_cast %get3A_478 : vector<1x16xf32> to vector<16xf32>
      %swap3A = arith.index_cast %add3A_472 : i32 to index
      %swap3A_480 = arith.constant 0 : index
      %swap3A_481 = tpu.vector_load %arg6[%swap3A, %swap3A_480] {strides = array<i32>} : memref<64x128xf32, #tpu.memory_space<vmem>>, vector<1x16xf32>,
      %swap3A_482 = vector.shape_cast %swap3A_481 : vector<1x16xf32> to vector<16xf32>
      %swap3A_483 = vector.shape_cast %get3A_479 : vector<16xf32> to vector<1x16xf32>
      tpu.vector_store %arg6[%swap3A, %swap3A_480], %swap3A_483 {strides = array<i32>} : memref<64x128xf32, #tpu.memory_space<vmem>>, vector<1x16xf32>,
      %mul3A_484 = arith.constant 4 : i32
      %mul3A_485 = arith.muli %mul3A_484, %add3A_472 : i32
      %add3A_486 = arith.constant 0 : i32
      %add3A_487 = arith.addi %mul3A_485, %add3A_486 : i32
      %get3A_488 = arith.index_cast %add3A_487 : i32 to index
      %get3A_489 = arith.constant 16 : index
      %get3A_490 = tpu.vector_load %arg4[%get3A_488, %get3A_489] {strides = array<i32>} : memref<256x32xf32, #tpu.memory_space<vmem>>, vector<1x16xf32>,
      %get3A_491 = vector.shape_cast %get3A_490 : vector<1x16xf32> to vector<16xf32>
      %swap3A_492 = arith.index_cast %add3A_472 : i32 to index
      %swap3A_493 = arith.constant 16 : index
      %swap3A_494 = tpu.vector_load %arg6[%swap3A_492, %swap3A_493] {strides = array<i32>} : memref<64x128xf32, #tpu.memory_space<vmem>>, vector<1x16xf32>,
      %swap3A_495 = vector.shape_cast %swap3A_494 : vector<1x16xf32> to vector<16xf32>
      %swap3A_496 = vector.shape_cast %get3A_491 : vector<16xf32> to vector<1x16xf32>
      tpu.vector_store %arg6[%swap3A_492, %swap3A_493], %swap3A_496 {strides = array<i32>} : memref<64x128xf32, #tpu.memory_space<vmem>>, vector<1x16xf32>,
      %mul3A_497 = arith.constant 4 : i32
      %mul3A_498 = arith.muli %mul3A_497, %add3A_472 : i32
      %add3A_499 = arith.constant 1 : i32
      %add3A_500 = arith.addi %mul3A_498, %add3A_499 : i32
      %get3A_501 = arith.index_cast %add3A_500 : i32 to index
      %get3A_502 = arith.constant 0 : index
      %get3A_503 = tpu.vector_load %arg4[%get3A_501, %get3A_502] {strides = array<i32>} : memref<256x32xf32, #tpu.memory_space<vmem>>, vector<1x16xf32>,
      %get3A_504 = vector.shape_cast %get3A_503 : vector<1x16xf32> to vector<16xf32>
      %swap3A_505 = arith.index_cast %add3A_472 : i32 to index
      %swap3A_506 = arith.constant 32 : index
      %swap3A_507 = tpu.vector_load %arg6[%swap3A_505, %swap3A_506] {strides = array<i32>} : memref<64x128xf32, #tpu.memory_space<vmem>>, vector<1x16xf32>,
      %swap3A_508 = vector.shape_cast %swap3A_507 : vector<1x16xf32> to vector<16xf32>
      %swap3A_509 = vector.shape_cast %get3A_504 : vector<16xf32> to vector<1x16xf32>
      tpu.vector_store %arg6[%swap3A_505, %swap3A_506], %swap3A_509 {strides = array<i32>} : memref<64x128xf32, #tpu.memory_space<vmem>>, vector<1x16xf32>,
      %mul3A_510 = arith.constant 4 : i32
      %mul3A_511 = arith.muli %mul3A_510, %add3A_472 : i32
      %add3A_512 = arith.constant 1 : i32
      %add3A_513 = arith.addi %mul3A_511, %add3A_512 : i32
      %get3A_514 = arith.index_cast %add3A_513 : i32 to index
      %get3A_515 = arith.constant 16 : index
      %get3A_516 = tpu.vector_load %arg4[%get3A_514, %get3A_515] {strides = array<i32>} : memref<256x32xf32, #tpu.memory_space<vmem>>, vector<1x16xf32>,
      %get3A_517 = vector.shape_cast %get3A_516 : vector<1x16xf32> to vector<16xf32>
      %swap3A_518 = arith.index_cast %add3A_472 : i32 to index
      %swap3A_519 = arith.constant 48 : index
      %swap3A_520 = tpu.vector_load %arg6[%swap3A_518, %swap3A_519] {strides = array<i32>} : memref<64x128xf32, #tpu.memory_space<vmem>>, vector<1x16xf32>,
      %swap3A_521 = vector.shape_cast %swap3A_520 : vector<1x16xf32> to vector<16xf32>
      %swap3A_522 = vector.shape_cast %get3A_517 : vector<16xf32> to vector<1x16xf32>
      tpu.vector_store %arg6[%swap3A_518, %swap3A_519], %swap3A_522 {strides = array<i32>} : memref<64x128xf32, #tpu.memory_space<vmem>>, vector<1x16xf32>,
      %mul3A_523 = arith.constant 4 : i32
      %mul3A_524 = arith.muli %mul3A_523, %add3A_472 : i32
      %add3A_525 = arith.constant 2 : i32
      %add3A_526 = arith.addi %mul3A_524, %add3A_525 : i32
      %get3A_527 = arith.index_cast %add3A_526 : i32 to index
      %get3A_528 = arith.constant 0 : index
      %get3A_529 = tpu.vector_load %arg4[%get3A_527, %get3A_528] {strides = array<i32>} : memref<256x32xf32, #tpu.memory_space<vmem>>, vector<1x16xf32>,
      %get3A_530 = vector.shape_cast %get3A_529 : vector<1x16xf32> to vector<16xf32>
      %swap3A_531 = arith.index_cast %add3A_472 : i32 to index
      %swap3A_532 = arith.constant 64 : index
      %swap3A_533 = tpu.vector_load %arg6[%swap3A_531, %swap3A_532] {strides = array<i32>} : memref<64x128xf32, #tpu.memory_space<vmem>>, vector<1x16xf32>,
      %swap3A_534 = vector.shape_cast %swap3A_533 : vector<1x16xf32> to vector<16xf32>
      %swap3A_535 = vector.shape_cast %get3A_530 : vector<16xf32> to vector<1x16xf32>
      tpu.vector_store %arg6[%swap3A_531, %swap3A_532], %swap3A_535 {strides = array<i32>} : memref<64x128xf32, #tpu.memory_space<vmem>>, vector<1x16xf32>,
      %mul3A_536 = arith.constant 4 : i32
      %mul3A_537 = arith.muli %mul3A_536, %add3A_472 : i32
      %add3A_538 = arith.constant 2 : i32
      %add3A_539 = arith.addi %mul3A_537, %add3A_538 : i32
      %get3A_540 = arith.index_cast %add3A_539 : i32 to index
      %get3A_541 = arith.constant 16 : index
      %get3A_542 = tpu.vector_load %arg4[%get3A_540, %get3A_541] {strides = array<i32>} : memref<256x32xf32, #tpu.memory_space<vmem>>, vector<1x16xf32>,
      %get3A_543 = vector.shape_cast %get3A_542 : vector<1x16xf32> to vector<16xf32>
      %swap3A_544 = arith.index_cast %add3A_472 : i32 to index
      %swap3A_545 = arith.constant 80 : index
      %swap3A_546 = tpu.vector_load %arg6[%swap3A_544, %swap3A_545] {strides = array<i32>} : memref<64x128xf32, #tpu.memory_space<vmem>>, vector<1x16xf32>,
      %swap3A_547 = vector.shape_cast %swap3A_546 : vector<1x16xf32> to vector<16xf32>
      %swap3A_548 = vector.shape_cast %get3A_543 : vector<16xf32> to vector<1x16xf32>
      tpu.vector_store %arg6[%swap3A_544, %swap3A_545], %swap3A_548 {strides = array<i32>} : memref<64x128xf32, #tpu.memory_space<vmem>>, vector<1x16xf32>,
      %mul3A_549 = arith.constant 4 : i32
      %mul3A_550 = arith.muli %mul3A_549, %add3A_472 : i32
      %add3A_551 = arith.constant 3 : i32
      %add3A_552 = arith.addi %mul3A_550, %add3A_551 : i32
      %get3A_553 = arith.index_cast %add3A_552 : i32 to index
      %get3A_554 = arith.constant 0 : index
      %get3A_555 = tpu.vector_load %arg4[%get3A_553, %get3A_554] {strides = array<i32>} : memref<256x32xf32, #tpu.memory_space<vmem>>, vector<1x16xf32>,
      %get3A_556 = vector.shape_cast %get3A_555 : vector<1x16xf32> to vector<16xf32>
      %swap3A_557 = arith.index_cast %add3A_472 : i32 to index
      %swap3A_558 = arith.constant 96 : index
      %swap3A_559 = tpu.vector_load %arg6[%swap3A_557, %swap3A_558] {strides = array<i32>} : memref<64x128xf32, #tpu.memory_space<vmem>>, vector<1x16xf32>,
      %swap3A_560 = vector.shape_cast %swap3A_559 : vector<1x16xf32> to vector<16xf32>
      %swap3A_561 = vector.shape_cast %get3A_556 : vector<16xf32> to vector<1x16xf32>
      tpu.vector_store %arg6[%swap3A_557, %swap3A_558], %swap3A_561 {strides = array<i32>} : memref<64x128xf32, #tpu.memory_space<vmem>>, vector<1x16xf32>,
      %mul3A_562 = arith.constant 4 : i32
      %mul3A_563 = arith.muli %mul3A_562, %add3A_472 : i32
      %add3A_564 = arith.constant 3 : i32
      %add3A_565 = arith.addi %mul3A_563, %add3A_564 : i32
      %get3A_566 = arith.index_cast %add3A_565 : i32 to index
      %get3A_567 = arith.constant 16 : index
      %get3A_568 = tpu.vector_load %arg4[%get3A_566, %get3A_567] {strides = array<i32>} : memref<256x32xf32, #tpu.memory_space<vmem>>, vector<1x16xf32>,
      %get3A_569 = vector.shape_cast %get3A_568 : vector<1x16xf32> to vector<16xf32>
      %swap3A_570 = arith.index_cast %add3A_472 : i32 to index
      %swap3A_571 = arith.constant 112 : index
      %swap3A_572 = tpu.vector_load %arg6[%swap3A_570, %swap3A_571] {strides = array<i32>} : memref<64x128xf32, #tpu.memory_space<vmem>>, vector<1x16xf32>,
      %swap3A_573 = vector.shape_cast %swap3A_572 : vector<1x16xf32> to vector<16xf32>
      %swap3A_574 = vector.shape_cast %get3A_569 : vector<16xf32> to vector<1x16xf32>
      tpu.vector_store %arg6[%swap3A_570, %swap3A_571], %swap3A_574 {strides = array<i32>} : memref<64x128xf32, #tpu.memory_space<vmem>>, vector<1x16xf32>,
      %mul3A_575 = arith.constant 4 : i32
      %mul3A_576 = arith.muli %mul3A_575, %scan3A_468 : i32
      %add3A_577 = arith.constant 1 : i32
      %add3A_578 = arith.addi %mul3A_576, %add3A_577 : i32
      %mul3A_579 = arith.constant 4 : i32
      %mul3A_580 = arith.muli %mul3A_579, %add3A_578 : i32
      %add3A_581 = arith.constant 0 : i32
      %add3A_582 = arith.addi %mul3A_580, %add3A_581 : i32
      %get3A_583 = arith.index_cast %add3A_582 : i32 to index
      %get3A_584 = arith.constant 0 : index
      %get3A_585 = tpu.vector_load %arg4[%get3A_583, %get3A_584] {strides = array<i32>} : memref<256x32xf32, #tpu.memory_space<vmem>>, vector<1x16xf32>,
      %get3A_586 = vector.shape_cast %get3A_585 : vector<1x16xf32> to vector<16xf32>
      %swap3A_587 = arith.index_cast %add3A_578 : i32 to index
      %swap3A_588 = arith.constant 0 : index
      %swap3A_589 = tpu.vector_load %arg6[%swap3A_587, %swap3A_588] {strides = array<i32>} : memref<64x128xf32, #tpu.memory_space<vmem>>, vector<1x16xf32>,
      %swap3A_590 = vector.shape_cast %swap3A_589 : vector<1x16xf32> to vector<16xf32>
      %swap3A_591 = vector.shape_cast %get3A_586 : vector<16xf32> to vector<1x16xf32>
      tpu.vector_store %arg6[%swap3A_587, %swap3A_588], %swap3A_591 {strides = array<i32>} : memref<64x128xf32, #tpu.memory_space<vmem>>, vector<1x16xf32>,
      %mul3A_592 = arith.constant 4 : i32
      %mul3A_593 = arith.muli %mul3A_592, %add3A_578 : i32
      %add3A_594 = arith.constant 0 : i32
      %add3A_595 = arith.addi %mul3A_593, %add3A_594 : i32
      %get3A_596 = arith.index_cast %add3A_595 : i32 to index
      %get3A_597 = arith.constant 16 : index
      %get3A_598 = tpu.vector_load %arg4[%get3A_596, %get3A_597] {strides = array<i32>} : memref<256x32xf32, #tpu.memory_space<vmem>>, vector<1x16xf32>,
      %get3A_599 = vector.shape_cast %get3A_598 : vector<1x16xf32> to vector<16xf32>
      %swap3A_600 = arith.index_cast %add3A_578 : i32 to index
      %swap3A_601 = arith.constant 16 : index
      %swap3A_602 = tpu.vector_load %arg6[%swap3A_600, %swap3A_601] {strides = array<i32>} : memref<64x128xf32, #tpu.memory_space<vmem>>, vector<1x16xf32>,
      %swap3A_603 = vector.shape_cast %swap3A_602 : vector<1x16xf32> to vector<16xf32>
      %swap3A_604 = vector.shape_cast %get3A_599 : vector<16xf32> to vector<1x16xf32>
      tpu.vector_store %arg6[%swap3A_600, %swap3A_601], %swap3A_604 {strides = array<i32>} : memref<64x128xf32, #tpu.memory_space<vmem>>, vector<1x16xf32>,
      %mul3A_605 = arith.constant 4 : i32
      %mul3A_606 = arith.muli %mul3A_605, %add3A_578 : i32
      %add3A_607 = arith.constant 1 : i32
      %add3A_608 = arith.addi %mul3A_606, %add3A_607 : i32
      %get3A_609 = arith.index_cast %add3A_608 : i32 to index
      %get3A_610 = arith.constant 0 : index
      %get3A_611 = tpu.vector_load %arg4[%get3A_609, %get3A_610] {strides = array<i32>} : memref<256x32xf32, #tpu.memory_space<vmem>>, vector<1x16xf32>,
      %get3A_612 = vector.shape_cast %get3A_611 : vector<1x16xf32> to vector<16xf32>
      %swap3A_613 = arith.index_cast %add3A_578 : i32 to index
      %swap3A_614 = arith.constant 32 : index
      %swap3A_615 = tpu.vector_load %arg6[%swap3A_613, %swap3A_614] {strides = array<i32>} : memref<64x128xf32, #tpu.memory_space<vmem>>, vector<1x16xf32>,
      %swap3A_616 = vector.shape_cast %swap3A_615 : vector<1x16xf32> to vector<16xf32>
      %swap3A_617 = vector.shape_cast %get3A_612 : vector<16xf32> to vector<1x16xf32>
      tpu.vector_store %arg6[%swap3A_613, %swap3A_614], %swap3A_617 {strides = array<i32>} : memref<64x128xf32, #tpu.memory_space<vmem>>, vector<1x16xf32>,
      %mul3A_618 = arith.constant 4 : i32
      %mul3A_619 = arith.muli %mul3A_618, %add3A_578 : i32
      %add3A_620 = arith.constant 1 : i32
      %add3A_621 = arith.addi %mul3A_619, %add3A_620 : i32
      %get3A_622 = arith.index_cast %add3A_621 : i32 to index
      %get3A_623 = arith.constant 16 : index
      %get3A_624 = tpu.vector_load %arg4[%get3A_622, %get3A_623] {strides = array<i32>} : memref<256x32xf32, #tpu.memory_space<vmem>>, vector<1x16xf32>,
      %get3A_625 = vector.shape_cast %get3A_624 : vector<1x16xf32> to vector<16xf32>
      %swap3A_626 = arith.index_cast %add3A_578 : i32 to index
      %swap3A_627 = arith.constant 48 : index
      %swap3A_628 = tpu.vector_load %arg6[%swap3A_626, %swap3A_627] {strides = array<i32>} : memref<64x128xf32, #tpu.memory_space<vmem>>, vector<1x16xf32>,
      %swap3A_629 = vector.shape_cast %swap3A_628 : vector<1x16xf32> to vector<16xf32>
      %swap3A_630 = vector.shape_cast %get3A_625 : vector<16xf32> to vector<1x16xf32>
      tpu.vector_store %arg6[%swap3A_626, %swap3A_627], %swap3A_630 {strides = array<i32>} : memref<64x128xf32, #tpu.memory_space<vmem>>, vector<1x16xf32>,
      %mul3A_631 = arith.constant 4 : i32
      %mul3A_632 = arith.muli %mul3A_631, %add3A_578 : i32
      %add3A_633 = arith.constant 2 : i32
      %add3A_634 = arith.addi %mul3A_632, %add3A_633 : i32
      %get3A_635 = arith.index_cast %add3A_634 : i32 to index
      %get3A_636 = arith.constant 0 : index
      %get3A_637 = tpu.vector_load %arg4[%get3A_635, %get3A_636] {strides = array<i32>} : memref<256x32xf32, #tpu.memory_space<vmem>>, vector<1x16xf32>,
      %get3A_638 = vector.shape_cast %get3A_637 : vector<1x16xf32> to vector<16xf32>
      %swap3A_639 = arith.index_cast %add3A_578 : i32 to index
      %swap3A_640 = arith.constant 64 : index
      %swap3A_641 = tpu.vector_load %arg6[%swap3A_639, %swap3A_640] {strides = array<i32>} : memref<64x128xf32, #tpu.memory_space<vmem>>, vector<1x16xf32>,
      %swap3A_642 = vector.shape_cast %swap3A_641 : vector<1x16xf32> to vector<16xf32>
      %swap3A_643 = vector.shape_cast %get3A_638 : vector<16xf32> to vector<1x16xf32>
      tpu.vector_store %arg6[%swap3A_639, %swap3A_640], %swap3A_643 {strides = array<i32>} : memref<64x128xf32, #tpu.memory_space<vmem>>, vector<1x16xf32>,
      %mul3A_644 = arith.constant 4 : i32
      %mul3A_645 = arith.muli %mul3A_644, %add3A_578 : i32
      %add3A_646 = arith.constant 2 : i32
      %add3A_647 = arith.addi %mul3A_645, %add3A_646 : i32
      %get3A_648 = arith.index_cast %add3A_647 : i32 to index
      %get3A_649 = arith.constant 16 : index
      %get3A_650 = tpu.vector_load %arg4[%get3A_648, %get3A_649] {strides = array<i32>} : memref<256x32xf32, #tpu.memory_space<vmem>>, vector<1x16xf32>,
      %get3A_651 = vector.shape_cast %get3A_650 : vector<1x16xf32> to vector<16xf32>
      %swap3A_652 = arith.index_cast %add3A_578 : i32 to index
      %swap3A_653 = arith.constant 80 : index
      %swap3A_654 = tpu.vector_load %arg6[%swap3A_652, %swap3A_653] {strides = array<i32>} : memref<64x128xf32, #tpu.memory_space<vmem>>, vector<1x16xf32>,
      %swap3A_655 = vector.shape_cast %swap3A_654 : vector<1x16xf32> to vector<16xf32>
      %swap3A_656 = vector.shape_cast %get3A_651 : vector<16xf32> to vector<1x16xf32>
      tpu.vector_store %arg6[%swap3A_652, %swap3A_653], %swap3A_656 {strides = array<i32>} : memref<64x128xf32, #tpu.memory_space<vmem>>, vector<1x16xf32>,
      %mul3A_657 = arith.constant 4 : i32
      %mul3A_658 = arith.muli %mul3A_657, %add3A_578 : i32
      %add3A_659 = arith.constant 3 : i32
      %add3A_660 = arith.addi %mul3A_658, %add3A_659 : i32
      %get3A_661 = arith.index_cast %add3A_660 : i32 to index
      %get3A_662 = arith.constant 0 : index
      %get3A_663 = tpu.vector_load %arg4[%get3A_661, %get3A_662] {strides = array<i32>} : memref<256x32xf32, #tpu.memory_space<vmem>>, vector<1x16xf32>,
      %get3A_664 = vector.shape_cast %get3A_663 : vector<1x16xf32> to vector<16xf32>
      %swap3A_665 = arith.index_cast %add3A_578 : i32 to index
      %swap3A_666 = arith.constant 96 : index
      %swap3A_667 = tpu.vector_load %arg6[%swap3A_665, %swap3A_666] {strides = array<i32>} : memref<64x128xf32, #tpu.memory_space<vmem>>, vector<1x16xf32>,
      %swap3A_668 = vector.shape_cast %swap3A_667 : vector<1x16xf32> to vector<16xf32>
      %swap3A_669 = vector.shape_cast %get3A_664 : vector<16xf32> to vector<1x16xf32>
      tpu.vector_store %arg6[%swap3A_665, %swap3A_666], %swap3A_669 {strides = array<i32>} : memref<64x128xf32, #tpu.memory_space<vmem>>, vector<1x16xf32>,
      %mul3A_670 = arith.constant 4 : i32
      %mul3A_671 = arith.muli %mul3A_670, %add3A_578 : i32
      %add3A_672 = arith.constant 3 : i32
      %add3A_673 = arith.addi %mul3A_671, %add3A_672 : i32
      %get3A_674 = arith.index_cast %add3A_673 : i32 to index
      %get3A_675 = arith.constant 16 : index
      %get3A_676 = tpu.vector_load %arg4[%get3A_674, %get3A_675] {strides = array<i32>} : memref<256x32xf32, #tpu.memory_space<vmem>>, vector<1x16xf32>,
      %get3A_677 = vector.shape_cast %get3A_676 : vector<1x16xf32> to vector<16xf32>
      %swap3A_678 = arith.index_cast %add3A_578 : i32 to index
      %swap3A_679 = arith.constant 112 : index
      %swap3A_680 = tpu.vector_load %arg6[%swap3A_678, %swap3A_679] {strides = array<i32>} : memref<64x128xf32, #tpu.memory_space<vmem>>, vector<1x16xf32>,
      %swap3A_681 = vector.shape_cast %swap3A_680 : vector<1x16xf32> to vector<16xf32>
      %swap3A_682 = vector.shape_cast %get3A_677 : vector<16xf32> to vector<1x16xf32>
      tpu.vector_store %arg6[%swap3A_678, %swap3A_679], %swap3A_682 {strides = array<i32>} : memref<64x128xf32, #tpu.memory_space<vmem>>, vector<1x16xf32>,
      %mul3A_683 = arith.constant 4 : i32
      %mul3A_684 = arith.muli %mul3A_683, %scan3A_468 : i32
      %add3A_685 = arith.constant 2 : i32
      %add3A_686 = arith.addi %mul3A_684, %add3A_685 : i32
      %mul3A_687 = arith.constant 4 : i32
      %mul3A_688 = arith.muli %mul3A_687, %add3A_686 : i32
      %add3A_689 = arith.constant 0 : i32
      %add3A_690 = arith.addi %mul3A_688, %add3A_689 : i32
      %get3A_691 = arith.index_cast %add3A_690 : i32 to index
      %get3A_692 = arith.constant 0 : index
      %get3A_693 = tpu.vector_load %arg4[%get3A_691, %get3A_692] {strides = array<i32>} : memref<256x32xf32, #tpu.memory_space<vmem>>, vector<1x16xf32>,
      %get3A_694 = vector.shape_cast %get3A_693 : vector<1x16xf32> to vector<16xf32>
      %swap3A_695 = arith.index_cast %add3A_686 : i32 to index
      %swap3A_696 = arith.constant 0 : index
      %swap3A_697 = tpu.vector_load %arg6[%swap3A_695, %swap3A_696] {strides = array<i32>} : memref<64x128xf32, #tpu.memory_space<vmem>>, vector<1x16xf32>,
      %swap3A_698 = vector.shape_cast %swap3A_697 : vector<1x16xf32> to vector<16xf32>
      %swap3A_699 = vector.shape_cast %get3A_694 : vector<16xf32> to vector<1x16xf32>
      tpu.vector_store %arg6[%swap3A_695, %swap3A_696], %swap3A_699 {strides = array<i32>} : memref<64x128xf32, #tpu.memory_space<vmem>>, vector<1x16xf32>,
      %mul3A_700 = arith.constant 4 : i32
      %mul3A_701 = arith.muli %mul3A_700, %add3A_686 : i32
      %add3A_702 = arith.constant 0 : i32
      %add3A_703 = arith.addi %mul3A_701, %add3A_702 : i32
      %get3A_704 = arith.index_cast %add3A_703 : i32 to index
      %get3A_705 = arith.constant 16 : index
      %get3A_706 = tpu.vector_load %arg4[%get3A_704, %get3A_705] {strides = array<i32>} : memref<256x32xf32, #tpu.memory_space<vmem>>, vector<1x16xf32>,
      %get3A_707 = vector.shape_cast %get3A_706 : vector<1x16xf32> to vector<16xf32>
      %swap3A_708 = arith.index_cast %add3A_686 : i32 to index
      %swap3A_709 = arith.constant 16 : index
      %swap3A_710 = tpu.vector_load %arg6[%swap3A_708, %swap3A_709] {strides = array<i32>} : memref<64x128xf32, #tpu.memory_space<vmem>>, vector<1x16xf32>,
      %swap3A_711 = vector.shape_cast %swap3A_710 : vector<1x16xf32> to vector<16xf32>
      %swap3A_712 = vector.shape_cast %get3A_707 : vector<16xf32> to vector<1x16xf32>
      tpu.vector_store %arg6[%swap3A_708, %swap3A_709], %swap3A_712 {strides = array<i32>} : memref<64x128xf32, #tpu.memory_space<vmem>>, vector<1x16xf32>,
      %mul3A_713 = arith.constant 4 : i32
      %mul3A_714 = arith.muli %mul3A_713, %add3A_686 : i32
      %add3A_715 = arith.constant 1 : i32
      %add3A_716 = arith.addi %mul3A_714, %add3A_715 : i32
      %get3A_717 = arith.index_cast %add3A_716 : i32 to index
      %get3A_718 = arith.constant 0 : index
      %get3A_719 = tpu.vector_load %arg4[%get3A_717, %get3A_718] {strides = array<i32>} : memref<256x32xf32, #tpu.memory_space<vmem>>, vector<1x16xf32>,
      %get3A_720 = vector.shape_cast %get3A_719 : vector<1x16xf32> to vector<16xf32>
      %swap3A_721 = arith.index_cast %add3A_686 : i32 to index
      %swap3A_722 = arith.constant 32 : index
      %swap3A_723 = tpu.vector_load %arg6[%swap3A_721, %swap3A_722] {strides = array<i32>} : memref<64x128xf32, #tpu.memory_space<vmem>>, vector<1x16xf32>,
      %swap3A_724 = vector.shape_cast %swap3A_723 : vector<1x16xf32> to vector<16xf32>
      %swap3A_725 = vector.shape_cast %get3A_720 : vector<16xf32> to vector<1x16xf32>
      tpu.vector_store %arg6[%swap3A_721, %swap3A_722], %swap3A_725 {strides = array<i32>} : memref<64x128xf32, #tpu.memory_space<vmem>>, vector<1x16xf32>,
      %mul3A_726 = arith.constant 4 : i32
      %mul3A_727 = arith.muli %mul3A_726, %add3A_686 : i32
      %add3A_728 = arith.constant 1 : i32
      %add3A_729 = arith.addi %mul3A_727, %add3A_728 : i32
      %get3A_730 = arith.index_cast %add3A_729 : i32 to index
      %get3A_731 = arith.constant 16 : index
      %get3A_732 = tpu.vector_load %arg4[%get3A_730, %get3A_731] {strides = array<i32>} : memref<256x32xf32, #tpu.memory_space<vmem>>, vector<1x16xf32>,
      %get3A_733 = vector.shape_cast %get3A_732 : vector<1x16xf32> to vector<16xf32>
      %swap3A_734 = arith.index_cast %add3A_686 : i32 to index
      %swap3A_735 = arith.constant 48 : index
      %swap3A_736 = tpu.vector_load %arg6[%swap3A_734, %swap3A_735] {strides = array<i32>} : memref<64x128xf32, #tpu.memory_space<vmem>>, vector<1x16xf32>,
      %swap3A_737 = vector.shape_cast %swap3A_736 : vector<1x16xf32> to vector<16xf32>
      %swap3A_738 = vector.shape_cast %get3A_733 : vector<16xf32> to vector<1x16xf32>
      tpu.vector_store %arg6[%swap3A_734, %swap3A_735], %swap3A_738 {strides = array<i32>} : memref<64x128xf32, #tpu.memory_space<vmem>>, vector<1x16xf32>,
      %mul3A_739 = arith.constant 4 : i32
      %mul3A_740 = arith.muli %mul3A_739, %add3A_686 : i32
      %add3A_741 = arith.constant 2 : i32
      %add3A_742 = arith.addi %mul3A_740, %add3A_741 : i32
      %get3A_743 = arith.index_cast %add3A_742 : i32 to index
      %get3A_744 = arith.constant 0 : index
      %get3A_745 = tpu.vector_load %arg4[%get3A_743, %get3A_744] {strides = array<i32>} : memref<256x32xf32, #tpu.memory_space<vmem>>, vector<1x16xf32>,
      %get3A_746 = vector.shape_cast %get3A_745 : vector<1x16xf32> to vector<16xf32>
      %swap3A_747 = arith.index_cast %add3A_686 : i32 to index
      %swap3A_748 = arith.constant 64 : index
      %swap3A_749 = tpu.vector_load %arg6[%swap3A_747, %swap3A_748] {strides = array<i32>} : memref<64x128xf32, #tpu.memory_space<vmem>>, vector<1x16xf32>,
      %swap3A_750 = vector.shape_cast %swap3A_749 : vector<1x16xf32> to vector<16xf32>
      %swap3A_751 = vector.shape_cast %get3A_746 : vector<16xf32> to vector<1x16xf32>
      tpu.vector_store %arg6[%swap3A_747, %swap3A_748], %swap3A_751 {strides = array<i32>} : memref<64x128xf32, #tpu.memory_space<vmem>>, vector<1x16xf32>,
      %mul3A_752 = arith.constant 4 : i32
      %mul3A_753 = arith.muli %mul3A_752, %add3A_686 : i32
      %add3A_754 = arith.constant 2 : i32
      %add3A_755 = arith.addi %mul3A_753, %add3A_754 : i32
      %get3A_756 = arith.index_cast %add3A_755 : i32 to index
      %get3A_757 = arith.constant 16 : index
      %get3A_758 = tpu.vector_load %arg4[%get3A_756, %get3A_757] {strides = array<i32>} : memref<256x32xf32, #tpu.memory_space<vmem>>, vector<1x16xf32>,
      %get3A_759 = vector.shape_cast %get3A_758 : vector<1x16xf32> to vector<16xf32>
      %swap3A_760 = arith.index_cast %add3A_686 : i32 to index
      %swap3A_761 = arith.constant 80 : index
      %swap3A_762 = tpu.vector_load %arg6[%swap3A_760, %swap3A_761] {strides = array<i32>} : memref<64x128xf32, #tpu.memory_space<vmem>>, vector<1x16xf32>,
      %swap3A_763 = vector.shape_cast %swap3A_762 : vector<1x16xf32> to vector<16xf32>
      %swap3A_764 = vector.shape_cast %get3A_759 : vector<16xf32> to vector<1x16xf32>
      tpu.vector_store %arg6[%swap3A_760, %swap3A_761], %swap3A_764 {strides = array<i32>} : memref<64x128xf32, #tpu.memory_space<vmem>>, vector<1x16xf32>,
      %mul3A_765 = arith.constant 4 : i32
      %mul3A_766 = arith.muli %mul3A_765, %add3A_686 : i32
      %add3A_767 = arith.constant 3 : i32
      %add3A_768 = arith.addi %mul3A_766, %add3A_767 : i32
      %get3A_769 = arith.index_cast %add3A_768 : i32 to index
      %get3A_770 = arith.constant 0 : index
      %get3A_771 = tpu.vector_load %arg4[%get3A_769, %get3A_770] {strides = array<i32>} : memref<256x32xf32, #tpu.memory_space<vmem>>, vector<1x16xf32>,
      %get3A_772 = vector.shape_cast %get3A_771 : vector<1x16xf32> to vector<16xf32>
      %swap3A_773 = arith.index_cast %add3A_686 : i32 to index
      %swap3A_774 = arith.constant 96 : index
      %swap3A_775 = tpu.vector_load %arg6[%swap3A_773, %swap3A_774] {strides = array<i32>} : memref<64x128xf32, #tpu.memory_space<vmem>>, vector<1x16xf32>,
      %swap3A_776 = vector.shape_cast %swap3A_775 : vector<1x16xf32> to vector<16xf32>
      %swap3A_777 = vector.shape_cast %get3A_772 : vector<16xf32> to vector<1x16xf32>
      tpu.vector_store %arg6[%swap3A_773, %swap3A_774], %swap3A_777 {strides = array<i32>} : memref<64x128xf32, #tpu.memory_space<vmem>>, vector<1x16xf32>,
      %mul3A_778 = arith.constant 4 : i32
      %mul3A_779 = arith.muli %mul3A_778, %add3A_686 : i32
      %add3A_780 = arith.constant 3 : i32
      %add3A_781 = arith.addi %mul3A_779, %add3A_780 : i32
      %get3A_782 = arith.index_cast %add3A_781 : i32 to index
      %get3A_783 = arith.constant 16 : index
      %get3A_784 = tpu.vector_load %arg4[%get3A_782, %get3A_783] {strides = array<i32>} : memref<256x32xf32, #tpu.memory_space<vmem>>, vector<1x16xf32>,
      %get3A_785 = vector.shape_cast %get3A_784 : vector<1x16xf32> to vector<16xf32>
      %swap3A_786 = arith.index_cast %add3A_686 : i32 to index
      %swap3A_787 = arith.constant 112 : index
      %swap3A_788 = tpu.vector_load %arg6[%swap3A_786, %swap3A_787] {strides = array<i32>} : memref<64x128xf32, #tpu.memory_space<vmem>>, vector<1x16xf32>,
      %swap3A_789 = vector.shape_cast %swap3A_788 : vector<1x16xf32> to vector<16xf32>
      %swap3A_790 = vector.shape_cast %get3A_785 : vector<16xf32> to vector<1x16xf32>
      tpu.vector_store %arg6[%swap3A_786, %swap3A_787], %swap3A_790 {strides = array<i32>} : memref<64x128xf32, #tpu.memory_space<vmem>>, vector<1x16xf32>,
      %mul3A_791 = arith.constant 4 : i32
      %mul3A_792 = arith.muli %mul3A_791, %scan3A_468 : i32
      %add3A_793 = arith.constant 3 : i32
      %add3A_794 = arith.addi %mul3A_792, %add3A_793 : i32
      %mul3A_795 = arith.constant 4 : i32
      %mul3A_796 = arith.muli %mul3A_795, %add3A_794 : i32
      %add3A_797 = arith.constant 0 : i32
      %add3A_798 = arith.addi %mul3A_796, %add3A_797 : i32
      %get3A_799 = arith.index_cast %add3A_798 : i32 to index
      %get3A_800 = arith.constant 0 : index
      %get3A_801 = tpu.vector_load %arg4[%get3A_799, %get3A_800] {strides = array<i32>} : memref<256x32xf32, #tpu.memory_space<vmem>>, vector<1x16xf32>,
      %get3A_802 = vector.shape_cast %get3A_801 : vector<1x16xf32> to vector<16xf32>
      %swap3A_803 = arith.index_cast %add3A_794 : i32 to index
      %swap3A_804 = arith.constant 0 : index
      %swap3A_805 = tpu.vector_load %arg6[%swap3A_803, %swap3A_804] {strides = array<i32>} : memref<64x128xf32, #tpu.memory_space<vmem>>, vector<1x16xf32>,
      %swap3A_806 = vector.shape_cast %swap3A_805 : vector<1x16xf32> to vector<16xf32>
      %swap3A_807 = vector.shape_cast %get3A_802 : vector<16xf32> to vector<1x16xf32>
      tpu.vector_store %arg6[%swap3A_803, %swap3A_804], %swap3A_807 {strides = array<i32>} : memref<64x128xf32, #tpu.memory_space<vmem>>, vector<1x16xf32>,
      %mul3A_808 = arith.constant 4 : i32
      %mul3A_809 = arith.muli %mul3A_808, %add3A_794 : i32
      %add3A_810 = arith.constant 0 : i32
      %add3A_811 = arith.addi %mul3A_809, %add3A_810 : i32
      %get3A_812 = arith.index_cast %add3A_811 : i32 to index
      %get3A_813 = arith.constant 16 : index
      %get3A_814 = tpu.vector_load %arg4[%get3A_812, %get3A_813] {strides = array<i32>} : memref<256x32xf32, #tpu.memory_space<vmem>>, vector<1x16xf32>,
      %get3A_815 = vector.shape_cast %get3A_814 : vector<1x16xf32> to vector<16xf32>
      %swap3A_816 = arith.index_cast %add3A_794 : i32 to index
      %swap3A_817 = arith.constant 16 : index
      %swap3A_818 = tpu.vector_load %arg6[%swap3A_816, %swap3A_817] {strides = array<i32>} : memref<64x128xf32, #tpu.memory_space<vmem>>, vector<1x16xf32>,
      %swap3A_819 = vector.shape_cast %swap3A_818 : vector<1x16xf32> to vector<16xf32>
      %swap3A_820 = vector.shape_cast %get3A_815 : vector<16xf32> to vector<1x16xf32>
      tpu.vector_store %arg6[%swap3A_816, %swap3A_817], %swap3A_820 {strides = array<i32>} : memref<64x128xf32, #tpu.memory_space<vmem>>, vector<1x16xf32>,
      %mul3A_821 = arith.constant 4 : i32
      %mul3A_822 = arith.muli %mul3A_821, %add3A_794 : i32
      %add3A_823 = arith.constant 1 : i32
      %add3A_824 = arith.addi %mul3A_822, %add3A_823 : i32
      %get3A_825 = arith.index_cast %add3A_824 : i32 to index
      %get3A_826 = arith.constant 0 : index
      %get3A_827 = tpu.vector_load %arg4[%get3A_825, %get3A_826] {strides = array<i32>} : memref<256x32xf32, #tpu.memory_space<vmem>>, vector<1x16xf32>,
      %get3A_828 = vector.shape_cast %get3A_827 : vector<1x16xf32> to vector<16xf32>
      %swap3A_829 = arith.index_cast %add3A_794 : i32 to index
      %swap3A_830 = arith.constant 32 : index
      %swap3A_831 = tpu.vector_load %arg6[%swap3A_829, %swap3A_830] {strides = array<i32>} : memref<64x128xf32, #tpu.memory_space<vmem>>, vector<1x16xf32>,
      %swap3A_832 = vector.shape_cast %swap3A_831 : vector<1x16xf32> to vector<16xf32>
      %swap3A_833 = vector.shape_cast %get3A_828 : vector<16xf32> to vector<1x16xf32>
      tpu.vector_store %arg6[%swap3A_829, %swap3A_830], %swap3A_833 {strides = array<i32>} : memref<64x128xf32, #tpu.memory_space<vmem>>, vector<1x16xf32>,
      %mul3A_834 = arith.constant 4 : i32
      %mul3A_835 = arith.muli %mul3A_834, %add3A_794 : i32
      %add3A_836 = arith.constant 1 : i32
      %add3A_837 = arith.addi %mul3A_835, %add3A_836 : i32
      %get3A_838 = arith.index_cast %add3A_837 : i32 to index
      %get3A_839 = arith.constant 16 : index
      %get3A_840 = tpu.vector_load %arg4[%get3A_838, %get3A_839] {strides = array<i32>} : memref<256x32xf32, #tpu.memory_space<vmem>>, vector<1x16xf32>,
      %get3A_841 = vector.shape_cast %get3A_840 : vector<1x16xf32> to vector<16xf32>
      %swap3A_842 = arith.index_cast %add3A_794 : i32 to index
      %swap3A_843 = arith.constant 48 : index
      %swap3A_844 = tpu.vector_load %arg6[%swap3A_842, %swap3A_843] {strides = array<i32>} : memref<64x128xf32, #tpu.memory_space<vmem>>, vector<1x16xf32>,
      %swap3A_845 = vector.shape_cast %swap3A_844 : vector<1x16xf32> to vector<16xf32>
      %swap3A_846 = vector.shape_cast %get3A_841 : vector<16xf32> to vector<1x16xf32>
      tpu.vector_store %arg6[%swap3A_842, %swap3A_843], %swap3A_846 {strides = array<i32>} : memref<64x128xf32, #tpu.memory_space<vmem>>, vector<1x16xf32>,
      %mul3A_847 = arith.constant 4 : i32
      %mul3A_848 = arith.muli %mul3A_847, %add3A_794 : i32
      %add3A_849 = arith.constant 2 : i32
      %add3A_850 = arith.addi %mul3A_848, %add3A_849 : i32
      %get3A_851 = arith.index_cast %add3A_850 : i32 to index
      %get3A_852 = arith.constant 0 : index
      %get3A_853 = tpu.vector_load %arg4[%get3A_851, %get3A_852] {strides = array<i32>} : memref<256x32xf32, #tpu.memory_space<vmem>>, vector<1x16xf32>,
      %get3A_854 = vector.shape_cast %get3A_853 : vector<1x16xf32> to vector<16xf32>
      %swap3A_855 = arith.index_cast %add3A_794 : i32 to index
      %swap3A_856 = arith.constant 64 : index
      %swap3A_857 = tpu.vector_load %arg6[%swap3A_855, %swap3A_856] {strides = array<i32>} : memref<64x128xf32, #tpu.memory_space<vmem>>, vector<1x16xf32>,
      %swap3A_858 = vector.shape_cast %swap3A_857 : vector<1x16xf32> to vector<16xf32>
      %swap3A_859 = vector.shape_cast %get3A_854 : vector<16xf32> to vector<1x16xf32>
      tpu.vector_store %arg6[%swap3A_855, %swap3A_856], %swap3A_859 {strides = array<i32>} : memref<64x128xf32, #tpu.memory_space<vmem>>, vector<1x16xf32>,
      %mul3A_860 = arith.constant 4 : i32
      %mul3A_861 = arith.muli %mul3A_860, %add3A_794 : i32
      %add3A_862 = arith.constant 2 : i32
      %add3A_863 = arith.addi %mul3A_861, %add3A_862 : i32
      %get3A_864 = arith.index_cast %add3A_863 : i32 to index
      %get3A_865 = arith.constant 16 : index
      %get3A_866 = tpu.vector_load %arg4[%get3A_864, %get3A_865] {strides = array<i32>} : memref<256x32xf32, #tpu.memory_space<vmem>>, vector<1x16xf32>,
      %get3A_867 = vector.shape_cast %get3A_866 : vector<1x16xf32> to vector<16xf32>
      %swap3A_868 = arith.index_cast %add3A_794 : i32 to index
      %swap3A_869 = arith.constant 80 : index
      %swap3A_870 = tpu.vector_load %arg6[%swap3A_868, %swap3A_869] {strides = array<i32>} : memref<64x128xf32, #tpu.memory_space<vmem>>, vector<1x16xf32>,
      %swap3A_871 = vector.shape_cast %swap3A_870 : vector<1x16xf32> to vector<16xf32>
      %swap3A_872 = vector.shape_cast %get3A_867 : vector<16xf32> to vector<1x16xf32>
      tpu.vector_store %arg6[%swap3A_868, %swap3A_869], %swap3A_872 {strides = array<i32>} : memref<64x128xf32, #tpu.memory_space<vmem>>, vector<1x16xf32>,
      %mul3A_873 = arith.constant 4 : i32
      %mul3A_874 = arith.muli %mul3A_873, %add3A_794 : i32
      %add3A_875 = arith.constant 3 : i32
      %add3A_876 = arith.addi %mul3A_874, %add3A_875 : i32
      %get3A_877 = arith.index_cast %add3A_876 : i32 to index
      %get3A_878 = arith.constant 0 : index
      %get3A_879 = tpu.vector_load %arg4[%get3A_877, %get3A_878] {strides = array<i32>} : memref<256x32xf32, #tpu.memory_space<vmem>>, vector<1x16xf32>,
      %get3A_880 = vector.shape_cast %get3A_879 : vector<1x16xf32> to vector<16xf32>
      %swap3A_881 = arith.index_cast %add3A_794 : i32 to index
      %swap3A_882 = arith.constant 96 : index
      %swap3A_883 = tpu.vector_load %arg6[%swap3A_881, %swap3A_882] {strides = array<i32>} : memref<64x128xf32, #tpu.memory_space<vmem>>, vector<1x16xf32>,
      %swap3A_884 = vector.shape_cast %swap3A_883 : vector<1x16xf32> to vector<16xf32>
      %swap3A_885 = vector.shape_cast %get3A_880 : vector<16xf32> to vector<1x16xf32>
      tpu.vector_store %arg6[%swap3A_881, %swap3A_882], %swap3A_885 {strides = array<i32>} : memref<64x128xf32, #tpu.memory_space<vmem>>, vector<1x16xf32>,
      %mul3A_886 = arith.constant 4 : i32
      %mul3A_887 = arith.muli %mul3A_886, %add3A_794 : i32
      %add3A_888 = arith.constant 3 : i32
      %add3A_889 = arith.addi %mul3A_887, %add3A_888 : i32
      %get3A_890 = arith.index_cast %add3A_889 : i32 to index
      %get3A_891 = arith.constant 16 : index
      %get3A_892 = tpu.vector_load %arg4[%get3A_890, %get3A_891] {strides = array<i32>} : memref<256x32xf32, #tpu.memory_space<vmem>>, vector<1x16xf32>,
      %get3A_893 = vector.shape_cast %get3A_892 : vector<1x16xf32> to vector<16xf32>
      %swap3A_894 = arith.index_cast %add3A_794 : i32 to index
      %swap3A_895 = arith.constant 112 : index
      %swap3A_896 = tpu.vector_load %arg6[%swap3A_894, %swap3A_895] {strides = array<i32>} : memref<64x128xf32, #tpu.memory_space<vmem>>, vector<1x16xf32>,
      %swap3A_897 = vector.shape_cast %swap3A_896 : vector<1x16xf32> to vector<16xf32>
      %swap3A_898 = vector.shape_cast %get3A_893 : vector<16xf32> to vector<1x16xf32>
      tpu.vector_store %arg6[%swap3A_894, %swap3A_895], %swap3A_898 {strides = array<i32>} : memref<64x128xf32, #tpu.memory_space<vmem>>, vector<1x16xf32>,
    }
    %scan3A_251 = arith.constant 16 : i32
    %add3A_252 = arith.constant 1024 : i32
    %add3A_253 = arith.addi %mul3A_0, %add3A_252 : i32
    %jit3A_254 = arith.constant 4 : i32
    %div3A_255 = arith.divsi %add3A_253, %jit3A_254 : i32
    %sign3A_256 = arith.constant 0 : i32
    %sign3A_257 = arith.cmpi sgt, %add3A_253, %sign3A_256 : i32
    %sign3A_258 = arith.extui %sign3A_257 : i1 to i32
    %sign3A_259 = arith.constant 0 : i32
    %sign3A_260 = arith.cmpi slt, %add3A_253, %sign3A_259 : i32
    %sign3A_261 = arith.extui %sign3A_260 : i1 to i32
    %sign3A_262 = arith.subi %sign3A_258, %sign3A_261 : i32
    %sign3A_263 = arith.constant 0 : i32
    %sign3A_264 = arith.cmpi sgt, %jit3A_254, %sign3A_263 : i32
    %sign3A_265 = arith.extui %sign3A_264 : i1 to i32
    %sign3A_266 = arith.constant 0 : i32
    %sign3A_267 = arith.cmpi slt, %jit3A_254, %sign3A_266 : i32
    %sign3A_268 = arith.extui %sign3A_267 : i1 to i32
    %sign3A_269 = arith.subi %sign3A_265, %sign3A_268 : i32
    %ne3A_270 = arith.cmpi ne, %sign3A_262, %sign3A_269 : i32
    %rem3A_271 = arith.remsi %add3A_253, %jit3A_254 : i32
    %ne3A_272 = arith.constant 0 : i32
    %ne3A_273 = arith.cmpi ne, %rem3A_271, %ne3A_272 : i32
    %and3A_274 = arith.andi %ne3A_270, %ne3A_273 : i1
    %sub3A_275 = arith.constant 1 : i32
    %sub3A_276 = arith.subi %div3A_255, %sub3A_275 : i32
    %select_n3A_277 = arith.select %and3A_274, %sub3A_276, %div3A_255 : i32
    %multiple_of3A_278 = tpu.assume_multiple %select_n3A_277, 64 : i32
    %dma_start3A_279 = arith.constant 0 : i32
    %dma_start3A_280 = tpu.memref_slice %arg3[%arg1, %multiple_of3A_278, %dma_start3A_279] : memref<16x1024x128xf32, #tpu.memory_space<hbm>> -> memref<1x64x128xf32, #tpu.memory_space<hbm>>
    %dma_start3A_281 = tpu.memref_squeeze %dma_start3A_280 : memref<1x64x128xf32, #tpu.memory_space<hbm>> -> memref<64x128xf32, #tpu.memory_space<hbm>>
    %dma_start3A_282 = arith.constant 0 : i32
    %dma_start3A_283 = tpu.memref_slice %arg3[%arg1, %multiple_of3A_278, %dma_start3A_282] : memref<16x1024x128xf32, #tpu.memory_space<hbm>> -> memref<1x64x128xf32, #tpu.memory_space<hbm>>
    %dma_start3A_284 = tpu.memref_squeeze %dma_start3A_283 : memref<1x64x128xf32, #tpu.memory_space<hbm>> -> memref<64x128xf32, #tpu.memory_space<hbm>>
    tpu.enqueue_dma source(%arg6 : memref<64x128xf32, #tpu.memory_space<vmem>>) target(%dma_start3A_284 : memref<64x128xf32, #tpu.memory_space<hbm>>) target_semaphore(%arg10 : memref<!tpu.dma_semaphore, #tpu.memory_space<semaphore_mem>>)
    %add3A_285 = arith.constant 1536 : i32
    %add3A_286 = arith.addi %mul3A_0, %add3A_285 : i32
    %multiple_of3A_287 = tpu.assume_multiple %add3A_286, 256 : i32
    %dma_start3A_288 = arith.constant 0 : i32
    %dma_start3A_289 = tpu.memref_slice %arg2[%arg1, %multiple_of3A_287, %dma_start3A_288] : memref<16x4096x32xf32, #tpu.memory_space<hbm>> -> memref<1x256x32xf32, #tpu.memory_space<hbm>>
    %dma_start3A_290 = tpu.memref_squeeze %dma_start3A_289 : memref<1x256x32xf32, #tpu.memory_space<hbm>> -> memref<256x32xf32, #tpu.memory_space<hbm>>
    %dma_start3A_291 = arith.constant 0 : i32
    %dma_start3A_292 = tpu.memref_slice %arg2[%arg1, %multiple_of3A_287, %dma_start3A_291] : memref<16x4096x32xf32, #tpu.memory_space<hbm>> -> memref<1x256x32xf32, #tpu.memory_space<hbm>>
    %dma_start3A_293 = tpu.memref_squeeze %dma_start3A_292 : memref<1x256x32xf32, #tpu.memory_space<hbm>> -> memref<256x32xf32, #tpu.memory_space<hbm>>
    tpu.enqueue_dma source(%dma_start3A_293 : memref<256x32xf32, #tpu.memory_space<hbm>>) target(%arg4 : memref<256x32xf32, #tpu.memory_space<vmem>>) target_semaphore(%arg8 : memref<!tpu.dma_semaphore, #tpu.memory_space<semaphore_mem>>)
    %dma_wait3A_294 = arith.constant 0 : i32
    %dma_wait3A_295 = tpu.memref_slice %arg2[%arg1, %multiple_of3A_227, %dma_wait3A_294] : memref<16x4096x32xf32, #tpu.memory_space<hbm>> -> memref<1x256x32xf32, #tpu.memory_space<hbm>>
    %dma_wait3A_296 = tpu.memref_squeeze %dma_wait3A_295 : memref<1x256x32xf32, #tpu.memory_space<hbm>> -> memref<256x32xf32, #tpu.memory_space<hbm>>
    %dma_wait3A_297 = arith.constant 0 : i32
    %dma_wait3A_298 = tpu.memref_slice %arg2[%arg1, %multiple_of3A_227, %dma_wait3A_297] : memref<16x4096x32xf32, #tpu.memory_space<hbm>> -> memref<1x256x32xf32, #tpu.memory_space<hbm>>
    %dma_wait3A_299 = tpu.memref_squeeze %dma_wait3A_298 : memref<1x256x32xf32, #tpu.memory_space<hbm>> -> memref<256x32xf32, #tpu.memory_space<hbm>>
    tpu.wait_dma2 semaphore(%arg9 : memref<!tpu.dma_semaphore, #tpu.memory_space<semaphore_mem>>) src(%dma_wait3A_299 : memref<256x32xf32, #tpu.memory_space<hbm>>) dst(%arg5 : memref<256x32xf32, #tpu.memory_space<vmem>>)
    %dma_wait3A_300 = arith.constant 0 : i32
    %dma_wait3A_301 = tpu.memref_slice %arg3[%arg1, %multiple_of3A_218, %dma_wait3A_300] : memref<16x1024x128xf32, #tpu.memory_space<hbm>> -> memref<1x64x128xf32, #tpu.memory_space<hbm>>
    %dma_wait3A_302 = tpu.memref_squeeze %dma_wait3A_301 : memref<1x64x128xf32, #tpu.memory_space<hbm>> -> memref<64x128xf32, #tpu.memory_space<hbm>>
    %dma_wait3A_303 = arith.constant 0 : i32
    %dma_wait3A_304 = tpu.memref_slice %arg3[%arg1, %multiple_of3A_218, %dma_wait3A_303] : memref<16x1024x128xf32, #tpu.memory_space<hbm>> -> memref<1x64x128xf32, #tpu.memory_space<hbm>>
    %dma_wait3A_305 = tpu.memref_squeeze %dma_wait3A_304 : memref<1x64x128xf32, #tpu.memory_space<hbm>> -> memref<64x128xf32, #tpu.memory_space<hbm>>
    tpu.wait_dma2 semaphore(%arg11 : memref<!tpu.dma_semaphore, #tpu.memory_space<semaphore_mem>>) src(%arg7 : memref<64x128xf32, #tpu.memory_space<vmem>>) dst(%dma_wait3A_305 : memref<64x128xf32, #tpu.memory_space<hbm>>)
    %scan3A_306 = arith.constant 0 : i32
    %scan3A_307 = arith.constant 0 : i32
    %scan3A_308 = arith.constant 16 : i32
    %scan3A_309 = arith.addi %scan3A_307, %scan3A_308 : i32
    %scan3A_310 = arith.constant 1 : i32
    scf.for %scan3A_468 = %scan3A_307 to %scan3A_309 step %scan3A_310  : i32 {
      %mul3A_469 = arith.constant 4 : i32
      %mul3A_470 = arith.muli %mul3A_469, %scan3A_468 : i32
      %add3A_471 = arith.constant 0 : i32
      %add3A_472 = arith.addi %mul3A_470, %add3A_471 : i32
      %mul3A_473 = arith.constant 4 : i32
      %mul3A_474 = arith.muli %mul3A_473, %add3A_472 : i32
      %add3A_475 = arith.constant 0 : i32
      %add3A_476 = arith.addi %mul3A_474, %add3A_475 : i32
      %get3A = arith.index_cast %add3A_476 : i32 to index
      %get3A_477 = arith.constant 0 : index
      %get3A_478 = tpu.vector_load %arg5[%get3A, %get3A_477] {strides = array<i32>} : memref<256x32xf32, #tpu.memory_space<vmem>>, vector<1x16xf32>,
      %get3A_479 = vector.shape_cast %get3A_478 : vector<1x16xf32> to vector<16xf32>
      %swap3A = arith.index_cast %add3A_472 : i32 to index
      %swap3A_480 = arith.constant 0 : index
      %swap3A_481 = tpu.vector_load %arg7[%swap3A, %swap3A_480] {strides = array<i32>} : memref<64x128xf32, #tpu.memory_space<vmem>>, vector<1x16xf32>,
      %swap3A_482 = vector.shape_cast %swap3A_481 : vector<1x16xf32> to vector<16xf32>
      %swap3A_483 = vector.shape_cast %get3A_479 : vector<16xf32> to vector<1x16xf32>
      tpu.vector_store %arg7[%swap3A, %swap3A_480], %swap3A_483 {strides = array<i32>} : memref<64x128xf32, #tpu.memory_space<vmem>>, vector<1x16xf32>,
      %mul3A_484 = arith.constant 4 : i32
      %mul3A_485 = arith.muli %mul3A_484, %add3A_472 : i32
      %add3A_486 = arith.constant 0 : i32
      %add3A_487 = arith.addi %mul3A_485, %add3A_486 : i32
      %get3A_488 = arith.index_cast %add3A_487 : i32 to index
      %get3A_489 = arith.constant 16 : index
      %get3A_490 = tpu.vector_load %arg5[%get3A_488, %get3A_489] {strides = array<i32>} : memref<256x32xf32, #tpu.memory_space<vmem>>, vector<1x16xf32>,
      %get3A_491 = vector.shape_cast %get3A_490 : vector<1x16xf32> to vector<16xf32>
      %swap3A_492 = arith.index_cast %add3A_472 : i32 to index
      %swap3A_493 = arith.constant 16 : index
      %swap3A_494 = tpu.vector_load %arg7[%swap3A_492, %swap3A_493] {strides = array<i32>} : memref<64x128xf32, #tpu.memory_space<vmem>>, vector<1x16xf32>,
      %swap3A_495 = vector.shape_cast %swap3A_494 : vector<1x16xf32> to vector<16xf32>
      %swap3A_496 = vector.shape_cast %get3A_491 : vector<16xf32> to vector<1x16xf32>
      tpu.vector_store %arg7[%swap3A_492, %swap3A_493], %swap3A_496 {strides = array<i32>} : memref<64x128xf32, #tpu.memory_space<vmem>>, vector<1x16xf32>,
      %mul3A_497 = arith.constant 4 : i32
      %mul3A_498 = arith.muli %mul3A_497, %add3A_472 : i32
      %add3A_499 = arith.constant 1 : i32
      %add3A_500 = arith.addi %mul3A_498, %add3A_499 : i32
      %get3A_501 = arith.index_cast %add3A_500 : i32 to index
      %get3A_502 = arith.constant 0 : index
      %get3A_503 = tpu.vector_load %arg5[%get3A_501, %get3A_502] {strides = array<i32>} : memref<256x32xf32, #tpu.memory_space<vmem>>, vector<1x16xf32>,
      %get3A_504 = vector.shape_cast %get3A_503 : vector<1x16xf32> to vector<16xf32>
      %swap3A_505 = arith.index_cast %add3A_472 : i32 to index
      %swap3A_506 = arith.constant 32 : index
      %swap3A_507 = tpu.vector_load %arg7[%swap3A_505, %swap3A_506] {strides = array<i32>} : memref<64x128xf32, #tpu.memory_space<vmem>>, vector<1x16xf32>,
      %swap3A_508 = vector.shape_cast %swap3A_507 : vector<1x16xf32> to vector<16xf32>
      %swap3A_509 = vector.shape_cast %get3A_504 : vector<16xf32> to vector<1x16xf32>
      tpu.vector_store %arg7[%swap3A_505, %swap3A_506], %swap3A_509 {strides = array<i32>} : memref<64x128xf32, #tpu.memory_space<vmem>>, vector<1x16xf32>,
      %mul3A_510 = arith.constant 4 : i32
      %mul3A_511 = arith.muli %mul3A_510, %add3A_472 : i32
      %add3A_512 = arith.constant 1 : i32
      %add3A_513 = arith.addi %mul3A_511, %add3A_512 : i32
      %get3A_514 = arith.index_cast %add3A_513 : i32 to index
      %get3A_515 = arith.constant 16 : index
      %get3A_516 = tpu.vector_load %arg5[%get3A_514, %get3A_515] {strides = array<i32>} : memref<256x32xf32, #tpu.memory_space<vmem>>, vector<1x16xf32>,
      %get3A_517 = vector.shape_cast %get3A_516 : vector<1x16xf32> to vector<16xf32>
      %swap3A_518 = arith.index_cast %add3A_472 : i32 to index
      %swap3A_519 = arith.constant 48 : index
      %swap3A_520 = tpu.vector_load %arg7[%swap3A_518, %swap3A_519] {strides = array<i32>} : memref<64x128xf32, #tpu.memory_space<vmem>>, vector<1x16xf32>,
      %swap3A_521 = vector.shape_cast %swap3A_520 : vector<1x16xf32> to vector<16xf32>
      %swap3A_522 = vector.shape_cast %get3A_517 : vector<16xf32> to vector<1x16xf32>
      tpu.vector_store %arg7[%swap3A_518, %swap3A_519], %swap3A_522 {strides = array<i32>} : memref<64x128xf32, #tpu.memory_space<vmem>>, vector<1x16xf32>,
      %mul3A_523 = arith.constant 4 : i32
      %mul3A_524 = arith.muli %mul3A_523, %add3A_472 : i32
      %add3A_525 = arith.constant 2 : i32
      %add3A_526 = arith.addi %mul3A_524, %add3A_525 : i32
      %get3A_527 = arith.index_cast %add3A_526 : i32 to index
      %get3A_528 = arith.constant 0 : index
      %get3A_529 = tpu.vector_load %arg5[%get3A_527, %get3A_528] {strides = array<i32>} : memref<256x32xf32, #tpu.memory_space<vmem>>, vector<1x16xf32>,
      %get3A_530 = vector.shape_cast %get3A_529 : vector<1x16xf32> to vector<16xf32>
      %swap3A_531 = arith.index_cast %add3A_472 : i32 to index
      %swap3A_532 = arith.constant 64 : index
      %swap3A_533 = tpu.vector_load %arg7[%swap3A_531, %swap3A_532] {strides = array<i32>} : memref<64x128xf32, #tpu.memory_space<vmem>>, vector<1x16xf32>,
      %swap3A_534 = vector.shape_cast %swap3A_533 : vector<1x16xf32> to vector<16xf32>
      %swap3A_535 = vector.shape_cast %get3A_530 : vector<16xf32> to vector<1x16xf32>
      tpu.vector_store %arg7[%swap3A_531, %swap3A_532], %swap3A_535 {strides = array<i32>} : memref<64x128xf32, #tpu.memory_space<vmem>>, vector<1x16xf32>,
      %mul3A_536 = arith.constant 4 : i32
      %mul3A_537 = arith.muli %mul3A_536, %add3A_472 : i32
      %add3A_538 = arith.constant 2 : i32
      %add3A_539 = arith.addi %mul3A_537, %add3A_538 : i32
      %get3A_540 = arith.index_cast %add3A_539 : i32 to index
      %get3A_541 = arith.constant 16 : index
      %get3A_542 = tpu.vector_load %arg5[%get3A_540, %get3A_541] {strides = array<i32>} : memref<256x32xf32, #tpu.memory_space<vmem>>, vector<1x16xf32>,
      %get3A_543 = vector.shape_cast %get3A_542 : vector<1x16xf32> to vector<16xf32>
      %swap3A_544 = arith.index_cast %add3A_472 : i32 to index
      %swap3A_545 = arith.constant 80 : index
      %swap3A_546 = tpu.vector_load %arg7[%swap3A_544, %swap3A_545] {strides = array<i32>} : memref<64x128xf32, #tpu.memory_space<vmem>>, vector<1x16xf32>,
      %swap3A_547 = vector.shape_cast %swap3A_546 : vector<1x16xf32> to vector<16xf32>
      %swap3A_548 = vector.shape_cast %get3A_543 : vector<16xf32> to vector<1x16xf32>
      tpu.vector_store %arg7[%swap3A_544, %swap3A_545], %swap3A_548 {strides = array<i32>} : memref<64x128xf32, #tpu.memory_space<vmem>>, vector<1x16xf32>,
      %mul3A_549 = arith.constant 4 : i32
      %mul3A_550 = arith.muli %mul3A_549, %add3A_472 : i32
      %add3A_551 = arith.constant 3 : i32
      %add3A_552 = arith.addi %mul3A_550, %add3A_551 : i32
      %get3A_553 = arith.index_cast %add3A_552 : i32 to index
      %get3A_554 = arith.constant 0 : index
      %get3A_555 = tpu.vector_load %arg5[%get3A_553, %get3A_554] {strides = array<i32>} : memref<256x32xf32, #tpu.memory_space<vmem>>, vector<1x16xf32>,
      %get3A_556 = vector.shape_cast %get3A_555 : vector<1x16xf32> to vector<16xf32>
      %swap3A_557 = arith.index_cast %add3A_472 : i32 to index
      %swap3A_558 = arith.constant 96 : index
      %swap3A_559 = tpu.vector_load %arg7[%swap3A_557, %swap3A_558] {strides = array<i32>} : memref<64x128xf32, #tpu.memory_space<vmem>>, vector<1x16xf32>,
      %swap3A_560 = vector.shape_cast %swap3A_559 : vector<1x16xf32> to vector<16xf32>
      %swap3A_561 = vector.shape_cast %get3A_556 : vector<16xf32> to vector<1x16xf32>
      tpu.vector_store %arg7[%swap3A_557, %swap3A_558], %swap3A_561 {strides = array<i32>} : memref<64x128xf32, #tpu.memory_space<vmem>>, vector<1x16xf32>,
      %mul3A_562 = arith.constant 4 : i32
      %mul3A_563 = arith.muli %mul3A_562, %add3A_472 : i32
      %add3A_564 = arith.constant 3 : i32
      %add3A_565 = arith.addi %mul3A_563, %add3A_564 : i32
      %get3A_566 = arith.index_cast %add3A_565 : i32 to index
      %get3A_567 = arith.constant 16 : index
      %get3A_568 = tpu.vector_load %arg5[%get3A_566, %get3A_567] {strides = array<i32>} : memref<256x32xf32, #tpu.memory_space<vmem>>, vector<1x16xf32>,
      %get3A_569 = vector.shape_cast %get3A_568 : vector<1x16xf32> to vector<16xf32>
      %swap3A_570 = arith.index_cast %add3A_472 : i32 to index
      %swap3A_571 = arith.constant 112 : index
      %swap3A_572 = tpu.vector_load %arg7[%swap3A_570, %swap3A_571] {strides = array<i32>} : memref<64x128xf32, #tpu.memory_space<vmem>>, vector<1x16xf32>,
      %swap3A_573 = vector.shape_cast %swap3A_572 : vector<1x16xf32> to vector<16xf32>
      %swap3A_574 = vector.shape_cast %get3A_569 : vector<16xf32> to vector<1x16xf32>
      tpu.vector_store %arg7[%swap3A_570, %swap3A_571], %swap3A_574 {strides = array<i32>} : memref<64x128xf32, #tpu.memory_space<vmem>>, vector<1x16xf32>,
      %mul3A_575 = arith.constant 4 : i32
      %mul3A_576 = arith.muli %mul3A_575, %scan3A_468 : i32
      %add3A_577 = arith.constant 1 : i32
      %add3A_578 = arith.addi %mul3A_576, %add3A_577 : i32
      %mul3A_579 = arith.constant 4 : i32
      %mul3A_580 = arith.muli %mul3A_579, %add3A_578 : i32
      %add3A_581 = arith.constant 0 : i32
      %add3A_582 = arith.addi %mul3A_580, %add3A_581 : i32
      %get3A_583 = arith.index_cast %add3A_582 : i32 to index
      %get3A_584 = arith.constant 0 : index
      %get3A_585 = tpu.vector_load %arg5[%get3A_583, %get3A_584] {strides = array<i32>} : memref<256x32xf32, #tpu.memory_space<vmem>>, vector<1x16xf32>,
      %get3A_586 = vector.shape_cast %get3A_585 : vector<1x16xf32> to vector<16xf32>
      %swap3A_587 = arith.index_cast %add3A_578 : i32 to index
      %swap3A_588 = arith.constant 0 : index
      %swap3A_589 = tpu.vector_load %arg7[%swap3A_587, %swap3A_588] {strides = array<i32>} : memref<64x128xf32, #tpu.memory_space<vmem>>, vector<1x16xf32>,
      %swap3A_590 = vector.shape_cast %swap3A_589 : vector<1x16xf32> to vector<16xf32>
      %swap3A_591 = vector.shape_cast %get3A_586 : vector<16xf32> to vector<1x16xf32>
      tpu.vector_store %arg7[%swap3A_587, %swap3A_588], %swap3A_591 {strides = array<i32>} : memref<64x128xf32, #tpu.memory_space<vmem>>, vector<1x16xf32>,
      %mul3A_592 = arith.constant 4 : i32
      %mul3A_593 = arith.muli %mul3A_592, %add3A_578 : i32
      %add3A_594 = arith.constant 0 : i32
      %add3A_595 = arith.addi %mul3A_593, %add3A_594 : i32
      %get3A_596 = arith.index_cast %add3A_595 : i32 to index
      %get3A_597 = arith.constant 16 : index
      %get3A_598 = tpu.vector_load %arg5[%get3A_596, %get3A_597] {strides = array<i32>} : memref<256x32xf32, #tpu.memory_space<vmem>>, vector<1x16xf32>,
      %get3A_599 = vector.shape_cast %get3A_598 : vector<1x16xf32> to vector<16xf32>
      %swap3A_600 = arith.index_cast %add3A_578 : i32 to index
      %swap3A_601 = arith.constant 16 : index
      %swap3A_602 = tpu.vector_load %arg7[%swap3A_600, %swap3A_601] {strides = array<i32>} : memref<64x128xf32, #tpu.memory_space<vmem>>, vector<1x16xf32>,
      %swap3A_603 = vector.shape_cast %swap3A_602 : vector<1x16xf32> to vector<16xf32>
      %swap3A_604 = vector.shape_cast %get3A_599 : vector<16xf32> to vector<1x16xf32>
      tpu.vector_store %arg7[%swap3A_600, %swap3A_601], %swap3A_604 {strides = array<i32>} : memref<64x128xf32, #tpu.memory_space<vmem>>, vector<1x16xf32>,
      %mul3A_605 = arith.constant 4 : i32
      %mul3A_606 = arith.muli %mul3A_605, %add3A_578 : i32
      %add3A_607 = arith.constant 1 : i32
      %add3A_608 = arith.addi %mul3A_606, %add3A_607 : i32
      %get3A_609 = arith.index_cast %add3A_608 : i32 to index
      %get3A_610 = arith.constant 0 : index
      %get3A_611 = tpu.vector_load %arg5[%get3A_609, %get3A_610] {strides = array<i32>} : memref<256x32xf32, #tpu.memory_space<vmem>>, vector<1x16xf32>,
      %get3A_612 = vector.shape_cast %get3A_611 : vector<1x16xf32> to vector<16xf32>
      %swap3A_613 = arith.index_cast %add3A_578 : i32 to index
      %swap3A_614 = arith.constant 32 : index
      %swap3A_615 = tpu.vector_load %arg7[%swap3A_613, %swap3A_614] {strides = array<i32>} : memref<64x128xf32, #tpu.memory_space<vmem>>, vector<1x16xf32>,
      %swap3A_616 = vector.shape_cast %swap3A_615 : vector<1x16xf32> to vector<16xf32>
      %swap3A_617 = vector.shape_cast %get3A_612 : vector<16xf32> to vector<1x16xf32>
      tpu.vector_store %arg7[%swap3A_613, %swap3A_614], %swap3A_617 {strides = array<i32>} : memref<64x128xf32, #tpu.memory_space<vmem>>, vector<1x16xf32>,
      %mul3A_618 = arith.constant 4 : i32
      %mul3A_619 = arith.muli %mul3A_618, %add3A_578 : i32
      %add3A_620 = arith.constant 1 : i32
      %add3A_621 = arith.addi %mul3A_619, %add3A_620 : i32
      %get3A_622 = arith.index_cast %add3A_621 : i32 to index
      %get3A_623 = arith.constant 16 : index
      %get3A_624 = tpu.vector_load %arg5[%get3A_622, %get3A_623] {strides = array<i32>} : memref<256x32xf32, #tpu.memory_space<vmem>>, vector<1x16xf32>,
      %get3A_625 = vector.shape_cast %get3A_624 : vector<1x16xf32> to vector<16xf32>
      %swap3A_626 = arith.index_cast %add3A_578 : i32 to index
      %swap3A_627 = arith.constant 48 : index
      %swap3A_628 = tpu.vector_load %arg7[%swap3A_626, %swap3A_627] {strides = array<i32>} : memref<64x128xf32, #tpu.memory_space<vmem>>, vector<1x16xf32>,
      %swap3A_629 = vector.shape_cast %swap3A_628 : vector<1x16xf32> to vector<16xf32>
      %swap3A_630 = vector.shape_cast %get3A_625 : vector<16xf32> to vector<1x16xf32>
      tpu.vector_store %arg7[%swap3A_626, %swap3A_627], %swap3A_630 {strides = array<i32>} : memref<64x128xf32, #tpu.memory_space<vmem>>, vector<1x16xf32>,
      %mul3A_631 = arith.constant 4 : i32
      %mul3A_632 = arith.muli %mul3A_631, %add3A_578 : i32
      %add3A_633 = arith.constant 2 : i32
      %add3A_634 = arith.addi %mul3A_632, %add3A_633 : i32
      %get3A_635 = arith.index_cast %add3A_634 : i32 to index
      %get3A_636 = arith.constant 0 : index
      %get3A_637 = tpu.vector_load %arg5[%get3A_635, %get3A_636] {strides = array<i32>} : memref<256x32xf32, #tpu.memory_space<vmem>>, vector<1x16xf32>,
      %get3A_638 = vector.shape_cast %get3A_637 : vector<1x16xf32> to vector<16xf32>
      %swap3A_639 = arith.index_cast %add3A_578 : i32 to index
      %swap3A_640 = arith.constant 64 : index
      %swap3A_641 = tpu.vector_load %arg7[%swap3A_639, %swap3A_640] {strides = array<i32>} : memref<64x128xf32, #tpu.memory_space<vmem>>, vector<1x16xf32>,
      %swap3A_642 = vector.shape_cast %swap3A_641 : vector<1x16xf32> to vector<16xf32>
      %swap3A_643 = vector.shape_cast %get3A_638 : vector<16xf32> to vector<1x16xf32>
      tpu.vector_store %arg7[%swap3A_639, %swap3A_640], %swap3A_643 {strides = array<i32>} : memref<64x128xf32, #tpu.memory_space<vmem>>, vector<1x16xf32>,
      %mul3A_644 = arith.constant 4 : i32
      %mul3A_645 = arith.muli %mul3A_644, %add3A_578 : i32
      %add3A_646 = arith.constant 2 : i32
      %add3A_647 = arith.addi %mul3A_645, %add3A_646 : i32
      %get3A_648 = arith.index_cast %add3A_647 : i32 to index
      %get3A_649 = arith.constant 16 : index
      %get3A_650 = tpu.vector_load %arg5[%get3A_648, %get3A_649] {strides = array<i32>} : memref<256x32xf32, #tpu.memory_space<vmem>>, vector<1x16xf32>,
      %get3A_651 = vector.shape_cast %get3A_650 : vector<1x16xf32> to vector<16xf32>
      %swap3A_652 = arith.index_cast %add3A_578 : i32 to index
      %swap3A_653 = arith.constant 80 : index
      %swap3A_654 = tpu.vector_load %arg7[%swap3A_652, %swap3A_653] {strides = array<i32>} : memref<64x128xf32, #tpu.memory_space<vmem>>, vector<1x16xf32>,
      %swap3A_655 = vector.shape_cast %swap3A_654 : vector<1x16xf32> to vector<16xf32>
      %swap3A_656 = vector.shape_cast %get3A_651 : vector<16xf32> to vector<1x16xf32>
      tpu.vector_store %arg7[%swap3A_652, %swap3A_653], %swap3A_656 {strides = array<i32>} : memref<64x128xf32, #tpu.memory_space<vmem>>, vector<1x16xf32>,
      %mul3A_657 = arith.constant 4 : i32
      %mul3A_658 = arith.muli %mul3A_657, %add3A_578 : i32
      %add3A_659 = arith.constant 3 : i32
      %add3A_660 = arith.addi %mul3A_658, %add3A_659 : i32
      %get3A_661 = arith.index_cast %add3A_660 : i32 to index
      %get3A_662 = arith.constant 0 : index
      %get3A_663 = tpu.vector_load %arg5[%get3A_661, %get3A_662] {strides = array<i32>} : memref<256x32xf32, #tpu.memory_space<vmem>>, vector<1x16xf32>,
      %get3A_664 = vector.shape_cast %get3A_663 : vector<1x16xf32> to vector<16xf32>
      %swap3A_665 = arith.index_cast %add3A_578 : i32 to index
      %swap3A_666 = arith.constant 96 : index
      %swap3A_667 = tpu.vector_load %arg7[%swap3A_665, %swap3A_666] {strides = array<i32>} : memref<64x128xf32, #tpu.memory_space<vmem>>, vector<1x16xf32>,
      %swap3A_668 = vector.shape_cast %swap3A_667 : vector<1x16xf32> to vector<16xf32>
      %swap3A_669 = vector.shape_cast %get3A_664 : vector<16xf32> to vector<1x16xf32>
      tpu.vector_store %arg7[%swap3A_665, %swap3A_666], %swap3A_669 {strides = array<i32>} : memref<64x128xf32, #tpu.memory_space<vmem>>, vector<1x16xf32>,
      %mul3A_670 = arith.constant 4 : i32
      %mul3A_671 = arith.muli %mul3A_670, %add3A_578 : i32
      %add3A_672 = arith.constant 3 : i32
      %add3A_673 = arith.addi %mul3A_671, %add3A_672 : i32
      %get3A_674 = arith.index_cast %add3A_673 : i32 to index
      %get3A_675 = arith.constant 16 : index
      %get3A_676 = tpu.vector_load %arg5[%get3A_674, %get3A_675] {strides = array<i32>} : memref<256x32xf32, #tpu.memory_space<vmem>>, vector<1x16xf32>,
      %get3A_677 = vector.shape_cast %get3A_676 : vector<1x16xf32> to vector<16xf32>
      %swap3A_678 = arith.index_cast %add3A_578 : i32 to index
      %swap3A_679 = arith.constant 112 : index
      %swap3A_680 = tpu.vector_load %arg7[%swap3A_678, %swap3A_679] {strides = array<i32>} : memref<64x128xf32, #tpu.memory_space<vmem>>, vector<1x16xf32>,
      %swap3A_681 = vector.shape_cast %swap3A_680 : vector<1x16xf32> to vector<16xf32>
      %swap3A_682 = vector.shape_cast %get3A_677 : vector<16xf32> to vector<1x16xf32>
      tpu.vector_store %arg7[%swap3A_678, %swap3A_679], %swap3A_682 {strides = array<i32>} : memref<64x128xf32, #tpu.memory_space<vmem>>, vector<1x16xf32>,
      %mul3A_683 = arith.constant 4 : i32
      %mul3A_684 = arith.muli %mul3A_683, %scan3A_468 : i32
      %add3A_685 = arith.constant 2 : i32
      %add3A_686 = arith.addi %mul3A_684, %add3A_685 : i32
      %mul3A_687 = arith.constant 4 : i32
      %mul3A_688 = arith.muli %mul3A_687, %add3A_686 : i32
      %add3A_689 = arith.constant 0 : i32
      %add3A_690 = arith.addi %mul3A_688, %add3A_689 : i32
      %get3A_691 = arith.index_cast %add3A_690 : i32 to index
      %get3A_692 = arith.constant 0 : index
      %get3A_693 = tpu.vector_load %arg5[%get3A_691, %get3A_692] {strides = array<i32>} : memref<256x32xf32, #tpu.memory_space<vmem>>, vector<1x16xf32>,
      %get3A_694 = vector.shape_cast %get3A_693 : vector<1x16xf32> to vector<16xf32>
      %swap3A_695 = arith.index_cast %add3A_686 : i32 to index
      %swap3A_696 = arith.constant 0 : index
      %swap3A_697 = tpu.vector_load %arg7[%swap3A_695, %swap3A_696] {strides = array<i32>} : memref<64x128xf32, #tpu.memory_space<vmem>>, vector<1x16xf32>,
      %swap3A_698 = vector.shape_cast %swap3A_697 : vector<1x16xf32> to vector<16xf32>
      %swap3A_699 = vector.shape_cast %get3A_694 : vector<16xf32> to vector<1x16xf32>
      tpu.vector_store %arg7[%swap3A_695, %swap3A_696], %swap3A_699 {strides = array<i32>} : memref<64x128xf32, #tpu.memory_space<vmem>>, vector<1x16xf32>,
      %mul3A_700 = arith.constant 4 : i32
      %mul3A_701 = arith.muli %mul3A_700, %add3A_686 : i32
      %add3A_702 = arith.constant 0 : i32
      %add3A_703 = arith.addi %mul3A_701, %add3A_702 : i32
      %get3A_704 = arith.index_cast %add3A_703 : i32 to index
      %get3A_705 = arith.constant 16 : index
      %get3A_706 = tpu.vector_load %arg5[%get3A_704, %get3A_705] {strides = array<i32>} : memref<256x32xf32, #tpu.memory_space<vmem>>, vector<1x16xf32>,
      %get3A_707 = vector.shape_cast %get3A_706 : vector<1x16xf32> to vector<16xf32>
      %swap3A_708 = arith.index_cast %add3A_686 : i32 to index
      %swap3A_709 = arith.constant 16 : index
      %swap3A_710 = tpu.vector_load %arg7[%swap3A_708, %swap3A_709] {strides = array<i32>} : memref<64x128xf32, #tpu.memory_space<vmem>>, vector<1x16xf32>,
      %swap3A_711 = vector.shape_cast %swap3A_710 : vector<1x16xf32> to vector<16xf32>
      %swap3A_712 = vector.shape_cast %get3A_707 : vector<16xf32> to vector<1x16xf32>
      tpu.vector_store %arg7[%swap3A_708, %swap3A_709], %swap3A_712 {strides = array<i32>} : memref<64x128xf32, #tpu.memory_space<vmem>>, vector<1x16xf32>,
      %mul3A_713 = arith.constant 4 : i32
      %mul3A_714 = arith.muli %mul3A_713, %add3A_686 : i32
      %add3A_715 = arith.constant 1 : i32
      %add3A_716 = arith.addi %mul3A_714, %add3A_715 : i32
      %get3A_717 = arith.index_cast %add3A_716 : i32 to index
      %get3A_718 = arith.constant 0 : index
      %get3A_719 = tpu.vector_load %arg5[%get3A_717, %get3A_718] {strides = array<i32>} : memref<256x32xf32, #tpu.memory_space<vmem>>, vector<1x16xf32>,
      %get3A_720 = vector.shape_cast %get3A_719 : vector<1x16xf32> to vector<16xf32>
      %swap3A_721 = arith.index_cast %add3A_686 : i32 to index
      %swap3A_722 = arith.constant 32 : index
      %swap3A_723 = tpu.vector_load %arg7[%swap3A_721, %swap3A_722] {strides = array<i32>} : memref<64x128xf32, #tpu.memory_space<vmem>>, vector<1x16xf32>,
      %swap3A_724 = vector.shape_cast %swap3A_723 : vector<1x16xf32> to vector<16xf32>
      %swap3A_725 = vector.shape_cast %get3A_720 : vector<16xf32> to vector<1x16xf32>
      tpu.vector_store %arg7[%swap3A_721, %swap3A_722], %swap3A_725 {strides = array<i32>} : memref<64x128xf32, #tpu.memory_space<vmem>>, vector<1x16xf32>,
      %mul3A_726 = arith.constant 4 : i32
      %mul3A_727 = arith.muli %mul3A_726, %add3A_686 : i32
      %add3A_728 = arith.constant 1 : i32
      %add3A_729 = arith.addi %mul3A_727, %add3A_728 : i32
      %get3A_730 = arith.index_cast %add3A_729 : i32 to index
      %get3A_731 = arith.constant 16 : index
      %get3A_732 = tpu.vector_load %arg5[%get3A_730, %get3A_731] {strides = array<i32>} : memref<256x32xf32, #tpu.memory_space<vmem>>, vector<1x16xf32>,
      %get3A_733 = vector.shape_cast %get3A_732 : vector<1x16xf32> to vector<16xf32>
      %swap3A_734 = arith.index_cast %add3A_686 : i32 to index
      %swap3A_735 = arith.constant 48 : index
      %swap3A_736 = tpu.vector_load %arg7[%swap3A_734, %swap3A_735] {strides = array<i32>} : memref<64x128xf32, #tpu.memory_space<vmem>>, vector<1x16xf32>,
      %swap3A_737 = vector.shape_cast %swap3A_736 : vector<1x16xf32> to vector<16xf32>
      %swap3A_738 = vector.shape_cast %get3A_733 : vector<16xf32> to vector<1x16xf32>
      tpu.vector_store %arg7[%swap3A_734, %swap3A_735], %swap3A_738 {strides = array<i32>} : memref<64x128xf32, #tpu.memory_space<vmem>>, vector<1x16xf32>,
      %mul3A_739 = arith.constant 4 : i32
      %mul3A_740 = arith.muli %mul3A_739, %add3A_686 : i32
      %add3A_741 = arith.constant 2 : i32
      %add3A_742 = arith.addi %mul3A_740, %add3A_741 : i32
      %get3A_743 = arith.index_cast %add3A_742 : i32 to index
      %get3A_744 = arith.constant 0 : index
      %get3A_745 = tpu.vector_load %arg5[%get3A_743, %get3A_744] {strides = array<i32>} : memref<256x32xf32, #tpu.memory_space<vmem>>, vector<1x16xf32>,
      %get3A_746 = vector.shape_cast %get3A_745 : vector<1x16xf32> to vector<16xf32>
      %swap3A_747 = arith.index_cast %add3A_686 : i32 to index
      %swap3A_748 = arith.constant 64 : index
      %swap3A_749 = tpu.vector_load %arg7[%swap3A_747, %swap3A_748] {strides = array<i32>} : memref<64x128xf32, #tpu.memory_space<vmem>>, vector<1x16xf32>,
      %swap3A_750 = vector.shape_cast %swap3A_749 : vector<1x16xf32> to vector<16xf32>
      %swap3A_751 = vector.shape_cast %get3A_746 : vector<16xf32> to vector<1x16xf32>
      tpu.vector_store %arg7[%swap3A_747, %swap3A_748], %swap3A_751 {strides = array<i32>} : memref<64x128xf32, #tpu.memory_space<vmem>>, vector<1x16xf32>,
      %mul3A_752 = arith.constant 4 : i32
      %mul3A_753 = arith.muli %mul3A_752, %add3A_686 : i32
      %add3A_754 = arith.constant 2 : i32
      %add3A_755 = arith.addi %mul3A_753, %add3A_754 : i32
      %get3A_756 = arith.index_cast %add3A_755 : i32 to index
      %get3A_757 = arith.constant 16 : index
      %get3A_758 = tpu.vector_load %arg5[%get3A_756, %get3A_757] {strides = array<i32>} : memref<256x32xf32, #tpu.memory_space<vmem>>, vector<1x16xf32>,
      %get3A_759 = vector.shape_cast %get3A_758 : vector<1x16xf32> to vector<16xf32>
      %swap3A_760 = arith.index_cast %add3A_686 : i32 to index
      %swap3A_761 = arith.constant 80 : index
      %swap3A_762 = tpu.vector_load %arg7[%swap3A_760, %swap3A_761] {strides = array<i32>} : memref<64x128xf32, #tpu.memory_space<vmem>>, vector<1x16xf32>,
      %swap3A_763 = vector.shape_cast %swap3A_762 : vector<1x16xf32> to vector<16xf32>
      %swap3A_764 = vector.shape_cast %get3A_759 : vector<16xf32> to vector<1x16xf32>
      tpu.vector_store %arg7[%swap3A_760, %swap3A_761], %swap3A_764 {strides = array<i32>} : memref<64x128xf32, #tpu.memory_space<vmem>>, vector<1x16xf32>,
      %mul3A_765 = arith.constant 4 : i32
      %mul3A_766 = arith.muli %mul3A_765, %add3A_686 : i32
      %add3A_767 = arith.constant 3 : i32
      %add3A_768 = arith.addi %mul3A_766, %add3A_767 : i32
      %get3A_769 = arith.index_cast %add3A_768 : i32 to index
      %get3A_770 = arith.constant 0 : index
      %get3A_771 = tpu.vector_load %arg5[%get3A_769, %get3A_770] {strides = array<i32>} : memref<256x32xf32, #tpu.memory_space<vmem>>, vector<1x16xf32>,
      %get3A_772 = vector.shape_cast %get3A_771 : vector<1x16xf32> to vector<16xf32>
      %swap3A_773 = arith.index_cast %add3A_686 : i32 to index
      %swap3A_774 = arith.constant 96 : index
      %swap3A_775 = tpu.vector_load %arg7[%swap3A_773, %swap3A_774] {strides = array<i32>} : memref<64x128xf32, #tpu.memory_space<vmem>>, vector<1x16xf32>,
      %swap3A_776 = vector.shape_cast %swap3A_775 : vector<1x16xf32> to vector<16xf32>
      %swap3A_777 = vector.shape_cast %get3A_772 : vector<16xf32> to vector<1x16xf32>
      tpu.vector_store %arg7[%swap3A_773, %swap3A_774], %swap3A_777 {strides = array<i32>} : memref<64x128xf32, #tpu.memory_space<vmem>>, vector<1x16xf32>,
      %mul3A_778 = arith.constant 4 : i32
      %mul3A_779 = arith.muli %mul3A_778, %add3A_686 : i32
      %add3A_780 = arith.constant 3 : i32
      %add3A_781 = arith.addi %mul3A_779, %add3A_780 : i32
      %get3A_782 = arith.index_cast %add3A_781 : i32 to index
      %get3A_783 = arith.constant 16 : index
      %get3A_784 = tpu.vector_load %arg5[%get3A_782, %get3A_783] {strides = array<i32>} : memref<256x32xf32, #tpu.memory_space<vmem>>, vector<1x16xf32>,
      %get3A_785 = vector.shape_cast %get3A_784 : vector<1x16xf32> to vector<16xf32>
      %swap3A_786 = arith.index_cast %add3A_686 : i32 to index
      %swap3A_787 = arith.constant 112 : index
      %swap3A_788 = tpu.vector_load %arg7[%swap3A_786, %swap3A_787] {strides = array<i32>} : memref<64x128xf32, #tpu.memory_space<vmem>>, vector<1x16xf32>,
      %swap3A_789 = vector.shape_cast %swap3A_788 : vector<1x16xf32> to vector<16xf32>
      %swap3A_790 = vector.shape_cast %get3A_785 : vector<16xf32> to vector<1x16xf32>
      tpu.vector_store %arg7[%swap3A_786, %swap3A_787], %swap3A_790 {strides = array<i32>} : memref<64x128xf32, #tpu.memory_space<vmem>>, vector<1x16xf32>,
      %mul3A_791 = arith.constant 4 : i32
      %mul3A_792 = arith.muli %mul3A_791, %scan3A_468 : i32
      %add3A_793 = arith.constant 3 : i32
      %add3A_794 = arith.addi %mul3A_792, %add3A_793 : i32
      %mul3A_795 = arith.constant 4 : i32
      %mul3A_796 = arith.muli %mul3A_795, %add3A_794 : i32
      %add3A_797 = arith.constant 0 : i32
      %add3A_798 = arith.addi %mul3A_796, %add3A_797 : i32
      %get3A_799 = arith.index_cast %add3A_798 : i32 to index
      %get3A_800 = arith.constant 0 : index
      %get3A_801 = tpu.vector_load %arg5[%get3A_799, %get3A_800] {strides = array<i32>} : memref<256x32xf32, #tpu.memory_space<vmem>>, vector<1x16xf32>,
      %get3A_802 = vector.shape_cast %get3A_801 : vector<1x16xf32> to vector<16xf32>
      %swap3A_803 = arith.index_cast %add3A_794 : i32 to index
      %swap3A_804 = arith.constant 0 : index
      %swap3A_805 = tpu.vector_load %arg7[%swap3A_803, %swap3A_804] {strides = array<i32>} : memref<64x128xf32, #tpu.memory_space<vmem>>, vector<1x16xf32>,
      %swap3A_806 = vector.shape_cast %swap3A_805 : vector<1x16xf32> to vector<16xf32>
      %swap3A_807 = vector.shape_cast %get3A_802 : vector<16xf32> to vector<1x16xf32>
      tpu.vector_store %arg7[%swap3A_803, %swap3A_804], %swap3A_807 {strides = array<i32>} : memref<64x128xf32, #tpu.memory_space<vmem>>, vector<1x16xf32>,
      %mul3A_808 = arith.constant 4 : i32
      %mul3A_809 = arith.muli %mul3A_808, %add3A_794 : i32
      %add3A_810 = arith.constant 0 : i32
      %add3A_811 = arith.addi %mul3A_809, %add3A_810 : i32
      %get3A_812 = arith.index_cast %add3A_811 : i32 to index
      %get3A_813 = arith.constant 16 : index
      %get3A_814 = tpu.vector_load %arg5[%get3A_812, %get3A_813] {strides = array<i32>} : memref<256x32xf32, #tpu.memory_space<vmem>>, vector<1x16xf32>,
      %get3A_815 = vector.shape_cast %get3A_814 : vector<1x16xf32> to vector<16xf32>
      %swap3A_816 = arith.index_cast %add3A_794 : i32 to index
      %swap3A_817 = arith.constant 16 : index
      %swap3A_818 = tpu.vector_load %arg7[%swap3A_816, %swap3A_817] {strides = array<i32>} : memref<64x128xf32, #tpu.memory_space<vmem>>, vector<1x16xf32>,
      %swap3A_819 = vector.shape_cast %swap3A_818 : vector<1x16xf32> to vector<16xf32>
      %swap3A_820 = vector.shape_cast %get3A_815 : vector<16xf32> to vector<1x16xf32>
      tpu.vector_store %arg7[%swap3A_816, %swap3A_817], %swap3A_820 {strides = array<i32>} : memref<64x128xf32, #tpu.memory_space<vmem>>, vector<1x16xf32>,
      %mul3A_821 = arith.constant 4 : i32
      %mul3A_822 = arith.muli %mul3A_821, %add3A_794 : i32
      %add3A_823 = arith.constant 1 : i32
      %add3A_824 = arith.addi %mul3A_822, %add3A_823 : i32
      %get3A_825 = arith.index_cast %add3A_824 : i32 to index
      %get3A_826 = arith.constant 0 : index
      %get3A_827 = tpu.vector_load %arg5[%get3A_825, %get3A_826] {strides = array<i32>} : memref<256x32xf32, #tpu.memory_space<vmem>>, vector<1x16xf32>,
      %get3A_828 = vector.shape_cast %get3A_827 : vector<1x16xf32> to vector<16xf32>
      %swap3A_829 = arith.index_cast %add3A_794 : i32 to index
      %swap3A_830 = arith.constant 32 : index
      %swap3A_831 = tpu.vector_load %arg7[%swap3A_829, %swap3A_830] {strides = array<i32>} : memref<64x128xf32, #tpu.memory_space<vmem>>, vector<1x16xf32>,
      %swap3A_832 = vector.shape_cast %swap3A_831 : vector<1x16xf32> to vector<16xf32>
      %swap3A_833 = vector.shape_cast %get3A_828 : vector<16xf32> to vector<1x16xf32>
      tpu.vector_store %arg7[%swap3A_829, %swap3A_830], %swap3A_833 {strides = array<i32>} : memref<64x128xf32, #tpu.memory_space<vmem>>, vector<1x16xf32>,
      %mul3A_834 = arith.constant 4 : i32
      %mul3A_835 = arith.muli %mul3A_834, %add3A_794 : i32
      %add3A_836 = arith.constant 1 : i32
      %add3A_837 = arith.addi %mul3A_835, %add3A_836 : i32
      %get3A_838 = arith.index_cast %add3A_837 : i32 to index
      %get3A_839 = arith.constant 16 : index
      %get3A_840 = tpu.vector_load %arg5[%get3A_838, %get3A_839] {strides = array<i32>} : memref<256x32xf32, #tpu.memory_space<vmem>>, vector<1x16xf32>,
      %get3A_841 = vector.shape_cast %get3A_840 : vector<1x16xf32> to vector<16xf32>
      %swap3A_842 = arith.index_cast %add3A_794 : i32 to index
      %swap3A_843 = arith.constant 48 : index
      %swap3A_844 = tpu.vector_load %arg7[%swap3A_842, %swap3A_843] {strides = array<i32>} : memref<64x128xf32, #tpu.memory_space<vmem>>, vector<1x16xf32>,
      %swap3A_845 = vector.shape_cast %swap3A_844 : vector<1x16xf32> to vector<16xf32>
      %swap3A_846 = vector.shape_cast %get3A_841 : vector<16xf32> to vector<1x16xf32>
      tpu.vector_store %arg7[%swap3A_842, %swap3A_843], %swap3A_846 {strides = array<i32>} : memref<64x128xf32, #tpu.memory_space<vmem>>, vector<1x16xf32>,
      %mul3A_847 = arith.constant 4 : i32
      %mul3A_848 = arith.muli %mul3A_847, %add3A_794 : i32
      %add3A_849 = arith.constant 2 : i32
      %add3A_850 = arith.addi %mul3A_848, %add3A_849 : i32
      %get3A_851 = arith.index_cast %add3A_850 : i32 to index
      %get3A_852 = arith.constant 0 : index
      %get3A_853 = tpu.vector_load %arg5[%get3A_851, %get3A_852] {strides = array<i32>} : memref<256x32xf32, #tpu.memory_space<vmem>>, vector<1x16xf32>,
      %get3A_854 = vector.shape_cast %get3A_853 : vector<1x16xf32> to vector<16xf32>
      %swap3A_855 = arith.index_cast %add3A_794 : i32 to index
      %swap3A_856 = arith.constant 64 : index
      %swap3A_857 = tpu.vector_load %arg7[%swap3A_855, %swap3A_856] {strides = array<i32>} : memref<64x128xf32, #tpu.memory_space<vmem>>, vector<1x16xf32>,
      %swap3A_858 = vector.shape_cast %swap3A_857 : vector<1x16xf32> to vector<16xf32>
      %swap3A_859 = vector.shape_cast %get3A_854 : vector<16xf32> to vector<1x16xf32>
      tpu.vector_store %arg7[%swap3A_855, %swap3A_856], %swap3A_859 {strides = array<i32>} : memref<64x128xf32, #tpu.memory_space<vmem>>, vector<1x16xf32>,
      %mul3A_860 = arith.constant 4 : i32
      %mul3A_861 = arith.muli %mul3A_860, %add3A_794 : i32
      %add3A_862 = arith.constant 2 : i32
      %add3A_863 = arith.addi %mul3A_861, %add3A_862 : i32
      %get3A_864 = arith.index_cast %add3A_863 : i32 to index
      %get3A_865 = arith.constant 16 : index
      %get3A_866 = tpu.vector_load %arg5[%get3A_864, %get3A_865] {strides = array<i32>} : memref<256x32xf32, #tpu.memory_space<vmem>>, vector<1x16xf32>,
      %get3A_867 = vector.shape_cast %get3A_866 : vector<1x16xf32> to vector<16xf32>
      %swap3A_868 = arith.index_cast %add3A_794 : i32 to index
      %swap3A_869 = arith.constant 80 : index
      %swap3A_870 = tpu.vector_load %arg7[%swap3A_868, %swap3A_869] {strides = array<i32>} : memref<64x128xf32, #tpu.memory_space<vmem>>, vector<1x16xf32>,
      %swap3A_871 = vector.shape_cast %swap3A_870 : vector<1x16xf32> to vector<16xf32>
      %swap3A_872 = vector.shape_cast %get3A_867 : vector<16xf32> to vector<1x16xf32>
      tpu.vector_store %arg7[%swap3A_868, %swap3A_869], %swap3A_872 {strides = array<i32>} : memref<64x128xf32, #tpu.memory_space<vmem>>, vector<1x16xf32>,
      %mul3A_873 = arith.constant 4 : i32
      %mul3A_874 = arith.muli %mul3A_873, %add3A_794 : i32
      %add3A_875 = arith.constant 3 : i32
      %add3A_876 = arith.addi %mul3A_874, %add3A_875 : i32
      %get3A_877 = arith.index_cast %add3A_876 : i32 to index
      %get3A_878 = arith.constant 0 : index
      %get3A_879 = tpu.vector_load %arg5[%get3A_877, %get3A_878] {strides = array<i32>} : memref<256x32xf32, #tpu.memory_space<vmem>>, vector<1x16xf32>,
      %get3A_880 = vector.shape_cast %get3A_879 : vector<1x16xf32> to vector<16xf32>
      %swap3A_881 = arith.index_cast %add3A_794 : i32 to index
      %swap3A_882 = arith.constant 96 : index
      %swap3A_883 = tpu.vector_load %arg7[%swap3A_881, %swap3A_882] {strides = array<i32>} : memref<64x128xf32, #tpu.memory_space<vmem>>, vector<1x16xf32>,
      %swap3A_884 = vector.shape_cast %swap3A_883 : vector<1x16xf32> to vector<16xf32>
      %swap3A_885 = vector.shape_cast %get3A_880 : vector<16xf32> to vector<1x16xf32>
      tpu.vector_store %arg7[%swap3A_881, %swap3A_882], %swap3A_885 {strides = array<i32>} : memref<64x128xf32, #tpu.memory_space<vmem>>, vector<1x16xf32>,
      %mul3A_886 = arith.constant 4 : i32
      %mul3A_887 = arith.muli %mul3A_886, %add3A_794 : i32
      %add3A_888 = arith.constant 3 : i32
      %add3A_889 = arith.addi %mul3A_887, %add3A_888 : i32
      %get3A_890 = arith.index_cast %add3A_889 : i32 to index
      %get3A_891 = arith.constant 16 : index
      %get3A_892 = tpu.vector_load %arg5[%get3A_890, %get3A_891] {strides = array<i32>} : memref<256x32xf32, #tpu.memory_space<vmem>>, vector<1x16xf32>,
      %get3A_893 = vector.shape_cast %get3A_892 : vector<1x16xf32> to vector<16xf32>
      %swap3A_894 = arith.index_cast %add3A_794 : i32 to index
      %swap3A_895 = arith.constant 112 : index
      %swap3A_896 = tpu.vector_load %arg7[%swap3A_894, %swap3A_895] {strides = array<i32>} : memref<64x128xf32, #tpu.memory_space<vmem>>, vector<1x16xf32>,
      %swap3A_897 = vector.shape_cast %swap3A_896 : vector<1x16xf32> to vector<16xf32>
      %swap3A_898 = vector.shape_cast %get3A_893 : vector<16xf32> to vector<1x16xf32>
      tpu.vector_store %arg7[%swap3A_894, %swap3A_895], %swap3A_898 {strides = array<i32>} : memref<64x128xf32, #tpu.memory_space<vmem>>, vector<1x16xf32>,
    }
    %scan3A_311 = arith.constant 16 : i32
    %add3A_312 = arith.constant 1280 : i32
    %add3A_313 = arith.addi %mul3A_0, %add3A_312 : i32
    %jit3A_314 = arith.constant 4 : i32
    %div3A_315 = arith.divsi %add3A_313, %jit3A_314 : i32
    %sign3A_316 = arith.constant 0 : i32
    %sign3A_317 = arith.cmpi sgt, %add3A_313, %sign3A_316 : i32
    %sign3A_318 = arith.extui %sign3A_317 : i1 to i32
    %sign3A_319 = arith.constant 0 : i32
    %sign3A_320 = arith.cmpi slt, %add3A_313, %sign3A_319 : i32
    %sign3A_321 = arith.extui %sign3A_320 : i1 to i32
    %sign3A_322 = arith.subi %sign3A_318, %sign3A_321 : i32
    %sign3A_323 = arith.constant 0 : i32
    %sign3A_324 = arith.cmpi sgt, %jit3A_314, %sign3A_323 : i32
    %sign3A_325 = arith.extui %sign3A_324 : i1 to i32
    %sign3A_326 = arith.constant 0 : i32
    %sign3A_327 = arith.cmpi slt, %jit3A_314, %sign3A_326 : i32
    %sign3A_328 = arith.extui %sign3A_327 : i1 to i32
    %sign3A_329 = arith.subi %sign3A_325, %sign3A_328 : i32
    %ne3A_330 = arith.cmpi ne, %sign3A_322, %sign3A_329 : i32
    %rem3A_331 = arith.remsi %add3A_313, %jit3A_314 : i32
    %ne3A_332 = arith.constant 0 : i32
    %ne3A_333 = arith.cmpi ne, %rem3A_331, %ne3A_332 : i32
    %and3A_334 = arith.andi %ne3A_330, %ne3A_333 : i1
    %sub3A_335 = arith.constant 1 : i32
    %sub3A_336 = arith.subi %div3A_315, %sub3A_335 : i32
    %select_n3A_337 = arith.select %and3A_334, %sub3A_336, %div3A_315 : i32
    %multiple_of3A_338 = tpu.assume_multiple %select_n3A_337, 64 : i32
    %dma_start3A_339 = arith.constant 0 : i32
    %dma_start3A_340 = tpu.memref_slice %arg3[%arg1, %multiple_of3A_338, %dma_start3A_339] : memref<16x1024x128xf32, #tpu.memory_space<hbm>> -> memref<1x64x128xf32, #tpu.memory_space<hbm>>
    %dma_start3A_341 = tpu.memref_squeeze %dma_start3A_340 : memref<1x64x128xf32, #tpu.memory_space<hbm>> -> memref<64x128xf32, #tpu.memory_space<hbm>>
    %dma_start3A_342 = arith.constant 0 : i32
    %dma_start3A_343 = tpu.memref_slice %arg3[%arg1, %multiple_of3A_338, %dma_start3A_342] : memref<16x1024x128xf32, #tpu.memory_space<hbm>> -> memref<1x64x128xf32, #tpu.memory_space<hbm>>
    %dma_start3A_344 = tpu.memref_squeeze %dma_start3A_343 : memref<1x64x128xf32, #tpu.memory_space<hbm>> -> memref<64x128xf32, #tpu.memory_space<hbm>>
    tpu.enqueue_dma source(%arg7 : memref<64x128xf32, #tpu.memory_space<vmem>>) target(%dma_start3A_344 : memref<64x128xf32, #tpu.memory_space<hbm>>) target_semaphore(%arg11 : memref<!tpu.dma_semaphore, #tpu.memory_space<semaphore_mem>>)
    %add3A_345 = arith.constant 1792 : i32
    %add3A_346 = arith.addi %mul3A_0, %add3A_345 : i32
    %multiple_of3A_347 = tpu.assume_multiple %add3A_346, 256 : i32
    %dma_start3A_348 = arith.constant 0 : i32
    %dma_start3A_349 = tpu.memref_slice %arg2[%arg1, %multiple_of3A_347, %dma_start3A_348] : memref<16x4096x32xf32, #tpu.memory_space<hbm>> -> memref<1x256x32xf32, #tpu.memory_space<hbm>>
    %dma_start3A_350 = tpu.memref_squeeze %dma_start3A_349 : memref<1x256x32xf32, #tpu.memory_space<hbm>> -> memref<256x32xf32, #tpu.memory_space<hbm>>
    %dma_start3A_351 = arith.constant 0 : i32
    %dma_start3A_352 = tpu.memref_slice %arg2[%arg1, %multiple_of3A_347, %dma_start3A_351] : memref<16x4096x32xf32, #tpu.memory_space<hbm>> -> memref<1x256x32xf32, #tpu.memory_space<hbm>>
    %dma_start3A_353 = tpu.memref_squeeze %dma_start3A_352 : memref<1x256x32xf32, #tpu.memory_space<hbm>> -> memref<256x32xf32, #tpu.memory_space<hbm>>
    tpu.enqueue_dma source(%dma_start3A_353 : memref<256x32xf32, #tpu.memory_space<hbm>>) target(%arg5 : memref<256x32xf32, #tpu.memory_space<vmem>>) target_semaphore(%arg9 : memref<!tpu.dma_semaphore, #tpu.memory_space<semaphore_mem>>)
    %dma_wait3A_354 = arith.constant 0 : i32
    %dma_wait3A_355 = tpu.memref_slice %arg2[%arg1, %multiple_of3A_287, %dma_wait3A_354] : memref<16x4096x32xf32, #tpu.memory_space<hbm>> -> memref<1x256x32xf32, #tpu.memory_space<hbm>>
    %dma_wait3A_356 = tpu.memref_squeeze %dma_wait3A_355 : memref<1x256x32xf32, #tpu.memory_space<hbm>> -> memref<256x32xf32, #tpu.memory_space<hbm>>
    %dma_wait3A_357 = arith.constant 0 : i32
    %dma_wait3A_358 = tpu.memref_slice %arg2[%arg1, %multiple_of3A_287, %dma_wait3A_357] : memref<16x4096x32xf32, #tpu.memory_space<hbm>> -> memref<1x256x32xf32, #tpu.memory_space<hbm>>
    %dma_wait3A_359 = tpu.memref_squeeze %dma_wait3A_358 : memref<1x256x32xf32, #tpu.memory_space<hbm>> -> memref<256x32xf32, #tpu.memory_space<hbm>>
    tpu.wait_dma2 semaphore(%arg8 : memref<!tpu.dma_semaphore, #tpu.memory_space<semaphore_mem>>) src(%dma_wait3A_359 : memref<256x32xf32, #tpu.memory_space<hbm>>) dst(%arg4 : memref<256x32xf32, #tpu.memory_space<vmem>>)
    %dma_wait3A_360 = arith.constant 0 : i32
    %dma_wait3A_361 = tpu.memref_slice %arg3[%arg1, %multiple_of3A_278, %dma_wait3A_360] : memref<16x1024x128xf32, #tpu.memory_space<hbm>> -> memref<1x64x128xf32, #tpu.memory_space<hbm>>
    %dma_wait3A_362 = tpu.memref_squeeze %dma_wait3A_361 : memref<1x64x128xf32, #tpu.memory_space<hbm>> -> memref<64x128xf32, #tpu.memory_space<hbm>>
    %dma_wait3A_363 = arith.constant 0 : i32
    %dma_wait3A_364 = tpu.memref_slice %arg3[%arg1, %multiple_of3A_278, %dma_wait3A_363] : memref<16x1024x128xf32, #tpu.memory_space<hbm>> -> memref<1x64x128xf32, #tpu.memory_space<hbm>>
    %dma_wait3A_365 = tpu.memref_squeeze %dma_wait3A_364 : memref<1x64x128xf32, #tpu.memory_space<hbm>> -> memref<64x128xf32, #tpu.memory_space<hbm>>
    tpu.wait_dma2 semaphore(%arg10 : memref<!tpu.dma_semaphore, #tpu.memory_space<semaphore_mem>>) src(%arg6 : memref<64x128xf32, #tpu.memory_space<vmem>>) dst(%dma_wait3A_365 : memref<64x128xf32, #tpu.memory_space<hbm>>)
    %scan3A_366 = arith.constant 0 : i32
    %scan3A_367 = arith.constant 0 : i32
    %scan3A_368 = arith.constant 16 : i32
    %scan3A_369 = arith.addi %scan3A_367, %scan3A_368 : i32
    %scan3A_370 = arith.constant 1 : i32
    scf.for %scan3A_468 = %scan3A_367 to %scan3A_369 step %scan3A_370  : i32 {
      %mul3A_469 = arith.constant 4 : i32
      %mul3A_470 = arith.muli %mul3A_469, %scan3A_468 : i32
      %add3A_471 = arith.constant 0 : i32
      %add3A_472 = arith.addi %mul3A_470, %add3A_471 : i32
      %mul3A_473 = arith.constant 4 : i32
      %mul3A_474 = arith.muli %mul3A_473, %add3A_472 : i32
      %add3A_475 = arith.constant 0 : i32
      %add3A_476 = arith.addi %mul3A_474, %add3A_475 : i32
      %get3A = arith.index_cast %add3A_476 : i32 to index
      %get3A_477 = arith.constant 0 : index
      %get3A_478 = tpu.vector_load %arg4[%get3A, %get3A_477] {strides = array<i32>} : memref<256x32xf32, #tpu.memory_space<vmem>>, vector<1x16xf32>,
      %get3A_479 = vector.shape_cast %get3A_478 : vector<1x16xf32> to vector<16xf32>
      %swap3A = arith.index_cast %add3A_472 : i32 to index
      %swap3A_480 = arith.constant 0 : index
      %swap3A_481 = tpu.vector_load %arg6[%swap3A, %swap3A_480] {strides = array<i32>} : memref<64x128xf32, #tpu.memory_space<vmem>>, vector<1x16xf32>,
      %swap3A_482 = vector.shape_cast %swap3A_481 : vector<1x16xf32> to vector<16xf32>
      %swap3A_483 = vector.shape_cast %get3A_479 : vector<16xf32> to vector<1x16xf32>
      tpu.vector_store %arg6[%swap3A, %swap3A_480], %swap3A_483 {strides = array<i32>} : memref<64x128xf32, #tpu.memory_space<vmem>>, vector<1x16xf32>,
      %mul3A_484 = arith.constant 4 : i32
      %mul3A_485 = arith.muli %mul3A_484, %add3A_472 : i32
      %add3A_486 = arith.constant 0 : i32
      %add3A_487 = arith.addi %mul3A_485, %add3A_486 : i32
      %get3A_488 = arith.index_cast %add3A_487 : i32 to index
      %get3A_489 = arith.constant 16 : index
      %get3A_490 = tpu.vector_load %arg4[%get3A_488, %get3A_489] {strides = array<i32>} : memref<256x32xf32, #tpu.memory_space<vmem>>, vector<1x16xf32>,
      %get3A_491 = vector.shape_cast %get3A_490 : vector<1x16xf32> to vector<16xf32>
      %swap3A_492 = arith.index_cast %add3A_472 : i32 to index
      %swap3A_493 = arith.constant 16 : index
      %swap3A_494 = tpu.vector_load %arg6[%swap3A_492, %swap3A_493] {strides = array<i32>} : memref<64x128xf32, #tpu.memory_space<vmem>>, vector<1x16xf32>,
      %swap3A_495 = vector.shape_cast %swap3A_494 : vector<1x16xf32> to vector<16xf32>
      %swap3A_496 = vector.shape_cast %get3A_491 : vector<16xf32> to vector<1x16xf32>
      tpu.vector_store %arg6[%swap3A_492, %swap3A_493], %swap3A_496 {strides = array<i32>} : memref<64x128xf32, #tpu.memory_space<vmem>>, vector<1x16xf32>,
      %mul3A_497 = arith.constant 4 : i32
      %mul3A_498 = arith.muli %mul3A_497, %add3A_472 : i32
      %add3A_499 = arith.constant 1 : i32
      %add3A_500 = arith.addi %mul3A_498, %add3A_499 : i32
      %get3A_501 = arith.index_cast %add3A_500 : i32 to index
      %get3A_502 = arith.constant 0 : index
      %get3A_503 = tpu.vector_load %arg4[%get3A_501, %get3A_502] {strides = array<i32>} : memref<256x32xf32, #tpu.memory_space<vmem>>, vector<1x16xf32>,
      %get3A_504 = vector.shape_cast %get3A_503 : vector<1x16xf32> to vector<16xf32>
      %swap3A_505 = arith.index_cast %add3A_472 : i32 to index
      %swap3A_506 = arith.constant 32 : index
      %swap3A_507 = tpu.vector_load %arg6[%swap3A_505, %swap3A_506] {strides = array<i32>} : memref<64x128xf32, #tpu.memory_space<vmem>>, vector<1x16xf32>,
      %swap3A_508 = vector.shape_cast %swap3A_507 : vector<1x16xf32> to vector<16xf32>
      %swap3A_509 = vector.shape_cast %get3A_504 : vector<16xf32> to vector<1x16xf32>
      tpu.vector_store %arg6[%swap3A_505, %swap3A_506], %swap3A_509 {strides = array<i32>} : memref<64x128xf32, #tpu.memory_space<vmem>>, vector<1x16xf32>,
      %mul3A_510 = arith.constant 4 : i32
      %mul3A_511 = arith.muli %mul3A_510, %add3A_472 : i32
      %add3A_512 = arith.constant 1 : i32
      %add3A_513 = arith.addi %mul3A_511, %add3A_512 : i32
      %get3A_514 = arith.index_cast %add3A_513 : i32 to index
      %get3A_515 = arith.constant 16 : index
      %get3A_516 = tpu.vector_load %arg4[%get3A_514, %get3A_515] {strides = array<i32>} : memref<256x32xf32, #tpu.memory_space<vmem>>, vector<1x16xf32>,
      %get3A_517 = vector.shape_cast %get3A_516 : vector<1x16xf32> to vector<16xf32>
      %swap3A_518 = arith.index_cast %add3A_472 : i32 to index
      %swap3A_519 = arith.constant 48 : index
      %swap3A_520 = tpu.vector_load %arg6[%swap3A_518, %swap3A_519] {strides = array<i32>} : memref<64x128xf32, #tpu.memory_space<vmem>>, vector<1x16xf32>,
      %swap3A_521 = vector.shape_cast %swap3A_520 : vector<1x16xf32> to vector<16xf32>
      %swap3A_522 = vector.shape_cast %get3A_517 : vector<16xf32> to vector<1x16xf32>
      tpu.vector_store %arg6[%swap3A_518, %swap3A_519], %swap3A_522 {strides = array<i32>} : memref<64x128xf32, #tpu.memory_space<vmem>>, vector<1x16xf32>,
      %mul3A_523 = arith.constant 4 : i32
      %mul3A_524 = arith.muli %mul3A_523, %add3A_472 : i32
      %add3A_525 = arith.constant 2 : i32
      %add3A_526 = arith.addi %mul3A_524, %add3A_525 : i32
      %get3A_527 = arith.index_cast %add3A_526 : i32 to index
      %get3A_528 = arith.constant 0 : index
      %get3A_529 = tpu.vector_load %arg4[%get3A_527, %get3A_528] {strides = array<i32>} : memref<256x32xf32, #tpu.memory_space<vmem>>, vector<1x16xf32>,
      %get3A_530 = vector.shape_cast %get3A_529 : vector<1x16xf32> to vector<16xf32>
      %swap3A_531 = arith.index_cast %add3A_472 : i32 to index
      %swap3A_532 = arith.constant 64 : index
      %swap3A_533 = tpu.vector_load %arg6[%swap3A_531, %swap3A_532] {strides = array<i32>} : memref<64x128xf32, #tpu.memory_space<vmem>>, vector<1x16xf32>,
      %swap3A_534 = vector.shape_cast %swap3A_533 : vector<1x16xf32> to vector<16xf32>
      %swap3A_535 = vector.shape_cast %get3A_530 : vector<16xf32> to vector<1x16xf32>
      tpu.vector_store %arg6[%swap3A_531, %swap3A_532], %swap3A_535 {strides = array<i32>} : memref<64x128xf32, #tpu.memory_space<vmem>>, vector<1x16xf32>,
      %mul3A_536 = arith.constant 4 : i32
      %mul3A_537 = arith.muli %mul3A_536, %add3A_472 : i32
      %add3A_538 = arith.constant 2 : i32
      %add3A_539 = arith.addi %mul3A_537, %add3A_538 : i32
      %get3A_540 = arith.index_cast %add3A_539 : i32 to index
      %get3A_541 = arith.constant 16 : index
      %get3A_542 = tpu.vector_load %arg4[%get3A_540, %get3A_541] {strides = array<i32>} : memref<256x32xf32, #tpu.memory_space<vmem>>, vector<1x16xf32>,
      %get3A_543 = vector.shape_cast %get3A_542 : vector<1x16xf32> to vector<16xf32>
      %swap3A_544 = arith.index_cast %add3A_472 : i32 to index
      %swap3A_545 = arith.constant 80 : index
      %swap3A_546 = tpu.vector_load %arg6[%swap3A_544, %swap3A_545] {strides = array<i32>} : memref<64x128xf32, #tpu.memory_space<vmem>>, vector<1x16xf32>,
      %swap3A_547 = vector.shape_cast %swap3A_546 : vector<1x16xf32> to vector<16xf32>
      %swap3A_548 = vector.shape_cast %get3A_543 : vector<16xf32> to vector<1x16xf32>
      tpu.vector_store %arg6[%swap3A_544, %swap3A_545], %swap3A_548 {strides = array<i32>} : memref<64x128xf32, #tpu.memory_space<vmem>>, vector<1x16xf32>,
      %mul3A_549 = arith.constant 4 : i32
      %mul3A_550 = arith.muli %mul3A_549, %add3A_472 : i32
      %add3A_551 = arith.constant 3 : i32
      %add3A_552 = arith.addi %mul3A_550, %add3A_551 : i32
      %get3A_553 = arith.index_cast %add3A_552 : i32 to index
      %get3A_554 = arith.constant 0 : index
      %get3A_555 = tpu.vector_load %arg4[%get3A_553, %get3A_554] {strides = array<i32>} : memref<256x32xf32, #tpu.memory_space<vmem>>, vector<1x16xf32>,
      %get3A_556 = vector.shape_cast %get3A_555 : vector<1x16xf32> to vector<16xf32>
      %swap3A_557 = arith.index_cast %add3A_472 : i32 to index
      %swap3A_558 = arith.constant 96 : index
      %swap3A_559 = tpu.vector_load %arg6[%swap3A_557, %swap3A_558] {strides = array<i32>} : memref<64x128xf32, #tpu.memory_space<vmem>>, vector<1x16xf32>,
      %swap3A_560 = vector.shape_cast %swap3A_559 : vector<1x16xf32> to vector<16xf32>
      %swap3A_561 = vector.shape_cast %get3A_556 : vector<16xf32> to vector<1x16xf32>
      tpu.vector_store %arg6[%swap3A_557, %swap3A_558], %swap3A_561 {strides = array<i32>} : memref<64x128xf32, #tpu.memory_space<vmem>>, vector<1x16xf32>,
      %mul3A_562 = arith.constant 4 : i32
      %mul3A_563 = arith.muli %mul3A_562, %add3A_472 : i32
      %add3A_564 = arith.constant 3 : i32
      %add3A_565 = arith.addi %mul3A_563, %add3A_564 : i32
      %get3A_566 = arith.index_cast %add3A_565 : i32 to index
      %get3A_567 = arith.constant 16 : index
      %get3A_568 = tpu.vector_load %arg4[%get3A_566, %get3A_567] {strides = array<i32>} : memref<256x32xf32, #tpu.memory_space<vmem>>, vector<1x16xf32>,
      %get3A_569 = vector.shape_cast %get3A_568 : vector<1x16xf32> to vector<16xf32>
      %swap3A_570 = arith.index_cast %add3A_472 : i32 to index
      %swap3A_571 = arith.constant 112 : index
      %swap3A_572 = tpu.vector_load %arg6[%swap3A_570, %swap3A_571] {strides = array<i32>} : memref<64x128xf32, #tpu.memory_space<vmem>>, vector<1x16xf32>,
      %swap3A_573 = vector.shape_cast %swap3A_572 : vector<1x16xf32> to vector<16xf32>
      %swap3A_574 = vector.shape_cast %get3A_569 : vector<16xf32> to vector<1x16xf32>
      tpu.vector_store %arg6[%swap3A_570, %swap3A_571], %swap3A_574 {strides = array<i32>} : memref<64x128xf32, #tpu.memory_space<vmem>>, vector<1x16xf32>,
      %mul3A_575 = arith.constant 4 : i32
      %mul3A_576 = arith.muli %mul3A_575, %scan3A_468 : i32
      %add3A_577 = arith.constant 1 : i32
      %add3A_578 = arith.addi %mul3A_576, %add3A_577 : i32
      %mul3A_579 = arith.constant 4 : i32
      %mul3A_580 = arith.muli %mul3A_579, %add3A_578 : i32
      %add3A_581 = arith.constant 0 : i32
      %add3A_582 = arith.addi %mul3A_580, %add3A_581 : i32
      %get3A_583 = arith.index_cast %add3A_582 : i32 to index
      %get3A_584 = arith.constant 0 : index
      %get3A_585 = tpu.vector_load %arg4[%get3A_583, %get3A_584] {strides = array<i32>} : memref<256x32xf32, #tpu.memory_space<vmem>>, vector<1x16xf32>,
      %get3A_586 = vector.shape_cast %get3A_585 : vector<1x16xf32> to vector<16xf32>
      %swap3A_587 = arith.index_cast %add3A_578 : i32 to index
      %swap3A_588 = arith.constant 0 : index
      %swap3A_589 = tpu.vector_load %arg6[%swap3A_587, %swap3A_588] {strides = array<i32>} : memref<64x128xf32, #tpu.memory_space<vmem>>, vector<1x16xf32>,
      %swap3A_590 = vector.shape_cast %swap3A_589 : vector<1x16xf32> to vector<16xf32>
      %swap3A_591 = vector.shape_cast %get3A_586 : vector<16xf32> to vector<1x16xf32>
      tpu.vector_store %arg6[%swap3A_587, %swap3A_588], %swap3A_591 {strides = array<i32>} : memref<64x128xf32, #tpu.memory_space<vmem>>, vector<1x16xf32>,
      %mul3A_592 = arith.constant 4 : i32
      %mul3A_593 = arith.muli %mul3A_592, %add3A_578 : i32
      %add3A_594 = arith.constant 0 : i32
      %add3A_595 = arith.addi %mul3A_593, %add3A_594 : i32
      %get3A_596 = arith.index_cast %add3A_595 : i32 to index
      %get3A_597 = arith.constant 16 : index
      %get3A_598 = tpu.vector_load %arg4[%get3A_596, %get3A_597] {strides = array<i32>} : memref<256x32xf32, #tpu.memory_space<vmem>>, vector<1x16xf32>,
      %get3A_599 = vector.shape_cast %get3A_598 : vector<1x16xf32> to vector<16xf32>
      %swap3A_600 = arith.index_cast %add3A_578 : i32 to index
      %swap3A_601 = arith.constant 16 : index
      %swap3A_602 = tpu.vector_load %arg6[%swap3A_600, %swap3A_601] {strides = array<i32>} : memref<64x128xf32, #tpu.memory_space<vmem>>, vector<1x16xf32>,
      %swap3A_603 = vector.shape_cast %swap3A_602 : vector<1x16xf32> to vector<16xf32>
      %swap3A_604 = vector.shape_cast %get3A_599 : vector<16xf32> to vector<1x16xf32>
      tpu.vector_store %arg6[%swap3A_600, %swap3A_601], %swap3A_604 {strides = array<i32>} : memref<64x128xf32, #tpu.memory_space<vmem>>, vector<1x16xf32>,
      %mul3A_605 = arith.constant 4 : i32
      %mul3A_606 = arith.muli %mul3A_605, %add3A_578 : i32
      %add3A_607 = arith.constant 1 : i32
      %add3A_608 = arith.addi %mul3A_606, %add3A_607 : i32
      %get3A_609 = arith.index_cast %add3A_608 : i32 to index
      %get3A_610 = arith.constant 0 : index
      %get3A_611 = tpu.vector_load %arg4[%get3A_609, %get3A_610] {strides = array<i32>} : memref<256x32xf32, #tpu.memory_space<vmem>>, vector<1x16xf32>,
      %get3A_612 = vector.shape_cast %get3A_611 : vector<1x16xf32> to vector<16xf32>
      %swap3A_613 = arith.index_cast %add3A_578 : i32 to index
      %swap3A_614 = arith.constant 32 : index
      %swap3A_615 = tpu.vector_load %arg6[%swap3A_613, %swap3A_614] {strides = array<i32>} : memref<64x128xf32, #tpu.memory_space<vmem>>, vector<1x16xf32>,
      %swap3A_616 = vector.shape_cast %swap3A_615 : vector<1x16xf32> to vector<16xf32>
      %swap3A_617 = vector.shape_cast %get3A_612 : vector<16xf32> to vector<1x16xf32>
      tpu.vector_store %arg6[%swap3A_613, %swap3A_614], %swap3A_617 {strides = array<i32>} : memref<64x128xf32, #tpu.memory_space<vmem>>, vector<1x16xf32>,
      %mul3A_618 = arith.constant 4 : i32
      %mul3A_619 = arith.muli %mul3A_618, %add3A_578 : i32
      %add3A_620 = arith.constant 1 : i32
      %add3A_621 = arith.addi %mul3A_619, %add3A_620 : i32
      %get3A_622 = arith.index_cast %add3A_621 : i32 to index
      %get3A_623 = arith.constant 16 : index
      %get3A_624 = tpu.vector_load %arg4[%get3A_622, %get3A_623] {strides = array<i32>} : memref<256x32xf32, #tpu.memory_space<vmem>>, vector<1x16xf32>,
      %get3A_625 = vector.shape_cast %get3A_624 : vector<1x16xf32> to vector<16xf32>
      %swap3A_626 = arith.index_cast %add3A_578 : i32 to index
      %swap3A_627 = arith.constant 48 : index
      %swap3A_628 = tpu.vector_load %arg6[%swap3A_626, %swap3A_627] {strides = array<i32>} : memref<64x128xf32, #tpu.memory_space<vmem>>, vector<1x16xf32>,
      %swap3A_629 = vector.shape_cast %swap3A_628 : vector<1x16xf32> to vector<16xf32>
      %swap3A_630 = vector.shape_cast %get3A_625 : vector<16xf32> to vector<1x16xf32>
      tpu.vector_store %arg6[%swap3A_626, %swap3A_627], %swap3A_630 {strides = array<i32>} : memref<64x128xf32, #tpu.memory_space<vmem>>, vector<1x16xf32>,
      %mul3A_631 = arith.constant 4 : i32
      %mul3A_632 = arith.muli %mul3A_631, %add3A_578 : i32
      %add3A_633 = arith.constant 2 : i32
      %add3A_634 = arith.addi %mul3A_632, %add3A_633 : i32
      %get3A_635 = arith.index_cast %add3A_634 : i32 to index
      %get3A_636 = arith.constant 0 : index
      %get3A_637 = tpu.vector_load %arg4[%get3A_635, %get3A_636] {strides = array<i32>} : memref<256x32xf32, #tpu.memory_space<vmem>>, vector<1x16xf32>,
      %get3A_638 = vector.shape_cast %get3A_637 : vector<1x16xf32> to vector<16xf32>
      %swap3A_639 = arith.index_cast %add3A_578 : i32 to index
      %swap3A_640 = arith.constant 64 : index
      %swap3A_641 = tpu.vector_load %arg6[%swap3A_639, %swap3A_640] {strides = array<i32>} : memref<64x128xf32, #tpu.memory_space<vmem>>, vector<1x16xf32>,
      %swap3A_642 = vector.shape_cast %swap3A_641 : vector<1x16xf32> to vector<16xf32>
      %swap3A_643 = vector.shape_cast %get3A_638 : vector<16xf32> to vector<1x16xf32>
      tpu.vector_store %arg6[%swap3A_639, %swap3A_640], %swap3A_643 {strides = array<i32>} : memref<64x128xf32, #tpu.memory_space<vmem>>, vector<1x16xf32>,
      %mul3A_644 = arith.constant 4 : i32
      %mul3A_645 = arith.muli %mul3A_644, %add3A_578 : i32
      %add3A_646 = arith.constant 2 : i32
      %add3A_647 = arith.addi %mul3A_645, %add3A_646 : i32
      %get3A_648 = arith.index_cast %add3A_647 : i32 to index
      %get3A_649 = arith.constant 16 : index
      %get3A_650 = tpu.vector_load %arg4[%get3A_648, %get3A_649] {strides = array<i32>} : memref<256x32xf32, #tpu.memory_space<vmem>>, vector<1x16xf32>,
      %get3A_651 = vector.shape_cast %get3A_650 : vector<1x16xf32> to vector<16xf32>
      %swap3A_652 = arith.index_cast %add3A_578 : i32 to index
      %swap3A_653 = arith.constant 80 : index
      %swap3A_654 = tpu.vector_load %arg6[%swap3A_652, %swap3A_653] {strides = array<i32>} : memref<64x128xf32, #tpu.memory_space<vmem>>, vector<1x16xf32>,
      %swap3A_655 = vector.shape_cast %swap3A_654 : vector<1x16xf32> to vector<16xf32>
      %swap3A_656 = vector.shape_cast %get3A_651 : vector<16xf32> to vector<1x16xf32>
      tpu.vector_store %arg6[%swap3A_652, %swap3A_653], %swap3A_656 {strides = array<i32>} : memref<64x128xf32, #tpu.memory_space<vmem>>, vector<1x16xf32>,
      %mul3A_657 = arith.constant 4 : i32
      %mul3A_658 = arith.muli %mul3A_657, %add3A_578 : i32
      %add3A_659 = arith.constant 3 : i32
      %add3A_660 = arith.addi %mul3A_658, %add3A_659 : i32
      %get3A_661 = arith.index_cast %add3A_660 : i32 to index
      %get3A_662 = arith.constant 0 : index
      %get3A_663 = tpu.vector_load %arg4[%get3A_661, %get3A_662] {strides = array<i32>} : memref<256x32xf32, #tpu.memory_space<vmem>>, vector<1x16xf32>,
      %get3A_664 = vector.shape_cast %get3A_663 : vector<1x16xf32> to vector<16xf32>
      %swap3A_665 = arith.index_cast %add3A_578 : i32 to index
      %swap3A_666 = arith.constant 96 : index
      %swap3A_667 = tpu.vector_load %arg6[%swap3A_665, %swap3A_666] {strides = array<i32>} : memref<64x128xf32, #tpu.memory_space<vmem>>, vector<1x16xf32>,
      %swap3A_668 = vector.shape_cast %swap3A_667 : vector<1x16xf32> to vector<16xf32>
      %swap3A_669 = vector.shape_cast %get3A_664 : vector<16xf32> to vector<1x16xf32>
      tpu.vector_store %arg6[%swap3A_665, %swap3A_666], %swap3A_669 {strides = array<i32>} : memref<64x128xf32, #tpu.memory_space<vmem>>, vector<1x16xf32>,
      %mul3A_670 = arith.constant 4 : i32
      %mul3A_671 = arith.muli %mul3A_670, %add3A_578 : i32
      %add3A_672 = arith.constant 3 : i32
      %add3A_673 = arith.addi %mul3A_671, %add3A_672 : i32
      %get3A_674 = arith.index_cast %add3A_673 : i32 to index
      %get3A_675 = arith.constant 16 : index
      %get3A_676 = tpu.vector_load %arg4[%get3A_674, %get3A_675] {strides = array<i32>} : memref<256x32xf32, #tpu.memory_space<vmem>>, vector<1x16xf32>,
      %get3A_677 = vector.shape_cast %get3A_676 : vector<1x16xf32> to vector<16xf32>
      %swap3A_678 = arith.index_cast %add3A_578 : i32 to index
      %swap3A_679 = arith.constant 112 : index
      %swap3A_680 = tpu.vector_load %arg6[%swap3A_678, %swap3A_679] {strides = array<i32>} : memref<64x128xf32, #tpu.memory_space<vmem>>, vector<1x16xf32>,
      %swap3A_681 = vector.shape_cast %swap3A_680 : vector<1x16xf32> to vector<16xf32>
      %swap3A_682 = vector.shape_cast %get3A_677 : vector<16xf32> to vector<1x16xf32>
      tpu.vector_store %arg6[%swap3A_678, %swap3A_679], %swap3A_682 {strides = array<i32>} : memref<64x128xf32, #tpu.memory_space<vmem>>, vector<1x16xf32>,
      %mul3A_683 = arith.constant 4 : i32
      %mul3A_684 = arith.muli %mul3A_683, %scan3A_468 : i32
      %add3A_685 = arith.constant 2 : i32
      %add3A_686 = arith.addi %mul3A_684, %add3A_685 : i32
      %mul3A_687 = arith.constant 4 : i32
      %mul3A_688 = arith.muli %mul3A_687, %add3A_686 : i32
      %add3A_689 = arith.constant 0 : i32
      %add3A_690 = arith.addi %mul3A_688, %add3A_689 : i32
      %get3A_691 = arith.index_cast %add3A_690 : i32 to index
      %get3A_692 = arith.constant 0 : index
      %get3A_693 = tpu.vector_load %arg4[%get3A_691, %get3A_692] {strides = array<i32>} : memref<256x32xf32, #tpu.memory_space<vmem>>, vector<1x16xf32>,
      %get3A_694 = vector.shape_cast %get3A_693 : vector<1x16xf32> to vector<16xf32>
      %swap3A_695 = arith.index_cast %add3A_686 : i32 to index
      %swap3A_696 = arith.constant 0 : index
      %swap3A_697 = tpu.vector_load %arg6[%swap3A_695, %swap3A_696] {strides = array<i32>} : memref<64x128xf32, #tpu.memory_space<vmem>>, vector<1x16xf32>,
      %swap3A_698 = vector.shape_cast %swap3A_697 : vector<1x16xf32> to vector<16xf32>
      %swap3A_699 = vector.shape_cast %get3A_694 : vector<16xf32> to vector<1x16xf32>
      tpu.vector_store %arg6[%swap3A_695, %swap3A_696], %swap3A_699 {strides = array<i32>} : memref<64x128xf32, #tpu.memory_space<vmem>>, vector<1x16xf32>,
      %mul3A_700 = arith.constant 4 : i32
      %mul3A_701 = arith.muli %mul3A_700, %add3A_686 : i32
      %add3A_702 = arith.constant 0 : i32
      %add3A_703 = arith.addi %mul3A_701, %add3A_702 : i32
      %get3A_704 = arith.index_cast %add3A_703 : i32 to index
      %get3A_705 = arith.constant 16 : index
      %get3A_706 = tpu.vector_load %arg4[%get3A_704, %get3A_705] {strides = array<i32>} : memref<256x32xf32, #tpu.memory_space<vmem>>, vector<1x16xf32>,
      %get3A_707 = vector.shape_cast %get3A_706 : vector<1x16xf32> to vector<16xf32>
      %swap3A_708 = arith.index_cast %add3A_686 : i32 to index
      %swap3A_709 = arith.constant 16 : index
      %swap3A_710 = tpu.vector_load %arg6[%swap3A_708, %swap3A_709] {strides = array<i32>} : memref<64x128xf32, #tpu.memory_space<vmem>>, vector<1x16xf32>,
      %swap3A_711 = vector.shape_cast %swap3A_710 : vector<1x16xf32> to vector<16xf32>
      %swap3A_712 = vector.shape_cast %get3A_707 : vector<16xf32> to vector<1x16xf32>
      tpu.vector_store %arg6[%swap3A_708, %swap3A_709], %swap3A_712 {strides = array<i32>} : memref<64x128xf32, #tpu.memory_space<vmem>>, vector<1x16xf32>,
      %mul3A_713 = arith.constant 4 : i32
      %mul3A_714 = arith.muli %mul3A_713, %add3A_686 : i32
      %add3A_715 = arith.constant 1 : i32
      %add3A_716 = arith.addi %mul3A_714, %add3A_715 : i32
      %get3A_717 = arith.index_cast %add3A_716 : i32 to index
      %get3A_718 = arith.constant 0 : index
      %get3A_719 = tpu.vector_load %arg4[%get3A_717, %get3A_718] {strides = array<i32>} : memref<256x32xf32, #tpu.memory_space<vmem>>, vector<1x16xf32>,
      %get3A_720 = vector.shape_cast %get3A_719 : vector<1x16xf32> to vector<16xf32>
      %swap3A_721 = arith.index_cast %add3A_686 : i32 to index
      %swap3A_722 = arith.constant 32 : index
      %swap3A_723 = tpu.vector_load %arg6[%swap3A_721, %swap3A_722] {strides = array<i32>} : memref<64x128xf32, #tpu.memory_space<vmem>>, vector<1x16xf32>,
      %swap3A_724 = vector.shape_cast %swap3A_723 : vector<1x16xf32> to vector<16xf32>
      %swap3A_725 = vector.shape_cast %get3A_720 : vector<16xf32> to vector<1x16xf32>
      tpu.vector_store %arg6[%swap3A_721, %swap3A_722], %swap3A_725 {strides = array<i32>} : memref<64x128xf32, #tpu.memory_space<vmem>>, vector<1x16xf32>,
      %mul3A_726 = arith.constant 4 : i32
      %mul3A_727 = arith.muli %mul3A_726, %add3A_686 : i32
      %add3A_728 = arith.constant 1 : i32
      %add3A_729 = arith.addi %mul3A_727, %add3A_728 : i32
      %get3A_730 = arith.index_cast %add3A_729 : i32 to index
      %get3A_731 = arith.constant 16 : index
      %get3A_732 = tpu.vector_load %arg4[%get3A_730, %get3A_731] {strides = array<i32>} : memref<256x32xf32, #tpu.memory_space<vmem>>, vector<1x16xf32>,
      %get3A_733 = vector.shape_cast %get3A_732 : vector<1x16xf32> to vector<16xf32>
      %swap3A_734 = arith.index_cast %add3A_686 : i32 to index
      %swap3A_735 = arith.constant 48 : index
      %swap3A_736 = tpu.vector_load %arg6[%swap3A_734, %swap3A_735] {strides = array<i32>} : memref<64x128xf32, #tpu.memory_space<vmem>>, vector<1x16xf32>,
      %swap3A_737 = vector.shape_cast %swap3A_736 : vector<1x16xf32> to vector<16xf32>
      %swap3A_738 = vector.shape_cast %get3A_733 : vector<16xf32> to vector<1x16xf32>
      tpu.vector_store %arg6[%swap3A_734, %swap3A_735], %swap3A_738 {strides = array<i32>} : memref<64x128xf32, #tpu.memory_space<vmem>>, vector<1x16xf32>,
      %mul3A_739 = arith.constant 4 : i32
      %mul3A_740 = arith.muli %mul3A_739, %add3A_686 : i32
      %add3A_741 = arith.constant 2 : i32
      %add3A_742 = arith.addi %mul3A_740, %add3A_741 : i32
      %get3A_743 = arith.index_cast %add3A_742 : i32 to index
      %get3A_744 = arith.constant 0 : index
      %get3A_745 = tpu.vector_load %arg4[%get3A_743, %get3A_744] {strides = array<i32>} : memref<256x32xf32, #tpu.memory_space<vmem>>, vector<1x16xf32>,
      %get3A_746 = vector.shape_cast %get3A_745 : vector<1x16xf32> to vector<16xf32>
      %swap3A_747 = arith.index_cast %add3A_686 : i32 to index
      %swap3A_748 = arith.constant 64 : index
      %swap3A_749 = tpu.vector_load %arg6[%swap3A_747, %swap3A_748] {strides = array<i32>} : memref<64x128xf32, #tpu.memory_space<vmem>>, vector<1x16xf32>,
      %swap3A_750 = vector.shape_cast %swap3A_749 : vector<1x16xf32> to vector<16xf32>
      %swap3A_751 = vector.shape_cast %get3A_746 : vector<16xf32> to vector<1x16xf32>
      tpu.vector_store %arg6[%swap3A_747, %swap3A_748], %swap3A_751 {strides = array<i32>} : memref<64x128xf32, #tpu.memory_space<vmem>>, vector<1x16xf32>,
      %mul3A_752 = arith.constant 4 : i32
      %mul3A_753 = arith.muli %mul3A_752, %add3A_686 : i32
      %add3A_754 = arith.constant 2 : i32
      %add3A_755 = arith.addi %mul3A_753, %add3A_754 : i32
      %get3A_756 = arith.index_cast %add3A_755 : i32 to index
      %get3A_757 = arith.constant 16 : index
      %get3A_758 = tpu.vector_load %arg4[%get3A_756, %get3A_757] {strides = array<i32>} : memref<256x32xf32, #tpu.memory_space<vmem>>, vector<1x16xf32>,
      %get3A_759 = vector.shape_cast %get3A_758 : vector<1x16xf32> to vector<16xf32>
      %swap3A_760 = arith.index_cast %add3A_686 : i32 to index
      %swap3A_761 = arith.constant 80 : index
      %swap3A_762 = tpu.vector_load %arg6[%swap3A_760, %swap3A_761] {strides = array<i32>} : memref<64x128xf32, #tpu.memory_space<vmem>>, vector<1x16xf32>,
      %swap3A_763 = vector.shape_cast %swap3A_762 : vector<1x16xf32> to vector<16xf32>
      %swap3A_764 = vector.shape_cast %get3A_759 : vector<16xf32> to vector<1x16xf32>
      tpu.vector_store %arg6[%swap3A_760, %swap3A_761], %swap3A_764 {strides = array<i32>} : memref<64x128xf32, #tpu.memory_space<vmem>>, vector<1x16xf32>,
      %mul3A_765 = arith.constant 4 : i32
      %mul3A_766 = arith.muli %mul3A_765, %add3A_686 : i32
      %add3A_767 = arith.constant 3 : i32
      %add3A_768 = arith.addi %mul3A_766, %add3A_767 : i32
      %get3A_769 = arith.index_cast %add3A_768 : i32 to index
      %get3A_770 = arith.constant 0 : index
      %get3A_771 = tpu.vector_load %arg4[%get3A_769, %get3A_770] {strides = array<i32>} : memref<256x32xf32, #tpu.memory_space<vmem>>, vector<1x16xf32>,
      %get3A_772 = vector.shape_cast %get3A_771 : vector<1x16xf32> to vector<16xf32>
      %swap3A_773 = arith.index_cast %add3A_686 : i32 to index
      %swap3A_774 = arith.constant 96 : index
      %swap3A_775 = tpu.vector_load %arg6[%swap3A_773, %swap3A_774] {strides = array<i32>} : memref<64x128xf32, #tpu.memory_space<vmem>>, vector<1x16xf32>,
      %swap3A_776 = vector.shape_cast %swap3A_775 : vector<1x16xf32> to vector<16xf32>
      %swap3A_777 = vector.shape_cast %get3A_772 : vector<16xf32> to vector<1x16xf32>
      tpu.vector_store %arg6[%swap3A_773, %swap3A_774], %swap3A_777 {strides = array<i32>} : memref<64x128xf32, #tpu.memory_space<vmem>>, vector<1x16xf32>,
      %mul3A_778 = arith.constant 4 : i32
      %mul3A_779 = arith.muli %mul3A_778, %add3A_686 : i32
      %add3A_780 = arith.constant 3 : i32
      %add3A_781 = arith.addi %mul3A_779, %add3A_780 : i32
      %get3A_782 = arith.index_cast %add3A_781 : i32 to index
      %get3A_783 = arith.constant 16 : index
      %get3A_784 = tpu.vector_load %arg4[%get3A_782, %get3A_783] {strides = array<i32>} : memref<256x32xf32, #tpu.memory_space<vmem>>, vector<1x16xf32>,
      %get3A_785 = vector.shape_cast %get3A_784 : vector<1x16xf32> to vector<16xf32>
      %swap3A_786 = arith.index_cast %add3A_686 : i32 to index
      %swap3A_787 = arith.constant 112 : index
      %swap3A_788 = tpu.vector_load %arg6[%swap3A_786, %swap3A_787] {strides = array<i32>} : memref<64x128xf32, #tpu.memory_space<vmem>>, vector<1x16xf32>,
      %swap3A_789 = vector.shape_cast %swap3A_788 : vector<1x16xf32> to vector<16xf32>
      %swap3A_790 = vector.shape_cast %get3A_785 : vector<16xf32> to vector<1x16xf32>
      tpu.vector_store %arg6[%swap3A_786, %swap3A_787], %swap3A_790 {strides = array<i32>} : memref<64x128xf32, #tpu.memory_space<vmem>>, vector<1x16xf32>,
      %mul3A_791 = arith.constant 4 : i32
      %mul3A_792 = arith.muli %mul3A_791, %scan3A_468 : i32
      %add3A_793 = arith.constant 3 : i32
      %add3A_794 = arith.addi %mul3A_792, %add3A_793 : i32
      %mul3A_795 = arith.constant 4 : i32
      %mul3A_796 = arith.muli %mul3A_795, %add3A_794 : i32
      %add3A_797 = arith.constant 0 : i32
      %add3A_798 = arith.addi %mul3A_796, %add3A_797 : i32
      %get3A_799 = arith.index_cast %add3A_798 : i32 to index
      %get3A_800 = arith.constant 0 : index
      %get3A_801 = tpu.vector_load %arg4[%get3A_799, %get3A_800] {strides = array<i32>} : memref<256x32xf32, #tpu.memory_space<vmem>>, vector<1x16xf32>,
      %get3A_802 = vector.shape_cast %get3A_801 : vector<1x16xf32> to vector<16xf32>
      %swap3A_803 = arith.index_cast %add3A_794 : i32 to index
      %swap3A_804 = arith.constant 0 : index
      %swap3A_805 = tpu.vector_load %arg6[%swap3A_803, %swap3A_804] {strides = array<i32>} : memref<64x128xf32, #tpu.memory_space<vmem>>, vector<1x16xf32>,
      %swap3A_806 = vector.shape_cast %swap3A_805 : vector<1x16xf32> to vector<16xf32>
      %swap3A_807 = vector.shape_cast %get3A_802 : vector<16xf32> to vector<1x16xf32>
      tpu.vector_store %arg6[%swap3A_803, %swap3A_804], %swap3A_807 {strides = array<i32>} : memref<64x128xf32, #tpu.memory_space<vmem>>, vector<1x16xf32>,
      %mul3A_808 = arith.constant 4 : i32
      %mul3A_809 = arith.muli %mul3A_808, %add3A_794 : i32
      %add3A_810 = arith.constant 0 : i32
      %add3A_811 = arith.addi %mul3A_809, %add3A_810 : i32
      %get3A_812 = arith.index_cast %add3A_811 : i32 to index
      %get3A_813 = arith.constant 16 : index
      %get3A_814 = tpu.vector_load %arg4[%get3A_812, %get3A_813] {strides = array<i32>} : memref<256x32xf32, #tpu.memory_space<vmem>>, vector<1x16xf32>,
      %get3A_815 = vector.shape_cast %get3A_814 : vector<1x16xf32> to vector<16xf32>
      %swap3A_816 = arith.index_cast %add3A_794 : i32 to index
      %swap3A_817 = arith.constant 16 : index
      %swap3A_818 = tpu.vector_load %arg6[%swap3A_816, %swap3A_817] {strides = array<i32>} : memref<64x128xf32, #tpu.memory_space<vmem>>, vector<1x16xf32>,
      %swap3A_819 = vector.shape_cast %swap3A_818 : vector<1x16xf32> to vector<16xf32>
      %swap3A_820 = vector.shape_cast %get3A_815 : vector<16xf32> to vector<1x16xf32>
      tpu.vector_store %arg6[%swap3A_816, %swap3A_817], %swap3A_820 {strides = array<i32>} : memref<64x128xf32, #tpu.memory_space<vmem>>, vector<1x16xf32>,
      %mul3A_821 = arith.constant 4 : i32
      %mul3A_822 = arith.muli %mul3A_821, %add3A_794 : i32
      %add3A_823 = arith.constant 1 : i32
      %add3A_824 = arith.addi %mul3A_822, %add3A_823 : i32
      %get3A_825 = arith.index_cast %add3A_824 : i32 to index
      %get3A_826 = arith.constant 0 : index
      %get3A_827 = tpu.vector_load %arg4[%get3A_825, %get3A_826] {strides = array<i32>} : memref<256x32xf32, #tpu.memory_space<vmem>>, vector<1x16xf32>,
      %get3A_828 = vector.shape_cast %get3A_827 : vector<1x16xf32> to vector<16xf32>
      %swap3A_829 = arith.index_cast %add3A_794 : i32 to index
      %swap3A_830 = arith.constant 32 : index
      %swap3A_831 = tpu.vector_load %arg6[%swap3A_829, %swap3A_830] {strides = array<i32>} : memref<64x128xf32, #tpu.memory_space<vmem>>, vector<1x16xf32>,
      %swap3A_832 = vector.shape_cast %swap3A_831 : vector<1x16xf32> to vector<16xf32>
      %swap3A_833 = vector.shape_cast %get3A_828 : vector<16xf32> to vector<1x16xf32>
      tpu.vector_store %arg6[%swap3A_829, %swap3A_830], %swap3A_833 {strides = array<i32>} : memref<64x128xf32, #tpu.memory_space<vmem>>, vector<1x16xf32>,
      %mul3A_834 = arith.constant 4 : i32
      %mul3A_835 = arith.muli %mul3A_834, %add3A_794 : i32
      %add3A_836 = arith.constant 1 : i32
      %add3A_837 = arith.addi %mul3A_835, %add3A_836 : i32
      %get3A_838 = arith.index_cast %add3A_837 : i32 to index
      %get3A_839 = arith.constant 16 : index
      %get3A_840 = tpu.vector_load %arg4[%get3A_838, %get3A_839] {strides = array<i32>} : memref<256x32xf32, #tpu.memory_space<vmem>>, vector<1x16xf32>,
      %get3A_841 = vector.shape_cast %get3A_840 : vector<1x16xf32> to vector<16xf32>
      %swap3A_842 = arith.index_cast %add3A_794 : i32 to index
      %swap3A_843 = arith.constant 48 : index
      %swap3A_844 = tpu.vector_load %arg6[%swap3A_842, %swap3A_843] {strides = array<i32>} : memref<64x128xf32, #tpu.memory_space<vmem>>, vector<1x16xf32>,
      %swap3A_845 = vector.shape_cast %swap3A_844 : vector<1x16xf32> to vector<16xf32>
      %swap3A_846 = vector.shape_cast %get3A_841 : vector<16xf32> to vector<1x16xf32>
      tpu.vector_store %arg6[%swap3A_842, %swap3A_843], %swap3A_846 {strides = array<i32>} : memref<64x128xf32, #tpu.memory_space<vmem>>, vector<1x16xf32>,
      %mul3A_847 = arith.constant 4 : i32
      %mul3A_848 = arith.muli %mul3A_847, %add3A_794 : i32
      %add3A_849 = arith.constant 2 : i32
      %add3A_850 = arith.addi %mul3A_848, %add3A_849 : i32
      %get3A_851 = arith.index_cast %add3A_850 : i32 to index
      %get3A_852 = arith.constant 0 : index
      %get3A_853 = tpu.vector_load %arg4[%get3A_851, %get3A_852] {strides = array<i32>} : memref<256x32xf32, #tpu.memory_space<vmem>>, vector<1x16xf32>,
      %get3A_854 = vector.shape_cast %get3A_853 : vector<1x16xf32> to vector<16xf32>
      %swap3A_855 = arith.index_cast %add3A_794 : i32 to index
      %swap3A_856 = arith.constant 64 : index
      %swap3A_857 = tpu.vector_load %arg6[%swap3A_855, %swap3A_856] {strides = array<i32>} : memref<64x128xf32, #tpu.memory_space<vmem>>, vector<1x16xf32>,
      %swap3A_858 = vector.shape_cast %swap3A_857 : vector<1x16xf32> to vector<16xf32>
      %swap3A_859 = vector.shape_cast %get3A_854 : vector<16xf32> to vector<1x16xf32>
      tpu.vector_store %arg6[%swap3A_855, %swap3A_856], %swap3A_859 {strides = array<i32>} : memref<64x128xf32, #tpu.memory_space<vmem>>, vector<1x16xf32>,
      %mul3A_860 = arith.constant 4 : i32
      %mul3A_861 = arith.muli %mul3A_860, %add3A_794 : i32
      %add3A_862 = arith.constant 2 : i32
      %add3A_863 = arith.addi %mul3A_861, %add3A_862 : i32
      %get3A_864 = arith.index_cast %add3A_863 : i32 to index
      %get3A_865 = arith.constant 16 : index
      %get3A_866 = tpu.vector_load %arg4[%get3A_864, %get3A_865] {strides = array<i32>} : memref<256x32xf32, #tpu.memory_space<vmem>>, vector<1x16xf32>,
      %get3A_867 = vector.shape_cast %get3A_866 : vector<1x16xf32> to vector<16xf32>
      %swap3A_868 = arith.index_cast %add3A_794 : i32 to index
      %swap3A_869 = arith.constant 80 : index
      %swap3A_870 = tpu.vector_load %arg6[%swap3A_868, %swap3A_869] {strides = array<i32>} : memref<64x128xf32, #tpu.memory_space<vmem>>, vector<1x16xf32>,
      %swap3A_871 = vector.shape_cast %swap3A_870 : vector<1x16xf32> to vector<16xf32>
      %swap3A_872 = vector.shape_cast %get3A_867 : vector<16xf32> to vector<1x16xf32>
      tpu.vector_store %arg6[%swap3A_868, %swap3A_869], %swap3A_872 {strides = array<i32>} : memref<64x128xf32, #tpu.memory_space<vmem>>, vector<1x16xf32>,
      %mul3A_873 = arith.constant 4 : i32
      %mul3A_874 = arith.muli %mul3A_873, %add3A_794 : i32
      %add3A_875 = arith.constant 3 : i32
      %add3A_876 = arith.addi %mul3A_874, %add3A_875 : i32
      %get3A_877 = arith.index_cast %add3A_876 : i32 to index
      %get3A_878 = arith.constant 0 : index
      %get3A_879 = tpu.vector_load %arg4[%get3A_877, %get3A_878] {strides = array<i32>} : memref<256x32xf32, #tpu.memory_space<vmem>>, vector<1x16xf32>,
      %get3A_880 = vector.shape_cast %get3A_879 : vector<1x16xf32> to vector<16xf32>
      %swap3A_881 = arith.index_cast %add3A_794 : i32 to index
      %swap3A_882 = arith.constant 96 : index
      %swap3A_883 = tpu.vector_load %arg6[%swap3A_881, %swap3A_882] {strides = array<i32>} : memref<64x128xf32, #tpu.memory_space<vmem>>, vector<1x16xf32>,
      %swap3A_884 = vector.shape_cast %swap3A_883 : vector<1x16xf32> to vector<16xf32>
      %swap3A_885 = vector.shape_cast %get3A_880 : vector<16xf32> to vector<1x16xf32>
      tpu.vector_store %arg6[%swap3A_881, %swap3A_882], %swap3A_885 {strides = array<i32>} : memref<64x128xf32, #tpu.memory_space<vmem>>, vector<1x16xf32>,
      %mul3A_886 = arith.constant 4 : i32
      %mul3A_887 = arith.muli %mul3A_886, %add3A_794 : i32
      %add3A_888 = arith.constant 3 : i32
      %add3A_889 = arith.addi %mul3A_887, %add3A_888 : i32
      %get3A_890 = arith.index_cast %add3A_889 : i32 to index
      %get3A_891 = arith.constant 16 : index
      %get3A_892 = tpu.vector_load %arg4[%get3A_890, %get3A_891] {strides = array<i32>} : memref<256x32xf32, #tpu.memory_space<vmem>>, vector<1x16xf32>,
      %get3A_893 = vector.shape_cast %get3A_892 : vector<1x16xf32> to vector<16xf32>
      %swap3A_894 = arith.index_cast %add3A_794 : i32 to index
      %swap3A_895 = arith.constant 112 : index
      %swap3A_896 = tpu.vector_load %arg6[%swap3A_894, %swap3A_895] {strides = array<i32>} : memref<64x128xf32, #tpu.memory_space<vmem>>, vector<1x16xf32>,
      %swap3A_897 = vector.shape_cast %swap3A_896 : vector<1x16xf32> to vector<16xf32>
      %swap3A_898 = vector.shape_cast %get3A_893 : vector<16xf32> to vector<1x16xf32>
      tpu.vector_store %arg6[%swap3A_894, %swap3A_895], %swap3A_898 {strides = array<i32>} : memref<64x128xf32, #tpu.memory_space<vmem>>, vector<1x16xf32>,
    }
    %scan3A_371 = arith.constant 16 : i32
    %add3A_372 = arith.constant 1536 : i32
    %add3A_373 = arith.addi %mul3A_0, %add3A_372 : i32
    %jit3A_374 = arith.constant 4 : i32
    %div3A_375 = arith.divsi %add3A_373, %jit3A_374 : i32
    %sign3A_376 = arith.constant 0 : i32
    %sign3A_377 = arith.cmpi sgt, %add3A_373, %sign3A_376 : i32
    %sign3A_378 = arith.extui %sign3A_377 : i1 to i32
    %sign3A_379 = arith.constant 0 : i32
    %sign3A_380 = arith.cmpi slt, %add3A_373, %sign3A_379 : i32
    %sign3A_381 = arith.extui %sign3A_380 : i1 to i32
    %sign3A_382 = arith.subi %sign3A_378, %sign3A_381 : i32
    %sign3A_383 = arith.constant 0 : i32
    %sign3A_384 = arith.cmpi sgt, %jit3A_374, %sign3A_383 : i32
    %sign3A_385 = arith.extui %sign3A_384 : i1 to i32
    %sign3A_386 = arith.constant 0 : i32
    %sign3A_387 = arith.cmpi slt, %jit3A_374, %sign3A_386 : i32
    %sign3A_388 = arith.extui %sign3A_387 : i1 to i32
    %sign3A_389 = arith.subi %sign3A_385, %sign3A_388 : i32
    %ne3A_390 = arith.cmpi ne, %sign3A_382, %sign3A_389 : i32
    %rem3A_391 = arith.remsi %add3A_373, %jit3A_374 : i32
    %ne3A_392 = arith.constant 0 : i32
    %ne3A_393 = arith.cmpi ne, %rem3A_391, %ne3A_392 : i32
    %and3A_394 = arith.andi %ne3A_390, %ne3A_393 : i1
    %sub3A_395 = arith.constant 1 : i32
    %sub3A_396 = arith.subi %div3A_375, %sub3A_395 : i32
    %select_n3A_397 = arith.select %and3A_394, %sub3A_396, %div3A_375 : i32
    %multiple_of3A_398 = tpu.assume_multiple %select_n3A_397, 64 : i32
    %dma_start3A_399 = arith.constant 0 : i32
    %dma_start3A_400 = tpu.memref_slice %arg3[%arg1, %multiple_of3A_398, %dma_start3A_399] : memref<16x1024x128xf32, #tpu.memory_space<hbm>> -> memref<1x64x128xf32, #tpu.memory_space<hbm>>
    %dma_start3A_401 = tpu.memref_squeeze %dma_start3A_400 : memref<1x64x128xf32, #tpu.memory_space<hbm>> -> memref<64x128xf32, #tpu.memory_space<hbm>>
    %dma_start3A_402 = arith.constant 0 : i32
    %dma_start3A_403 = tpu.memref_slice %arg3[%arg1, %multiple_of3A_398, %dma_start3A_402] : memref<16x1024x128xf32, #tpu.memory_space<hbm>> -> memref<1x64x128xf32, #tpu.memory_space<hbm>>
    %dma_start3A_404 = tpu.memref_squeeze %dma_start3A_403 : memref<1x64x128xf32, #tpu.memory_space<hbm>> -> memref<64x128xf32, #tpu.memory_space<hbm>>
    tpu.enqueue_dma source(%arg6 : memref<64x128xf32, #tpu.memory_space<vmem>>) target(%dma_start3A_404 : memref<64x128xf32, #tpu.memory_space<hbm>>) target_semaphore(%arg10 : memref<!tpu.dma_semaphore, #tpu.memory_space<semaphore_mem>>)
    %dma_wait3A_405 = arith.constant 0 : i32
    %dma_wait3A_406 = tpu.memref_slice %arg2[%arg1, %multiple_of3A_347, %dma_wait3A_405] : memref<16x4096x32xf32, #tpu.memory_space<hbm>> -> memref<1x256x32xf32, #tpu.memory_space<hbm>>
    %dma_wait3A_407 = tpu.memref_squeeze %dma_wait3A_406 : memref<1x256x32xf32, #tpu.memory_space<hbm>> -> memref<256x32xf32, #tpu.memory_space<hbm>>
    %dma_wait3A_408 = arith.constant 0 : i32
    %dma_wait3A_409 = tpu.memref_slice %arg2[%arg1, %multiple_of3A_347, %dma_wait3A_408] : memref<16x4096x32xf32, #tpu.memory_space<hbm>> -> memref<1x256x32xf32, #tpu.memory_space<hbm>>
    %dma_wait3A_410 = tpu.memref_squeeze %dma_wait3A_409 : memref<1x256x32xf32, #tpu.memory_space<hbm>> -> memref<256x32xf32, #tpu.memory_space<hbm>>
    tpu.wait_dma2 semaphore(%arg9 : memref<!tpu.dma_semaphore, #tpu.memory_space<semaphore_mem>>) src(%dma_wait3A_410 : memref<256x32xf32, #tpu.memory_space<hbm>>) dst(%arg5 : memref<256x32xf32, #tpu.memory_space<vmem>>)
    %dma_wait3A_411 = arith.constant 0 : i32
    %dma_wait3A_412 = tpu.memref_slice %arg3[%arg1, %multiple_of3A_338, %dma_wait3A_411] : memref<16x1024x128xf32, #tpu.memory_space<hbm>> -> memref<1x64x128xf32, #tpu.memory_space<hbm>>
    %dma_wait3A_413 = tpu.memref_squeeze %dma_wait3A_412 : memref<1x64x128xf32, #tpu.memory_space<hbm>> -> memref<64x128xf32, #tpu.memory_space<hbm>>
    %dma_wait3A_414 = arith.constant 0 : i32
    %dma_wait3A_415 = tpu.memref_slice %arg3[%arg1, %multiple_of3A_338, %dma_wait3A_414] : memref<16x1024x128xf32, #tpu.memory_space<hbm>> -> memref<1x64x128xf32, #tpu.memory_space<hbm>>
    %dma_wait3A_416 = tpu.memref_squeeze %dma_wait3A_415 : memref<1x64x128xf32, #tpu.memory_space<hbm>> -> memref<64x128xf32, #tpu.memory_space<hbm>>
    tpu.wait_dma2 semaphore(%arg11 : memref<!tpu.dma_semaphore, #tpu.memory_space<semaphore_mem>>) src(%arg7 : memref<64x128xf32, #tpu.memory_space<vmem>>) dst(%dma_wait3A_416 : memref<64x128xf32, #tpu.memory_space<hbm>>)
    %scan3A_417 = arith.constant 0 : i32
    %scan3A_418 = arith.constant 0 : i32
    %scan3A_419 = arith.constant 16 : i32
    %scan3A_420 = arith.addi %scan3A_418, %scan3A_419 : i32
    %scan3A_421 = arith.constant 1 : i32
    scf.for %scan3A_468 = %scan3A_418 to %scan3A_420 step %scan3A_421  : i32 {
      %mul3A_469 = arith.constant 4 : i32
      %mul3A_470 = arith.muli %mul3A_469, %scan3A_468 : i32
      %add3A_471 = arith.constant 0 : i32
      %add3A_472 = arith.addi %mul3A_470, %add3A_471 : i32
      %mul3A_473 = arith.constant 4 : i32
      %mul3A_474 = arith.muli %mul3A_473, %add3A_472 : i32
      %add3A_475 = arith.constant 0 : i32
      %add3A_476 = arith.addi %mul3A_474, %add3A_475 : i32
      %get3A = arith.index_cast %add3A_476 : i32 to index
      %get3A_477 = arith.constant 0 : index
      %get3A_478 = tpu.vector_load %arg5[%get3A, %get3A_477] {strides = array<i32>} : memref<256x32xf32, #tpu.memory_space<vmem>>, vector<1x16xf32>,
      %get3A_479 = vector.shape_cast %get3A_478 : vector<1x16xf32> to vector<16xf32>
      %swap3A = arith.index_cast %add3A_472 : i32 to index
      %swap3A_480 = arith.constant 0 : index
      %swap3A_481 = tpu.vector_load %arg7[%swap3A, %swap3A_480] {strides = array<i32>} : memref<64x128xf32, #tpu.memory_space<vmem>>, vector<1x16xf32>,
      %swap3A_482 = vector.shape_cast %swap3A_481 : vector<1x16xf32> to vector<16xf32>
      %swap3A_483 = vector.shape_cast %get3A_479 : vector<16xf32> to vector<1x16xf32>
      tpu.vector_store %arg7[%swap3A, %swap3A_480], %swap3A_483 {strides = array<i32>} : memref<64x128xf32, #tpu.memory_space<vmem>>, vector<1x16xf32>,
      %mul3A_484 = arith.constant 4 : i32
      %mul3A_485 = arith.muli %mul3A_484, %add3A_472 : i32
      %add3A_486 = arith.constant 0 : i32
      %add3A_487 = arith.addi %mul3A_485, %add3A_486 : i32
      %get3A_488 = arith.index_cast %add3A_487 : i32 to index
      %get3A_489 = arith.constant 16 : index
      %get3A_490 = tpu.vector_load %arg5[%get3A_488, %get3A_489] {strides = array<i32>} : memref<256x32xf32, #tpu.memory_space<vmem>>, vector<1x16xf32>,
      %get3A_491 = vector.shape_cast %get3A_490 : vector<1x16xf32> to vector<16xf32>
      %swap3A_492 = arith.index_cast %add3A_472 : i32 to index
      %swap3A_493 = arith.constant 16 : index
      %swap3A_494 = tpu.vector_load %arg7[%swap3A_492, %swap3A_493] {strides = array<i32>} : memref<64x128xf32, #tpu.memory_space<vmem>>, vector<1x16xf32>,
      %swap3A_495 = vector.shape_cast %swap3A_494 : vector<1x16xf32> to vector<16xf32>
      %swap3A_496 = vector.shape_cast %get3A_491 : vector<16xf32> to vector<1x16xf32>
      tpu.vector_store %arg7[%swap3A_492, %swap3A_493], %swap3A_496 {strides = array<i32>} : memref<64x128xf32, #tpu.memory_space<vmem>>, vector<1x16xf32>,
      %mul3A_497 = arith.constant 4 : i32
      %mul3A_498 = arith.muli %mul3A_497, %add3A_472 : i32
      %add3A_499 = arith.constant 1 : i32
      %add3A_500 = arith.addi %mul3A_498, %add3A_499 : i32
      %get3A_501 = arith.index_cast %add3A_500 : i32 to index
      %get3A_502 = arith.constant 0 : index
      %get3A_503 = tpu.vector_load %arg5[%get3A_501, %get3A_502] {strides = array<i32>} : memref<256x32xf32, #tpu.memory_space<vmem>>, vector<1x16xf32>,
      %get3A_504 = vector.shape_cast %get3A_503 : vector<1x16xf32> to vector<16xf32>
      %swap3A_505 = arith.index_cast %add3A_472 : i32 to index
      %swap3A_506 = arith.constant 32 : index
      %swap3A_507 = tpu.vector_load %arg7[%swap3A_505, %swap3A_506] {strides = array<i32>} : memref<64x128xf32, #tpu.memory_space<vmem>>, vector<1x16xf32>,
      %swap3A_508 = vector.shape_cast %swap3A_507 : vector<1x16xf32> to vector<16xf32>
      %swap3A_509 = vector.shape_cast %get3A_504 : vector<16xf32> to vector<1x16xf32>
      tpu.vector_store %arg7[%swap3A_505, %swap3A_506], %swap3A_509 {strides = array<i32>} : memref<64x128xf32, #tpu.memory_space<vmem>>, vector<1x16xf32>,
      %mul3A_510 = arith.constant 4 : i32
      %mul3A_511 = arith.muli %mul3A_510, %add3A_472 : i32
      %add3A_512 = arith.constant 1 : i32
      %add3A_513 = arith.addi %mul3A_511, %add3A_512 : i32
      %get3A_514 = arith.index_cast %add3A_513 : i32 to index
      %get3A_515 = arith.constant 16 : index
      %get3A_516 = tpu.vector_load %arg5[%get3A_514, %get3A_515] {strides = array<i32>} : memref<256x32xf32, #tpu.memory_space<vmem>>, vector<1x16xf32>,
      %get3A_517 = vector.shape_cast %get3A_516 : vector<1x16xf32> to vector<16xf32>
      %swap3A_518 = arith.index_cast %add3A_472 : i32 to index
      %swap3A_519 = arith.constant 48 : index
      %swap3A_520 = tpu.vector_load %arg7[%swap3A_518, %swap3A_519] {strides = array<i32>} : memref<64x128xf32, #tpu.memory_space<vmem>>, vector<1x16xf32>,
      %swap3A_521 = vector.shape_cast %swap3A_520 : vector<1x16xf32> to vector<16xf32>
      %swap3A_522 = vector.shape_cast %get3A_517 : vector<16xf32> to vector<1x16xf32>
      tpu.vector_store %arg7[%swap3A_518, %swap3A_519], %swap3A_522 {strides = array<i32>} : memref<64x128xf32, #tpu.memory_space<vmem>>, vector<1x16xf32>,
      %mul3A_523 = arith.constant 4 : i32
      %mul3A_524 = arith.muli %mul3A_523, %add3A_472 : i32
      %add3A_525 = arith.constant 2 : i32
      %add3A_526 = arith.addi %mul3A_524, %add3A_525 : i32
      %get3A_527 = arith.index_cast %add3A_526 : i32 to index
      %get3A_528 = arith.constant 0 : index
      %get3A_529 = tpu.vector_load %arg5[%get3A_527, %get3A_528] {strides = array<i32>} : memref<256x32xf32, #tpu.memory_space<vmem>>, vector<1x16xf32>,
      %get3A_530 = vector.shape_cast %get3A_529 : vector<1x16xf32> to vector<16xf32>
      %swap3A_531 = arith.index_cast %add3A_472 : i32 to index
      %swap3A_532 = arith.constant 64 : index
      %swap3A_533 = tpu.vector_load %arg7[%swap3A_531, %swap3A_532] {strides = array<i32>} : memref<64x128xf32, #tpu.memory_space<vmem>>, vector<1x16xf32>,
      %swap3A_534 = vector.shape_cast %swap3A_533 : vector<1x16xf32> to vector<16xf32>
      %swap3A_535 = vector.shape_cast %get3A_530 : vector<16xf32> to vector<1x16xf32>
      tpu.vector_store %arg7[%swap3A_531, %swap3A_532], %swap3A_535 {strides = array<i32>} : memref<64x128xf32, #tpu.memory_space<vmem>>, vector<1x16xf32>,
      %mul3A_536 = arith.constant 4 : i32
      %mul3A_537 = arith.muli %mul3A_536, %add3A_472 : i32
      %add3A_538 = arith.constant 2 : i32
      %add3A_539 = arith.addi %mul3A_537, %add3A_538 : i32
      %get3A_540 = arith.index_cast %add3A_539 : i32 to index
      %get3A_541 = arith.constant 16 : index
      %get3A_542 = tpu.vector_load %arg5[%get3A_540, %get3A_541] {strides = array<i32>} : memref<256x32xf32, #tpu.memory_space<vmem>>, vector<1x16xf32>,
      %get3A_543 = vector.shape_cast %get3A_542 : vector<1x16xf32> to vector<16xf32>
      %swap3A_544 = arith.index_cast %add3A_472 : i32 to index
      %swap3A_545 = arith.constant 80 : index
      %swap3A_546 = tpu.vector_load %arg7[%swap3A_544, %swap3A_545] {strides = array<i32>} : memref<64x128xf32, #tpu.memory_space<vmem>>, vector<1x16xf32>,
      %swap3A_547 = vector.shape_cast %swap3A_546 : vector<1x16xf32> to vector<16xf32>
      %swap3A_548 = vector.shape_cast %get3A_543 : vector<16xf32> to vector<1x16xf32>
      tpu.vector_store %arg7[%swap3A_544, %swap3A_545], %swap3A_548 {strides = array<i32>} : memref<64x128xf32, #tpu.memory_space<vmem>>, vector<1x16xf32>,
      %mul3A_549 = arith.constant 4 : i32
      %mul3A_550 = arith.muli %mul3A_549, %add3A_472 : i32
      %add3A_551 = arith.constant 3 : i32
      %add3A_552 = arith.addi %mul3A_550, %add3A_551 : i32
      %get3A_553 = arith.index_cast %add3A_552 : i32 to index
      %get3A_554 = arith.constant 0 : index
      %get3A_555 = tpu.vector_load %arg5[%get3A_553, %get3A_554] {strides = array<i32>} : memref<256x32xf32, #tpu.memory_space<vmem>>, vector<1x16xf32>,
      %get3A_556 = vector.shape_cast %get3A_555 : vector<1x16xf32> to vector<16xf32>
      %swap3A_557 = arith.index_cast %add3A_472 : i32 to index
      %swap3A_558 = arith.constant 96 : index
      %swap3A_559 = tpu.vector_load %arg7[%swap3A_557, %swap3A_558] {strides = array<i32>} : memref<64x128xf32, #tpu.memory_space<vmem>>, vector<1x16xf32>,
      %swap3A_560 = vector.shape_cast %swap3A_559 : vector<1x16xf32> to vector<16xf32>
      %swap3A_561 = vector.shape_cast %get3A_556 : vector<16xf32> to vector<1x16xf32>
      tpu.vector_store %arg7[%swap3A_557, %swap3A_558], %swap3A_561 {strides = array<i32>} : memref<64x128xf32, #tpu.memory_space<vmem>>, vector<1x16xf32>,
      %mul3A_562 = arith.constant 4 : i32
      %mul3A_563 = arith.muli %mul3A_562, %add3A_472 : i32
      %add3A_564 = arith.constant 3 : i32
      %add3A_565 = arith.addi %mul3A_563, %add3A_564 : i32
      %get3A_566 = arith.index_cast %add3A_565 : i32 to index
      %get3A_567 = arith.constant 16 : index
      %get3A_568 = tpu.vector_load %arg5[%get3A_566, %get3A_567] {strides = array<i32>} : memref<256x32xf32, #tpu.memory_space<vmem>>, vector<1x16xf32>,
      %get3A_569 = vector.shape_cast %get3A_568 : vector<1x16xf32> to vector<16xf32>
      %swap3A_570 = arith.index_cast %add3A_472 : i32 to index
      %swap3A_571 = arith.constant 112 : index
      %swap3A_572 = tpu.vector_load %arg7[%swap3A_570, %swap3A_571] {strides = array<i32>} : memref<64x128xf32, #tpu.memory_space<vmem>>, vector<1x16xf32>,
      %swap3A_573 = vector.shape_cast %swap3A_572 : vector<1x16xf32> to vector<16xf32>
      %swap3A_574 = vector.shape_cast %get3A_569 : vector<16xf32> to vector<1x16xf32>
      tpu.vector_store %arg7[%swap3A_570, %swap3A_571], %swap3A_574 {strides = array<i32>} : memref<64x128xf32, #tpu.memory_space<vmem>>, vector<1x16xf32>,
      %mul3A_575 = arith.constant 4 : i32
      %mul3A_576 = arith.muli %mul3A_575, %scan3A_468 : i32
      %add3A_577 = arith.constant 1 : i32
      %add3A_578 = arith.addi %mul3A_576, %add3A_577 : i32
      %mul3A_579 = arith.constant 4 : i32
      %mul3A_580 = arith.muli %mul3A_579, %add3A_578 : i32
      %add3A_581 = arith.constant 0 : i32
      %add3A_582 = arith.addi %mul3A_580, %add3A_581 : i32
      %get3A_583 = arith.index_cast %add3A_582 : i32 to index
      %get3A_584 = arith.constant 0 : index
      %get3A_585 = tpu.vector_load %arg5[%get3A_583, %get3A_584] {strides = array<i32>} : memref<256x32xf32, #tpu.memory_space<vmem>>, vector<1x16xf32>,
      %get3A_586 = vector.shape_cast %get3A_585 : vector<1x16xf32> to vector<16xf32>
      %swap3A_587 = arith.index_cast %add3A_578 : i32 to index
      %swap3A_588 = arith.constant 0 : index
      %swap3A_589 = tpu.vector_load %arg7[%swap3A_587, %swap3A_588] {strides = array<i32>} : memref<64x128xf32, #tpu.memory_space<vmem>>, vector<1x16xf32>,
      %swap3A_590 = vector.shape_cast %swap3A_589 : vector<1x16xf32> to vector<16xf32>
      %swap3A_591 = vector.shape_cast %get3A_586 : vector<16xf32> to vector<1x16xf32>
      tpu.vector_store %arg7[%swap3A_587, %swap3A_588], %swap3A_591 {strides = array<i32>} : memref<64x128xf32, #tpu.memory_space<vmem>>, vector<1x16xf32>,
      %mul3A_592 = arith.constant 4 : i32
      %mul3A_593 = arith.muli %mul3A_592, %add3A_578 : i32
      %add3A_594 = arith.constant 0 : i32
      %add3A_595 = arith.addi %mul3A_593, %add3A_594 : i32
      %get3A_596 = arith.index_cast %add3A_595 : i32 to index
      %get3A_597 = arith.constant 16 : index
      %get3A_598 = tpu.vector_load %arg5[%get3A_596, %get3A_597] {strides = array<i32>} : memref<256x32xf32, #tpu.memory_space<vmem>>, vector<1x16xf32>,
      %get3A_599 = vector.shape_cast %get3A_598 : vector<1x16xf32> to vector<16xf32>
      %swap3A_600 = arith.index_cast %add3A_578 : i32 to index
      %swap3A_601 = arith.constant 16 : index
      %swap3A_602 = tpu.vector_load %arg7[%swap3A_600, %swap3A_601] {strides = array<i32>} : memref<64x128xf32, #tpu.memory_space<vmem>>, vector<1x16xf32>,
      %swap3A_603 = vector.shape_cast %swap3A_602 : vector<1x16xf32> to vector<16xf32>
      %swap3A_604 = vector.shape_cast %get3A_599 : vector<16xf32> to vector<1x16xf32>
      tpu.vector_store %arg7[%swap3A_600, %swap3A_601], %swap3A_604 {strides = array<i32>} : memref<64x128xf32, #tpu.memory_space<vmem>>, vector<1x16xf32>,
      %mul3A_605 = arith.constant 4 : i32
      %mul3A_606 = arith.muli %mul3A_605, %add3A_578 : i32
      %add3A_607 = arith.constant 1 : i32
      %add3A_608 = arith.addi %mul3A_606, %add3A_607 : i32
      %get3A_609 = arith.index_cast %add3A_608 : i32 to index
      %get3A_610 = arith.constant 0 : index
      %get3A_611 = tpu.vector_load %arg5[%get3A_609, %get3A_610] {strides = array<i32>} : memref<256x32xf32, #tpu.memory_space<vmem>>, vector<1x16xf32>,
      %get3A_612 = vector.shape_cast %get3A_611 : vector<1x16xf32> to vector<16xf32>
      %swap3A_613 = arith.index_cast %add3A_578 : i32 to index
      %swap3A_614 = arith.constant 32 : index
      %swap3A_615 = tpu.vector_load %arg7[%swap3A_613, %swap3A_614] {strides = array<i32>} : memref<64x128xf32, #tpu.memory_space<vmem>>, vector<1x16xf32>,
      %swap3A_616 = vector.shape_cast %swap3A_615 : vector<1x16xf32> to vector<16xf32>
      %swap3A_617 = vector.shape_cast %get3A_612 : vector<16xf32> to vector<1x16xf32>
      tpu.vector_store %arg7[%swap3A_613, %swap3A_614], %swap3A_617 {strides = array<i32>} : memref<64x128xf32, #tpu.memory_space<vmem>>, vector<1x16xf32>,
      %mul3A_618 = arith.constant 4 : i32
      %mul3A_619 = arith.muli %mul3A_618, %add3A_578 : i32
      %add3A_620 = arith.constant 1 : i32
      %add3A_621 = arith.addi %mul3A_619, %add3A_620 : i32
      %get3A_622 = arith.index_cast %add3A_621 : i32 to index
      %get3A_623 = arith.constant 16 : index
      %get3A_624 = tpu.vector_load %arg5[%get3A_622, %get3A_623] {strides = array<i32>} : memref<256x32xf32, #tpu.memory_space<vmem>>, vector<1x16xf32>,
      %get3A_625 = vector.shape_cast %get3A_624 : vector<1x16xf32> to vector<16xf32>
      %swap3A_626 = arith.index_cast %add3A_578 : i32 to index
      %swap3A_627 = arith.constant 48 : index
      %swap3A_628 = tpu.vector_load %arg7[%swap3A_626, %swap3A_627] {strides = array<i32>} : memref<64x128xf32, #tpu.memory_space<vmem>>, vector<1x16xf32>,
      %swap3A_629 = vector.shape_cast %swap3A_628 : vector<1x16xf32> to vector<16xf32>
      %swap3A_630 = vector.shape_cast %get3A_625 : vector<16xf32> to vector<1x16xf32>
      tpu.vector_store %arg7[%swap3A_626, %swap3A_627], %swap3A_630 {strides = array<i32>} : memref<64x128xf32, #tpu.memory_space<vmem>>, vector<1x16xf32>,
      %mul3A_631 = arith.constant 4 : i32
      %mul3A_632 = arith.muli %mul3A_631, %add3A_578 : i32
      %add3A_633 = arith.constant 2 : i32
      %add3A_634 = arith.addi %mul3A_632, %add3A_633 : i32
      %get3A_635 = arith.index_cast %add3A_634 : i32 to index
      %get3A_636 = arith.constant 0 : index
      %get3A_637 = tpu.vector_load %arg5[%get3A_635, %get3A_636] {strides = array<i32>} : memref<256x32xf32, #tpu.memory_space<vmem>>, vector<1x16xf32>,
      %get3A_638 = vector.shape_cast %get3A_637 : vector<1x16xf32> to vector<16xf32>
      %swap3A_639 = arith.index_cast %add3A_578 : i32 to index
      %swap3A_640 = arith.constant 64 : index
      %swap3A_641 = tpu.vector_load %arg7[%swap3A_639, %swap3A_640] {strides = array<i32>} : memref<64x128xf32, #tpu.memory_space<vmem>>, vector<1x16xf32>,
      %swap3A_642 = vector.shape_cast %swap3A_641 : vector<1x16xf32> to vector<16xf32>
      %swap3A_643 = vector.shape_cast %get3A_638 : vector<16xf32> to vector<1x16xf32>
      tpu.vector_store %arg7[%swap3A_639, %swap3A_640], %swap3A_643 {strides = array<i32>} : memref<64x128xf32, #tpu.memory_space<vmem>>, vector<1x16xf32>,
      %mul3A_644 = arith.constant 4 : i32
      %mul3A_645 = arith.muli %mul3A_644, %add3A_578 : i32
      %add3A_646 = arith.constant 2 : i32
      %add3A_647 = arith.addi %mul3A_645, %add3A_646 : i32
      %get3A_648 = arith.index_cast %add3A_647 : i32 to index
      %get3A_649 = arith.constant 16 : index
      %get3A_650 = tpu.vector_load %arg5[%get3A_648, %get3A_649] {strides = array<i32>} : memref<256x32xf32, #tpu.memory_space<vmem>>, vector<1x16xf32>,
      %get3A_651 = vector.shape_cast %get3A_650 : vector<1x16xf32> to vector<16xf32>
      %swap3A_652 = arith.index_cast %add3A_578 : i32 to index
      %swap3A_653 = arith.constant 80 : index
      %swap3A_654 = tpu.vector_load %arg7[%swap3A_652, %swap3A_653] {strides = array<i32>} : memref<64x128xf32, #tpu.memory_space<vmem>>, vector<1x16xf32>,
      %swap3A_655 = vector.shape_cast %swap3A_654 : vector<1x16xf32> to vector<16xf32>
      %swap3A_656 = vector.shape_cast %get3A_651 : vector<16xf32> to vector<1x16xf32>
      tpu.vector_store %arg7[%swap3A_652, %swap3A_653], %swap3A_656 {strides = array<i32>} : memref<64x128xf32, #tpu.memory_space<vmem>>, vector<1x16xf32>,
      %mul3A_657 = arith.constant 4 : i32
      %mul3A_658 = arith.muli %mul3A_657, %add3A_578 : i32
      %add3A_659 = arith.constant 3 : i32
      %add3A_660 = arith.addi %mul3A_658, %add3A_659 : i32
      %get3A_661 = arith.index_cast %add3A_660 : i32 to index
      %get3A_662 = arith.constant 0 : index
      %get3A_663 = tpu.vector_load %arg5[%get3A_661, %get3A_662] {strides = array<i32>} : memref<256x32xf32, #tpu.memory_space<vmem>>, vector<1x16xf32>,
      %get3A_664 = vector.shape_cast %get3A_663 : vector<1x16xf32> to vector<16xf32>
      %swap3A_665 = arith.index_cast %add3A_578 : i32 to index
      %swap3A_666 = arith.constant 96 : index
      %swap3A_667 = tpu.vector_load %arg7[%swap3A_665, %swap3A_666] {strides = array<i32>} : memref<64x128xf32, #tpu.memory_space<vmem>>, vector<1x16xf32>,
      %swap3A_668 = vector.shape_cast %swap3A_667 : vector<1x16xf32> to vector<16xf32>
      %swap3A_669 = vector.shape_cast %get3A_664 : vector<16xf32> to vector<1x16xf32>
      tpu.vector_store %arg7[%swap3A_665, %swap3A_666], %swap3A_669 {strides = array<i32>} : memref<64x128xf32, #tpu.memory_space<vmem>>, vector<1x16xf32>,
      %mul3A_670 = arith.constant 4 : i32
      %mul3A_671 = arith.muli %mul3A_670, %add3A_578 : i32
      %add3A_672 = arith.constant 3 : i32
      %add3A_673 = arith.addi %mul3A_671, %add3A_672 : i32
      %get3A_674 = arith.index_cast %add3A_673 : i32 to index
      %get3A_675 = arith.constant 16 : index
      %get3A_676 = tpu.vector_load %arg5[%get3A_674, %get3A_675] {strides = array<i32>} : memref<256x32xf32, #tpu.memory_space<vmem>>, vector<1x16xf32>,
      %get3A_677 = vector.shape_cast %get3A_676 : vector<1x16xf32> to vector<16xf32>
      %swap3A_678 = arith.index_cast %add3A_578 : i32 to index
      %swap3A_679 = arith.constant 112 : index
      %swap3A_680 = tpu.vector_load %arg7[%swap3A_678, %swap3A_679] {strides = array<i32>} : memref<64x128xf32, #tpu.memory_space<vmem>>, vector<1x16xf32>,
      %swap3A_681 = vector.shape_cast %swap3A_680 : vector<1x16xf32> to vector<16xf32>
      %swap3A_682 = vector.shape_cast %get3A_677 : vector<16xf32> to vector<1x16xf32>
      tpu.vector_store %arg7[%swap3A_678, %swap3A_679], %swap3A_682 {strides = array<i32>} : memref<64x128xf32, #tpu.memory_space<vmem>>, vector<1x16xf32>,
      %mul3A_683 = arith.constant 4 : i32
      %mul3A_684 = arith.muli %mul3A_683, %scan3A_468 : i32
      %add3A_685 = arith.constant 2 : i32
      %add3A_686 = arith.addi %mul3A_684, %add3A_685 : i32
      %mul3A_687 = arith.constant 4 : i32
      %mul3A_688 = arith.muli %mul3A_687, %add3A_686 : i32
      %add3A_689 = arith.constant 0 : i32
      %add3A_690 = arith.addi %mul3A_688, %add3A_689 : i32
      %get3A_691 = arith.index_cast %add3A_690 : i32 to index
      %get3A_692 = arith.constant 0 : index
      %get3A_693 = tpu.vector_load %arg5[%get3A_691, %get3A_692] {strides = array<i32>} : memref<256x32xf32, #tpu.memory_space<vmem>>, vector<1x16xf32>,
      %get3A_694 = vector.shape_cast %get3A_693 : vector<1x16xf32> to vector<16xf32>
      %swap3A_695 = arith.index_cast %add3A_686 : i32 to index
      %swap3A_696 = arith.constant 0 : index
      %swap3A_697 = tpu.vector_load %arg7[%swap3A_695, %swap3A_696] {strides = array<i32>} : memref<64x128xf32, #tpu.memory_space<vmem>>, vector<1x16xf32>,
      %swap3A_698 = vector.shape_cast %swap3A_697 : vector<1x16xf32> to vector<16xf32>
      %swap3A_699 = vector.shape_cast %get3A_694 : vector<16xf32> to vector<1x16xf32>
      tpu.vector_store %arg7[%swap3A_695, %swap3A_696], %swap3A_699 {strides = array<i32>} : memref<64x128xf32, #tpu.memory_space<vmem>>, vector<1x16xf32>,
      %mul3A_700 = arith.constant 4 : i32
      %mul3A_701 = arith.muli %mul3A_700, %add3A_686 : i32
      %add3A_702 = arith.constant 0 : i32
      %add3A_703 = arith.addi %mul3A_701, %add3A_702 : i32
      %get3A_704 = arith.index_cast %add3A_703 : i32 to index
      %get3A_705 = arith.constant 16 : index
      %get3A_706 = tpu.vector_load %arg5[%get3A_704, %get3A_705] {strides = array<i32>} : memref<256x32xf32, #tpu.memory_space<vmem>>, vector<1x16xf32>,
      %get3A_707 = vector.shape_cast %get3A_706 : vector<1x16xf32> to vector<16xf32>
      %swap3A_708 = arith.index_cast %add3A_686 : i32 to index
      %swap3A_709 = arith.constant 16 : index
      %swap3A_710 = tpu.vector_load %arg7[%swap3A_708, %swap3A_709] {strides = array<i32>} : memref<64x128xf32, #tpu.memory_space<vmem>>, vector<1x16xf32>,
      %swap3A_711 = vector.shape_cast %swap3A_710 : vector<1x16xf32> to vector<16xf32>
      %swap3A_712 = vector.shape_cast %get3A_707 : vector<16xf32> to vector<1x16xf32>
      tpu.vector_store %arg7[%swap3A_708, %swap3A_709], %swap3A_712 {strides = array<i32>} : memref<64x128xf32, #tpu.memory_space<vmem>>, vector<1x16xf32>,
      %mul3A_713 = arith.constant 4 : i32
      %mul3A_714 = arith.muli %mul3A_713, %add3A_686 : i32
      %add3A_715 = arith.constant 1 : i32
      %add3A_716 = arith.addi %mul3A_714, %add3A_715 : i32
      %get3A_717 = arith.index_cast %add3A_716 : i32 to index
      %get3A_718 = arith.constant 0 : index
      %get3A_719 = tpu.vector_load %arg5[%get3A_717, %get3A_718] {strides = array<i32>} : memref<256x32xf32, #tpu.memory_space<vmem>>, vector<1x16xf32>,
      %get3A_720 = vector.shape_cast %get3A_719 : vector<1x16xf32> to vector<16xf32>
      %swap3A_721 = arith.index_cast %add3A_686 : i32 to index
      %swap3A_722 = arith.constant 32 : index
      %swap3A_723 = tpu.vector_load %arg7[%swap3A_721, %swap3A_722] {strides = array<i32>} : memref<64x128xf32, #tpu.memory_space<vmem>>, vector<1x16xf32>,
      %swap3A_724 = vector.shape_cast %swap3A_723 : vector<1x16xf32> to vector<16xf32>
      %swap3A_725 = vector.shape_cast %get3A_720 : vector<16xf32> to vector<1x16xf32>
      tpu.vector_store %arg7[%swap3A_721, %swap3A_722], %swap3A_725 {strides = array<i32>} : memref<64x128xf32, #tpu.memory_space<vmem>>, vector<1x16xf32>,
      %mul3A_726 = arith.constant 4 : i32
      %mul3A_727 = arith.muli %mul3A_726, %add3A_686 : i32
      %add3A_728 = arith.constant 1 : i32
      %add3A_729 = arith.addi %mul3A_727, %add3A_728 : i32
      %get3A_730 = arith.index_cast %add3A_729 : i32 to index
      %get3A_731 = arith.constant 16 : index
      %get3A_732 = tpu.vector_load %arg5[%get3A_730, %get3A_731] {strides = array<i32>} : memref<256x32xf32, #tpu.memory_space<vmem>>, vector<1x16xf32>,
      %get3A_733 = vector.shape_cast %get3A_732 : vector<1x16xf32> to vector<16xf32>
      %swap3A_734 = arith.index_cast %add3A_686 : i32 to index
      %swap3A_735 = arith.constant 48 : index
      %swap3A_736 = tpu.vector_load %arg7[%swap3A_734, %swap3A_735] {strides = array<i32>} : memref<64x128xf32, #tpu.memory_space<vmem>>, vector<1x16xf32>,
      %swap3A_737 = vector.shape_cast %swap3A_736 : vector<1x16xf32> to vector<16xf32>
      %swap3A_738 = vector.shape_cast %get3A_733 : vector<16xf32> to vector<1x16xf32>
      tpu.vector_store %arg7[%swap3A_734, %swap3A_735], %swap3A_738 {strides = array<i32>} : memref<64x128xf32, #tpu.memory_space<vmem>>, vector<1x16xf32>,
      %mul3A_739 = arith.constant 4 : i32
      %mul3A_740 = arith.muli %mul3A_739, %add3A_686 : i32
      %add3A_741 = arith.constant 2 : i32
      %add3A_742 = arith.addi %mul3A_740, %add3A_741 : i32
      %get3A_743 = arith.index_cast %add3A_742 : i32 to index
      %get3A_744 = arith.constant 0 : index
      %get3A_745 = tpu.vector_load %arg5[%get3A_743, %get3A_744] {strides = array<i32>} : memref<256x32xf32, #tpu.memory_space<vmem>>, vector<1x16xf32>,
      %get3A_746 = vector.shape_cast %get3A_745 : vector<1x16xf32> to vector<16xf32>
      %swap3A_747 = arith.index_cast %add3A_686 : i32 to index
      %swap3A_748 = arith.constant 64 : index
      %swap3A_749 = tpu.vector_load %arg7[%swap3A_747, %swap3A_748] {strides = array<i32>} : memref<64x128xf32, #tpu.memory_space<vmem>>, vector<1x16xf32>,
      %swap3A_750 = vector.shape_cast %swap3A_749 : vector<1x16xf32> to vector<16xf32>
      %swap3A_751 = vector.shape_cast %get3A_746 : vector<16xf32> to vector<1x16xf32>
      tpu.vector_store %arg7[%swap3A_747, %swap3A_748], %swap3A_751 {strides = array<i32>} : memref<64x128xf32, #tpu.memory_space<vmem>>, vector<1x16xf32>,
      %mul3A_752 = arith.constant 4 : i32
      %mul3A_753 = arith.muli %mul3A_752, %add3A_686 : i32
      %add3A_754 = arith.constant 2 : i32
      %add3A_755 = arith.addi %mul3A_753, %add3A_754 : i32
      %get3A_756 = arith.index_cast %add3A_755 : i32 to index
      %get3A_757 = arith.constant 16 : index
      %get3A_758 = tpu.vector_load %arg5[%get3A_756, %get3A_757] {strides = array<i32>} : memref<256x32xf32, #tpu.memory_space<vmem>>, vector<1x16xf32>,
      %get3A_759 = vector.shape_cast %get3A_758 : vector<1x16xf32> to vector<16xf32>
      %swap3A_760 = arith.index_cast %add3A_686 : i32 to index
      %swap3A_761 = arith.constant 80 : index
      %swap3A_762 = tpu.vector_load %arg7[%swap3A_760, %swap3A_761] {strides = array<i32>} : memref<64x128xf32, #tpu.memory_space<vmem>>, vector<1x16xf32>,
      %swap3A_763 = vector.shape_cast %swap3A_762 : vector<1x16xf32> to vector<16xf32>
      %swap3A_764 = vector.shape_cast %get3A_759 : vector<16xf32> to vector<1x16xf32>
      tpu.vector_store %arg7[%swap3A_760, %swap3A_761], %swap3A_764 {strides = array<i32>} : memref<64x128xf32, #tpu.memory_space<vmem>>, vector<1x16xf32>,
      %mul3A_765 = arith.constant 4 : i32
      %mul3A_766 = arith.muli %mul3A_765, %add3A_686 : i32
      %add3A_767 = arith.constant 3 : i32
      %add3A_768 = arith.addi %mul3A_766, %add3A_767 : i32
      %get3A_769 = arith.index_cast %add3A_768 : i32 to index
      %get3A_770 = arith.constant 0 : index
      %get3A_771 = tpu.vector_load %arg5[%get3A_769, %get3A_770] {strides = array<i32>} : memref<256x32xf32, #tpu.memory_space<vmem>>, vector<1x16xf32>,
      %get3A_772 = vector.shape_cast %get3A_771 : vector<1x16xf32> to vector<16xf32>
      %swap3A_773 = arith.index_cast %add3A_686 : i32 to index
      %swap3A_774 = arith.constant 96 : index
      %swap3A_775 = tpu.vector_load %arg7[%swap3A_773, %swap3A_774] {strides = array<i32>} : memref<64x128xf32, #tpu.memory_space<vmem>>, vector<1x16xf32>,
      %swap3A_776 = vector.shape_cast %swap3A_775 : vector<1x16xf32> to vector<16xf32>
      %swap3A_777 = vector.shape_cast %get3A_772 : vector<16xf32> to vector<1x16xf32>
      tpu.vector_store %arg7[%swap3A_773, %swap3A_774], %swap3A_777 {strides = array<i32>} : memref<64x128xf32, #tpu.memory_space<vmem>>, vector<1x16xf32>,
      %mul3A_778 = arith.constant 4 : i32
      %mul3A_779 = arith.muli %mul3A_778, %add3A_686 : i32
      %add3A_780 = arith.constant 3 : i32
      %add3A_781 = arith.addi %mul3A_779, %add3A_780 : i32
      %get3A_782 = arith.index_cast %add3A_781 : i32 to index
      %get3A_783 = arith.constant 16 : index
      %get3A_784 = tpu.vector_load %arg5[%get3A_782, %get3A_783] {strides = array<i32>} : memref<256x32xf32, #tpu.memory_space<vmem>>, vector<1x16xf32>,
      %get3A_785 = vector.shape_cast %get3A_784 : vector<1x16xf32> to vector<16xf32>
      %swap3A_786 = arith.index_cast %add3A_686 : i32 to index
      %swap3A_787 = arith.constant 112 : index
      %swap3A_788 = tpu.vector_load %arg7[%swap3A_786, %swap3A_787] {strides = array<i32>} : memref<64x128xf32, #tpu.memory_space<vmem>>, vector<1x16xf32>,
      %swap3A_789 = vector.shape_cast %swap3A_788 : vector<1x16xf32> to vector<16xf32>
      %swap3A_790 = vector.shape_cast %get3A_785 : vector<16xf32> to vector<1x16xf32>
      tpu.vector_store %arg7[%swap3A_786, %swap3A_787], %swap3A_790 {strides = array<i32>} : memref<64x128xf32, #tpu.memory_space<vmem>>, vector<1x16xf32>,
      %mul3A_791 = arith.constant 4 : i32
      %mul3A_792 = arith.muli %mul3A_791, %scan3A_468 : i32
      %add3A_793 = arith.constant 3 : i32
      %add3A_794 = arith.addi %mul3A_792, %add3A_793 : i32
      %mul3A_795 = arith.constant 4 : i32
      %mul3A_796 = arith.muli %mul3A_795, %add3A_794 : i32
      %add3A_797 = arith.constant 0 : i32
      %add3A_798 = arith.addi %mul3A_796, %add3A_797 : i32
      %get3A_799 = arith.index_cast %add3A_798 : i32 to index
      %get3A_800 = arith.constant 0 : index
      %get3A_801 = tpu.vector_load %arg5[%get3A_799, %get3A_800] {strides = array<i32>} : memref<256x32xf32, #tpu.memory_space<vmem>>, vector<1x16xf32>,
      %get3A_802 = vector.shape_cast %get3A_801 : vector<1x16xf32> to vector<16xf32>
      %swap3A_803 = arith.index_cast %add3A_794 : i32 to index
      %swap3A_804 = arith.constant 0 : index
      %swap3A_805 = tpu.vector_load %arg7[%swap3A_803, %swap3A_804] {strides = array<i32>} : memref<64x128xf32, #tpu.memory_space<vmem>>, vector<1x16xf32>,
      %swap3A_806 = vector.shape_cast %swap3A_805 : vector<1x16xf32> to vector<16xf32>
      %swap3A_807 = vector.shape_cast %get3A_802 : vector<16xf32> to vector<1x16xf32>
      tpu.vector_store %arg7[%swap3A_803, %swap3A_804], %swap3A_807 {strides = array<i32>} : memref<64x128xf32, #tpu.memory_space<vmem>>, vector<1x16xf32>,
      %mul3A_808 = arith.constant 4 : i32
      %mul3A_809 = arith.muli %mul3A_808, %add3A_794 : i32
      %add3A_810 = arith.constant 0 : i32
      %add3A_811 = arith.addi %mul3A_809, %add3A_810 : i32
      %get3A_812 = arith.index_cast %add3A_811 : i32 to index
      %get3A_813 = arith.constant 16 : index
      %get3A_814 = tpu.vector_load %arg5[%get3A_812, %get3A_813] {strides = array<i32>} : memref<256x32xf32, #tpu.memory_space<vmem>>, vector<1x16xf32>,
      %get3A_815 = vector.shape_cast %get3A_814 : vector<1x16xf32> to vector<16xf32>
      %swap3A_816 = arith.index_cast %add3A_794 : i32 to index
      %swap3A_817 = arith.constant 16 : index
      %swap3A_818 = tpu.vector_load %arg7[%swap3A_816, %swap3A_817] {strides = array<i32>} : memref<64x128xf32, #tpu.memory_space<vmem>>, vector<1x16xf32>,
      %swap3A_819 = vector.shape_cast %swap3A_818 : vector<1x16xf32> to vector<16xf32>
      %swap3A_820 = vector.shape_cast %get3A_815 : vector<16xf32> to vector<1x16xf32>
      tpu.vector_store %arg7[%swap3A_816, %swap3A_817], %swap3A_820 {strides = array<i32>} : memref<64x128xf32, #tpu.memory_space<vmem>>, vector<1x16xf32>,
      %mul3A_821 = arith.constant 4 : i32
      %mul3A_822 = arith.muli %mul3A_821, %add3A_794 : i32
      %add3A_823 = arith.constant 1 : i32
      %add3A_824 = arith.addi %mul3A_822, %add3A_823 : i32
      %get3A_825 = arith.index_cast %add3A_824 : i32 to index
      %get3A_826 = arith.constant 0 : index
      %get3A_827 = tpu.vector_load %arg5[%get3A_825, %get3A_826] {strides = array<i32>} : memref<256x32xf32, #tpu.memory_space<vmem>>, vector<1x16xf32>,
      %get3A_828 = vector.shape_cast %get3A_827 : vector<1x16xf32> to vector<16xf32>
      %swap3A_829 = arith.index_cast %add3A_794 : i32 to index
      %swap3A_830 = arith.constant 32 : index
      %swap3A_831 = tpu.vector_load %arg7[%swap3A_829, %swap3A_830] {strides = array<i32>} : memref<64x128xf32, #tpu.memory_space<vmem>>, vector<1x16xf32>,
      %swap3A_832 = vector.shape_cast %swap3A_831 : vector<1x16xf32> to vector<16xf32>
      %swap3A_833 = vector.shape_cast %get3A_828 : vector<16xf32> to vector<1x16xf32>
      tpu.vector_store %arg7[%swap3A_829, %swap3A_830], %swap3A_833 {strides = array<i32>} : memref<64x128xf32, #tpu.memory_space<vmem>>, vector<1x16xf32>,
      %mul3A_834 = arith.constant 4 : i32
      %mul3A_835 = arith.muli %mul3A_834, %add3A_794 : i32
      %add3A_836 = arith.constant 1 : i32
      %add3A_837 = arith.addi %mul3A_835, %add3A_836 : i32
      %get3A_838 = arith.index_cast %add3A_837 : i32 to index
      %get3A_839 = arith.constant 16 : index
      %get3A_840 = tpu.vector_load %arg5[%get3A_838, %get3A_839] {strides = array<i32>} : memref<256x32xf32, #tpu.memory_space<vmem>>, vector<1x16xf32>,
      %get3A_841 = vector.shape_cast %get3A_840 : vector<1x16xf32> to vector<16xf32>
      %swap3A_842 = arith.index_cast %add3A_794 : i32 to index
      %swap3A_843 = arith.constant 48 : index
      %swap3A_844 = tpu.vector_load %arg7[%swap3A_842, %swap3A_843] {strides = array<i32>} : memref<64x128xf32, #tpu.memory_space<vmem>>, vector<1x16xf32>,
      %swap3A_845 = vector.shape_cast %swap3A_844 : vector<1x16xf32> to vector<16xf32>
      %swap3A_846 = vector.shape_cast %get3A_841 : vector<16xf32> to vector<1x16xf32>
      tpu.vector_store %arg7[%swap3A_842, %swap3A_843], %swap3A_846 {strides = array<i32>} : memref<64x128xf32, #tpu.memory_space<vmem>>, vector<1x16xf32>,
      %mul3A_847 = arith.constant 4 : i32
      %mul3A_848 = arith.muli %mul3A_847, %add3A_794 : i32
      %add3A_849 = arith.constant 2 : i32
      %add3A_850 = arith.addi %mul3A_848, %add3A_849 : i32
      %get3A_851 = arith.index_cast %add3A_850 : i32 to index
      %get3A_852 = arith.constant 0 : index
      %get3A_853 = tpu.vector_load %arg5[%get3A_851, %get3A_852] {strides = array<i32>} : memref<256x32xf32, #tpu.memory_space<vmem>>, vector<1x16xf32>,
      %get3A_854 = vector.shape_cast %get3A_853 : vector<1x16xf32> to vector<16xf32>
      %swap3A_855 = arith.index_cast %add3A_794 : i32 to index
      %swap3A_856 = arith.constant 64 : index
      %swap3A_857 = tpu.vector_load %arg7[%swap3A_855, %swap3A_856] {strides = array<i32>} : memref<64x128xf32, #tpu.memory_space<vmem>>, vector<1x16xf32>,
      %swap3A_858 = vector.shape_cast %swap3A_857 : vector<1x16xf32> to vector<16xf32>
      %swap3A_859 = vector.shape_cast %get3A_854 : vector<16xf32> to vector<1x16xf32>
      tpu.vector_store %arg7[%swap3A_855, %swap3A_856], %swap3A_859 {strides = array<i32>} : memref<64x128xf32, #tpu.memory_space<vmem>>, vector<1x16xf32>,
      %mul3A_860 = arith.constant 4 : i32
      %mul3A_861 = arith.muli %mul3A_860, %add3A_794 : i32
      %add3A_862 = arith.constant 2 : i32
      %add3A_863 = arith.addi %mul3A_861, %add3A_862 : i32
      %get3A_864 = arith.index_cast %add3A_863 : i32 to index
      %get3A_865 = arith.constant 16 : index
      %get3A_866 = tpu.vector_load %arg5[%get3A_864, %get3A_865] {strides = array<i32>} : memref<256x32xf32, #tpu.memory_space<vmem>>, vector<1x16xf32>,
      %get3A_867 = vector.shape_cast %get3A_866 : vector<1x16xf32> to vector<16xf32>
      %swap3A_868 = arith.index_cast %add3A_794 : i32 to index
      %swap3A_869 = arith.constant 80 : index
      %swap3A_870 = tpu.vector_load %arg7[%swap3A_868, %swap3A_869] {strides = array<i32>} : memref<64x128xf32, #tpu.memory_space<vmem>>, vector<1x16xf32>,
      %swap3A_871 = vector.shape_cast %swap3A_870 : vector<1x16xf32> to vector<16xf32>
      %swap3A_872 = vector.shape_cast %get3A_867 : vector<16xf32> to vector<1x16xf32>
      tpu.vector_store %arg7[%swap3A_868, %swap3A_869], %swap3A_872 {strides = array<i32>} : memref<64x128xf32, #tpu.memory_space<vmem>>, vector<1x16xf32>,
      %mul3A_873 = arith.constant 4 : i32
      %mul3A_874 = arith.muli %mul3A_873, %add3A_794 : i32
      %add3A_875 = arith.constant 3 : i32
      %add3A_876 = arith.addi %mul3A_874, %add3A_875 : i32
      %get3A_877 = arith.index_cast %add3A_876 : i32 to index
      %get3A_878 = arith.constant 0 : index
      %get3A_879 = tpu.vector_load %arg5[%get3A_877, %get3A_878] {strides = array<i32>} : memref<256x32xf32, #tpu.memory_space<vmem>>, vector<1x16xf32>,
      %get3A_880 = vector.shape_cast %get3A_879 : vector<1x16xf32> to vector<16xf32>
      %swap3A_881 = arith.index_cast %add3A_794 : i32 to index
      %swap3A_882 = arith.constant 96 : index
      %swap3A_883 = tpu.vector_load %arg7[%swap3A_881, %swap3A_882] {strides = array<i32>} : memref<64x128xf32, #tpu.memory_space<vmem>>, vector<1x16xf32>,
      %swap3A_884 = vector.shape_cast %swap3A_883 : vector<1x16xf32> to vector<16xf32>
      %swap3A_885 = vector.shape_cast %get3A_880 : vector<16xf32> to vector<1x16xf32>
      tpu.vector_store %arg7[%swap3A_881, %swap3A_882], %swap3A_885 {strides = array<i32>} : memref<64x128xf32, #tpu.memory_space<vmem>>, vector<1x16xf32>,
      %mul3A_886 = arith.constant 4 : i32
      %mul3A_887 = arith.muli %mul3A_886, %add3A_794 : i32
      %add3A_888 = arith.constant 3 : i32
      %add3A_889 = arith.addi %mul3A_887, %add3A_888 : i32
      %get3A_890 = arith.index_cast %add3A_889 : i32 to index
      %get3A_891 = arith.constant 16 : index
      %get3A_892 = tpu.vector_load %arg5[%get3A_890, %get3A_891] {strides = array<i32>} : memref<256x32xf32, #tpu.memory_space<vmem>>, vector<1x16xf32>,
      %get3A_893 = vector.shape_cast %get3A_892 : vector<1x16xf32> to vector<16xf32>
      %swap3A_894 = arith.index_cast %add3A_794 : i32 to index
      %swap3A_895 = arith.constant 112 : index
      %swap3A_896 = tpu.vector_load %arg7[%swap3A_894, %swap3A_895] {strides = array<i32>} : memref<64x128xf32, #tpu.memory_space<vmem>>, vector<1x16xf32>,
      %swap3A_897 = vector.shape_cast %swap3A_896 : vector<1x16xf32> to vector<16xf32>
      %swap3A_898 = vector.shape_cast %get3A_893 : vector<16xf32> to vector<1x16xf32>
      tpu.vector_store %arg7[%swap3A_894, %swap3A_895], %swap3A_898 {strides = array<i32>} : memref<64x128xf32, #tpu.memory_space<vmem>>, vector<1x16xf32>,
    }
    %scan3A_422 = arith.constant 16 : i32
    %add3A_423 = arith.constant 1792 : i32
    %add3A_424 = arith.addi %mul3A_0, %add3A_423 : i32
    %jit3A_425 = arith.constant 4 : i32
    %div3A_426 = arith.divsi %add3A_424, %jit3A_425 : i32
    %sign3A_427 = arith.constant 0 : i32
    %sign3A_428 = arith.cmpi sgt, %add3A_424, %sign3A_427 : i32
    %sign3A_429 = arith.extui %sign3A_428 : i1 to i32
    %sign3A_430 = arith.constant 0 : i32
    %sign3A_431 = arith.cmpi slt, %add3A_424, %sign3A_430 : i32
    %sign3A_432 = arith.extui %sign3A_431 : i1 to i32
    %sign3A_433 = arith.subi %sign3A_429, %sign3A_432 : i32
    %sign3A_434 = arith.constant 0 : i32
    %sign3A_435 = arith.cmpi sgt, %jit3A_425, %sign3A_434 : i32
    %sign3A_436 = arith.extui %sign3A_435 : i1 to i32
    %sign3A_437 = arith.constant 0 : i32
    %sign3A_438 = arith.cmpi slt, %jit3A_425, %sign3A_437 : i32
    %sign3A_439 = arith.extui %sign3A_438 : i1 to i32
    %sign3A_440 = arith.subi %sign3A_436, %sign3A_439 : i32
    %ne3A_441 = arith.cmpi ne, %sign3A_433, %sign3A_440 : i32
    %rem3A_442 = arith.remsi %add3A_424, %jit3A_425 : i32
    %ne3A_443 = arith.constant 0 : i32
    %ne3A_444 = arith.cmpi ne, %rem3A_442, %ne3A_443 : i32
    %and3A_445 = arith.andi %ne3A_441, %ne3A_444 : i1
    %sub3A_446 = arith.constant 1 : i32
    %sub3A_447 = arith.subi %div3A_426, %sub3A_446 : i32
    %select_n3A_448 = arith.select %and3A_445, %sub3A_447, %div3A_426 : i32
    %multiple_of3A_449 = tpu.assume_multiple %select_n3A_448, 64 : i32
    %dma_start3A_450 = arith.constant 0 : i32
    %dma_start3A_451 = tpu.memref_slice %arg3[%arg1, %multiple_of3A_449, %dma_start3A_450] : memref<16x1024x128xf32, #tpu.memory_space<hbm>> -> memref<1x64x128xf32, #tpu.memory_space<hbm>>
    %dma_start3A_452 = tpu.memref_squeeze %dma_start3A_451 : memref<1x64x128xf32, #tpu.memory_space<hbm>> -> memref<64x128xf32, #tpu.memory_space<hbm>>
    %dma_start3A_453 = arith.constant 0 : i32
    %dma_start3A_454 = tpu.memref_slice %arg3[%arg1, %multiple_of3A_449, %dma_start3A_453] : memref<16x1024x128xf32, #tpu.memory_space<hbm>> -> memref<1x64x128xf32, #tpu.memory_space<hbm>>
    %dma_start3A_455 = tpu.memref_squeeze %dma_start3A_454 : memref<1x64x128xf32, #tpu.memory_space<hbm>> -> memref<64x128xf32, #tpu.memory_space<hbm>>
    tpu.enqueue_dma source(%arg7 : memref<64x128xf32, #tpu.memory_space<vmem>>) target(%dma_start3A_455 : memref<64x128xf32, #tpu.memory_space<hbm>>) target_semaphore(%arg11 : memref<!tpu.dma_semaphore, #tpu.memory_space<semaphore_mem>>)
    %dma_wait3A_456 = arith.constant 0 : i32
    %dma_wait3A_457 = tpu.memref_slice %arg3[%arg1, %multiple_of3A_398, %dma_wait3A_456] : memref<16x1024x128xf32, #tpu.memory_space<hbm>> -> memref<1x64x128xf32, #tpu.memory_space<hbm>>
    %dma_wait3A_458 = tpu.memref_squeeze %dma_wait3A_457 : memref<1x64x128xf32, #tpu.memory_space<hbm>> -> memref<64x128xf32, #tpu.memory_space<hbm>>
    %dma_wait3A_459 = arith.constant 0 : i32
    %dma_wait3A_460 = tpu.memref_slice %arg3[%arg1, %multiple_of3A_398, %dma_wait3A_459] : memref<16x1024x128xf32, #tpu.memory_space<hbm>> -> memref<1x64x128xf32, #tpu.memory_space<hbm>>
    %dma_wait3A_461 = tpu.memref_squeeze %dma_wait3A_460 : memref<1x64x128xf32, #tpu.memory_space<hbm>> -> memref<64x128xf32, #tpu.memory_space<hbm>>
    tpu.wait_dma2 semaphore(%arg10 : memref<!tpu.dma_semaphore, #tpu.memory_space<semaphore_mem>>) src(%arg6 : memref<64x128xf32, #tpu.memory_space<vmem>>) dst(%dma_wait3A_461 : memref<64x128xf32, #tpu.memory_space<hbm>>)
    %dma_wait3A_462 = arith.constant 0 : i32
    %dma_wait3A_463 = tpu.memref_slice %arg3[%arg1, %multiple_of3A_449, %dma_wait3A_462] : memref<16x1024x128xf32, #tpu.memory_space<hbm>> -> memref<1x64x128xf32, #tpu.memory_space<hbm>>
    %dma_wait3A_464 = tpu.memref_squeeze %dma_wait3A_463 : memref<1x64x128xf32, #tpu.memory_space<hbm>> -> memref<64x128xf32, #tpu.memory_space<hbm>>
    %dma_wait3A_465 = arith.constant 0 : i32
    %dma_wait3A_466 = tpu.memref_slice %arg3[%arg1, %multiple_of3A_449, %dma_wait3A_465] : memref<16x1024x128xf32, #tpu.memory_space<hbm>> -> memref<1x64x128xf32, #tpu.memory_space<hbm>>
    %dma_wait3A_467 = tpu.memref_squeeze %dma_wait3A_466 : memref<1x64x128xf32, #tpu.memory_space<hbm>> -> memref<64x128xf32, #tpu.memory_space<hbm>>
    tpu.wait_dma2 semaphore(%arg11 : memref<!tpu.dma_semaphore, #tpu.memory_space<semaphore_mem>>) src(%arg7 : memref<64x128xf32, #tpu.memory_space<vmem>>) dst(%dma_wait3A_467 : memref<64x128xf32, #tpu.memory_space<hbm>>)
    return
  }
}

module attributes {stable_mosaic.version = 14 : i64} {
  func.func @_fused_kernel(%arg0: i32, %arg1: memref<1x1024x128xf32, #tpu.memory_space<vmem>>, %arg2: memref<128x256xf32, #tpu.memory_space<vmem>>, %arg3: memref<1x256xf32, #tpu.memory_space<vmem>>, %arg4: memref<256x128xf32, #tpu.memory_space<vmem>>, %arg5: memref<1x128xf32, #tpu.memory_space<vmem>>, %arg6: memref<1x1xf32, #tpu.memory_space<vmem>>, %arg7: memref<1x32x128xf32, #tpu.memory_space<vmem>>) attributes {dimension_semantics = [#tpu.dimension_semantics<arbitrary>], iteration_bounds = array<i64: 16>, scalar_prefetch = 0 : i64, scratch_operands = 0 : i64, tpu.core_type = #tpu.core_type<tc>, window_params = [{transform_indices = @transform_0, window_bounds = array<i64: 1, 1024, 128>}, {pipeline_mode = #tpu.pipeline_mode<synchronous>, transform_indices = @transform_1, window_bounds = array<i64: 128, 256>}, {pipeline_mode = #tpu.pipeline_mode<synchronous>, transform_indices = @transform_2, window_bounds = array<i64: 1, 256>}, {pipeline_mode = #tpu.pipeline_mode<synchronous>, transform_indices = @transform_3, window_bounds = array<i64: 256, 128>}, {pipeline_mode = #tpu.pipeline_mode<synchronous>, transform_indices = @transform_4, window_bounds = array<i64: 1, 128>}, {pipeline_mode = #tpu.pipeline_mode<synchronous>, transform_indices = @transform_5, window_bounds = array<i64: 1, 1>}, {transform_indices = @transform_6, window_bounds = array<i64: 1, 32, 128>}]} {
    %get3A = arith.constant 0 : index
    %get3A_0 = arith.constant 0 : index
    %get3A_1 = arith.constant 0 : index
    %get3A_2 = vector.load %arg1[%get3A, %get3A_0, %get3A_1] : memref<1x1024x128xf32, #tpu.memory_space<vmem>>, vector<1x1024x128xf32>
    %get3A_3 = vector.shape_cast %get3A_2 : vector<1x1024x128xf32> to vector<1024x128xf32>
    %get3A_4 = arith.constant 0 : index
    %get3A_5 = arith.constant 0 : index
    %get3A_6 = vector.load %arg2[%get3A_4, %get3A_5] : memref<128x256xf32, #tpu.memory_space<vmem>>, vector<128x256xf32>
    %dot_general3A = arith.constant dense<0.000000e+00> : vector<1024x256xf32>
    %dot_general3A_7 = tpu.matmul %get3A_3, %get3A_6, %dot_general3A {dimension_numbers = #tpu.dot_dimension_numbers<[1], [0], [0], [1], [0, 0, 1, 1], [], []>, transpose_lhs_hint = false} : vector<1024x128xf32>, vector<128x256xf32>, vector<1024x256xf32> -> vector<1024x256xf32>
    %get3A_8 = arith.constant 0 : index
    %get3A_9 = arith.constant 0 : index
    %get3A_10 = vector.load %arg3[%get3A_8, %get3A_9] : memref<1x256xf32, #tpu.memory_space<vmem>>, vector<1x256xf32>
    %add3A = vector.broadcast %get3A_10 : vector<1x256xf32> to vector<1024x256xf32>
    %add3A_11 = arith.addf %dot_general3A_7, %add3A : vector<1024x256xf32>
    %mul3A = arith.constant 5.000000e-01 : f32
    %mul3A_12 = vector.broadcast %mul3A : f32 to vector<1024x256xf32>
    %mul3A_13 = arith.mulf %mul3A_12, %add3A_11 : vector<1024x256xf32>
    %mul3A_14 = arith.constant 0.707106769 : f32
    %mul3A_15 = vector.broadcast %mul3A_14 : f32 to vector<1024x256xf32>
    %mul3A_16 = arith.mulf %add3A_11, %mul3A_15 : vector<1024x256xf32>
    %erf3A = math.erf %mul3A_16 : vector<1024x256xf32>
    %add3A_17 = arith.constant 1.000000e+00 : f32
    %add3A_18 = vector.broadcast %add3A_17 : f32 to vector<1024x256xf32>
    %add3A_19 = arith.addf %add3A_18, %erf3A : vector<1024x256xf32>
    %mul3A_20 = arith.mulf %mul3A_13, %add3A_19 : vector<1024x256xf32>
    %reshape3A = vector.shape_cast %mul3A_20 : vector<1024x256xf32> to vector<32x32x256xf32>
    %reduce_sum3A = arith.constant dense<0.000000e+00> : vector<32x256xf32>
    %reduce_sum3A_21 = vector.multi_reduction <add>, %reshape3A, %reduce_sum3A [1] : vector<32x32x256xf32> to vector<32x256xf32>
    %mul3A_22 = arith.constant 7.812500e-03 : f32
    %mul3A_23 = vector.broadcast %mul3A_22 : f32 to vector<32x256xf32>
    %mul3A_24 = arith.mulf %reduce_sum3A_21, %mul3A_23 : vector<32x256xf32>
    %get3A_25 = arith.constant 0 : index
    %get3A_26 = arith.constant 0 : index
    %get3A_27 = vector.load %arg4[%get3A_25, %get3A_26] : memref<256x128xf32, #tpu.memory_space<vmem>>, vector<256x128xf32>
    %dot_general3A_28 = arith.constant dense<0.000000e+00> : vector<32x128xf32>
    %dot_general3A_29 = tpu.matmul %mul3A_24, %get3A_27, %dot_general3A_28 {dimension_numbers = #tpu.dot_dimension_numbers<[1], [0], [0], [1], [0, 0, 1, 1], [], []>, transpose_lhs_hint = false} : vector<32x256xf32>, vector<256x128xf32>, vector<32x128xf32> -> vector<32x128xf32>
    %get3A_30 = arith.constant 0 : index
    %get3A_31 = arith.constant 0 : index
    %get3A_32 = vector.load %arg6[%get3A_30, %get3A_31] : memref<1x1xf32, #tpu.memory_space<vmem>>, vector<1x1xf32>
    %get3A_33 = vector.extract %get3A_32[0, 0] : f32 from vector<1x1xf32>
    %tanh3A = math.tanh %get3A_33 : f32
    %get3A_34 = arith.constant 0 : index
    %get3A_35 = arith.constant 0 : index
    %get3A_36 = vector.load %arg5[%get3A_34, %get3A_35] : memref<1x128xf32, #tpu.memory_space<vmem>>, vector<1x128xf32>
    %add3A_37 = vector.broadcast %get3A_36 : vector<1x128xf32> to vector<32x128xf32>
    %add3A_38 = arith.addf %dot_general3A_29, %add3A_37 : vector<32x128xf32>
    %mul3A_39 = vector.broadcast %tanh3A : f32 to vector<32x128xf32>
    %mul3A_40 = arith.mulf %mul3A_39, %add3A_38 : vector<32x128xf32>
    %swap3A = arith.constant 0 : index
    %swap3A_41 = arith.constant 0 : index
    %swap3A_42 = arith.constant 0 : index
    %swap3A_43 = vector.load %arg7[%swap3A, %swap3A_41, %swap3A_42] : memref<1x32x128xf32, #tpu.memory_space<vmem>>, vector<1x32x128xf32>
    %swap3A_44 = vector.shape_cast %swap3A_43 : vector<1x32x128xf32> to vector<32x128xf32>
    %swap3A_45 = vector.shape_cast %mul3A_40 : vector<32x128xf32> to vector<1x32x128xf32>
    tpu.vector_store %arg7[%swap3A, %swap3A_41, %swap3A_42], %swap3A_45 {strides = array<i32>} : memref<1x32x128xf32, #tpu.memory_space<vmem>>, vector<1x32x128xf32>,
    return
  }
  func.func @transform_0(%arg0: i32) -> (i32, i32, i32) {
    %c0_i32 = arith.constant 0 : i32
    %c0_i32_0 = arith.constant 0 : i32
    %c0_i32_1 = arith.constant 0 : i32
    return %arg0, %c0_i32, %c0_i32_0 : i32, i32, i32
  }
  func.func @transform_1(%arg0: i32) -> (i32, i32) {
    %c0_i32 = arith.constant 0 : i32
    %c0_i32_0 = arith.constant 0 : i32
    %c0_i32_1 = arith.constant 0 : i32
    return %c0_i32, %c0_i32_0 : i32, i32
  }
  func.func @transform_2(%arg0: i32) -> (i32, i32) {
    %c0_i32 = arith.constant 0 : i32
    %c0_i32_0 = arith.constant 0 : i32
    %c0_i32_1 = arith.constant 0 : i32
    return %c0_i32, %c0_i32_0 : i32, i32
  }
  func.func @transform_3(%arg0: i32) -> (i32, i32) {
    %c0_i32 = arith.constant 0 : i32
    %c0_i32_0 = arith.constant 0 : i32
    %c0_i32_1 = arith.constant 0 : i32
    return %c0_i32, %c0_i32_0 : i32, i32
  }
  func.func @transform_4(%arg0: i32) -> (i32, i32) {
    %c0_i32 = arith.constant 0 : i32
    %c0_i32_0 = arith.constant 0 : i32
    %c0_i32_1 = arith.constant 0 : i32
    return %c0_i32, %c0_i32_0 : i32, i32
  }
  func.func @transform_5(%arg0: i32) -> (i32, i32) {
    %c0_i32 = arith.constant 0 : i32
    %c0_i32_0 = arith.constant 0 : i32
    %c0_i32_1 = arith.constant 0 : i32
    return %c0_i32, %c0_i32_0 : i32, i32
  }
  func.func @transform_6(%arg0: i32) -> (i32, i32, i32) {
    %c0_i32 = arith.constant 0 : i32
    %c0_i32_0 = arith.constant 0 : i32
    %c0_i32_1 = arith.constant 0 : i32
    return %arg0, %c0_i32, %c0_i32_0 : i32, i32, i32
  }
}

</mosaic_0001>

<sc_bundles>
// kernel: kernel.4.cloned.1.call-start
scs
__scs_entry_jumppad:
0x0: {  	(pc) =	sbr.rel $0x88, $3  }
0x1: {  	(tag) =	ssettag $0x0;
	lr =	simm.s32 $0x1  }
0x2: {  	[smem:$0x3F9B] =	sst lr;
	_ =	strace $0xD0000000  }
0x3: {  	_ = 	snop  }
0x4: {  	_ = 	snop  }
0x5: {  	_ = 	snop  }
0x6: {  	_ = 	snop  }
0x7: {  	_ = 	snop  }
__scs_overlays_trampoline_lowered:
0x8: {  	[smem:$0x3FAA] =	sst s0  }
0x9: {  	[smem:$0x3FAB] =	sst s1  }
0xa: {  	[smem:$0x3FAC] =	sst s2  }
0xb: {  	[smem:$0x3FAD] =	sst s3  }
0xc: {  	[smem:$0x3FAE] =	sst s4  }
0xd: {  	[smem:$0x3FAF] =	sst s5  }
0xe: {  	[smem:$0x3FB0] =	sst s6  }
0xf: {  	[smem:$0x3FB1] =	sst s7  }
0x10: {  	[smem:$0x3FB2] =	sst s8  }
0x11: {  	[smem:$0x3FB3] =	sst s9;
	s0 =	simm.s32 @!p0 $0x0  }
0x12: {  	s1 =	sld [smem:$0x3F99];
	s0 =	simm.s32 @p0 $0x1  }
0x13: {  	[smem:$0x3FB4] =	sst s0;
	s0 =	simm.s32 @!p1 $0x0  }
0x14: {  	s2 =	sld [smem:$0x3F98];
	s0 =	simm.s32 @p1 $0x1  }
0x15: {  	[smem:$0x3FB5] =	sst s0;
	s0 =	simm.s32 @!p2 $0x0  }
0x16: {  	s3 =	sld [smem:$0x3FDB];
	s0 =	simm.s32 @p2 $0x1  }
0x17: {  	s4 =	simm.s32 $0x1BF5;
	[smem:$0x3FB7] =	sst s0  }
0x18: {  	s0 =	sld [smem:$0x3F9A];
	_ =	swait.ge [sflag:s4], $0x0  }
0x19: {  	s7 =	sld [smem:$0x3F9B]  }
0x1a: {  	s8 =	sadd.s32 $0xFFFFE003, lr  }
0x1b: {  	s9 =	sadd.s32 $0xFFFFFEF7, lr;
	s5 =	simm.s32 $0xFFFFFFFF;
	p2 =	slt.u32 s8, $0xFFFFF086  }
0x1c: {  	p1 =	slt.u32 s9, $0xF7A;
	s5 =	simm.s32 @!p2 $0x0  }
0x1d: {  	s5 =	simm.s32 @p1 $0x1;
	p0 =	seq.s32 s7, s2  }
0x1e: {  	s7 =	smul.u32 @!p0 $0xF7A, s2;
	p2 =	seq.s32 @!p0 s5, $0x0  }
0x1f: {  	s9 =	smul.u32 $0xF7A, s1;
	s8 =	simm.s32 @!p0 $0x1BF5;
	p2 =	por !p2, p0  }
0x20: {  	[sflag:s8] =	ssyncset.s32 @!p0 $0xFFFFF086;
	s6 =	sadd.s32 @!p0 s3, s7;
	s7 =	simm.s32 @!p0 $0x108  }
0x21: {  	s3 =	sadd.s32 s3, s9;
	s6 =	sadd.s32 @!p0 $0x88, s6;
	s7 =	simm.s32 @p2 $0x1082  }
0x22: {  	[simem:s7], [sflag:s8] =	dma.local @!p0 [hbm:s6], $0xF7A  }
0x23: {  	s9 =	sor.u32 $0xD0000000, s2;
	s6 =	simm.s32 $0x108;
	_ =	swait.ge @!p0 [sflag:s8], $0x0  }
0x24: {  	s3 =	sadd.s32 $0x88, s3;
	s6 =	simm.s32 @!p1 $0x1082;
	[sflag:s4] =	ssyncset.s32 $0xFFFFF086  }
0x25: {  	[simem:s6], [sflag:s4] =	dma.local [hbm:s3], $0xF7A  }
0x26: {  	[smem:$0x3F9B] =	sst s1;
	(tag) =	ssettag s2;
	_ =	strace s9  }
0x27: {  	s1 =	sld [smem:$0x3FAB]  }
0x28: {  	s2 =	sld [smem:$0x3FAC]  }
0x29: {  	s4 =	sld [smem:$0x3FAE]  }
0x2a: {  	p0 =	seq.s32 s5, $0x0;
	s5 =	sld [smem:$0x3FAF]  }
0x2b: {  	s6 =	sld [smem:$0x3FB0]  }
0x2c: {  	s7 =	sld [smem:$0x3FB1]  }
0x2d: {  	s3 =	simm.s32 $0x108;
	s8 =	sld [smem:$0x3FB2]  }
0x2e: {  	s3 =	simm.s32 @!p0 $0x1082;
	s9 =	sld [smem:$0x3FB3]  }
0x2f: {  	lr =	sadd.s32 s0, s3;
	s0 =	sld [smem:$0x3FAA]  }
0x30: {  	s3 =	sld [smem:$0x3FAD]  }
0x31: {  	[smem:$0x3FB6] =	sst s10  }
0x32: {  	s10 =	sld [smem:$0x3FB4];
	_ =	sdelay $0x3  }
0x33: {  	p0 =	seq.s32 s10, $0x1;
	s10 =	sld [smem:$0x3FB6];
	_ =	sdelay $0x3  }
0x34: {  	[smem:$0x3FB6] =	sst s10  }
0x35: {  	s10 =	sld [smem:$0x3FB5];
	_ =	sdelay $0x3  }
0x36: {  	p1 =	seq.s32 s10, $0x1;
	s10 =	sld [smem:$0x3FB6];
	_ =	sdelay $0x3  }
0x37: {  	[smem:$0x3FB6] =	sst s10  }
0x38: {  	s10 =	sld [smem:$0x3FB7]  }
0x39: {  	_ = 	snop;
	(pc) =	sbr.ind lr, $3  }
0x3a: {  	_ = 	snop  }
0x3b: {  	_ = 	snop  }
0x3c: {  	p2 =	seq.s32 s10, $0x1;
	s10 =	sld [smem:$0x3FB6]  }
0x3d: {  	_ =	shalt  }
0x3e: {  	_ =	shalt  }
0x3f: {  	_ =	shalt  }
0x40: {  	_ =	shalt  }
0x41: {  	_ =	shalt  }
0x42: {  	_ =	shalt  }
0x43: {  	_ =	shalt  }
0x44: {  	_ =	shalt  }
0x45: {  	_ =	shalt  }
0x46: {  	_ =	shalt  }
0x47: {  	_ =	shalt  }
0x48: {  	_ =	shalt  }
0x49: {  	_ =	shalt  }
0x4a: {  	_ =	shalt  }
0x4b: {  	_ =	shalt  }
0x4c: {  	_ =	shalt  }
0x4d: {  	_ =	shalt  }
0x4e: {  	_ =	shalt  }
0x4f: {  	_ =	shalt  }
0x50: {  	_ =	shalt  }
0x51: {  	_ =	shalt  }
0x52: {  	_ =	shalt  }
0x53: {  	_ =	shalt  }
0x54: {  	_ =	shalt  }
0x55: {  	_ =	shalt  }
0x56: {  	_ =	shalt  }
0x57: {  	_ =	shalt  }
0x58: {  	_ =	shalt  }
0x59: {  	_ =	shalt  }
0x5a: {  	_ =	shalt  }
0x5b: {  	_ =	shalt  }
0x5c: {  	_ =	shalt  }
0x5d: {  	_ =	shalt  }
0x5e: {  	_ =	shalt  }
0x5f: {  	_ =	shalt  }
0x60: {  	_ =	shalt  }
0x61: {  	_ =	shalt  }
0x62: {  	_ =	shalt  }
0x63: {  	_ =	shalt  }
0x64: {  	_ =	shalt  }
0x65: {  	_ =	shalt  }
0x66: {  	_ =	shalt  }
0x67: {  	_ =	shalt  }
0x68: {  	_ =	shalt  }
0x69: {  	_ =	shalt  }
0x6a: {  	_ =	shalt  }
0x6b: {  	_ =	shalt  }
0x6c: {  	_ =	shalt  }
0x6d: {  	_ =	shalt  }
0x6e: {  	_ =	shalt  }
0x6f: {  	_ =	shalt  }
0x70: {  	_ =	shalt  }
0x71: {  	_ =	shalt  }
0x72: {  	_ =	shalt  }
0x73: {  	_ =	shalt  }
0x74: {  	_ =	shalt  }
0x75: {  	_ =	shalt  }
0x76: {  	_ =	shalt  }
0x77: {  	_ =	shalt  }
0x78: {  	_ =	shalt  }
0x79: {  	_ =	shalt  }
0x7a: {  	_ =	shalt  }
0x7b: {  	_ =	shalt  }
0x7c: {  	_ =	shalt  }
0x7d: {  	_ =	shalt  }
0x7e: {  	_ =	shalt  }
0x7f: {  	_ =	shalt  }
0x80: {  	_ =	shalt  }
0x81: {  	_ =	shalt  }
0x82: {  	_ =	shalt  }
0x83: {  	_ =	shalt  }
0x84: {  	_ =	shalt  }
0x85: {  	_ =	shalt  }
0x86: {  	_ =	shalt  }
0x87: {  	_ =	shalt  }
.Lfunc_end0:
.L_simem_size_0:
called_computation_lowered:
.L_overlay_start_0:
0x88: {  	s2 =	sld [smem:$0x3FD9]  }
0x89: {  	s3 =	sld [smem:$0x3FFE];
	_ =	sdelay $0x1  }
0x8a: {  	s1 =	srdreg.scid  }
0x8b: {  	s0 =	sand.u32 $0x1, s1  }
0x8c: {  	s16 =	sshll.u32 s0, $0xA;
	s2 =	sadd.s32 s3, s2  }
0x8d: {  	s2 =	sadd.s32 s2, s16  }
0x8e: {  	[smem:$0x3FC2] =	sst s2  }
0x8f: {  	_ = 	snop  }
0x90: {  	(tm) =	ssettm $0x1  }
0x91: {  	s17 =	sld [smem:$0x3FFB];
	_ =	sdelay $0x3  }
0x92: {  	_ =	strace s17  }
0x93: {  	s2 =	sld [smem:$0x3FFC];
	_ =	sdelay $0x3  }
0x94: {  	_ =	strace s2  }
0x95: {  	s2 =	sld [smem:$0x3FFD];
	_ =	sdelay $0x3  }
0x96: {  	_ =	strace s2  }
0x97: {  	_ =	strace $0x8FFFFFFF  }
0x98: {  	s18 =	sld [smem:$0x3FDB];
	_ =	sdelay $0x1  }
0x99: {  	s19 =	simm.s32 $_scs_section_size  }
0x9a: {  	s4 =	simm.s32 $_size__tile_overlayer_lowered;
	s5 =	simm.s32 $_tile_overlayer_lowered  }
0x9b: {  	s22 =	simm.s32 $0x1BFF;
	s21 =	sshll.u32 s5, $0x1;
	s2 =	sadd.s32 s19, s18  }
0x9c: {  	s6 =	simm.s32 $0x0;
	s20 =	sshll.u32 s4, $0x1;
	s4 =	sadd.s32 s21, s2  }
0x9d: {  	[timem:s6], [sflag:s22] =	dma.local [hbm:s4], s20  }
0x9e: {  	_ =	swait.ge [sflag:s22], s20  }
0x9f: {  	s3 =	ssub.s32 $0x0, s20;
	[sflag:s22] =	ssyncset.done $0x0  }
0xa0: {  	[sflag:s22] =	ssyncadd.s32 s3;
	_ =	sdelay $0x1  }
0xa1: {  	s23 =	simm.s32 $0x1B8B  }
0xa2: {  	_ =	swait.ge [sflag:s23], $0x1  }
0xa3: {  	[sflag:s23] =	ssyncset.done $0x0  }
0xa4: {  	s25 =	simm.s32 $0x1B8E;
	s24 =	sld [smem:$0x3FFE];
	[sflag:s23] =	ssyncadd.s32 $0xFFFFFFFF  }
0xa5: {  	s26 =	simm.s32 $execute0_lowered;
	[smem:$0x3FD2] =	sst s25  }
0xa6: {  	s4 =	sshll.u32 s26, $0x1;
	_ =	strace $0x80000046;
	[dreg:$0x1] =	wrdreg $0xFFFFFFFF  }
0xa7: {  	s28 =	simm.s32 $_size_execute0_lowered;
	s2 =	sadd.s32 s2, s4;
	[dreg:$0x0] =	wrdreg $0x0  }
0xa8: {  	s4 =	sshll.u32 s28, $0x1;
	[dreg:$0x2] =	wrdreg s2  }
0xa9: {  	[dreg:$0x3] =	wrdreg s4  }
0xaa: {  	[dreg:$0x4] =	wrdreg $0xC0  }
0xab: {  	_ =	task [dreg:s6], $0x5FFFF  }
0xac: {  	[dreg:$0x1] =	wrdreg $0xFFFFFFFF  }
0xad: {  	[dreg:$0x0] =	wrdreg $0x60  }
0xae: {  	[dreg:$0x2] =	wrdreg s24  }
0xaf: {  	[dreg:$0x3] =	wrdreg $0x9  }
0xb0: {  	_ =	task.clear_ibuf [dreg:s6], $0x4FFFF;
	_ =	strace $0x90000046  }
0xb1: {  	s29 =	simm.s32 $0x9;
	_ =	strace $0x80000048  }
0xb2: {  	_ =	swait.ge [sflag:s29], $0x1  }
0xb3: {  	[sflag:s29] =	ssyncadd.s32 $0xFFFFFFFF  }
0xb4: {  	_ =	strace $0x90000048  }
0xb5: {  	_ =	sfence  }
0xb6: {  	s30 =	sld [smem:$0x0];
	_ =	sdelay $0x2  }
0xb7: {  	s31 =	sshll.u32 s1, $0xD;
	s1 =	sshrl.u32 s1, $0x2  }
0xb8: {  	s3 =	sand.u32 $0x4000, s31;
	s1 =	sadd.s32 s1, s30  }
0xb9: {  	s0 =	sor.u32 s3, s0;
	s1 =	sshll.u32 s1, $0x11  }
0xba: {  	s0 =	sor.u32 s1, s0  }
0xbb: {  	s0 =	sadd.s32 $0x8F2B, s0  }
0xbc: {  	[sflag:s0] =	ssyncadd.remote.s32 $0x1  }
0xbd: {  	_ =	sfence.sel $0xFFFF  }
0xbe: {  	[dreg:$0x0] =	wrdreg $0xFFFFFFFF;
	(pc) =	sbr.abs _section_cstart, $3  }
0xbf: {  	[dreg:$0x1] =	wrdreg $0xFFFFFFFF  }
0xc0: {  	_ =	task.clear_ibuf [dreg:s6], $0x2FFFF;
	_ =	strace $0x9FFFFFFF  }
0xc1: {  	(tm) =	ssettm $0x7FFFFFFF  }
tec
execute0_lowered:
.L_overlay_start_1:
0x0: {  	(tag) =	ssettag $0x1  }
0x1: {  	s3 =	rddreg [dreg:$0x0];
	s1 =	simm.s32 $0x0  }
0x2: {  	s4 =	srdreg.scid;
	s2 =	stileid.u32;
	s28 =	simm.s32 $0x0  }
0x3: {  	[smem:$0x7FF] =	sst s1;
	s0 =	sadd.s32 $0xE00, s3;
	s4 =	sand.u32 $0x1, s4  }
0x4: {  	s18 =	sadd.s32 $0x100E00, s3;
	s16 =	sshll.u32 s2, $0x13;
	s20 =	sshll.u32 s2, $0x11  }
0x5: {  	_ =	strace $0x80000047;
	s21 =	sshll.u32 s4, $0x12;
	s5 =	ssub.s32 $0x2, s4  }
0x6: {  	s17 =	sshll.u32 s4, $0xB;
	s4 =	sshll.u32 s4, $0x10;
	s3 =	sor.u32 s21, s16  }
0x7: {  	s6 =	sshrl.u32 s5, $0x1;
	s7 =	sor.u32 $0x100, s17;
	s8 =	sor.u32 $0x200, s17  }
0x8: {  	s4 =	sor.u32 s4, s20;
	s10 =	sor.u32 $0x300, s17;
	s13 =	sor.u32 $0x400, s17  }
0x9: {  	s14 =	sor.u32 $0x500, s17;
	s21 =	sor.u32 $0x600, s17;
	s17 =	sor.u32 $0x700, s17  }
0xa: {  	s3 =	sshrl.u32 s3, $0x3;
	s19 =	ssub.s32 s5, s6;
	s22 =	sshll.u32 s7, $0x7  }
0xb: {  	s23 =	sshll.u32 s8, $0x7;
	s9 =	sshrl.u32 s4, $0x3;
	s7 =	sshll.u32 s7, $0x5  }
0xc: {  	s24 =	sshll.u32 s10, $0x7;
	s8 =	sshll.u32 s8, $0x5;
	s25 =	sshll.u32 s13, $0x7  }
0xd: {  	s10 =	sshll.u32 s10, $0x5;
	s12 =	sshll.u32 s14, $0x7;
	s13 =	sshll.u32 s13, $0x5  }
0xe: {  	s26 =	sshll.u32 s21, $0x7;
	s14 =	sshll.u32 s14, $0x5;
	s29 =	sshll.u32 s17, $0x7  }
0xf: {  	s21 =	sshll.u32 s21, $0x5;
	s17 =	sshll.u32 s17, $0x5;
	s3 =	sadd.s32 s0, s3  }
0x10: {  	s5 =	sor.u32 s16, s22;
	s6 =	sor.u32 s16, s23;
	s7 =	sor.u32 s20, s7  }
0x11: {  	s8 =	sor.u32 s20, s8;
	s10 =	sor.u32 s20, s10;
	s12 =	sor.u32 s16, s12  }
0x12: {  	s13 =	sor.u32 s20, s13;
	s14 =	sor.u32 s20, s14;
	s21 =	sor.u32 s20, s21  }
0x13: {  	s17 =	sor.u32 s20, s17;
	s19 =	smax.u32 s19, $0x1;
	s20 =	simm.s32 $0x8000  }
0x14: {  	s23 =	simm.s32 $0x2;
	s5 =	sshrl.u32 s5, $0x3;
	s6 =	sshrl.u32 s6, $0x3  }
0x15: {  	s7 =	sshrl.u32 s7, $0x3;
	s11 =	sshrl.u32 s8, $0x3;
	s15 =	sshrl.u32 s10, $0x3  }
0x16: {  	s12 =	sshrl.u32 s12, $0x3;
	s13 =	sshrl.u32 s13, $0x3;
	s22 =	sshrl.u32 s14, $0x3  }
0x17: {  	s30 =	sshrl.u32 s21, $0x3;
	s31 =	sshrl.u32 s17, $0x3;
	s21 =	simm.s32 $0x1  }
0x18: {  	s4 =	sadd.s32 s0, s5;
	s5 =	sadd.s32 s18, s9;
	s6 =	sadd.s32 s0, s6  }
0x19: {  	s9 =	sor.u32 s16, s24;
	s7 =	sadd.s32 s18, s7;
	s12 =	sadd.s32 s0, s12  }
0x1a: {  	s13 =	sadd.s32 s18, s13;
	s17 =	sadd.s32 s18, s30;
	s9 =	sshrl.u32 s9, $0x3  }
0x1b: {  	s8 =	sadd.s32 s0, s9;
	s9 =	sadd.s32 s18, s11;
	s11 =	sor.u32 s16, s25  }
0x1c: {  	s24 =	simm.s32 $0x12000;
	s25 =	simm.s32 $0x3;
	s11 =	sshrl.u32 s11, $0x3  }
0x1d: {  	s10 =	sadd.s32 s0, s11;
	s11 =	sadd.s32 s18, s15;
	s15 =	sor.u32 s16, s26  }
0x1e: {  	s16 =	sor.u32 s16, s29;
	s26 =	simm.s32 $0x4;
	s15 =	sshrl.u32 s15, $0x3  }
0x1f: {  	s16 =	sshrl.u32 s16, $0x3;
	s14 =	sadd.s32 s0, s15;
	s15 =	sadd.s32 s18, s22  }
0x20: {  	s16 =	sadd.s32 s0, s16;
	s18 =	sadd.s32 s18, s31;
	s22 =	simm.s32 $0x10000  }
.LBB2_1:
0x21: {  	[tilespmem:s1], [sflag:$0x1] =	stream.linear.gather [hbm4b:s3+s1], $0x8000, $0x38;
	[tilespmem:$0x14000] =	vst v63  }
0x22: {  	_ = 	snop  }
0x23: {  	[tilespmem:s20], [sflag:$0x2] =	stream.linear.gather [hbm4b:s4+s1], $0x8000, $0x38;
	[tilespmem:$0x14000] =	vst v63  }
0x24: {  	_ =	swait.ge [sflag:s21], $0x8000  }
0x25: {  	[sflag:s21] =	ssyncset.done $0x0  }
0x26: {  	s29 =	simm.s32 $0x400;
	[sflag:s21] =	ssyncadd.s32 $0xFFFF8000  }
0x27: {  	s30 =	simm.s32 $0x800;
	s31 =	simm.s32 $0x0;
	v0 =	vld [tilespmem:s29+$0xFFFFFC00]  }
.LBB2_2:
0x28: {  	p0 =	sne.s32 s30, $0x7800;
	_ =	sdelay $0x2  }
0x29: {  	s0 =	sshra.s32 s31, $0x2;
	s31 =	smov.u32 s30  }
0x2a: {  	[tilespmem:s0+$0x10000] =	vst v0  }
0x2b: {  	v0 =	vld [tilespmem:s29+$0xFFFFFC10];
	_ =	sdelay $0x4  }
0x2c: {  	[tilespmem:s0+$0x10010] =	vst v0  }
0x2d: {  	v0 =	vld [tilespmem:s29+$0xFFFFFC80];
	_ =	sdelay $0x4  }
0x2e: {  	[tilespmem:s0+$0x10020] =	vst v0  }
0x2f: {  	v0 =	vld [tilespmem:s29+$0xFFFFFC90];
	_ =	sdelay $0x4  }
0x30: {  	[tilespmem:s0+$0x10030] =	vst v0  }
0x31: {  	v0 =	vld [tilespmem:s29+$0xFFFFFD00];
	_ =	sdelay $0x4  }
0x32: {  	[tilespmem:s0+$0x10040] =	vst v0  }
0x33: {  	v0 =	vld [tilespmem:s29+$0xFFFFFD10];
	_ =	sdelay $0x4  }
0x34: {  	[tilespmem:s0+$0x10050] =	vst v0  }
0x35: {  	v0 =	vld [tilespmem:s29+$0xFFFFFD80];
	_ =	sdelay $0x4  }
0x36: {  	[tilespmem:s0+$0x10060] =	vst v0  }
0x37: {  	v0 =	vld [tilespmem:s29+$0xFFFFFD90];
	_ =	sdelay $0x4  }
0x38: {  	[tilespmem:s0+$0x10070] =	vst v0  }
0x39: {  	v0 =	vld [tilespmem:s29+$0xFFFFFE00];
	_ =	sdelay $0x4  }
0x3a: {  	[tilespmem:s0+$0x10080] =	vst v0  }
0x3b: {  	v0 =	vld [tilespmem:s29+$0xFFFFFE10];
	_ =	sdelay $0x4  }
0x3c: {  	[tilespmem:s0+$0x10090] =	vst v0  }
0x3d: {  	v0 =	vld [tilespmem:s29+$0xFFFFFE80];
	_ =	sdelay $0x4  }
0x3e: {  	[tilespmem:s0+$0x100A0] =	vst v0  }
0x3f: {  	v0 =	vld [tilespmem:s29+$0xFFFFFE90];
	_ =	sdelay $0x4  }
0x40: {  	[tilespmem:s0+$0x100B0] =	vst v0  }
0x41: {  	v0 =	vld [tilespmem:s29+$0xFFFFFF00];
	_ =	sdelay $0x4  }
0x42: {  	[tilespmem:s0+$0x100C0] =	vst v0  }
0x43: {  	v0 =	vld [tilespmem:s29+$0xFFFFFF10];
	_ =	sdelay $0x4  }
0x44: {  	[tilespmem:s0+$0x100D0] =	vst v0  }
0x45: {  	v0 =	vld [tilespmem:s29+$0xFFFFFF80];
	_ =	sdelay $0x4  }
0x46: {  	[tilespmem:s0+$0x100E0] =	vst v0  }
0x47: {  	v0 =	vld [tilespmem:s29+$0xFFFFFF90];
	_ =	sdelay $0x4  }
0x48: {  	[tilespmem:s0+$0x100F0] =	vst v0  }
0x49: {  	v0 =	vld [tilespmem:s29+$0x0];
	_ =	sdelay $0x4  }
0x4a: {  	[tilespmem:s0+$0x10100] =	vst v0  }
0x4b: {  	v0 =	vld [tilespmem:s29+$0x10];
	_ =	sdelay $0x4  }
0x4c: {  	[tilespmem:s0+$0x10110] =	vst v0  }
0x4d: {  	v0 =	vld [tilespmem:s29+$0x80];
	_ =	sdelay $0x4  }
0x4e: {  	[tilespmem:s0+$0x10120] =	vst v0  }
0x4f: {  	v0 =	vld [tilespmem:s29+$0x90];
	_ =	sdelay $0x4  }
0x50: {  	[tilespmem:s0+$0x10130] =	vst v0  }
0x51: {  	v0 =	vld [tilespmem:s29+$0x100];
	_ =	sdelay $0x4  }
0x52: {  	[tilespmem:s0+$0x10140] =	vst v0  }
0x53: {  	v0 =	vld [tilespmem:s29+$0x110];
	_ =	sdelay $0x4  }
0x54: {  	[tilespmem:s0+$0x10150] =	vst v0  }
0x55: {  	v0 =	vld [tilespmem:s29+$0x180];
	_ =	sdelay $0x4  }
0x56: {  	[tilespmem:s0+$0x10160] =	vst v0  }
0x57: {  	v0 =	vld [tilespmem:s29+$0x190];
	_ =	sdelay $0x4  }
0x58: {  	[tilespmem:s0+$0x10170] =	vst v0  }
0x59: {  	v0 =	vld [tilespmem:s29+$0x200];
	_ =	sdelay $0x4  }
0x5a: {  	[tilespmem:s0+$0x10180] =	vst v0  }
0x5b: {  	v0 =	vld [tilespmem:s29+$0x210];
	_ =	sdelay $0x4  }
0x5c: {  	[tilespmem:s0+$0x10190] =	vst v0  }
0x5d: {  	v0 =	vld [tilespmem:s29+$0x280];
	_ =	sdelay $0x4  }
0x5e: {  	[tilespmem:s0+$0x101A0] =	vst v0  }
0x5f: {  	v0 =	vld [tilespmem:s29+$0x290];
	_ =	sdelay $0x4  }
0x60: {  	[tilespmem:s0+$0x101B0] =	vst v0  }
0x61: {  	v0 =	vld [tilespmem:s29+$0x300];
	_ =	sdelay $0x4  }
0x62: {  	[tilespmem:s0+$0x101C0] =	vst v0  }
0x63: {  	v0 =	vld [tilespmem:s29+$0x310];
	_ =	sdelay $0x4  }
0x64: {  	[tilespmem:s0+$0x101D0] =	vst v0  }
0x65: {  	v0 =	vld [tilespmem:s29+$0x380];
	_ =	sdelay $0x4  }
0x66: {  	[tilespmem:s0+$0x101E0] =	vst v0  }
0x67: {  	v0 =	vld [tilespmem:s29+$0x390];
	_ =	sdelay $0x1  }
.Ltmp0:
0x68: {  	(pc) =	sbr.rel @p0 .LBB2_2-.Ltmp0, $3  }
0x69: {  	_ =	sdelay $0x1  }
0x6a: {  	s29 =	sadd.s32 $0x800, s29;
	[tilespmem:s0+$0x101F0] =	vst v0  }
0x6b: {  	s30 =	sadd.s32 $0x800, s30;
	v0 =	vld [tilespmem:s29+$0xFFFFFC00]  }
0x6c: {  	_ =	sdelay $0x2  }
0x6d: {  	s0 =	sshra.s32 s31, $0x2  }
0x6e: {  	[tilespmem:s0+$0x10000] =	vst v0  }
0x6f: {  	v0 =	vld [tilespmem:s29+$0xFFFFFC10];
	_ =	sdelay $0x4  }
0x70: {  	[tilespmem:s0+$0x10010] =	vst v0  }
0x71: {  	v0 =	vld [tilespmem:s29+$0xFFFFFC80];
	_ =	sdelay $0x4  }
0x72: {  	[tilespmem:s0+$0x10020] =	vst v0  }
0x73: {  	v0 =	vld [tilespmem:s29+$0xFFFFFC90];
	_ =	sdelay $0x4  }
0x74: {  	[tilespmem:s0+$0x10030] =	vst v0  }
0x75: {  	v0 =	vld [tilespmem:s29+$0xFFFFFD00];
	_ =	sdelay $0x4  }
0x76: {  	[tilespmem:s0+$0x10040] =	vst v0  }
0x77: {  	v0 =	vld [tilespmem:s29+$0xFFFFFD10];
	_ =	sdelay $0x4  }
0x78: {  	[tilespmem:s0+$0x10050] =	vst v0  }
0x79: {  	v0 =	vld [tilespmem:s29+$0xFFFFFD80];
	_ =	sdelay $0x4  }
0x7a: {  	[tilespmem:s0+$0x10060] =	vst v0  }
0x7b: {  	v0 =	vld [tilespmem:s29+$0xFFFFFD90];
	_ =	sdelay $0x4  }
0x7c: {  	[tilespmem:s0+$0x10070] =	vst v0  }
0x7d: {  	v0 =	vld [tilespmem:s29+$0xFFFFFE00];
	_ =	sdelay $0x4  }
0x7e: {  	[tilespmem:s0+$0x10080] =	vst v0  }
0x7f: {  	v0 =	vld [tilespmem:s29+$0xFFFFFE10];
	_ =	sdelay $0x4  }
0x80: {  	[tilespmem:s0+$0x10090] =	vst v0  }
0x81: {  	v0 =	vld [tilespmem:s29+$0xFFFFFE80];
	_ =	sdelay $0x4  }
0x82: {  	[tilespmem:s0+$0x100A0] =	vst v0  }
0x83: {  	v0 =	vld [tilespmem:s29+$0xFFFFFE90];
	_ =	sdelay $0x4  }
0x84: {  	[tilespmem:s0+$0x100B0] =	vst v0  }
0x85: {  	v0 =	vld [tilespmem:s29+$0xFFFFFF00];
	_ =	sdelay $0x4  }
0x86: {  	[tilespmem:s0+$0x100C0] =	vst v0  }
0x87: {  	v0 =	vld [tilespmem:s29+$0xFFFFFF10];
	_ =	sdelay $0x4  }
0x88: {  	[tilespmem:s0+$0x100D0] =	vst v0  }
0x89: {  	v0 =	vld [tilespmem:s29+$0xFFFFFF80];
	_ =	sdelay $0x4  }
0x8a: {  	[tilespmem:s0+$0x100E0] =	vst v0  }
0x8b: {  	v0 =	vld [tilespmem:s29+$0xFFFFFF90];
	_ =	sdelay $0x4  }
0x8c: {  	[tilespmem:s0+$0x100F0] =	vst v0  }
0x8d: {  	v0 =	vld [tilespmem:s29+$0x0];
	_ =	sdelay $0x4  }
0x8e: {  	[tilespmem:s0+$0x10100] =	vst v0  }
0x8f: {  	v0 =	vld [tilespmem:s29+$0x10];
	_ =	sdelay $0x4  }
0x90: {  	[tilespmem:s0+$0x10110] =	vst v0  }
0x91: {  	v0 =	vld [tilespmem:s29+$0x80];
	_ =	sdelay $0x4  }
0x92: {  	[tilespmem:s0+$0x10120] =	vst v0  }
0x93: {  	v0 =	vld [tilespmem:s29+$0x90];
	_ =	sdelay $0x4  }
0x94: {  	[tilespmem:s0+$0x10130] =	vst v0  }
0x95: {  	v0 =	vld [tilespmem:s29+$0x100];
	_ =	sdelay $0x4  }
0x96: {  	[tilespmem:s0+$0x10140] =	vst v0  }
0x97: {  	v0 =	vld [tilespmem:s29+$0x110];
	_ =	sdelay $0x4  }
0x98: {  	[tilespmem:s0+$0x10150] =	vst v0  }
0x99: {  	v0 =	vld [tilespmem:s29+$0x180];
	_ =	sdelay $0x4  }
0x9a: {  	[tilespmem:s0+$0x10160] =	vst v0  }
0x9b: {  	v0 =	vld [tilespmem:s29+$0x190];
	_ =	sdelay $0x4  }
0x9c: {  	[tilespmem:s0+$0x10170] =	vst v0  }
0x9d: {  	v0 =	vld [tilespmem:s29+$0x200];
	_ =	sdelay $0x4  }
0x9e: {  	[tilespmem:s0+$0x10180] =	vst v0  }
0x9f: {  	v0 =	vld [tilespmem:s29+$0x210];
	_ =	sdelay $0x4  }
0xa0: {  	[tilespmem:s0+$0x10190] =	vst v0  }
0xa1: {  	v0 =	vld [tilespmem:s29+$0x280];
	_ =	sdelay $0x4  }
0xa2: {  	[tilespmem:s0+$0x101A0] =	vst v0  }
0xa3: {  	v0 =	vld [tilespmem:s29+$0x290];
	_ =	sdelay $0x4  }
0xa4: {  	[tilespmem:s0+$0x101B0] =	vst v0  }
0xa5: {  	v0 =	vld [tilespmem:s29+$0x300];
	_ =	sdelay $0x4  }
0xa6: {  	[tilespmem:s0+$0x101C0] =	vst v0  }
0xa7: {  	v0 =	vld [tilespmem:s29+$0x310];
	_ =	sdelay $0x4  }
0xa8: {  	[tilespmem:s0+$0x101D0] =	vst v0  }
0xa9: {  	v0 =	vld [tilespmem:s29+$0x380];
	_ =	sdelay $0x4  }
0xaa: {  	[tilespmem:s0+$0x101E0] =	vst v0  }
0xab: {  	v0 =	vld [tilespmem:s29+$0x390];
	_ =	sdelay $0x4  }
0xac: {  	s30 =	simm.s32 $0x0;
	[tilespmem:s0+$0x101F0] =	vst v0  }
0xad: {  	[hbm4b:s5+s30] =	stream.linear.scatter [tilespmem:s22], [sflag:$0x3], $0x2000, $0x38;
	[tilespmem:$0x14000] =	vst v63  }
0xae: {  	_ = 	snop  }
0xaf: {  	[tilespmem:s30], [sflag:$0x1] =	stream.linear.gather [hbm4b:s6+s30], $0x8000, $0x38;
	[tilespmem:$0x14000] =	vst v63  }
0xb0: {  	_ =	swait.ge [sflag:s23], $0x8000  }
0xb1: {  	[sflag:s23] =	ssyncset.done $0x0  }
0xb2: {  	s29 =	simm.s32 $0x8400;
	[sflag:s23] =	ssyncadd.s32 $0xFFFF8000  }
0xb3: {  	s31 =	simm.s32 $0x800;
	v0 =	vld [tilespmem:s29+$0xFFFFFC00]  }
.LBB2_4:
0xb4: {  	p0 =	sne.s32 s31, $0x7800;
	_ =	sdelay $0x2  }
0xb5: {  	s0 =	sshra.s32 s30, $0x2;
	s30 =	smov.u32 s31  }
0xb6: {  	[tilespmem:s0+$0x12000] =	vst v0  }
0xb7: {  	v0 =	vld [tilespmem:s29+$0xFFFFFC10];
	_ =	sdelay $0x4  }
0xb8: {  	[tilespmem:s0+$0x12010] =	vst v0  }
0xb9: {  	v0 =	vld [tilespmem:s29+$0xFFFFFC80];
	_ =	sdelay $0x4  }
0xba: {  	[tilespmem:s0+$0x12020] =	vst v0  }
0xbb: {  	v0 =	vld [tilespmem:s29+$0xFFFFFC90];
	_ =	sdelay $0x4  }
0xbc: {  	[tilespmem:s0+$0x12030] =	vst v0  }
0xbd: {  	v0 =	vld [tilespmem:s29+$0xFFFFFD00];
	_ =	sdelay $0x4  }
0xbe: {  	[tilespmem:s0+$0x12040] =	vst v0  }
0xbf: {  	v0 =	vld [tilespmem:s29+$0xFFFFFD10];
	_ =	sdelay $0x4  }
0xc0: {  	[tilespmem:s0+$0x12050] =	vst v0  }
0xc1: {  	v0 =	vld [tilespmem:s29+$0xFFFFFD80];
	_ =	sdelay $0x4  }
0xc2: {  	[tilespmem:s0+$0x12060] =	vst v0  }
0xc3: {  	v0 =	vld [tilespmem:s29+$0xFFFFFD90];
	_ =	sdelay $0x4  }
0xc4: {  	[tilespmem:s0+$0x12070] =	vst v0  }
0xc5: {  	v0 =	vld [tilespmem:s29+$0xFFFFFE00];
	_ =	sdelay $0x4  }
0xc6: {  	[tilespmem:s0+$0x12080] =	vst v0  }
0xc7: {  	v0 =	vld [tilespmem:s29+$0xFFFFFE10];
	_ =	sdelay $0x4  }
0xc8: {  	[tilespmem:s0+$0x12090] =	vst v0  }
0xc9: {  	v0 =	vld [tilespmem:s29+$0xFFFFFE80];
	_ =	sdelay $0x4  }
0xca: {  	[tilespmem:s0+$0x120A0] =	vst v0  }
0xcb: {  	v0 =	vld [tilespmem:s29+$0xFFFFFE90];
	_ =	sdelay $0x4  }
0xcc: {  	[tilespmem:s0+$0x120B0] =	vst v0  }
0xcd: {  	v0 =	vld [tilespmem:s29+$0xFFFFFF00];
	_ =	sdelay $0x4  }
0xce: {  	[tilespmem:s0+$0x120C0] =	vst v0  }
0xcf: {  	v0 =	vld [tilespmem:s29+$0xFFFFFF10];
	_ =	sdelay $0x4  }
0xd0: {  	[tilespmem:s0+$0x120D0] =	vst v0  }
0xd1: {  	v0 =	vld [tilespmem:s29+$0xFFFFFF80];
	_ =	sdelay $0x4  }
0xd2: {  	[tilespmem:s0+$0x120E0] =	vst v0  }
0xd3: {  	v0 =	vld [tilespmem:s29+$0xFFFFFF90];
	_ =	sdelay $0x4  }
0xd4: {  	[tilespmem:s0+$0x120F0] =	vst v0  }
0xd5: {  	v0 =	vld [tilespmem:s29+$0x0];
	_ =	sdelay $0x4  }
0xd6: {  	[tilespmem:s0+$0x12100] =	vst v0  }
0xd7: {  	v0 =	vld [tilespmem:s29+$0x10];
	_ =	sdelay $0x4  }
0xd8: {  	[tilespmem:s0+$0x12110] =	vst v0  }
0xd9: {  	v0 =	vld [tilespmem:s29+$0x80];
	_ =	sdelay $0x4  }
0xda: {  	[tilespmem:s0+$0x12120] =	vst v0  }
0xdb: {  	v0 =	vld [tilespmem:s29+$0x90];
	_ =	sdelay $0x4  }
0xdc: {  	[tilespmem:s0+$0x12130] =	vst v0  }
0xdd: {  	v0 =	vld [tilespmem:s29+$0x100];
	_ =	sdelay $0x4  }
0xde: {  	[tilespmem:s0+$0x12140] =	vst v0  }
0xdf: {  	v0 =	vld [tilespmem:s29+$0x110];
	_ =	sdelay $0x4  }
0xe0: {  	[tilespmem:s0+$0x12150] =	vst v0  }
0xe1: {  	v0 =	vld [tilespmem:s29+$0x180];
	_ =	sdelay $0x4  }
0xe2: {  	[tilespmem:s0+$0x12160] =	vst v0  }
0xe3: {  	v0 =	vld [tilespmem:s29+$0x190];
	_ =	sdelay $0x4  }
0xe4: {  	[tilespmem:s0+$0x12170] =	vst v0  }
0xe5: {  	v0 =	vld [tilespmem:s29+$0x200];
	_ =	sdelay $0x4  }
0xe6: {  	[tilespmem:s0+$0x12180] =	vst v0  }
0xe7: {  	v0 =	vld [tilespmem:s29+$0x210];
	_ =	sdelay $0x4  }
0xe8: {  	[tilespmem:s0+$0x12190] =	vst v0  }
0xe9: {  	v0 =	vld [tilespmem:s29+$0x280];
	_ =	sdelay $0x4  }
0xea: {  	[tilespmem:s0+$0x121A0] =	vst v0  }
0xeb: {  	v0 =	vld [tilespmem:s29+$0x290];
	_ =	sdelay $0x4  }
0xec: {  	[tilespmem:s0+$0x121B0] =	vst v0  }
0xed: {  	v0 =	vld [tilespmem:s29+$0x300];
	_ =	sdelay $0x4  }
0xee: {  	[tilespmem:s0+$0x121C0] =	vst v0  }
0xef: {  	v0 =	vld [tilespmem:s29+$0x310];
	_ =	sdelay $0x4  }
0xf0: {  	[tilespmem:s0+$0x121D0] =	vst v0  }
0xf1: {  	v0 =	vld [tilespmem:s29+$0x380];
	_ =	sdelay $0x4  }
0xf2: {  	[tilespmem:s0+$0x121E0] =	vst v0  }
0xf3: {  	v0 =	vld [tilespmem:s29+$0x390];
	_ =	sdelay $0x1  }
.Ltmp1:
0xf4: {  	(pc) =	sbr.rel @p0 .LBB2_4-.Ltmp1, $3  }
0xf5: {  	_ =	sdelay $0x1  }
0xf6: {  	s29 =	sadd.s32 $0x800, s29;
	[tilespmem:s0+$0x121F0] =	vst v0  }
0xf7: {  	s31 =	sadd.s32 $0x800, s31;
	v0 =	vld [tilespmem:s29+$0xFFFFFC00]  }
0xf8: {  	_ =	sdelay $0x2  }
0xf9: {  	s0 =	sshra.s32 s30, $0x2  }
0xfa: {  	[tilespmem:s0+$0x12000] =	vst v0  }
0xfb: {  	v0 =	vld [tilespmem:s29+$0xFFFFFC10];
	_ =	sdelay $0x4  }
0xfc: {  	[tilespmem:s0+$0x12010] =	vst v0  }
0xfd: {  	v0 =	vld [tilespmem:s29+$0xFFFFFC80];
	_ =	sdelay $0x4  }
0xfe: {  	[tilespmem:s0+$0x12020] =	vst v0  }
0xff: {  	v0 =	vld [tilespmem:s29+$0xFFFFFC90];
	_ =	sdelay $0x4  }
0x100: {  	[tilespmem:s0+$0x12030] =	vst v0  }
0x101: {  	v0 =	vld [tilespmem:s29+$0xFFFFFD00];
	_ =	sdelay $0x4  }
0x102: {  	[tilespmem:s0+$0x12040] =	vst v0  }
0x103: {  	v0 =	vld [tilespmem:s29+$0xFFFFFD10];
	_ =	sdelay $0x4  }
0x104: {  	[tilespmem:s0+$0x12050] =	vst v0  }
0x105: {  	v0 =	vld [tilespmem:s29+$0xFFFFFD80];
	_ =	sdelay $0x4  }
0x106: {  	[tilespmem:s0+$0x12060] =	vst v0  }
0x107: {  	v0 =	vld [tilespmem:s29+$0xFFFFFD90];
	_ =	sdelay $0x4  }
0x108: {  	[tilespmem:s0+$0x12070] =	vst v0  }
0x109: {  	v0 =	vld [tilespmem:s29+$0xFFFFFE00];
	_ =	sdelay $0x4  }
0x10a: {  	[tilespmem:s0+$0x12080] =	vst v0  }
0x10b: {  	v0 =	vld [tilespmem:s29+$0xFFFFFE10];
	_ =	sdelay $0x4  }
0x10c: {  	[tilespmem:s0+$0x12090] =	vst v0  }
0x10d: {  	v0 =	vld [tilespmem:s29+$0xFFFFFE80];
	_ =	sdelay $0x4  }
0x10e: {  	[tilespmem:s0+$0x120A0] =	vst v0  }
0x10f: {  	v0 =	vld [tilespmem:s29+$0xFFFFFE90];
	_ =	sdelay $0x4  }
0x110: {  	[tilespmem:s0+$0x120B0] =	vst v0  }
0x111: {  	v0 =	vld [tilespmem:s29+$0xFFFFFF00];
	_ =	sdelay $0x4  }
0x112: {  	[tilespmem:s0+$0x120C0] =	vst v0  }
0x113: {  	v0 =	vld [tilespmem:s29+$0xFFFFFF10];
	_ =	sdelay $0x4  }
0x114: {  	[tilespmem:s0+$0x120D0] =	vst v0  }
0x115: {  	v0 =	vld [tilespmem:s29+$0xFFFFFF80];
	_ =	sdelay $0x4  }
0x116: {  	[tilespmem:s0+$0x120E0] =	vst v0  }
0x117: {  	v0 =	vld [tilespmem:s29+$0xFFFFFF90];
	_ =	sdelay $0x4  }
0x118: {  	[tilespmem:s0+$0x120F0] =	vst v0  }
0x119: {  	v0 =	vld [tilespmem:s29+$0x0];
	_ =	sdelay $0x4  }
0x11a: {  	[tilespmem:s0+$0x12100] =	vst v0  }
0x11b: {  	v0 =	vld [tilespmem:s29+$0x10];
	_ =	sdelay $0x4  }
0x11c: {  	[tilespmem:s0+$0x12110] =	vst v0  }
0x11d: {  	v0 =	vld [tilespmem:s29+$0x80];
	_ =	sdelay $0x4  }
0x11e: {  	[tilespmem:s0+$0x12120] =	vst v0  }
0x11f: {  	v0 =	vld [tilespmem:s29+$0x90];
	_ =	sdelay $0x4  }
0x120: {  	[tilespmem:s0+$0x12130] =	vst v0  }
0x121: {  	v0 =	vld [tilespmem:s29+$0x100];
	_ =	sdelay $0x4  }
0x122: {  	[tilespmem:s0+$0x12140] =	vst v0  }
0x123: {  	v0 =	vld [tilespmem:s29+$0x110];
	_ =	sdelay $0x4  }
0x124: {  	[tilespmem:s0+$0x12150] =	vst v0  }
0x125: {  	v0 =	vld [tilespmem:s29+$0x180];
	_ =	sdelay $0x4  }
0x126: {  	[tilespmem:s0+$0x12160] =	vst v0  }
0x127: {  	v0 =	vld [tilespmem:s29+$0x190];
	_ =	sdelay $0x4  }
0x128: {  	[tilespmem:s0+$0x12170] =	vst v0  }
0x129: {  	v0 =	vld [tilespmem:s29+$0x200];
	_ =	sdelay $0x4  }
0x12a: {  	[tilespmem:s0+$0x12180] =	vst v0  }
0x12b: {  	v0 =	vld [tilespmem:s29+$0x210];
	_ =	sdelay $0x4  }
0x12c: {  	[tilespmem:s0+$0x12190] =	vst v0  }
0x12d: {  	v0 =	vld [tilespmem:s29+$0x280];
	_ =	sdelay $0x4  }
0x12e: {  	[tilespmem:s0+$0x121A0] =	vst v0  }
0x12f: {  	v0 =	vld [tilespmem:s29+$0x290];
	_ =	sdelay $0x4  }
0x130: {  	[tilespmem:s0+$0x121B0] =	vst v0  }
0x131: {  	v0 =	vld [tilespmem:s29+$0x300];
	_ =	sdelay $0x4  }
0x132: {  	[tilespmem:s0+$0x121C0] =	vst v0  }
0x133: {  	v0 =	vld [tilespmem:s29+$0x310];
	_ =	sdelay $0x4  }
0x134: {  	[tilespmem:s0+$0x121D0] =	vst v0  }
0x135: {  	v0 =	vld [tilespmem:s29+$0x380];
	_ =	sdelay $0x4  }
0x136: {  	[tilespmem:s0+$0x121E0] =	vst v0  }
0x137: {  	v0 =	vld [tilespmem:s29+$0x390];
	_ =	sdelay $0x4  }
0x138: {  	s30 =	simm.s32 $0x0;
	[tilespmem:s0+$0x121F0] =	vst v0  }
0x139: {  	[hbm4b:s7+s30] =	stream.linear.scatter [tilespmem:s24], [sflag:$0x4], $0x2000, $0x38;
	[tilespmem:$0x14000] =	vst v63  }
0x13a: {  	_ = 	snop  }
0x13b: {  	[tilespmem:s20], [sflag:$0x2] =	stream.linear.gather [hbm4b:s8+s30], $0x8000, $0x38;
	[tilespmem:$0x14000] =	vst v63  }
0x13c: {  	_ =	swait.ge [sflag:s21], $0x8000  }
0x13d: {  	[sflag:s21] =	ssyncset.done $0x0  }
0x13e: {  	[sflag:s21] =	ssyncadd.s32 $0xFFFF8000  }
0x13f: {  	_ =	swait.ge [sflag:s25], $0x2000  }
0x140: {  	[sflag:s25] =	ssyncset.done $0x0  }
0x141: {  	s29 =	simm.s32 $0x400;
	[sflag:s25] =	ssyncadd.s32 $0xFFFFE000  }
0x142: {  	s31 =	simm.s32 $0x800;
	v0 =	vld [tilespmem:s29+$0xFFFFFC00]  }
.LBB2_6:
0x143: {  	p0 =	sne.s32 s31, $0x7800;
	_ =	sdelay $0x2  }
0x144: {  	s0 =	sshra.s32 s30, $0x2;
	s30 =	smov.u32 s31  }
0x145: {  	[tilespmem:s0+$0x10000] =	vst v0  }
0x146: {  	v0 =	vld [tilespmem:s29+$0xFFFFFC10];
	_ =	sdelay $0x4  }
0x147: {  	[tilespmem:s0+$0x10010] =	vst v0  }
0x148: {  	v0 =	vld [tilespmem:s29+$0xFFFFFC80];
	_ =	sdelay $0x4  }
0x149: {  	[tilespmem:s0+$0x10020] =	vst v0  }
0x14a: {  	v0 =	vld [tilespmem:s29+$0xFFFFFC90];
	_ =	sdelay $0x4  }
0x14b: {  	[tilespmem:s0+$0x10030] =	vst v0  }
0x14c: {  	v0 =	vld [tilespmem:s29+$0xFFFFFD00];
	_ =	sdelay $0x4  }
0x14d: {  	[tilespmem:s0+$0x10040] =	vst v0  }
0x14e: {  	v0 =	vld [tilespmem:s29+$0xFFFFFD10];
	_ =	sdelay $0x4  }
0x14f: {  	[tilespmem:s0+$0x10050] =	vst v0  }
0x150: {  	v0 =	vld [tilespmem:s29+$0xFFFFFD80];
	_ =	sdelay $0x4  }
0x151: {  	[tilespmem:s0+$0x10060] =	vst v0  }
0x152: {  	v0 =	vld [tilespmem:s29+$0xFFFFFD90];
	_ =	sdelay $0x4  }
0x153: {  	[tilespmem:s0+$0x10070] =	vst v0  }
0x154: {  	v0 =	vld [tilespmem:s29+$0xFFFFFE00];
	_ =	sdelay $0x4  }
0x155: {  	[tilespmem:s0+$0x10080] =	vst v0  }
0x156: {  	v0 =	vld [tilespmem:s29+$0xFFFFFE10];
	_ =	sdelay $0x4  }
0x157: {  	[tilespmem:s0+$0x10090] =	vst v0  }
0x158: {  	v0 =	vld [tilespmem:s29+$0xFFFFFE80];
	_ =	sdelay $0x4  }
0x159: {  	[tilespmem:s0+$0x100A0] =	vst v0  }
0x15a: {  	v0 =	vld [tilespmem:s29+$0xFFFFFE90];
	_ =	sdelay $0x4  }
0x15b: {  	[tilespmem:s0+$0x100B0] =	vst v0  }
0x15c: {  	v0 =	vld [tilespmem:s29+$0xFFFFFF00];
	_ =	sdelay $0x4  }
0x15d: {  	[tilespmem:s0+$0x100C0] =	vst v0  }
0x15e: {  	v0 =	vld [tilespmem:s29+$0xFFFFFF10];
	_ =	sdelay $0x4  }
0x15f: {  	[tilespmem:s0+$0x100D0] =	vst v0  }
0x160: {  	v0 =	vld [tilespmem:s29+$0xFFFFFF80];
	_ =	sdelay $0x4  }
0x161: {  	[tilespmem:s0+$0x100E0] =	vst v0  }
0x162: {  	v0 =	vld [tilespmem:s29+$0xFFFFFF90];
	_ =	sdelay $0x4  }
0x163: {  	[tilespmem:s0+$0x100F0] =	vst v0  }
0x164: {  	v0 =	vld [tilespmem:s29+$0x0];
	_ =	sdelay $0x4  }
0x165: {  	[tilespmem:s0+$0x10100] =	vst v0  }
0x166: {  	v0 =	vld [tilespmem:s29+$0x10];
	_ =	sdelay $0x4  }
0x167: {  	[tilespmem:s0+$0x10110] =	vst v0  }
0x168: {  	v0 =	vld [tilespmem:s29+$0x80];
	_ =	sdelay $0x4  }
0x169: {  	[tilespmem:s0+$0x10120] =	vst v0  }
0x16a: {  	v0 =	vld [tilespmem:s29+$0x90];
	_ =	sdelay $0x4  }
0x16b: {  	[tilespmem:s0+$0x10130] =	vst v0  }
0x16c: {  	v0 =	vld [tilespmem:s29+$0x100];
	_ =	sdelay $0x4  }
0x16d: {  	[tilespmem:s0+$0x10140] =	vst v0  }
0x16e: {  	v0 =	vld [tilespmem:s29+$0x110];
	_ =	sdelay $0x4  }
0x16f: {  	[tilespmem:s0+$0x10150] =	vst v0  }
0x170: {  	v0 =	vld [tilespmem:s29+$0x180];
	_ =	sdelay $0x4  }
0x171: {  	[tilespmem:s0+$0x10160] =	vst v0  }
0x172: {  	v0 =	vld [tilespmem:s29+$0x190];
	_ =	sdelay $0x4  }
0x173: {  	[tilespmem:s0+$0x10170] =	vst v0  }
0x174: {  	v0 =	vld [tilespmem:s29+$0x200];
	_ =	sdelay $0x4  }
0x175: {  	[tilespmem:s0+$0x10180] =	vst v0  }
0x176: {  	v0 =	vld [tilespmem:s29+$0x210];
	_ =	sdelay $0x4  }
0x177: {  	[tilespmem:s0+$0x10190] =	vst v0  }
0x178: {  	v0 =	vld [tilespmem:s29+$0x280];
	_ =	sdelay $0x4  }
0x179: {  	[tilespmem:s0+$0x101A0] =	vst v0  }
0x17a: {  	v0 =	vld [tilespmem:s29+$0x290];
	_ =	sdelay $0x4  }
0x17b: {  	[tilespmem:s0+$0x101B0] =	vst v0  }
0x17c: {  	v0 =	vld [tilespmem:s29+$0x300];
	_ =	sdelay $0x4  }
0x17d: {  	[tilespmem:s0+$0x101C0] =	vst v0  }
0x17e: {  	v0 =	vld [tilespmem:s29+$0x310];
	_ =	sdelay $0x4  }
0x17f: {  	[tilespmem:s0+$0x101D0] =	vst v0  }
0x180: {  	v0 =	vld [tilespmem:s29+$0x380];
	_ =	sdelay $0x4  }
0x181: {  	[tilespmem:s0+$0x101E0] =	vst v0  }
0x182: {  	v0 =	vld [tilespmem:s29+$0x390];
	_ =	sdelay $0x1  }
.Ltmp2:
0x183: {  	(pc) =	sbr.rel @p0 .LBB2_6-.Ltmp2, $3  }
0x184: {  	_ =	sdelay $0x1  }
0x185: {  	s29 =	sadd.s32 $0x800, s29;
	[tilespmem:s0+$0x101F0] =	vst v0  }
0x186: {  	s31 =	sadd.s32 $0x800, s31;
	v0 =	vld [tilespmem:s29+$0xFFFFFC00]  }
0x187: {  	_ =	sdelay $0x2  }
0x188: {  	s0 =	sshra.s32 s30, $0x2  }
0x189: {  	[tilespmem:s0+$0x10000] =	vst v0  }
0x18a: {  	v0 =	vld [tilespmem:s29+$0xFFFFFC10];
	_ =	sdelay $0x4  }
0x18b: {  	[tilespmem:s0+$0x10010] =	vst v0  }
0x18c: {  	v0 =	vld [tilespmem:s29+$0xFFFFFC80];
	_ =	sdelay $0x4  }
0x18d: {  	[tilespmem:s0+$0x10020] =	vst v0  }
0x18e: {  	v0 =	vld [tilespmem:s29+$0xFFFFFC90];
	_ =	sdelay $0x4  }
0x18f: {  	[tilespmem:s0+$0x10030] =	vst v0  }
0x190: {  	v0 =	vld [tilespmem:s29+$0xFFFFFD00];
	_ =	sdelay $0x4  }
0x191: {  	[tilespmem:s0+$0x10040] =	vst v0  }
0x192: {  	v0 =	vld [tilespmem:s29+$0xFFFFFD10];
	_ =	sdelay $0x4  }
0x193: {  	[tilespmem:s0+$0x10050] =	vst v0  }
0x194: {  	v0 =	vld [tilespmem:s29+$0xFFFFFD80];
	_ =	sdelay $0x4  }
0x195: {  	[tilespmem:s0+$0x10060] =	vst v0  }
0x196: {  	v0 =	vld [tilespmem:s29+$0xFFFFFD90];
	_ =	sdelay $0x4  }
0x197: {  	[tilespmem:s0+$0x10070] =	vst v0  }
0x198: {  	v0 =	vld [tilespmem:s29+$0xFFFFFE00];
	_ =	sdelay $0x4  }
0x199: {  	[tilespmem:s0+$0x10080] =	vst v0  }
0x19a: {  	v0 =	vld [tilespmem:s29+$0xFFFFFE10];
	_ =	sdelay $0x4  }
0x19b: {  	[tilespmem:s0+$0x10090] =	vst v0  }
0x19c: {  	v0 =	vld [tilespmem:s29+$0xFFFFFE80];
	_ =	sdelay $0x4  }
0x19d: {  	[tilespmem:s0+$0x100A0] =	vst v0  }
0x19e: {  	v0 =	vld [tilespmem:s29+$0xFFFFFE90];
	_ =	sdelay $0x4  }
0x19f: {  	[tilespmem:s0+$0x100B0] =	vst v0  }
0x1a0: {  	v0 =	vld [tilespmem:s29+$0xFFFFFF00];
	_ =	sdelay $0x4  }
0x1a1: {  	[tilespmem:s0+$0x100C0] =	vst v0  }
0x1a2: {  	v0 =	vld [tilespmem:s29+$0xFFFFFF10];
	_ =	sdelay $0x4  }
0x1a3: {  	[tilespmem:s0+$0x100D0] =	vst v0  }
0x1a4: {  	v0 =	vld [tilespmem:s29+$0xFFFFFF80];
	_ =	sdelay $0x4  }
0x1a5: {  	[tilespmem:s0+$0x100E0] =	vst v0  }
0x1a6: {  	v0 =	vld [tilespmem:s29+$0xFFFFFF90];
	_ =	sdelay $0x4  }
0x1a7: {  	[tilespmem:s0+$0x100F0] =	vst v0  }
0x1a8: {  	v0 =	vld [tilespmem:s29+$0x0];
	_ =	sdelay $0x4  }
0x1a9: {  	[tilespmem:s0+$0x10100] =	vst v0  }
0x1aa: {  	v0 =	vld [tilespmem:s29+$0x10];
	_ =	sdelay $0x4  }
0x1ab: {  	[tilespmem:s0+$0x10110] =	vst v0  }
0x1ac: {  	v0 =	vld [tilespmem:s29+$0x80];
	_ =	sdelay $0x4  }
0x1ad: {  	[tilespmem:s0+$0x10120] =	vst v0  }
0x1ae: {  	v0 =	vld [tilespmem:s29+$0x90];
	_ =	sdelay $0x4  }
0x1af: {  	[tilespmem:s0+$0x10130] =	vst v0  }
0x1b0: {  	v0 =	vld [tilespmem:s29+$0x100];
	_ =	sdelay $0x4  }
0x1b1: {  	[tilespmem:s0+$0x10140] =	vst v0  }
0x1b2: {  	v0 =	vld [tilespmem:s29+$0x110];
	_ =	sdelay $0x4  }
0x1b3: {  	[tilespmem:s0+$0x10150] =	vst v0  }
0x1b4: {  	v0 =	vld [tilespmem:s29+$0x180];
	_ =	sdelay $0x4  }
0x1b5: {  	[tilespmem:s0+$0x10160] =	vst v0  }
0x1b6: {  	v0 =	vld [tilespmem:s29+$0x190];
	_ =	sdelay $0x4  }
0x1b7: {  	[tilespmem:s0+$0x10170] =	vst v0  }
0x1b8: {  	v0 =	vld [tilespmem:s29+$0x200];
	_ =	sdelay $0x4  }
0x1b9: {  	[tilespmem:s0+$0x10180] =	vst v0  }
0x1ba: {  	v0 =	vld [tilespmem:s29+$0x210];
	_ =	sdelay $0x4  }
0x1bb: {  	[tilespmem:s0+$0x10190] =	vst v0  }
0x1bc: {  	v0 =	vld [tilespmem:s29+$0x280];
	_ =	sdelay $0x4  }
0x1bd: {  	[tilespmem:s0+$0x101A0] =	vst v0  }
0x1be: {  	v0 =	vld [tilespmem:s29+$0x290];
	_ =	sdelay $0x4  }
0x1bf: {  	[tilespmem:s0+$0x101B0] =	vst v0  }
0x1c0: {  	v0 =	vld [tilespmem:s29+$0x300];
	_ =	sdelay $0x4  }
0x1c1: {  	[tilespmem:s0+$0x101C0] =	vst v0  }
0x1c2: {  	v0 =	vld [tilespmem:s29+$0x310];
	_ =	sdelay $0x4  }
0x1c3: {  	[tilespmem:s0+$0x101D0] =	vst v0  }
0x1c4: {  	v0 =	vld [tilespmem:s29+$0x380];
	_ =	sdelay $0x4  }
0x1c5: {  	[tilespmem:s0+$0x101E0] =	vst v0  }
0x1c6: {  	v0 =	vld [tilespmem:s29+$0x390];
	_ =	sdelay $0x4  }
0x1c7: {  	s30 =	simm.s32 $0x0;
	[tilespmem:s0+$0x101F0] =	vst v0  }
0x1c8: {  	[hbm4b:s9+s30] =	stream.linear.scatter [tilespmem:s22], [sflag:$0x3], $0x2000, $0x38;
	[tilespmem:$0x14000] =	vst v63  }
0x1c9: {  	_ = 	snop  }
0x1ca: {  	[tilespmem:s30], [sflag:$0x1] =	stream.linear.gather [hbm4b:s10+s30], $0x8000, $0x38;
	[tilespmem:$0x14000] =	vst v63  }
0x1cb: {  	_ =	swait.ge [sflag:s23], $0x8000  }
0x1cc: {  	[sflag:s23] =	ssyncset.done $0x0  }
0x1cd: {  	[sflag:s23] =	ssyncadd.s32 $0xFFFF8000  }
0x1ce: {  	_ =	swait.ge [sflag:s26], $0x2000  }
0x1cf: {  	[sflag:s26] =	ssyncset.done $0x0  }
0x1d0: {  	s29 =	simm.s32 $0x8400;
	[sflag:s26] =	ssyncadd.s32 $0xFFFFE000  }
0x1d1: {  	s31 =	simm.s32 $0x800;
	v0 =	vld [tilespmem:s29+$0xFFFFFC00]  }
.LBB2_8:
0x1d2: {  	p0 =	sne.s32 s31, $0x7800;
	_ =	sdelay $0x2  }
0x1d3: {  	s0 =	sshra.s32 s30, $0x2;
	s30 =	smov.u32 s31  }
0x1d4: {  	[tilespmem:s0+$0x12000] =	vst v0  }
0x1d5: {  	v0 =	vld [tilespmem:s29+$0xFFFFFC10];
	_ =	sdelay $0x4  }
0x1d6: {  	[tilespmem:s0+$0x12010] =	vst v0  }
0x1d7: {  	v0 =	vld [tilespmem:s29+$0xFFFFFC80];
	_ =	sdelay $0x4  }
0x1d8: {  	[tilespmem:s0+$0x12020] =	vst v0  }
0x1d9: {  	v0 =	vld [tilespmem:s29+$0xFFFFFC90];
	_ =	sdelay $0x4  }
0x1da: {  	[tilespmem:s0+$0x12030] =	vst v0  }
0x1db: {  	v0 =	vld [tilespmem:s29+$0xFFFFFD00];
	_ =	sdelay $0x4  }
0x1dc: {  	[tilespmem:s0+$0x12040] =	vst v0  }
0x1dd: {  	v0 =	vld [tilespmem:s29+$0xFFFFFD10];
	_ =	sdelay $0x4  }
0x1de: {  	[tilespmem:s0+$0x12050] =	vst v0  }
0x1df: {  	v0 =	vld [tilespmem:s29+$0xFFFFFD80];
	_ =	sdelay $0x4  }
0x1e0: {  	[tilespmem:s0+$0x12060] =	vst v0  }
0x1e1: {  	v0 =	vld [tilespmem:s29+$0xFFFFFD90];
	_ =	sdelay $0x4  }
0x1e2: {  	[tilespmem:s0+$0x12070] =	vst v0  }
0x1e3: {  	v0 =	vld [tilespmem:s29+$0xFFFFFE00];
	_ =	sdelay $0x4  }
0x1e4: {  	[tilespmem:s0+$0x12080] =	vst v0  }
0x1e5: {  	v0 =	vld [tilespmem:s29+$0xFFFFFE10];
	_ =	sdelay $0x4  }
0x1e6: {  	[tilespmem:s0+$0x12090] =	vst v0  }
0x1e7: {  	v0 =	vld [tilespmem:s29+$0xFFFFFE80];
	_ =	sdelay $0x4  }
0x1e8: {  	[tilespmem:s0+$0x120A0] =	vst v0  }
0x1e9: {  	v0 =	vld [tilespmem:s29+$0xFFFFFE90];
	_ =	sdelay $0x4  }
0x1ea: {  	[tilespmem:s0+$0x120B0] =	vst v0  }
0x1eb: {  	v0 =	vld [tilespmem:s29+$0xFFFFFF00];
	_ =	sdelay $0x4  }
0x1ec: {  	[tilespmem:s0+$0x120C0] =	vst v0  }
0x1ed: {  	v0 =	vld [tilespmem:s29+$0xFFFFFF10];
	_ =	sdelay $0x4  }
0x1ee: {  	[tilespmem:s0+$0x120D0] =	vst v0  }
0x1ef: {  	v0 =	vld [tilespmem:s29+$0xFFFFFF80];
	_ =	sdelay $0x4  }
0x1f0: {  	[tilespmem:s0+$0x120E0] =	vst v0  }
0x1f1: {  	v0 =	vld [tilespmem:s29+$0xFFFFFF90];
	_ =	sdelay $0x4  }
0x1f2: {  	[tilespmem:s0+$0x120F0] =	vst v0  }
0x1f3: {  	v0 =	vld [tilespmem:s29+$0x0];
	_ =	sdelay $0x4  }
0x1f4: {  	[tilespmem:s0+$0x12100] =	vst v0  }
0x1f5: {  	v0 =	vld [tilespmem:s29+$0x10];
	_ =	sdelay $0x4  }
0x1f6: {  	[tilespmem:s0+$0x12110] =	vst v0  }
0x1f7: {  	v0 =	vld [tilespmem:s29+$0x80];
	_ =	sdelay $0x4  }
0x1f8: {  	[tilespmem:s0+$0x12120] =	vst v0  }
0x1f9: {  	v0 =	vld [tilespmem:s29+$0x90];
	_ =	sdelay $0x4  }
0x1fa: {  	[tilespmem:s0+$0x12130] =	vst v0  }
0x1fb: {  	v0 =	vld [tilespmem:s29+$0x100];
	_ =	sdelay $0x4  }
0x1fc: {  	[tilespmem:s0+$0x12140] =	vst v0  }
0x1fd: {  	v0 =	vld [tilespmem:s29+$0x110];
	_ =	sdelay $0x4  }
0x1fe: {  	[tilespmem:s0+$0x12150] =	vst v0  }
0x1ff: {  	v0 =	vld [tilespmem:s29+$0x180];
	_ =	sdelay $0x4  }
0x200: {  	[tilespmem:s0+$0x12160] =	vst v0  }
0x201: {  	v0 =	vld [tilespmem:s29+$0x190];
	_ =	sdelay $0x4  }
0x202: {  	[tilespmem:s0+$0x12170] =	vst v0  }
0x203: {  	v0 =	vld [tilespmem:s29+$0x200];
	_ =	sdelay $0x4  }
0x204: {  	[tilespmem:s0+$0x12180] =	vst v0  }
0x205: {  	v0 =	vld [tilespmem:s29+$0x210];
	_ =	sdelay $0x4  }
0x206: {  	[tilespmem:s0+$0x12190] =	vst v0  }
0x207: {  	v0 =	vld [tilespmem:s29+$0x280];
	_ =	sdelay $0x4  }
0x208: {  	[tilespmem:s0+$0x121A0] =	vst v0  }
0x209: {  	v0 =	vld [tilespmem:s29+$0x290];
	_ =	sdelay $0x4  }
0x20a: {  	[tilespmem:s0+$0x121B0] =	vst v0  }
0x20b: {  	v0 =	vld [tilespmem:s29+$0x300];
	_ =	sdelay $0x4  }
0x20c: {  	[tilespmem:s0+$0x121C0] =	vst v0  }
0x20d: {  	v0 =	vld [tilespmem:s29+$0x310];
	_ =	sdelay $0x4  }
0x20e: {  	[tilespmem:s0+$0x121D0] =	vst v0  }
0x20f: {  	v0 =	vld [tilespmem:s29+$0x380];
	_ =	sdelay $0x4  }
0x210: {  	[tilespmem:s0+$0x121E0] =	vst v0  }
0x211: {  	v0 =	vld [tilespmem:s29+$0x390];
	_ =	sdelay $0x1  }
.Ltmp3:
0x212: {  	(pc) =	sbr.rel @p0 .LBB2_8-.Ltmp3, $3  }
0x213: {  	_ =	sdelay $0x1  }
0x214: {  	s29 =	sadd.s32 $0x800, s29;
	[tilespmem:s0+$0x121F0] =	vst v0  }
0x215: {  	s31 =	sadd.s32 $0x800, s31;
	v0 =	vld [tilespmem:s29+$0xFFFFFC00]  }
0x216: {  	_ =	sdelay $0x2  }
0x217: {  	s0 =	sshra.s32 s30, $0x2  }
0x218: {  	[tilespmem:s0+$0x12000] =	vst v0  }
0x219: {  	v0 =	vld [tilespmem:s29+$0xFFFFFC10];
	_ =	sdelay $0x4  }
0x21a: {  	[tilespmem:s0+$0x12010] =	vst v0  }
0x21b: {  	v0 =	vld [tilespmem:s29+$0xFFFFFC80];
	_ =	sdelay $0x4  }
0x21c: {  	[tilespmem:s0+$0x12020] =	vst v0  }
0x21d: {  	v0 =	vld [tilespmem:s29+$0xFFFFFC90];
	_ =	sdelay $0x4  }
0x21e: {  	[tilespmem:s0+$0x12030] =	vst v0  }
0x21f: {  	v0 =	vld [tilespmem:s29+$0xFFFFFD00];
	_ =	sdelay $0x4  }
0x220: {  	[tilespmem:s0+$0x12040] =	vst v0  }
0x221: {  	v0 =	vld [tilespmem:s29+$0xFFFFFD10];
	_ =	sdelay $0x4  }
0x222: {  	[tilespmem:s0+$0x12050] =	vst v0  }
0x223: {  	v0 =	vld [tilespmem:s29+$0xFFFFFD80];
	_ =	sdelay $0x4  }
0x224: {  	[tilespmem:s0+$0x12060] =	vst v0  }
0x225: {  	v0 =	vld [tilespmem:s29+$0xFFFFFD90];
	_ =	sdelay $0x4  }
0x226: {  	[tilespmem:s0+$0x12070] =	vst v0  }
0x227: {  	v0 =	vld [tilespmem:s29+$0xFFFFFE00];
	_ =	sdelay $0x4  }
0x228: {  	[tilespmem:s0+$0x12080] =	vst v0  }
0x229: {  	v0 =	vld [tilespmem:s29+$0xFFFFFE10];
	_ =	sdelay $0x4  }
0x22a: {  	[tilespmem:s0+$0x12090] =	vst v0  }
0x22b: {  	v0 =	vld [tilespmem:s29+$0xFFFFFE80];
	_ =	sdelay $0x4  }
0x22c: {  	[tilespmem:s0+$0x120A0] =	vst v0  }
0x22d: {  	v0 =	vld [tilespmem:s29+$0xFFFFFE90];
	_ =	sdelay $0x4  }
0x22e: {  	[tilespmem:s0+$0x120B0] =	vst v0  }
0x22f: {  	v0 =	vld [tilespmem:s29+$0xFFFFFF00];
	_ =	sdelay $0x4  }
0x230: {  	[tilespmem:s0+$0x120C0] =	vst v0  }
0x231: {  	v0 =	vld [tilespmem:s29+$0xFFFFFF10];
	_ =	sdelay $0x4  }
0x232: {  	[tilespmem:s0+$0x120D0] =	vst v0  }
0x233: {  	v0 =	vld [tilespmem:s29+$0xFFFFFF80];
	_ =	sdelay $0x4  }
0x234: {  	[tilespmem:s0+$0x120E0] =	vst v0  }
0x235: {  	v0 =	vld [tilespmem:s29+$0xFFFFFF90];
	_ =	sdelay $0x4  }
0x236: {  	[tilespmem:s0+$0x120F0] =	vst v0  }
0x237: {  	v0 =	vld [tilespmem:s29+$0x0];
	_ =	sdelay $0x4  }
0x238: {  	[tilespmem:s0+$0x12100] =	vst v0  }
0x239: {  	v0 =	vld [tilespmem:s29+$0x10];
	_ =	sdelay $0x4  }
0x23a: {  	[tilespmem:s0+$0x12110] =	vst v0  }
0x23b: {  	v0 =	vld [tilespmem:s29+$0x80];
	_ =	sdelay $0x4  }
0x23c: {  	[tilespmem:s0+$0x12120] =	vst v0  }
0x23d: {  	v0 =	vld [tilespmem:s29+$0x90];
	_ =	sdelay $0x4  }
0x23e: {  	[tilespmem:s0+$0x12130] =	vst v0  }
0x23f: {  	v0 =	vld [tilespmem:s29+$0x100];
	_ =	sdelay $0x4  }
0x240: {  	[tilespmem:s0+$0x12140] =	vst v0  }
0x241: {  	v0 =	vld [tilespmem:s29+$0x110];
	_ =	sdelay $0x4  }
0x242: {  	[tilespmem:s0+$0x12150] =	vst v0  }
0x243: {  	v0 =	vld [tilespmem:s29+$0x180];
	_ =	sdelay $0x4  }
0x244: {  	[tilespmem:s0+$0x12160] =	vst v0  }
0x245: {  	v0 =	vld [tilespmem:s29+$0x190];
	_ =	sdelay $0x4  }
0x246: {  	[tilespmem:s0+$0x12170] =	vst v0  }
0x247: {  	v0 =	vld [tilespmem:s29+$0x200];
	_ =	sdelay $0x4  }
0x248: {  	[tilespmem:s0+$0x12180] =	vst v0  }
0x249: {  	v0 =	vld [tilespmem:s29+$0x210];
	_ =	sdelay $0x4  }
0x24a: {  	[tilespmem:s0+$0x12190] =	vst v0  }
0x24b: {  	v0 =	vld [tilespmem:s29+$0x280];
	_ =	sdelay $0x4  }
0x24c: {  	[tilespmem:s0+$0x121A0] =	vst v0  }
0x24d: {  	v0 =	vld [tilespmem:s29+$0x290];
	_ =	sdelay $0x4  }
0x24e: {  	[tilespmem:s0+$0x121B0] =	vst v0  }
0x24f: {  	v0 =	vld [tilespmem:s29+$0x300];
	_ =	sdelay $0x4  }
0x250: {  	[tilespmem:s0+$0x121C0] =	vst v0  }
0x251: {  	v0 =	vld [tilespmem:s29+$0x310];
	_ =	sdelay $0x4  }
0x252: {  	[tilespmem:s0+$0x121D0] =	vst v0  }
0x253: {  	v0 =	vld [tilespmem:s29+$0x380];
	_ =	sdelay $0x4  }
0x254: {  	[tilespmem:s0+$0x121E0] =	vst v0  }
0x255: {  	v0 =	vld [tilespmem:s29+$0x390];
	_ =	sdelay $0x4  }
0x256: {  	s30 =	simm.s32 $0x0;
	[tilespmem:s0+$0x121F0] =	vst v0  }
0x257: {  	[hbm4b:s11+s30] =	stream.linear.scatter [tilespmem:s24], [sflag:$0x4], $0x2000, $0x38;
	[tilespmem:$0x14000] =	vst v63  }
0x258: {  	_ = 	snop  }
0x259: {  	[tilespmem:s20], [sflag:$0x2] =	stream.linear.gather [hbm4b:s12+s30], $0x8000, $0x38;
	[tilespmem:$0x14000] =	vst v63  }
0x25a: {  	_ =	swait.ge [sflag:s21], $0x8000  }
0x25b: {  	[sflag:s21] =	ssyncset.done $0x0  }
0x25c: {  	[sflag:s21] =	ssyncadd.s32 $0xFFFF8000  }
0x25d: {  	_ =	swait.ge [sflag:s25], $0x2000  }
0x25e: {  	[sflag:s25] =	ssyncset.done $0x0  }
0x25f: {  	s29 =	simm.s32 $0x400;
	[sflag:s25] =	ssyncadd.s32 $0xFFFFE000  }
0x260: {  	s31 =	simm.s32 $0x800;
	v0 =	vld [tilespmem:s29+$0xFFFFFC00]  }
.LBB2_10:
0x261: {  	p0 =	sne.s32 s31, $0x7800;
	_ =	sdelay $0x2  }
0x262: {  	s0 =	sshra.s32 s30, $0x2;
	s30 =	smov.u32 s31  }
0x263: {  	[tilespmem:s0+$0x10000] =	vst v0  }
0x264: {  	v0 =	vld [tilespmem:s29+$0xFFFFFC10];
	_ =	sdelay $0x4  }
0x265: {  	[tilespmem:s0+$0x10010] =	vst v0  }
0x266: {  	v0 =	vld [tilespmem:s29+$0xFFFFFC80];
	_ =	sdelay $0x4  }
0x267: {  	[tilespmem:s0+$0x10020] =	vst v0  }
0x268: {  	v0 =	vld [tilespmem:s29+$0xFFFFFC90];
	_ =	sdelay $0x4  }
0x269: {  	[tilespmem:s0+$0x10030] =	vst v0  }
0x26a: {  	v0 =	vld [tilespmem:s29+$0xFFFFFD00];
	_ =	sdelay $0x4  }
0x26b: {  	[tilespmem:s0+$0x10040] =	vst v0  }
0x26c: {  	v0 =	vld [tilespmem:s29+$0xFFFFFD10];
	_ =	sdelay $0x4  }
0x26d: {  	[tilespmem:s0+$0x10050] =	vst v0  }
0x26e: {  	v0 =	vld [tilespmem:s29+$0xFFFFFD80];
	_ =	sdelay $0x4  }
0x26f: {  	[tilespmem:s0+$0x10060] =	vst v0  }
0x270: {  	v0 =	vld [tilespmem:s29+$0xFFFFFD90];
	_ =	sdelay $0x4  }
0x271: {  	[tilespmem:s0+$0x10070] =	vst v0  }
0x272: {  	v0 =	vld [tilespmem:s29+$0xFFFFFE00];
	_ =	sdelay $0x4  }
0x273: {  	[tilespmem:s0+$0x10080] =	vst v0  }
0x274: {  	v0 =	vld [tilespmem:s29+$0xFFFFFE10];
	_ =	sdelay $0x4  }
0x275: {  	[tilespmem:s0+$0x10090] =	vst v0  }
0x276: {  	v0 =	vld [tilespmem:s29+$0xFFFFFE80];
	_ =	sdelay $0x4  }
0x277: {  	[tilespmem:s0+$0x100A0] =	vst v0  }
0x278: {  	v0 =	vld [tilespmem:s29+$0xFFFFFE90];
	_ =	sdelay $0x4  }
0x279: {  	[tilespmem:s0+$0x100B0] =	vst v0  }
0x27a: {  	v0 =	vld [tilespmem:s29+$0xFFFFFF00];
	_ =	sdelay $0x4  }
0x27b: {  	[tilespmem:s0+$0x100C0] =	vst v0  }
0x27c: {  	v0 =	vld [tilespmem:s29+$0xFFFFFF10];
	_ =	sdelay $0x4  }
0x27d: {  	[tilespmem:s0+$0x100D0] =	vst v0  }
0x27e: {  	v0 =	vld [tilespmem:s29+$0xFFFFFF80];
	_ =	sdelay $0x4  }
0x27f: {  	[tilespmem:s0+$0x100E0] =	vst v0  }
0x280: {  	v0 =	vld [tilespmem:s29+$0xFFFFFF90];
	_ =	sdelay $0x4  }
0x281: {  	[tilespmem:s0+$0x100F0] =	vst v0  }
0x282: {  	v0 =	vld [tilespmem:s29+$0x0];
	_ =	sdelay $0x4  }
0x283: {  	[tilespmem:s0+$0x10100] =	vst v0  }
0x284: {  	v0 =	vld [tilespmem:s29+$0x10];
	_ =	sdelay $0x4  }
0x285: {  	[tilespmem:s0+$0x10110] =	vst v0  }
0x286: {  	v0 =	vld [tilespmem:s29+$0x80];
	_ =	sdelay $0x4  }
0x287: {  	[tilespmem:s0+$0x10120] =	vst v0  }
0x288: {  	v0 =	vld [tilespmem:s29+$0x90];
	_ =	sdelay $0x4  }
0x289: {  	[tilespmem:s0+$0x10130] =	vst v0  }
0x28a: {  	v0 =	vld [tilespmem:s29+$0x100];
	_ =	sdelay $0x4  }
0x28b: {  	[tilespmem:s0+$0x10140] =	vst v0  }
0x28c: {  	v0 =	vld [tilespmem:s29+$0x110];
	_ =	sdelay $0x4  }
0x28d: {  	[tilespmem:s0+$0x10150] =	vst v0  }
0x28e: {  	v0 =	vld [tilespmem:s29+$0x180];
	_ =	sdelay $0x4  }
0x28f: {  	[tilespmem:s0+$0x10160] =	vst v0  }
0x290: {  	v0 =	vld [tilespmem:s29+$0x190];
	_ =	sdelay $0x4  }
0x291: {  	[tilespmem:s0+$0x10170] =	vst v0  }
0x292: {  	v0 =	vld [tilespmem:s29+$0x200];
	_ =	sdelay $0x4  }
0x293: {  	[tilespmem:s0+$0x10180] =	vst v0  }
0x294: {  	v0 =	vld [tilespmem:s29+$0x210];
	_ =	sdelay $0x4  }
0x295: {  	[tilespmem:s0+$0x10190] =	vst v0  }
0x296: {  	v0 =	vld [tilespmem:s29+$0x280];
	_ =	sdelay $0x4  }
0x297: {  	[tilespmem:s0+$0x101A0] =	vst v0  }
0x298: {  	v0 =	vld [tilespmem:s29+$0x290];
	_ =	sdelay $0x4  }
0x299: {  	[tilespmem:s0+$0x101B0] =	vst v0  }
0x29a: {  	v0 =	vld [tilespmem:s29+$0x300];
	_ =	sdelay $0x4  }
0x29b: {  	[tilespmem:s0+$0x101C0] =	vst v0  }
0x29c: {  	v0 =	vld [tilespmem:s29+$0x310];
	_ =	sdelay $0x4  }
0x29d: {  	[tilespmem:s0+$0x101D0] =	vst v0  }
0x29e: {  	v0 =	vld [tilespmem:s29+$0x380];
	_ =	sdelay $0x4  }
0x29f: {  	[tilespmem:s0+$0x101E0] =	vst v0  }
0x2a0: {  	v0 =	vld [tilespmem:s29+$0x390];
	_ =	sdelay $0x1  }
.Ltmp4:
0x2a1: {  	(pc) =	sbr.rel @p0 .LBB2_10-.Ltmp4, $3  }
0x2a2: {  	_ =	sdelay $0x1  }
0x2a3: {  	s29 =	sadd.s32 $0x800, s29;
	[tilespmem:s0+$0x101F0] =	vst v0  }
0x2a4: {  	s31 =	sadd.s32 $0x800, s31;
	v0 =	vld [tilespmem:s29+$0xFFFFFC00]  }
0x2a5: {  	_ =	sdelay $0x2  }
0x2a6: {  	s0 =	sshra.s32 s30, $0x2  }
0x2a7: {  	[tilespmem:s0+$0x10000] =	vst v0  }
0x2a8: {  	v0 =	vld [tilespmem:s29+$0xFFFFFC10];
	_ =	sdelay $0x4  }
0x2a9: {  	[tilespmem:s0+$0x10010] =	vst v0  }
0x2aa: {  	v0 =	vld [tilespmem:s29+$0xFFFFFC80];
	_ =	sdelay $0x4  }
0x2ab: {  	[tilespmem:s0+$0x10020] =	vst v0  }
0x2ac: {  	v0 =	vld [tilespmem:s29+$0xFFFFFC90];
	_ =	sdelay $0x4  }
0x2ad: {  	[tilespmem:s0+$0x10030] =	vst v0  }
0x2ae: {  	v0 =	vld [tilespmem:s29+$0xFFFFFD00];
	_ =	sdelay $0x4  }
0x2af: {  	[tilespmem:s0+$0x10040] =	vst v0  }
0x2b0: {  	v0 =	vld [tilespmem:s29+$0xFFFFFD10];
	_ =	sdelay $0x4  }
0x2b1: {  	[tilespmem:s0+$0x10050] =	vst v0  }
0x2b2: {  	v0 =	vld [tilespmem:s29+$0xFFFFFD80];
	_ =	sdelay $0x4  }
0x2b3: {  	[tilespmem:s0+$0x10060] =	vst v0  }
0x2b4: {  	v0 =	vld [tilespmem:s29+$0xFFFFFD90];
	_ =	sdelay $0x4  }
0x2b5: {  	[tilespmem:s0+$0x10070] =	vst v0  }
0x2b6: {  	v0 =	vld [tilespmem:s29+$0xFFFFFE00];
	_ =	sdelay $0x4  }
0x2b7: {  	[tilespmem:s0+$0x10080] =	vst v0  }
0x2b8: {  	v0 =	vld [tilespmem:s29+$0xFFFFFE10];
	_ =	sdelay $0x4  }
0x2b9: {  	[tilespmem:s0+$0x10090] =	vst v0  }
0x2ba: {  	v0 =	vld [tilespmem:s29+$0xFFFFFE80];
	_ =	sdelay $0x4  }
0x2bb: {  	[tilespmem:s0+$0x100A0] =	vst v0  }
0x2bc: {  	v0 =	vld [tilespmem:s29+$0xFFFFFE90];
	_ =	sdelay $0x4  }
0x2bd: {  	[tilespmem:s0+$0x100B0] =	vst v0  }
0x2be: {  	v0 =	vld [tilespmem:s29+$0xFFFFFF00];
	_ =	sdelay $0x4  }
0x2bf: {  	[tilespmem:s0+$0x100C0] =	vst v0  }
0x2c0: {  	v0 =	vld [tilespmem:s29+$0xFFFFFF10];
	_ =	sdelay $0x4  }
0x2c1: {  	[tilespmem:s0+$0x100D0] =	vst v0  }
0x2c2: {  	v0 =	vld [tilespmem:s29+$0xFFFFFF80];
	_ =	sdelay $0x4  }
0x2c3: {  	[tilespmem:s0+$0x100E0] =	vst v0  }
0x2c4: {  	v0 =	vld [tilespmem:s29+$0xFFFFFF90];
	_ =	sdelay $0x4  }
0x2c5: {  	[tilespmem:s0+$0x100F0] =	vst v0  }
0x2c6: {  	v0 =	vld [tilespmem:s29+$0x0];
	_ =	sdelay $0x4  }
0x2c7: {  	[tilespmem:s0+$0x10100] =	vst v0  }
0x2c8: {  	v0 =	vld [tilespmem:s29+$0x10];
	_ =	sdelay $0x4  }
0x2c9: {  	[tilespmem:s0+$0x10110] =	vst v0  }
0x2ca: {  	v0 =	vld [tilespmem:s29+$0x80];
	_ =	sdelay $0x4  }
0x2cb: {  	[tilespmem:s0+$0x10120] =	vst v0  }
0x2cc: {  	v0 =	vld [tilespmem:s29+$0x90];
	_ =	sdelay $0x4  }
0x2cd: {  	[tilespmem:s0+$0x10130] =	vst v0  }
0x2ce: {  	v0 =	vld [tilespmem:s29+$0x100];
	_ =	sdelay $0x4  }
0x2cf: {  	[tilespmem:s0+$0x10140] =	vst v0  }
0x2d0: {  	v0 =	vld [tilespmem:s29+$0x110];
	_ =	sdelay $0x4  }
0x2d1: {  	[tilespmem:s0+$0x10150] =	vst v0  }
0x2d2: {  	v0 =	vld [tilespmem:s29+$0x180];
	_ =	sdelay $0x4  }
0x2d3: {  	[tilespmem:s0+$0x10160] =	vst v0  }
0x2d4: {  	v0 =	vld [tilespmem:s29+$0x190];
	_ =	sdelay $0x4  }
0x2d5: {  	[tilespmem:s0+$0x10170] =	vst v0  }
0x2d6: {  	v0 =	vld [tilespmem:s29+$0x200];
	_ =	sdelay $0x4  }
0x2d7: {  	[tilespmem:s0+$0x10180] =	vst v0  }
0x2d8: {  	v0 =	vld [tilespmem:s29+$0x210];
	_ =	sdelay $0x4  }
0x2d9: {  	[tilespmem:s0+$0x10190] =	vst v0  }
0x2da: {  	v0 =	vld [tilespmem:s29+$0x280];
	_ =	sdelay $0x4  }
0x2db: {  	[tilespmem:s0+$0x101A0] =	vst v0  }
0x2dc: {  	v0 =	vld [tilespmem:s29+$0x290];
	_ =	sdelay $0x4  }
0x2dd: {  	[tilespmem:s0+$0x101B0] =	vst v0  }
0x2de: {  	v0 =	vld [tilespmem:s29+$0x300];
	_ =	sdelay $0x4  }
0x2df: {  	[tilespmem:s0+$0x101C0] =	vst v0  }
0x2e0: {  	v0 =	vld [tilespmem:s29+$0x310];
	_ =	sdelay $0x4  }
0x2e1: {  	[tilespmem:s0+$0x101D0] =	vst v0  }
0x2e2: {  	v0 =	vld [tilespmem:s29+$0x380];
	_ =	sdelay $0x4  }
0x2e3: {  	[tilespmem:s0+$0x101E0] =	vst v0  }
0x2e4: {  	v0 =	vld [tilespmem:s29+$0x390];
	_ =	sdelay $0x4  }
0x2e5: {  	s30 =	simm.s32 $0x0;
	[tilespmem:s0+$0x101F0] =	vst v0  }
0x2e6: {  	[hbm4b:s13+s30] =	stream.linear.scatter [tilespmem:s22], [sflag:$0x3], $0x2000, $0x38;
	[tilespmem:$0x14000] =	vst v63  }
0x2e7: {  	_ = 	snop  }
0x2e8: {  	[tilespmem:s30], [sflag:$0x1] =	stream.linear.gather [hbm4b:s14+s30], $0x8000, $0x38;
	[tilespmem:$0x14000] =	vst v63  }
0x2e9: {  	_ =	swait.ge [sflag:s23], $0x8000  }
0x2ea: {  	[sflag:s23] =	ssyncset.done $0x0  }
0x2eb: {  	[sflag:s23] =	ssyncadd.s32 $0xFFFF8000  }
0x2ec: {  	_ =	swait.ge [sflag:s26], $0x2000  }
0x2ed: {  	[sflag:s26] =	ssyncset.done $0x0  }
0x2ee: {  	s29 =	simm.s32 $0x8400;
	[sflag:s26] =	ssyncadd.s32 $0xFFFFE000  }
0x2ef: {  	s31 =	simm.s32 $0x800;
	v0 =	vld [tilespmem:s29+$0xFFFFFC00]  }
.LBB2_12:
0x2f0: {  	p0 =	sne.s32 s31, $0x7800;
	_ =	sdelay $0x2  }
0x2f1: {  	s0 =	sshra.s32 s30, $0x2;
	s30 =	smov.u32 s31  }
0x2f2: {  	[tilespmem:s0+$0x12000] =	vst v0  }
0x2f3: {  	v0 =	vld [tilespmem:s29+$0xFFFFFC10];
	_ =	sdelay $0x4  }
0x2f4: {  	[tilespmem:s0+$0x12010] =	vst v0  }
0x2f5: {  	v0 =	vld [tilespmem:s29+$0xFFFFFC80];
	_ =	sdelay $0x4  }
0x2f6: {  	[tilespmem:s0+$0x12020] =	vst v0  }
0x2f7: {  	v0 =	vld [tilespmem:s29+$0xFFFFFC90];
	_ =	sdelay $0x4  }
0x2f8: {  	[tilespmem:s0+$0x12030] =	vst v0  }
0x2f9: {  	v0 =	vld [tilespmem:s29+$0xFFFFFD00];
	_ =	sdelay $0x4  }
0x2fa: {  	[tilespmem:s0+$0x12040] =	vst v0  }
0x2fb: {  	v0 =	vld [tilespmem:s29+$0xFFFFFD10];
	_ =	sdelay $0x4  }
0x2fc: {  	[tilespmem:s0+$0x12050] =	vst v0  }
0x2fd: {  	v0 =	vld [tilespmem:s29+$0xFFFFFD80];
	_ =	sdelay $0x4  }
0x2fe: {  	[tilespmem:s0+$0x12060] =	vst v0  }
0x2ff: {  	v0 =	vld [tilespmem:s29+$0xFFFFFD90];
	_ =	sdelay $0x4  }
0x300: {  	[tilespmem:s0+$0x12070] =	vst v0  }
0x301: {  	v0 =	vld [tilespmem:s29+$0xFFFFFE00];
	_ =	sdelay $0x4  }
0x302: {  	[tilespmem:s0+$0x12080] =	vst v0  }
0x303: {  	v0 =	vld [tilespmem:s29+$0xFFFFFE10];
	_ =	sdelay $0x4  }
0x304: {  	[tilespmem:s0+$0x12090] =	vst v0  }
0x305: {  	v0 =	vld [tilespmem:s29+$0xFFFFFE80];
	_ =	sdelay $0x4  }
0x306: {  	[tilespmem:s0+$0x120A0] =	vst v0  }
0x307: {  	v0 =	vld [tilespmem:s29+$0xFFFFFE90];
	_ =	sdelay $0x4  }
0x308: {  	[tilespmem:s0+$0x120B0] =	vst v0  }
0x309: {  	v0 =	vld [tilespmem:s29+$0xFFFFFF00];
	_ =	sdelay $0x4  }
0x30a: {  	[tilespmem:s0+$0x120C0] =	vst v0  }
0x30b: {  	v0 =	vld [tilespmem:s29+$0xFFFFFF10];
	_ =	sdelay $0x4  }
0x30c: {  	[tilespmem:s0+$0x120D0] =	vst v0  }
0x30d: {  	v0 =	vld [tilespmem:s29+$0xFFFFFF80];
	_ =	sdelay $0x4  }
0x30e: {  	[tilespmem:s0+$0x120E0] =	vst v0  }
0x30f: {  	v0 =	vld [tilespmem:s29+$0xFFFFFF90];
	_ =	sdelay $0x4  }
0x310: {  	[tilespmem:s0+$0x120F0] =	vst v0  }
0x311: {  	v0 =	vld [tilespmem:s29+$0x0];
	_ =	sdelay $0x4  }
0x312: {  	[tilespmem:s0+$0x12100] =	vst v0  }
0x313: {  	v0 =	vld [tilespmem:s29+$0x10];
	_ =	sdelay $0x4  }
0x314: {  	[tilespmem:s0+$0x12110] =	vst v0  }
0x315: {  	v0 =	vld [tilespmem:s29+$0x80];
	_ =	sdelay $0x4  }
0x316: {  	[tilespmem:s0+$0x12120] =	vst v0  }
0x317: {  	v0 =	vld [tilespmem:s29+$0x90];
	_ =	sdelay $0x4  }
0x318: {  	[tilespmem:s0+$0x12130] =	vst v0  }
0x319: {  	v0 =	vld [tilespmem:s29+$0x100];
	_ =	sdelay $0x4  }
0x31a: {  	[tilespmem:s0+$0x12140] =	vst v0  }
0x31b: {  	v0 =	vld [tilespmem:s29+$0x110];
	_ =	sdelay $0x4  }
0x31c: {  	[tilespmem:s0+$0x12150] =	vst v0  }
0x31d: {  	v0 =	vld [tilespmem:s29+$0x180];
	_ =	sdelay $0x4  }
0x31e: {  	[tilespmem:s0+$0x12160] =	vst v0  }
0x31f: {  	v0 =	vld [tilespmem:s29+$0x190];
	_ =	sdelay $0x4  }
0x320: {  	[tilespmem:s0+$0x12170] =	vst v0  }
0x321: {  	v0 =	vld [tilespmem:s29+$0x200];
	_ =	sdelay $0x4  }
0x322: {  	[tilespmem:s0+$0x12180] =	vst v0  }
0x323: {  	v0 =	vld [tilespmem:s29+$0x210];
	_ =	sdelay $0x4  }
0x324: {  	[tilespmem:s0+$0x12190] =	vst v0  }
0x325: {  	v0 =	vld [tilespmem:s29+$0x280];
	_ =	sdelay $0x4  }
0x326: {  	[tilespmem:s0+$0x121A0] =	vst v0  }
0x327: {  	v0 =	vld [tilespmem:s29+$0x290];
	_ =	sdelay $0x4  }
0x328: {  	[tilespmem:s0+$0x121B0] =	vst v0  }
0x329: {  	v0 =	vld [tilespmem:s29+$0x300];
	_ =	sdelay $0x4  }
0x32a: {  	[tilespmem:s0+$0x121C0] =	vst v0  }
0x32b: {  	v0 =	vld [tilespmem:s29+$0x310];
	_ =	sdelay $0x4  }
0x32c: {  	[tilespmem:s0+$0x121D0] =	vst v0  }
0x32d: {  	v0 =	vld [tilespmem:s29+$0x380];
	_ =	sdelay $0x4  }
0x32e: {  	[tilespmem:s0+$0x121E0] =	vst v0  }
0x32f: {  	v0 =	vld [tilespmem:s29+$0x390];
	_ =	sdelay $0x1  }
.Ltmp5:
0x330: {  	(pc) =	sbr.rel @p0 .LBB2_12-.Ltmp5, $3  }
0x331: {  	_ =	sdelay $0x1  }
0x332: {  	s29 =	sadd.s32 $0x800, s29;
	[tilespmem:s0+$0x121F0] =	vst v0  }
0x333: {  	s31 =	sadd.s32 $0x800, s31;
	v0 =	vld [tilespmem:s29+$0xFFFFFC00]  }
0x334: {  	_ =	sdelay $0x2  }
0x335: {  	s0 =	sshra.s32 s30, $0x2  }
0x336: {  	[tilespmem:s0+$0x12000] =	vst v0  }
0x337: {  	v0 =	vld [tilespmem:s29+$0xFFFFFC10];
	_ =	sdelay $0x4  }
0x338: {  	[tilespmem:s0+$0x12010] =	vst v0  }
0x339: {  	v0 =	vld [tilespmem:s29+$0xFFFFFC80];
	_ =	sdelay $0x4  }
0x33a: {  	[tilespmem:s0+$0x12020] =	vst v0  }
0x33b: {  	v0 =	vld [tilespmem:s29+$0xFFFFFC90];
	_ =	sdelay $0x4  }
0x33c: {  	[tilespmem:s0+$0x12030] =	vst v0  }
0x33d: {  	v0 =	vld [tilespmem:s29+$0xFFFFFD00];
	_ =	sdelay $0x4  }
0x33e: {  	[tilespmem:s0+$0x12040] =	vst v0  }
0x33f: {  	v0 =	vld [tilespmem:s29+$0xFFFFFD10];
	_ =	sdelay $0x4  }
0x340: {  	[tilespmem:s0+$0x12050] =	vst v0  }
0x341: {  	v0 =	vld [tilespmem:s29+$0xFFFFFD80];
	_ =	sdelay $0x4  }
0x342: {  	[tilespmem:s0+$0x12060] =	vst v0  }
0x343: {  	v0 =	vld [tilespmem:s29+$0xFFFFFD90];
	_ =	sdelay $0x4  }
0x344: {  	[tilespmem:s0+$0x12070] =	vst v0  }
0x345: {  	v0 =	vld [tilespmem:s29+$0xFFFFFE00];
	_ =	sdelay $0x4  }
0x346: {  	[tilespmem:s0+$0x12080] =	vst v0  }
0x347: {  	v0 =	vld [tilespmem:s29+$0xFFFFFE10];
	_ =	sdelay $0x4  }
0x348: {  	[tilespmem:s0+$0x12090] =	vst v0  }
0x349: {  	v0 =	vld [tilespmem:s29+$0xFFFFFE80];
	_ =	sdelay $0x4  }
0x34a: {  	[tilespmem:s0+$0x120A0] =	vst v0  }
0x34b: {  	v0 =	vld [tilespmem:s29+$0xFFFFFE90];
	_ =	sdelay $0x4  }
0x34c: {  	[tilespmem:s0+$0x120B0] =	vst v0  }
0x34d: {  	v0 =	vld [tilespmem:s29+$0xFFFFFF00];
	_ =	sdelay $0x4  }
0x34e: {  	[tilespmem:s0+$0x120C0] =	vst v0  }
0x34f: {  	v0 =	vld [tilespmem:s29+$0xFFFFFF10];
	_ =	sdelay $0x4  }
0x350: {  	[tilespmem:s0+$0x120D0] =	vst v0  }
0x351: {  	v0 =	vld [tilespmem:s29+$0xFFFFFF80];
	_ =	sdelay $0x4  }
0x352: {  	[tilespmem:s0+$0x120E0] =	vst v0  }
0x353: {  	v0 =	vld [tilespmem:s29+$0xFFFFFF90];
	_ =	sdelay $0x4  }
0x354: {  	[tilespmem:s0+$0x120F0] =	vst v0  }
0x355: {  	v0 =	vld [tilespmem:s29+$0x0];
	_ =	sdelay $0x4  }
0x356: {  	[tilespmem:s0+$0x12100] =	vst v0  }
0x357: {  	v0 =	vld [tilespmem:s29+$0x10];
	_ =	sdelay $0x4  }
0x358: {  	[tilespmem:s0+$0x12110] =	vst v0  }
0x359: {  	v0 =	vld [tilespmem:s29+$0x80];
	_ =	sdelay $0x4  }
0x35a: {  	[tilespmem:s0+$0x12120] =	vst v0  }
0x35b: {  	v0 =	vld [tilespmem:s29+$0x90];
	_ =	sdelay $0x4  }
0x35c: {  	[tilespmem:s0+$0x12130] =	vst v0  }
0x35d: {  	v0 =	vld [tilespmem:s29+$0x100];
	_ =	sdelay $0x4  }
0x35e: {  	[tilespmem:s0+$0x12140] =	vst v0  }
0x35f: {  	v0 =	vld [tilespmem:s29+$0x110];
	_ =	sdelay $0x4  }
0x360: {  	[tilespmem:s0+$0x12150] =	vst v0  }
0x361: {  	v0 =	vld [tilespmem:s29+$0x180];
	_ =	sdelay $0x4  }
0x362: {  	[tilespmem:s0+$0x12160] =	vst v0  }
0x363: {  	v0 =	vld [tilespmem:s29+$0x190];
	_ =	sdelay $0x4  }
0x364: {  	[tilespmem:s0+$0x12170] =	vst v0  }
0x365: {  	v0 =	vld [tilespmem:s29+$0x200];
	_ =	sdelay $0x4  }
0x366: {  	[tilespmem:s0+$0x12180] =	vst v0  }
0x367: {  	v0 =	vld [tilespmem:s29+$0x210];
	_ =	sdelay $0x4  }
0x368: {  	[tilespmem:s0+$0x12190] =	vst v0  }
0x369: {  	v0 =	vld [tilespmem:s29+$0x280];
	_ =	sdelay $0x4  }
0x36a: {  	[tilespmem:s0+$0x121A0] =	vst v0  }
0x36b: {  	v0 =	vld [tilespmem:s29+$0x290];
	_ =	sdelay $0x4  }
0x36c: {  	[tilespmem:s0+$0x121B0] =	vst v0  }
0x36d: {  	v0 =	vld [tilespmem:s29+$0x300];
	_ =	sdelay $0x4  }
0x36e: {  	[tilespmem:s0+$0x121C0] =	vst v0  }
0x36f: {  	v0 =	vld [tilespmem:s29+$0x310];
	_ =	sdelay $0x4  }
0x370: {  	[tilespmem:s0+$0x121D0] =	vst v0  }
0x371: {  	v0 =	vld [tilespmem:s29+$0x380];
	_ =	sdelay $0x4  }
0x372: {  	[tilespmem:s0+$0x121E0] =	vst v0  }
0x373: {  	v0 =	vld [tilespmem:s29+$0x390];
	_ =	sdelay $0x4  }
0x374: {  	s30 =	simm.s32 $0x0;
	[tilespmem:s0+$0x121F0] =	vst v0  }
0x375: {  	[hbm4b:s15+s30] =	stream.linear.scatter [tilespmem:s24], [sflag:$0x4], $0x2000, $0x38;
	[tilespmem:$0x14000] =	vst v63  }
0x376: {  	_ = 	snop  }
0x377: {  	[tilespmem:s20], [sflag:$0x2] =	stream.linear.gather [hbm4b:s16+s30], $0x8000, $0x38;
	[tilespmem:$0x14000] =	vst v63  }
0x378: {  	_ =	swait.ge [sflag:s21], $0x8000  }
0x379: {  	[sflag:s21] =	ssyncset.done $0x0  }
0x37a: {  	[sflag:s21] =	ssyncadd.s32 $0xFFFF8000  }
0x37b: {  	_ =	swait.ge [sflag:s25], $0x2000  }
0x37c: {  	[sflag:s25] =	ssyncset.done $0x0  }
0x37d: {  	s29 =	simm.s32 $0x400;
	[sflag:s25] =	ssyncadd.s32 $0xFFFFE000  }
0x37e: {  	s31 =	simm.s32 $0x800;
	v0 =	vld [tilespmem:s29+$0xFFFFFC00]  }
.LBB2_14:
0x37f: {  	p0 =	sne.s32 s31, $0x7800;
	_ =	sdelay $0x2  }
0x380: {  	s0 =	sshra.s32 s30, $0x2;
	s30 =	smov.u32 s31  }
0x381: {  	[tilespmem:s0+$0x10000] =	vst v0  }
0x382: {  	v0 =	vld [tilespmem:s29+$0xFFFFFC10];
	_ =	sdelay $0x4  }
0x383: {  	[tilespmem:s0+$0x10010] =	vst v0  }
0x384: {  	v0 =	vld [tilespmem:s29+$0xFFFFFC80];
	_ =	sdelay $0x4  }
0x385: {  	[tilespmem:s0+$0x10020] =	vst v0  }
0x386: {  	v0 =	vld [tilespmem:s29+$0xFFFFFC90];
	_ =	sdelay $0x4  }
0x387: {  	[tilespmem:s0+$0x10030] =	vst v0  }
0x388: {  	v0 =	vld [tilespmem:s29+$0xFFFFFD00];
	_ =	sdelay $0x4  }
0x389: {  	[tilespmem:s0+$0x10040] =	vst v0  }
0x38a: {  	v0 =	vld [tilespmem:s29+$0xFFFFFD10];
	_ =	sdelay $0x4  }
0x38b: {  	[tilespmem:s0+$0x10050] =	vst v0  }
0x38c: {  	v0 =	vld [tilespmem:s29+$0xFFFFFD80];
	_ =	sdelay $0x4  }
0x38d: {  	[tilespmem:s0+$0x10060] =	vst v0  }
0x38e: {  	v0 =	vld [tilespmem:s29+$0xFFFFFD90];
	_ =	sdelay $0x4  }
0x38f: {  	[tilespmem:s0+$0x10070] =	vst v0  }
0x390: {  	v0 =	vld [tilespmem:s29+$0xFFFFFE00];
	_ =	sdelay $0x4  }
0x391: {  	[tilespmem:s0+$0x10080] =	vst v0  }
0x392: {  	v0 =	vld [tilespmem:s29+$0xFFFFFE10];
	_ =	sdelay $0x4  }
0x393: {  	[tilespmem:s0+$0x10090] =	vst v0  }
0x394: {  	v0 =	vld [tilespmem:s29+$0xFFFFFE80];
	_ =	sdelay $0x4  }
0x395: {  	[tilespmem:s0+$0x100A0] =	vst v0  }
0x396: {  	v0 =	vld [tilespmem:s29+$0xFFFFFE90];
	_ =	sdelay $0x4  }
0x397: {  	[tilespmem:s0+$0x100B0] =	vst v0  }
0x398: {  	v0 =	vld [tilespmem:s29+$0xFFFFFF00];
	_ =	sdelay $0x4  }
0x399: {  	[tilespmem:s0+$0x100C0] =	vst v0  }
0x39a: {  	v0 =	vld [tilespmem:s29+$0xFFFFFF10];
	_ =	sdelay $0x4  }
0x39b: {  	[tilespmem:s0+$0x100D0] =	vst v0  }
0x39c: {  	v0 =	vld [tilespmem:s29+$0xFFFFFF80];
	_ =	sdelay $0x4  }
0x39d: {  	[tilespmem:s0+$0x100E0] =	vst v0  }
0x39e: {  	v0 =	vld [tilespmem:s29+$0xFFFFFF90];
	_ =	sdelay $0x4  }
0x39f: {  	[tilespmem:s0+$0x100F0] =	vst v0  }
0x3a0: {  	v0 =	vld [tilespmem:s29+$0x0];
	_ =	sdelay $0x4  }
0x3a1: {  	[tilespmem:s0+$0x10100] =	vst v0  }
0x3a2: {  	v0 =	vld [tilespmem:s29+$0x10];
	_ =	sdelay $0x4  }
0x3a3: {  	[tilespmem:s0+$0x10110] =	vst v0  }
0x3a4: {  	v0 =	vld [tilespmem:s29+$0x80];
	_ =	sdelay $0x4  }
0x3a5: {  	[tilespmem:s0+$0x10120] =	vst v0  }
0x3a6: {  	v0 =	vld [tilespmem:s29+$0x90];
	_ =	sdelay $0x4  }
0x3a7: {  	[tilespmem:s0+$0x10130] =	vst v0  }
0x3a8: {  	v0 =	vld [tilespmem:s29+$0x100];
	_ =	sdelay $0x4  }
0x3a9: {  	[tilespmem:s0+$0x10140] =	vst v0  }
0x3aa: {  	v0 =	vld [tilespmem:s29+$0x110];
	_ =	sdelay $0x4  }
0x3ab: {  	[tilespmem:s0+$0x10150] =	vst v0  }
0x3ac: {  	v0 =	vld [tilespmem:s29+$0x180];
	_ =	sdelay $0x4  }
0x3ad: {  	[tilespmem:s0+$0x10160] =	vst v0  }
0x3ae: {  	v0 =	vld [tilespmem:s29+$0x190];
	_ =	sdelay $0x4  }
0x3af: {  	[tilespmem:s0+$0x10170] =	vst v0  }
0x3b0: {  	v0 =	vld [tilespmem:s29+$0x200];
	_ =	sdelay $0x4  }
0x3b1: {  	[tilespmem:s0+$0x10180] =	vst v0  }
0x3b2: {  	v0 =	vld [tilespmem:s29+$0x210];
	_ =	sdelay $0x4  }
0x3b3: {  	[tilespmem:s0+$0x10190] =	vst v0  }
0x3b4: {  	v0 =	vld [tilespmem:s29+$0x280];
	_ =	sdelay $0x4  }
0x3b5: {  	[tilespmem:s0+$0x101A0] =	vst v0  }
0x3b6: {  	v0 =	vld [tilespmem:s29+$0x290];
	_ =	sdelay $0x4  }
0x3b7: {  	[tilespmem:s0+$0x101B0] =	vst v0  }
0x3b8: {  	v0 =	vld [tilespmem:s29+$0x300];
	_ =	sdelay $0x4  }
0x3b9: {  	[tilespmem:s0+$0x101C0] =	vst v0  }
0x3ba: {  	v0 =	vld [tilespmem:s29+$0x310];
	_ =	sdelay $0x4  }
0x3bb: {  	[tilespmem:s0+$0x101D0] =	vst v0  }
0x3bc: {  	v0 =	vld [tilespmem:s29+$0x380];
	_ =	sdelay $0x4  }
0x3bd: {  	[tilespmem:s0+$0x101E0] =	vst v0  }
0x3be: {  	v0 =	vld [tilespmem:s29+$0x390];
	_ =	sdelay $0x1  }
.Ltmp6:
0x3bf: {  	(pc) =	sbr.rel @p0 .LBB2_14-.Ltmp6, $3  }
0x3c0: {  	_ =	sdelay $0x1  }
0x3c1: {  	s29 =	sadd.s32 $0x800, s29;
	[tilespmem:s0+$0x101F0] =	vst v0  }
0x3c2: {  	s31 =	sadd.s32 $0x800, s31;
	v0 =	vld [tilespmem:s29+$0xFFFFFC00]  }
0x3c3: {  	_ =	sdelay $0x2  }
0x3c4: {  	s0 =	sshra.s32 s30, $0x2  }
0x3c5: {  	[tilespmem:s0+$0x10000] =	vst v0  }
0x3c6: {  	v0 =	vld [tilespmem:s29+$0xFFFFFC10];
	_ =	sdelay $0x4  }
0x3c7: {  	[tilespmem:s0+$0x10010] =	vst v0  }
0x3c8: {  	v0 =	vld [tilespmem:s29+$0xFFFFFC80];
	_ =	sdelay $0x4  }
0x3c9: {  	[tilespmem:s0+$0x10020] =	vst v0  }
0x3ca: {  	v0 =	vld [tilespmem:s29+$0xFFFFFC90];
	_ =	sdelay $0x4  }
0x3cb: {  	[tilespmem:s0+$0x10030] =	vst v0  }
0x3cc: {  	v0 =	vld [tilespmem:s29+$0xFFFFFD00];
	_ =	sdelay $0x4  }
0x3cd: {  	[tilespmem:s0+$0x10040] =	vst v0  }
0x3ce: {  	v0 =	vld [tilespmem:s29+$0xFFFFFD10];
	_ =	sdelay $0x4  }
0x3cf: {  	[tilespmem:s0+$0x10050] =	vst v0  }
0x3d0: {  	v0 =	vld [tilespmem:s29+$0xFFFFFD80];
	_ =	sdelay $0x4  }
0x3d1: {  	[tilespmem:s0+$0x10060] =	vst v0  }
0x3d2: {  	v0 =	vld [tilespmem:s29+$0xFFFFFD90];
	_ =	sdelay $0x4  }
0x3d3: {  	[tilespmem:s0+$0x10070] =	vst v0  }
0x3d4: {  	v0 =	vld [tilespmem:s29+$0xFFFFFE00];
	_ =	sdelay $0x4  }
0x3d5: {  	[tilespmem:s0+$0x10080] =	vst v0  }
0x3d6: {  	v0 =	vld [tilespmem:s29+$0xFFFFFE10];
	_ =	sdelay $0x4  }
0x3d7: {  	[tilespmem:s0+$0x10090] =	vst v0  }
0x3d8: {  	v0 =	vld [tilespmem:s29+$0xFFFFFE80];
	_ =	sdelay $0x4  }
0x3d9: {  	[tilespmem:s0+$0x100A0] =	vst v0  }
0x3da: {  	v0 =	vld [tilespmem:s29+$0xFFFFFE90];
	_ =	sdelay $0x4  }
0x3db: {  	[tilespmem:s0+$0x100B0] =	vst v0  }
0x3dc: {  	v0 =	vld [tilespmem:s29+$0xFFFFFF00];
	_ =	sdelay $0x4  }
0x3dd: {  	[tilespmem:s0+$0x100C0] =	vst v0  }
0x3de: {  	v0 =	vld [tilespmem:s29+$0xFFFFFF10];
	_ =	sdelay $0x4  }
0x3df: {  	[tilespmem:s0+$0x100D0] =	vst v0  }
0x3e0: {  	v0 =	vld [tilespmem:s29+$0xFFFFFF80];
	_ =	sdelay $0x4  }
0x3e1: {  	[tilespmem:s0+$0x100E0] =	vst v0  }
0x3e2: {  	v0 =	vld [tilespmem:s29+$0xFFFFFF90];
	_ =	sdelay $0x4  }
0x3e3: {  	[tilespmem:s0+$0x100F0] =	vst v0  }
0x3e4: {  	v0 =	vld [tilespmem:s29+$0x0];
	_ =	sdelay $0x4  }
0x3e5: {  	[tilespmem:s0+$0x10100] =	vst v0  }
0x3e6: {  	v0 =	vld [tilespmem:s29+$0x10];
	_ =	sdelay $0x4  }
0x3e7: {  	[tilespmem:s0+$0x10110] =	vst v0  }
0x3e8: {  	v0 =	vld [tilespmem:s29+$0x80];
	_ =	sdelay $0x4  }
0x3e9: {  	[tilespmem:s0+$0x10120] =	vst v0  }
0x3ea: {  	v0 =	vld [tilespmem:s29+$0x90];
	_ =	sdelay $0x4  }
0x3eb: {  	[tilespmem:s0+$0x10130] =	vst v0  }
0x3ec: {  	v0 =	vld [tilespmem:s29+$0x100];
	_ =	sdelay $0x4  }
0x3ed: {  	[tilespmem:s0+$0x10140] =	vst v0  }
0x3ee: {  	v0 =	vld [tilespmem:s29+$0x110];
	_ =	sdelay $0x4  }
0x3ef: {  	[tilespmem:s0+$0x10150] =	vst v0  }
0x3f0: {  	v0 =	vld [tilespmem:s29+$0x180];
	_ =	sdelay $0x4  }
0x3f1: {  	[tilespmem:s0+$0x10160] =	vst v0  }
0x3f2: {  	v0 =	vld [tilespmem:s29+$0x190];
	_ =	sdelay $0x4  }
0x3f3: {  	[tilespmem:s0+$0x10170] =	vst v0  }
0x3f4: {  	v0 =	vld [tilespmem:s29+$0x200];
	_ =	sdelay $0x4  }
0x3f5: {  	[tilespmem:s0+$0x10180] =	vst v0  }
0x3f6: {  	v0 =	vld [tilespmem:s29+$0x210];
	_ =	sdelay $0x4  }
0x3f7: {  	[tilespmem:s0+$0x10190] =	vst v0  }
0x3f8: {  	v0 =	vld [tilespmem:s29+$0x280];
	_ =	sdelay $0x4  }
0x3f9: {  	[tilespmem:s0+$0x101A0] =	vst v0  }
0x3fa: {  	v0 =	vld [tilespmem:s29+$0x290];
	_ =	sdelay $0x4  }
0x3fb: {  	[tilespmem:s0+$0x101B0] =	vst v0  }
0x3fc: {  	v0 =	vld [tilespmem:s29+$0x300];
	_ =	sdelay $0x4  }
0x3fd: {  	[tilespmem:s0+$0x101C0] =	vst v0  }
0x3fe: {  	v0 =	vld [tilespmem:s29+$0x310];
	_ =	sdelay $0x4  }
0x3ff: {  	[tilespmem:s0+$0x101D0] =	vst v0  }
0x400: {  	v0 =	vld [tilespmem:s29+$0x380];
	_ =	sdelay $0x4  }
0x401: {  	[tilespmem:s0+$0x101E0] =	vst v0  }
0x402: {  	v0 =	vld [tilespmem:s29+$0x390];
	_ =	sdelay $0x4  }
0x403: {  	s30 =	simm.s32 $0x0;
	[tilespmem:s0+$0x101F0] =	vst v0  }
0x404: {  	[hbm4b:s17+s30] =	stream.linear.scatter [tilespmem:s22], [sflag:$0x3], $0x2000, $0x38;
	[tilespmem:$0x14000] =	vst v63  }
0x405: {  	_ =	swait.ge [sflag:s23], $0x8000  }
0x406: {  	[sflag:s23] =	ssyncset.done $0x0  }
0x407: {  	[sflag:s23] =	ssyncadd.s32 $0xFFFF8000  }
0x408: {  	_ =	swait.ge [sflag:s26], $0x2000  }
0x409: {  	[sflag:s26] =	ssyncset.done $0x0  }
0x40a: {  	s29 =	simm.s32 $0x8400;
	[sflag:s26] =	ssyncadd.s32 $0xFFFFE000  }
0x40b: {  	s31 =	simm.s32 $0x800;
	v0 =	vld [tilespmem:s29+$0xFFFFFC00]  }
.LBB2_16:
0x40c: {  	p0 =	sne.s32 s31, $0x7800;
	_ =	sdelay $0x2  }
0x40d: {  	s0 =	sshra.s32 s30, $0x2;
	s30 =	smov.u32 s31  }
0x40e: {  	[tilespmem:s0+$0x12000] =	vst v0  }
0x40f: {  	v0 =	vld [tilespmem:s29+$0xFFFFFC10];
	_ =	sdelay $0x4  }
0x410: {  	[tilespmem:s0+$0x12010] =	vst v0  }
0x411: {  	v0 =	vld [tilespmem:s29+$0xFFFFFC80];
	_ =	sdelay $0x4  }
0x412: {  	[tilespmem:s0+$0x12020] =	vst v0  }
0x413: {  	v0 =	vld [tilespmem:s29+$0xFFFFFC90];
	_ =	sdelay $0x4  }
0x414: {  	[tilespmem:s0+$0x12030] =	vst v0  }
0x415: {  	v0 =	vld [tilespmem:s29+$0xFFFFFD00];
	_ =	sdelay $0x4  }
0x416: {  	[tilespmem:s0+$0x12040] =	vst v0  }
0x417: {  	v0 =	vld [tilespmem:s29+$0xFFFFFD10];
	_ =	sdelay $0x4  }
0x418: {  	[tilespmem:s0+$0x12050] =	vst v0  }
0x419: {  	v0 =	vld [tilespmem:s29+$0xFFFFFD80];
	_ =	sdelay $0x4  }
0x41a: {  	[tilespmem:s0+$0x12060] =	vst v0  }
0x41b: {  	v0 =	vld [tilespmem:s29+$0xFFFFFD90];
	_ =	sdelay $0x4  }
0x41c: {  	[tilespmem:s0+$0x12070] =	vst v0  }
0x41d: {  	v0 =	vld [tilespmem:s29+$0xFFFFFE00];
	_ =	sdelay $0x4  }
0x41e: {  	[tilespmem:s0+$0x12080] =	vst v0  }
0x41f: {  	v0 =	vld [tilespmem:s29+$0xFFFFFE10];
	_ =	sdelay $0x4  }
0x420: {  	[tilespmem:s0+$0x12090] =	vst v0  }
0x421: {  	v0 =	vld [tilespmem:s29+$0xFFFFFE80];
	_ =	sdelay $0x4  }
0x422: {  	[tilespmem:s0+$0x120A0] =	vst v0  }
0x423: {  	v0 =	vld [tilespmem:s29+$0xFFFFFE90];
	_ =	sdelay $0x4  }
0x424: {  	[tilespmem:s0+$0x120B0] =	vst v0  }
0x425: {  	v0 =	vld [tilespmem:s29+$0xFFFFFF00];
	_ =	sdelay $0x4  }
0x426: {  	[tilespmem:s0+$0x120C0] =	vst v0  }
0x427: {  	v0 =	vld [tilespmem:s29+$0xFFFFFF10];
	_ =	sdelay $0x4  }
0x428: {  	[tilespmem:s0+$0x120D0] =	vst v0  }
0x429: {  	v0 =	vld [tilespmem:s29+$0xFFFFFF80];
	_ =	sdelay $0x4  }
0x42a: {  	[tilespmem:s0+$0x120E0] =	vst v0  }
0x42b: {  	v0 =	vld [tilespmem:s29+$0xFFFFFF90];
	_ =	sdelay $0x4  }
0x42c: {  	[tilespmem:s0+$0x120F0] =	vst v0  }
0x42d: {  	v0 =	vld [tilespmem:s29+$0x0];
	_ =	sdelay $0x4  }
0x42e: {  	[tilespmem:s0+$0x12100] =	vst v0  }
0x42f: {  	v0 =	vld [tilespmem:s29+$0x10];
	_ =	sdelay $0x4  }
0x430: {  	[tilespmem:s0+$0x12110] =	vst v0  }
0x431: {  	v0 =	vld [tilespmem:s29+$0x80];
	_ =	sdelay $0x4  }
0x432: {  	[tilespmem:s0+$0x12120] =	vst v0  }
0x433: {  	v0 =	vld [tilespmem:s29+$0x90];
	_ =	sdelay $0x4  }
0x434: {  	[tilespmem:s0+$0x12130] =	vst v0  }
0x435: {  	v0 =	vld [tilespmem:s29+$0x100];
	_ =	sdelay $0x4  }
0x436: {  	[tilespmem:s0+$0x12140] =	vst v0  }
0x437: {  	v0 =	vld [tilespmem:s29+$0x110];
	_ =	sdelay $0x4  }
0x438: {  	[tilespmem:s0+$0x12150] =	vst v0  }
0x439: {  	v0 =	vld [tilespmem:s29+$0x180];
	_ =	sdelay $0x4  }
0x43a: {  	[tilespmem:s0+$0x12160] =	vst v0  }
0x43b: {  	v0 =	vld [tilespmem:s29+$0x190];
	_ =	sdelay $0x4  }
0x43c: {  	[tilespmem:s0+$0x12170] =	vst v0  }
0x43d: {  	v0 =	vld [tilespmem:s29+$0x200];
	_ =	sdelay $0x4  }
0x43e: {  	[tilespmem:s0+$0x12180] =	vst v0  }
0x43f: {  	v0 =	vld [tilespmem:s29+$0x210];
	_ =	sdelay $0x4  }
0x440: {  	[tilespmem:s0+$0x12190] =	vst v0  }
0x441: {  	v0 =	vld [tilespmem:s29+$0x280];
	_ =	sdelay $0x4  }
0x442: {  	[tilespmem:s0+$0x121A0] =	vst v0  }
0x443: {  	v0 =	vld [tilespmem:s29+$0x290];
	_ =	sdelay $0x4  }
0x444: {  	[tilespmem:s0+$0x121B0] =	vst v0  }
0x445: {  	v0 =	vld [tilespmem:s29+$0x300];
	_ =	sdelay $0x4  }
0x446: {  	[tilespmem:s0+$0x121C0] =	vst v0  }
0x447: {  	v0 =	vld [tilespmem:s29+$0x310];
	_ =	sdelay $0x4  }
0x448: {  	[tilespmem:s0+$0x121D0] =	vst v0  }
0x449: {  	v0 =	vld [tilespmem:s29+$0x380];
	_ =	sdelay $0x4  }
0x44a: {  	[tilespmem:s0+$0x121E0] =	vst v0  }
0x44b: {  	v0 =	vld [tilespmem:s29+$0x390];
	_ =	sdelay $0x1  }
.Ltmp7:
0x44c: {  	(pc) =	sbr.rel @p0 .LBB2_16-.Ltmp7, $3  }
0x44d: {  	_ =	sdelay $0x1  }
0x44e: {  	s29 =	sadd.s32 $0x800, s29;
	[tilespmem:s0+$0x121F0] =	vst v0  }
0x44f: {  	s31 =	sadd.s32 $0x800, s31;
	v0 =	vld [tilespmem:s29+$0xFFFFFC00]  }
0x450: {  	_ =	sdelay $0x2  }
0x451: {  	s0 =	sshra.s32 s30, $0x2  }
0x452: {  	[tilespmem:s0+$0x12000] =	vst v0  }
0x453: {  	v0 =	vld [tilespmem:s29+$0xFFFFFC10];
	_ =	sdelay $0x4  }
0x454: {  	[tilespmem:s0+$0x12010] =	vst v0  }
0x455: {  	v0 =	vld [tilespmem:s29+$0xFFFFFC80];
	_ =	sdelay $0x4  }
0x456: {  	[tilespmem:s0+$0x12020] =	vst v0  }
0x457: {  	v0 =	vld [tilespmem:s29+$0xFFFFFC90];
	_ =	sdelay $0x4  }
0x458: {  	[tilespmem:s0+$0x12030] =	vst v0  }
0x459: {  	v0 =	vld [tilespmem:s29+$0xFFFFFD00];
	_ =	sdelay $0x4  }
0x45a: {  	[tilespmem:s0+$0x12040] =	vst v0  }
0x45b: {  	v0 =	vld [tilespmem:s29+$0xFFFFFD10];
	_ =	sdelay $0x4  }
0x45c: {  	[tilespmem:s0+$0x12050] =	vst v0  }
0x45d: {  	v0 =	vld [tilespmem:s29+$0xFFFFFD80];
	_ =	sdelay $0x4  }
0x45e: {  	[tilespmem:s0+$0x12060] =	vst v0  }
0x45f: {  	v0 =	vld [tilespmem:s29+$0xFFFFFD90];
	_ =	sdelay $0x4  }
0x460: {  	[tilespmem:s0+$0x12070] =	vst v0  }
0x461: {  	v0 =	vld [tilespmem:s29+$0xFFFFFE00];
	_ =	sdelay $0x4  }
0x462: {  	[tilespmem:s0+$0x12080] =	vst v0  }
0x463: {  	v0 =	vld [tilespmem:s29+$0xFFFFFE10];
	_ =	sdelay $0x4  }
0x464: {  	[tilespmem:s0+$0x12090] =	vst v0  }
0x465: {  	v0 =	vld [tilespmem:s29+$0xFFFFFE80];
	_ =	sdelay $0x4  }
0x466: {  	[tilespmem:s0+$0x120A0] =	vst v0  }
0x467: {  	v0 =	vld [tilespmem:s29+$0xFFFFFE90];
	_ =	sdelay $0x4  }
0x468: {  	[tilespmem:s0+$0x120B0] =	vst v0  }
0x469: {  	v0 =	vld [tilespmem:s29+$0xFFFFFF00];
	_ =	sdelay $0x4  }
0x46a: {  	[tilespmem:s0+$0x120C0] =	vst v0  }
0x46b: {  	v0 =	vld [tilespmem:s29+$0xFFFFFF10];
	_ =	sdelay $0x4  }
0x46c: {  	[tilespmem:s0+$0x120D0] =	vst v0  }
0x46d: {  	v0 =	vld [tilespmem:s29+$0xFFFFFF80];
	_ =	sdelay $0x4  }
0x46e: {  	[tilespmem:s0+$0x120E0] =	vst v0  }
0x46f: {  	v0 =	vld [tilespmem:s29+$0xFFFFFF90];
	_ =	sdelay $0x4  }
0x470: {  	[tilespmem:s0+$0x120F0] =	vst v0  }
0x471: {  	v0 =	vld [tilespmem:s29+$0x0];
	_ =	sdelay $0x4  }
0x472: {  	[tilespmem:s0+$0x12100] =	vst v0  }
0x473: {  	v0 =	vld [tilespmem:s29+$0x10];
	_ =	sdelay $0x4  }
0x474: {  	[tilespmem:s0+$0x12110] =	vst v0  }
0x475: {  	v0 =	vld [tilespmem:s29+$0x80];
	_ =	sdelay $0x4  }
0x476: {  	[tilespmem:s0+$0x12120] =	vst v0  }
0x477: {  	v0 =	vld [tilespmem:s29+$0x90];
	_ =	sdelay $0x4  }
0x478: {  	[tilespmem:s0+$0x12130] =	vst v0  }
0x479: {  	v0 =	vld [tilespmem:s29+$0x100];
	_ =	sdelay $0x4  }
0x47a: {  	[tilespmem:s0+$0x12140] =	vst v0  }
0x47b: {  	v0 =	vld [tilespmem:s29+$0x110];
	_ =	sdelay $0x4  }
0x47c: {  	[tilespmem:s0+$0x12150] =	vst v0  }
0x47d: {  	v0 =	vld [tilespmem:s29+$0x180];
	_ =	sdelay $0x4  }
0x47e: {  	[tilespmem:s0+$0x12160] =	vst v0  }
0x47f: {  	v0 =	vld [tilespmem:s29+$0x190];
	_ =	sdelay $0x4  }
0x480: {  	[tilespmem:s0+$0x12170] =	vst v0  }
0x481: {  	v0 =	vld [tilespmem:s29+$0x200];
	_ =	sdelay $0x4  }
0x482: {  	[tilespmem:s0+$0x12180] =	vst v0  }
0x483: {  	v0 =	vld [tilespmem:s29+$0x210];
	_ =	sdelay $0x4  }
0x484: {  	[tilespmem:s0+$0x12190] =	vst v0  }
0x485: {  	v0 =	vld [tilespmem:s29+$0x280];
	_ =	sdelay $0x4  }
0x486: {  	[tilespmem:s0+$0x121A0] =	vst v0  }
0x487: {  	v0 =	vld [tilespmem:s29+$0x290];
	_ =	sdelay $0x4  }
0x488: {  	[tilespmem:s0+$0x121B0] =	vst v0  }
0x489: {  	v0 =	vld [tilespmem:s29+$0x300];
	_ =	sdelay $0x4  }
0x48a: {  	[tilespmem:s0+$0x121C0] =	vst v0  }
0x48b: {  	v0 =	vld [tilespmem:s29+$0x310];
	_ =	sdelay $0x4  }
0x48c: {  	[tilespmem:s0+$0x121D0] =	vst v0  }
0x48d: {  	v0 =	vld [tilespmem:s29+$0x380];
	_ =	sdelay $0x4  }
0x48e: {  	[tilespmem:s0+$0x121E0] =	vst v0  }
0x48f: {  	v0 =	vld [tilespmem:s29+$0x390];
	_ =	sdelay $0x4  }
0x490: {  	s28 =	sadd.s32 $0x1, s28;
	[tilespmem:s0+$0x121F0] =	vst v0  }
0x491: {  	[hbm4b:s18+s1] =	stream.linear.scatter [tilespmem:s24], [sflag:$0x4], $0x2000, $0x38;
	[tilespmem:$0x14000] =	vst v63  }
0x492: {  	p0 =	sne.s32 s28, s19;
	_ =	swait.ge [sflag:s25], $0x2000  }
.Ltmp8:
0x493: {  	[sflag:s25] =	ssyncset.done $0x0;
	(pc) =	sbr.rel @p0 .LBB2_1-.Ltmp8, $4  }
0x494: {  	[sflag:s25] =	ssyncadd.s32 $0xFFFFE000  }
0x495: {  	_ =	swait.ge [sflag:s26], $0x2000  }
0x496: {  	[sflag:s26] =	ssyncset.done $0x0  }
0x497: {  	[sflag:s26] =	ssyncadd.s32 $0xFFFFE000  }
0x498: {  	_ =	sfence.sel $0x180000  }
0x499: {  	[bflag:$0x0] =	sbarrier.arrive $0xFFFF  }
0x49a: {  	_ =	strace $0x90000047  }
0x49b: {  	[bflag:$0x2] =	sbarrier.arrive $0xFFFF  }
0x49c: {  	p0 =	sne.s32 s2, $0x0;
	s0 =	rddreg [dreg:$0x1]  }
0x49d: {  	s0 =	sadd.s32 @!p0 $0x100000, s0  }
0x49e: {  	[sflag:s0] =	ssyncadd.tile.s32 @!p0 $0x1;
	_ =	shalt  }
.Lfunc_end2:
_tile_overlayer_lowered:
.L_overlay_start_2:
0x49f: {  	(tag) =	ssettag $0x2  }
0x4a0: {  	s0 =	rddreg [dreg:$0x0];
	s2 =	stileid.u32  }
0x4a1: {  	s1 =	rddreg [dreg:$0x1];
	p0 =	sne.s32 s2, $0x0  }
0x4a2: {  	s3 =	rddreg [dreg:$0x2];
	[bflag:$0x3] =	sbarrier.arrive $0xFFFF;
	s2 =	simm.s32 @!p0 $0x1C05  }
0x4a3: {  	[timem:s3], [sflag:s2] =	dma.local @!p0 [hbm:s0], s1  }
0x4a4: {  	s0 =	simm.s32 @!p0 $0x5  }
0x4a5: {  	_ =	swait.ge @!p0 [sflag:s0], s1  }
0x4a6: {  	s1 =	ssub.s32 @!p0 $0x0, s1;
	[sflag:s0] =	ssyncset.done @!p0 $0x0  }
0x4a7: {  	[sflag:s0] =	ssyncadd.s32 @!p0 s1  }
0x4a8: {  	[bflag:$0x3] =	sbarrier.arrive $0xFFFF  }
0x4a9: {  	_ =	shalt  }

</sc_bundles>
